<compile_context>
chip_gen: v7x
topology: tpu7x:2x2x1
jax: 0.10.2.dev20260603
libtpu: 0.0.44.dev20260713+nightly
codegen_flags: <defaults>
</compile_context>

<pallas_src>
import functools

import jax
import jax.numpy as jnp
from jax import lax
from jax.experimental import pallas as pl
from jax.experimental.pallas import tpu as pltpu
from jax.experimental.pallas import tpu_sc as plsc

_LAM1 = 3.0
_LAM2 = 3.0
_K = 3
_GAMMA = 1.0 / (1.0 + _LAM2)
_BETA = 1.0 / (2.0 * _GAMMA)

_N = 10000
_NPAD = 10240
_D = 128
_NTILES = 32
_C = 80

_MESH = plsc.VectorSubcoreMesh(core_axis_name="c", subcore_axis_name="s")



def _mlp_body(x_ref, w1_ref, b1_ref, w2_ref, b2_ref, o_ref):
    h = jnp.dot(x_ref[...], w1_ref[...], preferred_element_type=jnp.float32)
    h = jnp.maximum(h + b1_ref[...], 0.0)
    o = jnp.dot(h, w2_ref[...], preferred_element_type=jnp.float32)
    o_ref[...] = o + b2_ref[...]


def _mlp(x, W1, b1, W2, b2):
    n, d_in = x.shape
    hid = W1.shape[1]
    d_out = W2.shape[1]
    blk = 1000
    return pl.pallas_call(
        _mlp_body,
        grid=(n // blk,),
        in_specs=[
            pl.BlockSpec((blk, d_in), lambda i: (i, 0)),
            pl.BlockSpec((d_in, hid), lambda i: (0, 0)),
            pl.BlockSpec((1, hid), lambda i: (0, 0)),
            pl.BlockSpec((hid, d_out), lambda i: (0, 0)),
            pl.BlockSpec((1, d_out), lambda i: (0, 0)),
        ],
        out_specs=pl.BlockSpec((blk, d_out), lambda i: (i, 0)),
        out_shape=jax.ShapeDtypeStruct((n, d_out), jnp.float32),
    )(x, W1, b1.reshape(1, hid), W2, b2.reshape(1, d_out))



def _k0_body(p_ref, o_ref):
    deg = p_ref[0][:, :1] + p_ref[1][:, :1] + 1.0
    o_ref[...] = lax.rsqrt(deg)


def _deg_to_dinv(partials):
    blk = 1024
    return pl.pallas_call(
        _k0_body,
        grid=(_NPAD // blk,),
        in_specs=[pl.BlockSpec((2, blk, 16), lambda i: (0, i, 0))],
        out_specs=pl.BlockSpec((blk, 1), lambda i: (i, 0)),
        out_shape=jax.ShapeDtypeStruct((_NPAD, 1), jnp.float32),
    )(partials)


def _scale_body(d_ref, v_ref, o_ref):
    o_ref[...] = d_ref[...] * v_ref[...]


def _scale(dinv, v):
    blk = 1024
    return pl.pallas_call(
        _scale_body,
        grid=(_NPAD // blk,),
        in_specs=[
            pl.BlockSpec((blk, 1), lambda i: (i, 0)),
            pl.BlockSpec((blk, _D), lambda i: (i, 0)),
        ],
        out_specs=pl.BlockSpec((blk, _D), lambda i: (i, 0)),
        out_shape=jax.ShapeDtypeStruct((_NPAD, _D), jnp.float32),
    )(dinv, v)


def _k1_body(h_ref, a_ref, xk_ref, t_ref, d_ref, y_ref, xs2_ref):
    d = d_ref[...]
    adj = d * (a_ref[0] + a_ref[1]) + (d * d) * xk_ref[...]
    y = _GAMMA * h_ref[...] + (1.0 - _GAMMA) * adj
    y_ref[...] = y
    xs2_ref[...] = d * (y - _GAMMA * t_ref[...])


def _combine_y(h, acc, xk, tprev, dinv):
    blk = 1024
    return pl.pallas_call(
        _k1_body,
        grid=(_NPAD // blk,),
        in_specs=[
            pl.BlockSpec((blk, _D), lambda i: (i, 0)),
            pl.BlockSpec((2, blk, _D), lambda i: (0, i, 0)),
            pl.BlockSpec((blk, _D), lambda i: (i, 0)),
            pl.BlockSpec((blk, _D), lambda i: (i, 0)),
            pl.BlockSpec((blk, 1), lambda i: (i, 0)),
        ],
        out_specs=[
            pl.BlockSpec((blk, _D), lambda i: (i, 0)),
            pl.BlockSpec((blk, _D), lambda i: (i, 0)),
        ],
        out_shape=[
            jax.ShapeDtypeStruct((_NPAD, _D), jnp.float32),
            jax.ShapeDtypeStruct((_NPAD, _D), jnp.float32),
        ],
    )(h, acc, xk, tprev, dinv)


def _k2_body(y_ref, t_ref, d_ref, xk_ref, t_out_ref):
    d = d_ref[...]
    t = d * (t_ref[0] + t_ref[1])
    t_out_ref[...] = t
    xk_ref[...] = y_ref[...] - _GAMMA * t


def _combine_xk(y, tpart, dinv):
    blk = 1024
    return pl.pallas_call(
        _k2_body,
        grid=(_NPAD // blk,),
        in_specs=[
            pl.BlockSpec((blk, _D), lambda i: (i, 0)),
            pl.BlockSpec((2, blk, _D), lambda i: (0, i, 0)),
            pl.BlockSpec((blk, 1), lambda i: (i, 0)),
        ],
        out_specs=[
            pl.BlockSpec((blk, _D), lambda i: (i, 0)),
            pl.BlockSpec((blk, _D), lambda i: (i, 0)),
        ],
        out_shape=[
            jax.ShapeDtypeStruct((_NPAD, _D), jnp.float32),
            jax.ShapeDtypeStruct((_NPAD, _D), jnp.float32),
        ],
    )(y, tpart, dinv)



def _mask_body(r_ref, c_ref, rm_ref, cm_ref):
    r = r_ref[...]
    c = c_ref[...]
    m = r > c
    rm_ref[...] = r
    cm_ref[...] = jnp.where(m, c, r)


def _mask_idx(row, col, e_total):
    cols = 512
    rows = e_total // cols
    rm, cm = pl.pallas_call(
        _mask_body,
        grid=(1,),
        in_specs=[
            pl.BlockSpec((rows, cols), lambda i: (0, 0)),
            pl.BlockSpec((rows, cols), lambda i: (0, 0)),
        ],
        out_specs=[
            pl.BlockSpec((rows, cols), lambda i: (0, 0)),
            pl.BlockSpec((rows, cols), lambda i: (0, 0)),
        ],
        out_shape=[
            jax.ShapeDtypeStruct((rows, cols), jnp.int32),
            jax.ShapeDtypeStruct((rows, cols), jnp.int32),
        ],
    )(row.reshape(rows, cols), col.reshape(rows, cols))
    return rm.reshape(-1), cm.reshape(-1)


def _zup_body(z_ref, gr_ref, gc_ref, zn_ref, zneg_ref):
    zb = z_ref[...] + _BETA * (gr_ref[...] - gc_ref[...])
    rn2 = jnp.sum(zb * zb, axis=1, keepdims=True)
    scale = jnp.minimum(jnp.float32(1.0), _LAM1 * lax.rsqrt(rn2))
    zn = scale * zb
    zn_ref[...] = zn
    zneg_ref[...] = -zn


def _zupdate(z, gr, gc, e_total):
    blk = 4000
    return pl.pallas_call(
        _zup_body,
        grid=(e_total // blk,),
        in_specs=[
            pl.BlockSpec((blk, _D), lambda i: (i, 0)),
            pl.BlockSpec((blk, _D), lambda i: (i, 0)),
            pl.BlockSpec((blk, _D), lambda i: (i, 0)),
        ],
        out_specs=[
            pl.BlockSpec((blk, _D), lambda i: (i, 0)),
            pl.BlockSpec((blk, _D), lambda i: (i, 0)),
        ],
        out_shape=[
            jax.ShapeDtypeStruct((e_total, _D), jnp.float32),
            jax.ShapeDtypeStruct((e_total, _D), jnp.float32),
        ],
    )(z, gr, gc)



def _zero_vmem_block(buf):
    z16 = jnp.zeros((16,), jnp.float32)

    def body(e, carry):
        for dd in range(8):
            buf[e, pl.ds(dd * 16, 16)] = z16
        return carry

    lax.fori_loop(0, _C, body, 0)


def _zero_shared(S, zbuf, s):
    def body(i, carry):
        S_slice = S.at[pl.ds(s * 640 + i * _C, _C)]
        pltpu.sync_copy(zbuf, S_slice)
        return carry

    lax.fori_loop(0, 640 // _C, body, 0)


def _writeback_shared(S, out_at_c, s):
    pltpu.sync_copy(S.at[pl.ds(s * 640, 640)], out_at_c.at[pl.ds(s * 640, 640)])


def _edges_per_tile(e_total):
    return e_total // _NTILES



def _deg_kernel(e_total):
    ept = _edges_per_tile(e_total)
    nchunk = ept // _C

    @functools.partial(
        pl.kernel,
        mesh=_MESH,
        out_type=jax.ShapeDtypeStruct((2, _NPAD, 16), jnp.float32),
        scratch_types=[
            pltpu.VMEM((_C,), jnp.int32),
            pltpu.VMEM((_C, 16), jnp.float32),
            pltpu.VMEM((_C, 16), jnp.float32),
            pltpu.VMEM_SHARED((_NPAD, 16), jnp.float32),
        ],
    )
    def k(row_hbm, out_hbm, idxb, onesb, zb, S):
        c = lax.axis_index("c")
        s = lax.axis_index("s")
        wid = c * 16 + s

        z16 = jnp.zeros((16,), jnp.float32)
        o16 = jnp.ones((16,), jnp.float32)

        def fill(e, carry):
            onesb[e] = o16
            zb[e] = z16
            return carry

        lax.fori_loop(0, _C, fill, 0)

        def zs(i, carry):
            pltpu.sync_copy(zb, S.at[pl.ds(s * 640 + i * _C, _C)])
            return carry

        lax.fori_loop(0, 640 // _C, zs, 0)
        plsc.subcore_barrier()

        def chunk(j, carry):
            base = wid * ept + j * _C
            pltpu.sync_copy(row_hbm.at[pl.ds(base, _C)], idxb)
            pltpu.sync_copy(onesb, S.at[idxb], add=True)
            return carry

        lax.fori_loop(0, nchunk, chunk, 0)
        plsc.subcore_barrier()
        pltpu.sync_copy(
            S.at[pl.ds(s * 640, 640)], out_hbm.at[c].at[pl.ds(s * 640, 640)]
        )

    return k



def _adj_kernel(e_total):
    ept = _edges_per_tile(e_total)
    nchunk = ept // _C

    @functools.partial(
        pl.kernel,
        mesh=_MESH,
        out_type=jax.ShapeDtypeStruct((2, _NPAD, _D), jnp.float32),
        scratch_types=[
            pltpu.VMEM((_C,), jnp.int32),
            pltpu.VMEM((_C,), jnp.int32),
            pltpu.VMEM((_C, _D), jnp.float32),
            pltpu.VMEM((_C, _D), jnp.float32),
            pltpu.VMEM_SHARED((_NPAD, _D), jnp.float32),
            pltpu.SemaphoreType.DMA,
        ],
    )
    def k(xs_hbm, row_hbm, col_hbm, out_hbm, rowb, colb, gbuf, zbuf, S, sem):
        c = lax.axis_index("c")
        s = lax.axis_index("s")
        wid = c * 16 + s

        _zero_vmem_block(zbuf)
        _zero_shared(S, zbuf, s)
        plsc.subcore_barrier()

        def chunk(j, carry):
            base = wid * ept + j * _C
            pltpu.sync_copy(row_hbm.at[pl.ds(base, _C)], rowb)
            pltpu.sync_copy(col_hbm.at[pl.ds(base, _C)], colb)
            pltpu.async_copy(xs_hbm.at[colb], gbuf, sem).wait()
            pltpu.sync_copy(gbuf, S.at[rowb], add=True)
            return carry

        lax.fori_loop(0, nchunk, chunk, 0)
        plsc.subcore_barrier()
        _writeback_shared(S, out_hbm.at[c], s)

    return k



def _gather_kernel(e_total):
    ept = _edges_per_tile(e_total)
    nchunk = ept // _C

    @functools.partial(
        pl.kernel,
        mesh=_MESH,
        out_type=[
            jax.ShapeDtypeStruct((e_total, _D), jnp.float32),
            jax.ShapeDtypeStruct((e_total, _D), jnp.float32),
        ],
        scratch_types=[
            pltpu.VMEM((_C,), jnp.int32),
            pltpu.VMEM((_C,), jnp.int32),
            pltpu.VMEM((_C, _D), jnp.float32),
            pltpu.VMEM((_C, _D), jnp.float32),
            pltpu.SemaphoreType.DMA,
            pltpu.SemaphoreType.DMA,
        ],
    )
    def k(xs2_hbm, rowm_hbm, colm_hbm, gr_hbm, gc_hbm,
          rowb, colb, gr, gc, sem1, sem2):
        c = lax.axis_index("c")
        s = lax.axis_index("s")
        wid = c * 16 + s

        def chunk(j, carry):
            base = wid * ept + j * _C
            pltpu.sync_copy(rowm_hbm.at[pl.ds(base, _C)], rowb)
            pltpu.sync_copy(colm_hbm.at[pl.ds(base, _C)], colb)
            pltpu.async_copy(xs2_hbm.at[rowb], gr, sem1).wait()
            pltpu.async_copy(xs2_hbm.at[colb], gc, sem2).wait()
            pltpu.sync_copy(gr, gr_hbm.at[pl.ds(base, _C)])
            pltpu.sync_copy(gc, gc_hbm.at[pl.ds(base, _C)])
            return carry

        lax.fori_loop(0, nchunk, chunk, 0)

    return k



def _tpass_kernel(e_total):
    ept = _edges_per_tile(e_total)
    nchunk = ept // _C

    @functools.partial(
        pl.kernel,
        mesh=_MESH,
        out_type=jax.ShapeDtypeStruct((2, _NPAD, _D), jnp.float32),
        scratch_types=[
            pltpu.VMEM((_C,), jnp.int32),
            pltpu.VMEM((_C,), jnp.int32),
            pltpu.VMEM((_C, _D), jnp.float32),
            pltpu.VMEM((_C, _D), jnp.float32),
            pltpu.VMEM((_C, _D), jnp.float32),
            pltpu.VMEM_SHARED((_NPAD, _D), jnp.float32),
        ],
    )
    def k(zp_hbm, zn_hbm, row_hbm, col_hbm, out_hbm, rowb, colb, bufp, bufn,
          zbuf, S):
        c = lax.axis_index("c")
        s = lax.axis_index("s")
        wid = c * 16 + s

        _zero_vmem_block(zbuf)
        _zero_shared(S, zbuf, s)
        plsc.subcore_barrier()

        def chunk(j, carry):
            base = wid * ept + j * _C
            pltpu.sync_copy(row_hbm.at[pl.ds(base, _C)], rowb)
            pltpu.sync_copy(col_hbm.at[pl.ds(base, _C)], colb)
            pltpu.sync_copy(zp_hbm.at[pl.ds(base, _C)], bufp)
            pltpu.sync_copy(zn_hbm.at[pl.ds(base, _C)], bufn)
            pltpu.sync_copy(bufp, S.at[rowb], add=True)
            pltpu.sync_copy(bufn, S.at[colb], add=True)
            return carry

        lax.fori_loop(0, nchunk, chunk, 0)
        plsc.subcore_barrier()
        _writeback_shared(S, out_hbm.at[c], s)

    return k



def kernel(x, edge_index, W1, b1, W2, b2):
    n = x.shape[0]
    e_total = edge_index.shape[1]
    row = edge_index[0]
    col = edge_index[1]

    h = _mlp(x, W1, b1, W2, b2)
    h = jnp.pad(h, ((0, _NPAD - n), (0, 0)))

    deg_partials = _deg_kernel(e_total)(row)
    dinv = _deg_to_dinv(deg_partials)
    rowm, colm = _mask_idx(row, col, e_total)

    adj_pass = _adj_kernel(e_total)
    gather_pass = _gather_kernel(e_total)
    t_pass = _tpass_kernel(e_total)

    xk = h
    xs = _scale(dinv, h)
    tprev = jnp.zeros((_NPAD, _D), jnp.float32)
    z = jnp.zeros((e_total, _D), jnp.float32)

    for it in range(_K):
        acc = adj_pass(xs, row, col)
        y, xs2 = _combine_y(h, acc, xk, tprev, dinv)
        gr, gc = gather_pass(xs2, rowm, colm)
        z, zneg = _zupdate(z, gr, gc, e_total)
        tpart = t_pass(z, zneg, row, col)
        xk, tprev = _combine_xk(y, tpart, dinv)
        if it + 1 < _K:
            xs = _scale(dinv, xk)
    return xk[:n]

# --- scband reference (transcript-rebuilt; emitter-appended) ---
"""Pipeline reference for scband-elastic-gnn-51505247814312 (READ-ONLY COPY).

The authoritative reference and input builder live on the scoring server;
editing this copy changes nothing except your own understanding.
"""

import jax, jax.numpy as jnp
import numpy as np

N = 10000
E = 320000
D_IN = 128
HID = 64
D_OUT = 128
K = 3
LAM1 = 3.0
LAM2 = 3.0


def setup_inputs(seed: int = 0) -> dict:
    key = jax.random.key(seed)
    k1, k2, k3, k4 = jax.random.split(key, 4)
    x = jax.random.normal(k1, (N, D_IN), dtype=jnp.float32)
    edge_index = jax.random.randint(k2, (2, E), 0, N)
    W1 = jax.random.normal(k3, (D_IN, HID), dtype=jnp.float32) * 0.05
    b1 = jnp.zeros((HID,), dtype=jnp.float32)
    W2 = jax.random.normal(k4, (HID, D_OUT), dtype=jnp.float32) * 0.05
    b2 = jnp.zeros((D_OUT,), dtype=jnp.float32)
    return {"x": x, "edge_index": edge_index, "W1": W1, "b1": b1, "W2": W2, "b2": b2}


def _l21_projection(z_bar, lam):
    rn = jnp.linalg.norm(z_bar, axis=1)
    safe = jnp.where(rn > 0, rn, 1.0)
    scale = jnp.where(rn > 0, jnp.minimum(rn, lam) / safe, 0.0)
    return scale[:, None] * z_bar


def reference(x, edge_index, W1, b1, W2, b2):
    # --- MLP (dropout is identity in eval mode) ---
    h = jnp.maximum(x @ W1 + b1, 0.0)
    h = h @ W2 + b2

    n = x.shape[0]
    row_all = edge_index[0]
    col_all = edge_index[1]

    # degree with self-loop (gcn-style normalization)
    deg = jnp.bincount(row_all, length=n).astype(h.dtype) + 1.0
    dinv = 1.0 / jnp.sqrt(deg)

    # incident matrix: keep edges with row > col (dedupe + drop self-loops)
    mask = (row_all > col_all).astype(h.dtype)
    iw_r = mask * dinv[row_all]
    iw_c = mask * dinv[col_all]

    gamma = 1.0 / (1.0 + LAM2)
    beta = 1.0 / (2.0 * gamma)

    w_edge = dinv[row_all] * dinv[col_all]

    def adj_prop(v):
        out = jnp.zeros_like(v).at[row_all].add(w_edge[:, None] * v[col_all])
        return out + (dinv * dinv)[:, None] * v

    def inc_mv(v):
        return iw_r[:, None] * v[row_all] - iw_c[:, None] * v[col_all]

    def inc_t_mv(z):
        out = jnp.zeros((n, z.shape[1]), z.dtype)
        out = out.at[row_all].add(iw_r[:, None] * z)
        out = out.at[col_all].add(-iw_c[:, None] * z)
        return out

    # --- Elastic message passing (EMP) ---
    hh = h
    xk = h
    z = jnp.zeros((row_all.shape[0], h.shape[1]), h.dtype)
    for _ in range(K):
        y = gamma * hh + (1.0 - gamma) * adj_prop(xk)
        x_bar = y - gamma * inc_t_mv(z)
        z_bar = z + beta * inc_mv(x_bar)
        z = _l21_projection(z_bar, LAM1)
        xk = y - gamma * inc_t_mv(z)
    return xk

if __name__ == "__main__":
    import jax
    _d = setup_inputs()
    print(jax.jit(kernel)(*tuple(_d.values())))

</pallas_src>

<mosaic_0001>
#map = affine_map<(d0, d1) -> (0, 0)>
#map1 = affine_map<(d0, d1) -> (0)>
module attributes {stable_mosaic.version = 14 : i64} {
  func.func @k(%arg0: i32, %arg1: i32, %arg2: memref<10240x128xf32, #tpu.memory_space<hbm>>, %arg3: memref<320000xi32, #tpu.memory_space<hbm>>, %arg4: memref<320000xi32, #tpu.memory_space<hbm>>, %arg5: memref<320000x128xf32, #tpu.memory_space<hbm>>, %arg6: memref<320000x128xf32, #tpu.memory_space<hbm>>, %arg7: memref<80xi32, #tpu.memory_space<vmem>>, %arg8: memref<80xi32, #tpu.memory_space<vmem>>, %arg9: memref<80x128xf32, #tpu.memory_space<vmem>>, %arg10: memref<80x128xf32, #tpu.memory_space<vmem>>, %arg11: memref<!tpu.dma_semaphore, #tpu.memory_space<semaphore_mem>>, %arg12: memref<!tpu.dma_semaphore, #tpu.memory_space<semaphore_mem>>) attributes {dimension_semantics = [#tpu.dimension_semantics<core_parallel>, #tpu.dimension_semantics<subcore_parallel>], iteration_bounds = array<i64: 2, 16>, scalar_prefetch = 0 : i64, scratch_operands = 6 : i64, tpu.core_type = #tpu.core_type<sc_vector_subcore>, window_params = [{transform_indices = #map}, {transform_indices = #map1}, {transform_indices = #map1}, {transform_indices = #map}, {transform_indices = #map}]} {
    %mul3A = arith.constant 16 : i32
    %mul3A_0 = arith.muli %arg0, %mul3A : i32
    %add3A = arith.addi %mul3A_0, %arg1 : i32
    %scan3A = arith.constant 0 : i32
    %scan3A_1 = arith.constant 0 : i32
    %scan3A_2 = arith.constant 125 : i32
    %scan3A_3 = arith.addi %scan3A_1, %scan3A_2 : i32
    %scan3A_4 = arith.constant 1 : i32
    scf.for %scan3A_6 = %scan3A_1 to %scan3A_3 step %scan3A_4  : i32 {
      %mul3A_7 = arith.constant 10000 : i32
      %mul3A_8 = arith.muli %add3A, %mul3A_7 : i32
      %mul3A_9 = arith.constant 80 : i32
      %mul3A_10 = arith.muli %scan3A_6, %mul3A_9 : i32
      %add3A_11 = arith.addi %mul3A_8, %mul3A_10 : i32
      "tpu.region"() ({
        %run_scoped3A = tpu.sem_alloc : memref<!tpu.dma_semaphore, #tpu.memory_space<semaphore_mem>>
        %dma_start3A_22 = tpu.memref_slice %arg3[%add3A_11] : memref<320000xi32, #tpu.memory_space<hbm>> -> memref<80xi32, #tpu.memory_space<hbm>>
        %dma_start3A_23 = tpu.memref_slice %arg3[%add3A_11] : memref<320000xi32, #tpu.memory_space<hbm>> -> memref<80xi32, #tpu.memory_space<hbm>>
        tpu.enqueue_dma source(%dma_start3A_23 : memref<80xi32, #tpu.memory_space<hbm>>) target(%arg7 : memref<80xi32, #tpu.memory_space<vmem>>) target_semaphore(%run_scoped3A : memref<!tpu.dma_semaphore, #tpu.memory_space<semaphore_mem>>)
        %dma_wait3A_24 = tpu.memref_slice %arg3[%add3A_11] : memref<320000xi32, #tpu.memory_space<hbm>> -> memref<80xi32, #tpu.memory_space<hbm>>
        %dma_wait3A_25 = tpu.memref_slice %arg3[%add3A_11] : memref<320000xi32, #tpu.memory_space<hbm>> -> memref<80xi32, #tpu.memory_space<hbm>>
        tpu.wait_dma2 semaphore(%run_scoped3A : memref<!tpu.dma_semaphore, #tpu.memory_space<semaphore_mem>>) src(%dma_wait3A_25 : memref<80xi32, #tpu.memory_space<hbm>>) dst(%arg7 : memref<80xi32, #tpu.memory_space<vmem>>)
        tpu.yield
      }) : () -> ()
      "tpu.region"() ({
        %run_scoped3A = tpu.sem_alloc : memref<!tpu.dma_semaphore, #tpu.memory_space<semaphore_mem>>
        %dma_start3A_22 = tpu.memref_slice %arg4[%add3A_11] : memref<320000xi32, #tpu.memory_space<hbm>> -> memref<80xi32, #tpu.memory_space<hbm>>
        %dma_start3A_23 = tpu.memref_slice %arg4[%add3A_11] : memref<320000xi32, #tpu.memory_space<hbm>> -> memref<80xi32, #tpu.memory_space<hbm>>
        tpu.enqueue_dma source(%dma_start3A_23 : memref<80xi32, #tpu.memory_space<hbm>>) target(%arg8 : memref<80xi32, #tpu.memory_space<vmem>>) target_semaphore(%run_scoped3A : memref<!tpu.dma_semaphore, #tpu.memory_space<semaphore_mem>>)
        %dma_wait3A_24 = tpu.memref_slice %arg4[%add3A_11] : memref<320000xi32, #tpu.memory_space<hbm>> -> memref<80xi32, #tpu.memory_space<hbm>>
        %dma_wait3A_25 = tpu.memref_slice %arg4[%add3A_11] : memref<320000xi32, #tpu.memory_space<hbm>> -> memref<80xi32, #tpu.memory_space<hbm>>
        tpu.wait_dma2 semaphore(%run_scoped3A : memref<!tpu.dma_semaphore, #tpu.memory_space<semaphore_mem>>) src(%dma_wait3A_25 : memref<80xi32, #tpu.memory_space<hbm>>) dst(%arg8 : memref<80xi32, #tpu.memory_space<vmem>>)
        tpu.yield
      }) : () -> ()
      %dma_start3A = arith.constant 0 : i32
      %dma_start3A_12 = arith.constant 0 : i32
      %dma_start3A_13 = tpu.memref_slice %arg2[%dma_start3A, %dma_start3A_12] : memref<10240x128xf32, #tpu.memory_space<hbm>> -> memref<10240x128xf32, #tpu.memory_space<hbm>>
      tpu.enqueue_indirect_dma source(%dma_start3A_13 : memref<10240x128xf32, #tpu.memory_space<hbm>>) target(%arg9 : memref<80x128xf32, #tpu.memory_space<vmem>>) offsets(%arg7 : memref<80xi32, #tpu.memory_space<vmem>>) semaphore(%arg11 : memref<!tpu.dma_semaphore, #tpu.memory_space<semaphore_mem>>)
      %dma_wait3A = arith.constant 0 : i32
      %dma_wait3A_14 = arith.constant 0 : i32
      %dma_wait3A_15 = tpu.memref_slice %arg2[%dma_wait3A, %dma_wait3A_14] : memref<10240x128xf32, #tpu.memory_space<hbm>> -> memref<10240x128xf32, #tpu.memory_space<hbm>>
      tpu.wait_indirect_dma semaphore(%arg11 : memref<!tpu.dma_semaphore, #tpu.memory_space<semaphore_mem>>) src(%dma_wait3A_15 : memref<10240x128xf32, #tpu.memory_space<hbm>>) dst(%arg9 : memref<80x128xf32, #tpu.memory_space<vmem>>)
      %dma_start3A_16 = arith.constant 0 : i32
      %dma_start3A_17 = arith.constant 0 : i32
      %dma_start3A_18 = tpu.memref_slice %arg2[%dma_start3A_16, %dma_start3A_17] : memref<10240x128xf32, #tpu.memory_space<hbm>> -> memref<10240x128xf32, #tpu.memory_space<hbm>>
      tpu.enqueue_indirect_dma source(%dma_start3A_18 : memref<10240x128xf32, #tpu.memory_space<hbm>>) target(%arg10 : memref<80x128xf32, #tpu.memory_space<vmem>>) offsets(%arg8 : memref<80xi32, #tpu.memory_space<vmem>>) semaphore(%arg12 : memref<!tpu.dma_semaphore, #tpu.memory_space<semaphore_mem>>)
      %dma_wait3A_19 = arith.constant 0 : i32
      %dma_wait3A_20 = arith.constant 0 : i32
      %dma_wait3A_21 = tpu.memref_slice %arg2[%dma_wait3A_19, %dma_wait3A_20] : memref<10240x128xf32, #tpu.memory_space<hbm>> -> memref<10240x128xf32, #tpu.memory_space<hbm>>
      tpu.wait_indirect_dma semaphore(%arg12 : memref<!tpu.dma_semaphore, #tpu.memory_space<semaphore_mem>>) src(%dma_wait3A_21 : memref<10240x128xf32, #tpu.memory_space<hbm>>) dst(%arg10 : memref<80x128xf32, #tpu.memory_space<vmem>>)
      "tpu.region"() ({
        %run_scoped3A = tpu.sem_alloc : memref<!tpu.dma_semaphore, #tpu.memory_space<semaphore_mem>>
        %dma_start3A_22 = arith.constant 0 : i32
        %dma_start3A_23 = tpu.memref_slice %arg5[%add3A_11, %dma_start3A_22] : memref<320000x128xf32, #tpu.memory_space<hbm>> -> memref<80x128xf32, #tpu.memory_space<hbm>>
        %dma_start3A_24 = arith.constant 0 : i32
        %dma_start3A_25 = tpu.memref_slice %arg5[%add3A_11, %dma_start3A_24] : memref<320000x128xf32, #tpu.memory_space<hbm>> -> memref<80x128xf32, #tpu.memory_space<hbm>>
        tpu.enqueue_dma source(%arg9 : memref<80x128xf32, #tpu.memory_space<vmem>>) target(%dma_start3A_25 : memref<80x128xf32, #tpu.memory_space<hbm>>) target_semaphore(%run_scoped3A : memref<!tpu.dma_semaphore, #tpu.memory_space<semaphore_mem>>)
        %dma_wait3A_26 = arith.constant 0 : i32
        %dma_wait3A_27 = tpu.memref_slice %arg5[%add3A_11, %dma_wait3A_26] : memref<320000x128xf32, #tpu.memory_space<hbm>> -> memref<80x128xf32, #tpu.memory_space<hbm>>
        %dma_wait3A_28 = arith.constant 0 : i32
        %dma_wait3A_29 = tpu.memref_slice %arg5[%add3A_11, %dma_wait3A_28] : memref<320000x128xf32, #tpu.memory_space<hbm>> -> memref<80x128xf32, #tpu.memory_space<hbm>>
        tpu.wait_dma2 semaphore(%run_scoped3A : memref<!tpu.dma_semaphore, #tpu.memory_space<semaphore_mem>>) src(%arg9 : memref<80x128xf32, #tpu.memory_space<vmem>>) dst(%dma_wait3A_29 : memref<80x128xf32, #tpu.memory_space<hbm>>)
        tpu.yield
      }) : () -> ()
      "tpu.region"() ({
        %run_scoped3A = tpu.sem_alloc : memref<!tpu.dma_semaphore, #tpu.memory_space<semaphore_mem>>
        %dma_start3A_22 = arith.constant 0 : i32
        %dma_start3A_23 = tpu.memref_slice %arg6[%add3A_11, %dma_start3A_22] : memref<320000x128xf32, #tpu.memory_space<hbm>> -> memref<80x128xf32, #tpu.memory_space<hbm>>
        %dma_start3A_24 = arith.constant 0 : i32
        %dma_start3A_25 = tpu.memref_slice %arg6[%add3A_11, %dma_start3A_24] : memref<320000x128xf32, #tpu.memory_space<hbm>> -> memref<80x128xf32, #tpu.memory_space<hbm>>
        tpu.enqueue_dma source(%arg10 : memref<80x128xf32, #tpu.memory_space<vmem>>) target(%dma_start3A_25 : memref<80x128xf32, #tpu.memory_space<hbm>>) target_semaphore(%run_scoped3A : memref<!tpu.dma_semaphore, #tpu.memory_space<semaphore_mem>>)
        %dma_wait3A_26 = arith.constant 0 : i32
        %dma_wait3A_27 = tpu.memref_slice %arg6[%add3A_11, %dma_wait3A_26] : memref<320000x128xf32, #tpu.memory_space<hbm>> -> memref<80x128xf32, #tpu.memory_space<hbm>>
        %dma_wait3A_28 = arith.constant 0 : i32
        %dma_wait3A_29 = tpu.memref_slice %arg6[%add3A_11, %dma_wait3A_28] : memref<320000x128xf32, #tpu.memory_space<hbm>> -> memref<80x128xf32, #tpu.memory_space<hbm>>
        tpu.wait_dma2 semaphore(%run_scoped3A : memref<!tpu.dma_semaphore, #tpu.memory_space<semaphore_mem>>) src(%arg10 : memref<80x128xf32, #tpu.memory_space<vmem>>) dst(%dma_wait3A_29 : memref<80x128xf32, #tpu.memory_space<hbm>>)
        tpu.yield
      }) : () -> ()
    }
    %scan3A_5 = arith.constant 125 : i32
    return
  }
}

#map = affine_map<(d0, d1) -> (0, 0)>
#map1 = affine_map<(d0, d1) -> (0)>
#map2 = affine_map<(d0, d1) -> (0, 0, 0)>
module attributes {stable_mosaic.version = 14 : i64} {
  func.func @k(%arg0: i32, %arg1: i32, %arg2: memref<320000x128xf32, #tpu.memory_space<hbm>>, %arg3: memref<320000x128xf32, #tpu.memory_space<hbm>>, %arg4: memref<320000xi32, #tpu.memory_space<hbm>>, %arg5: memref<320000xi32, #tpu.memory_space<hbm>>, %arg6: memref<2x10240x128xf32, #tpu.memory_space<hbm>>, %arg7: memref<80xi32, #tpu.memory_space<vmem>>, %arg8: memref<80xi32, #tpu.memory_space<vmem>>, %arg9: memref<80x128xf32, #tpu.memory_space<vmem>>, %arg10: memref<80x128xf32, #tpu.memory_space<vmem>>, %arg11: memref<80x128xf32, #tpu.memory_space<vmem>>, %arg12: memref<10240x128xf32, #tpu.memory_space<vmem_shared>>) attributes {dimension_semantics = [#tpu.dimension_semantics<core_parallel>, #tpu.dimension_semantics<subcore_parallel>], iteration_bounds = array<i64: 2, 16>, scalar_prefetch = 0 : i64, scratch_operands = 6 : i64, tpu.core_type = #tpu.core_type<sc_vector_subcore>, window_params = [{transform_indices = #map}, {transform_indices = #map}, {transform_indices = #map1}, {transform_indices = #map1}, {transform_indices = #map2}]} {
    %mul3A = arith.constant 16 : i32
    %mul3A_0 = arith.muli %arg0, %mul3A : i32
    %add3A = arith.addi %mul3A_0, %arg1 : i32
    %broadcast_in_dim3A = arith.constant 0.000000e+00 : f32
    %broadcast_in_dim3A_1 = vector.broadcast %broadcast_in_dim3A : f32 to vector<16xf32>
    %scan3A = arith.constant 0 : i32
    %scan3A_2 = arith.constant 0 : i32
    %scan3A_3 = arith.constant 80 : i32
    %scan3A_4 = arith.addi %scan3A_2, %scan3A_3 : i32
    %scan3A_5 = arith.constant 1 : i32
    scf.for %scan3A_24 = %scan3A_2 to %scan3A_4 step %scan3A_5  : i32 {
      %swap3A = arith.index_cast %scan3A_24 : i32 to index
      %swap3A_25 = arith.constant 0 : index
      %swap3A_26 = tpu.vector_load %arg11[%swap3A, %swap3A_25] {strides = array<i32>} : memref<80x128xf32, #tpu.memory_space<vmem>>, vector<1x16xf32>,
      %swap3A_27 = vector.shape_cast %swap3A_26 : vector<1x16xf32> to vector<16xf32>
      %swap3A_28 = vector.shape_cast %broadcast_in_dim3A_1 : vector<16xf32> to vector<1x16xf32>
      tpu.vector_store %arg11[%swap3A, %swap3A_25], %swap3A_28 {strides = array<i32>} : memref<80x128xf32, #tpu.memory_space<vmem>>, vector<1x16xf32>,
      %swap3A_29 = arith.index_cast %scan3A_24 : i32 to index
      %swap3A_30 = arith.constant 16 : index
      %swap3A_31 = tpu.vector_load %arg11[%swap3A_29, %swap3A_30] {strides = array<i32>} : memref<80x128xf32, #tpu.memory_space<vmem>>, vector<1x16xf32>,
      %swap3A_32 = vector.shape_cast %swap3A_31 : vector<1x16xf32> to vector<16xf32>
      %swap3A_33 = vector.shape_cast %broadcast_in_dim3A_1 : vector<16xf32> to vector<1x16xf32>
      tpu.vector_store %arg11[%swap3A_29, %swap3A_30], %swap3A_33 {strides = array<i32>} : memref<80x128xf32, #tpu.memory_space<vmem>>, vector<1x16xf32>,
      %swap3A_34 = arith.index_cast %scan3A_24 : i32 to index
      %swap3A_35 = arith.constant 32 : index
      %swap3A_36 = tpu.vector_load %arg11[%swap3A_34, %swap3A_35] {strides = array<i32>} : memref<80x128xf32, #tpu.memory_space<vmem>>, vector<1x16xf32>,
      %swap3A_37 = vector.shape_cast %swap3A_36 : vector<1x16xf32> to vector<16xf32>
      %swap3A_38 = vector.shape_cast %broadcast_in_dim3A_1 : vector<16xf32> to vector<1x16xf32>
      tpu.vector_store %arg11[%swap3A_34, %swap3A_35], %swap3A_38 {strides = array<i32>} : memref<80x128xf32, #tpu.memory_space<vmem>>, vector<1x16xf32>,
      %swap3A_39 = arith.index_cast %scan3A_24 : i32 to index
      %swap3A_40 = arith.constant 48 : index
      %swap3A_41 = tpu.vector_load %arg11[%swap3A_39, %swap3A_40] {strides = array<i32>} : memref<80x128xf32, #tpu.memory_space<vmem>>, vector<1x16xf32>,
      %swap3A_42 = vector.shape_cast %swap3A_41 : vector<1x16xf32> to vector<16xf32>
      %swap3A_43 = vector.shape_cast %broadcast_in_dim3A_1 : vector<16xf32> to vector<1x16xf32>
      tpu.vector_store %arg11[%swap3A_39, %swap3A_40], %swap3A_43 {strides = array<i32>} : memref<80x128xf32, #tpu.memory_space<vmem>>, vector<1x16xf32>,
      %swap3A_44 = arith.index_cast %scan3A_24 : i32 to index
      %swap3A_45 = arith.constant 64 : index
      %swap3A_46 = tpu.vector_load %arg11[%swap3A_44, %swap3A_45] {strides = array<i32>} : memref<80x128xf32, #tpu.memory_space<vmem>>, vector<1x16xf32>,
      %swap3A_47 = vector.shape_cast %swap3A_46 : vector<1x16xf32> to vector<16xf32>
      %swap3A_48 = vector.shape_cast %broadcast_in_dim3A_1 : vector<16xf32> to vector<1x16xf32>
      tpu.vector_store %arg11[%swap3A_44, %swap3A_45], %swap3A_48 {strides = array<i32>} : memref<80x128xf32, #tpu.memory_space<vmem>>, vector<1x16xf32>,
      %swap3A_49 = arith.index_cast %scan3A_24 : i32 to index
      %swap3A_50 = arith.constant 80 : index
      %swap3A_51 = tpu.vector_load %arg11[%swap3A_49, %swap3A_50] {strides = array<i32>} : memref<80x128xf32, #tpu.memory_space<vmem>>, vector<1x16xf32>,
      %swap3A_52 = vector.shape_cast %swap3A_51 : vector<1x16xf32> to vector<16xf32>
      %swap3A_53 = vector.shape_cast %broadcast_in_dim3A_1 : vector<16xf32> to vector<1x16xf32>
      tpu.vector_store %arg11[%swap3A_49, %swap3A_50], %swap3A_53 {strides = array<i32>} : memref<80x128xf32, #tpu.memory_space<vmem>>, vector<1x16xf32>,
      %swap3A_54 = arith.index_cast %scan3A_24 : i32 to index
      %swap3A_55 = arith.constant 96 : index
      %swap3A_56 = tpu.vector_load %arg11[%swap3A_54, %swap3A_55] {strides = array<i32>} : memref<80x128xf32, #tpu.memory_space<vmem>>, vector<1x16xf32>,
      %swap3A_57 = vector.shape_cast %swap3A_56 : vector<1x16xf32> to vector<16xf32>
      %swap3A_58 = vector.shape_cast %broadcast_in_dim3A_1 : vector<16xf32> to vector<1x16xf32>
      tpu.vector_store %arg11[%swap3A_54, %swap3A_55], %swap3A_58 {strides = array<i32>} : memref<80x128xf32, #tpu.memory_space<vmem>>, vector<1x16xf32>,
      %swap3A_59 = arith.index_cast %scan3A_24 : i32 to index
      %swap3A_60 = arith.constant 112 : index
      %swap3A_61 = tpu.vector_load %arg11[%swap3A_59, %swap3A_60] {strides = array<i32>} : memref<80x128xf32, #tpu.memory_space<vmem>>, vector<1x16xf32>,
      %swap3A_62 = vector.shape_cast %swap3A_61 : vector<1x16xf32> to vector<16xf32>
      %swap3A_63 = vector.shape_cast %broadcast_in_dim3A_1 : vector<16xf32> to vector<1x16xf32>
      tpu.vector_store %arg11[%swap3A_59, %swap3A_60], %swap3A_63 {strides = array<i32>} : memref<80x128xf32, #tpu.memory_space<vmem>>, vector<1x16xf32>,
    }
    %scan3A_6 = arith.constant 80 : i32
    %scan3A_7 = arith.constant 0 : i32
    %scan3A_8 = arith.constant 0 : i32
    %scan3A_9 = arith.constant 8 : i32
    %scan3A_10 = arith.addi %scan3A_8, %scan3A_9 : i32
    %scan3A_11 = arith.constant 1 : i32
    scf.for %scan3A_24 = %scan3A_8 to %scan3A_10 step %scan3A_11  : i32 {
      %mul3A_25 = arith.constant 640 : i32
      %mul3A_26 = arith.muli %arg1, %mul3A_25 : i32
      %mul3A_27 = arith.constant 80 : i32
      %mul3A_28 = arith.muli %scan3A_24, %mul3A_27 : i32
      %add3A_29 = arith.addi %mul3A_26, %mul3A_28 : i32
      "tpu.region"() ({
        %run_scoped3A = tpu.sem_alloc : memref<!tpu.dma_semaphore, #tpu.memory_space<semaphore_mem>>
        %dma_start3A = arith.constant 0 : i32
        %dma_start3A_30 = tpu.memref_slice %arg12[%add3A_29, %dma_start3A] : memref<10240x128xf32, #tpu.memory_space<vmem_shared>> -> memref<80x128xf32, #tpu.memory_space<vmem_shared>>
        %dma_start3A_31 = arith.constant 0 : i32
        %dma_start3A_32 = tpu.memref_slice %arg12[%add3A_29, %dma_start3A_31] : memref<10240x128xf32, #tpu.memory_space<vmem_shared>> -> memref<80x128xf32, #tpu.memory_space<vmem_shared>>
        tpu.enqueue_dma source(%arg11 : memref<80x128xf32, #tpu.memory_space<vmem>>) target(%dma_start3A_32 : memref<80x128xf32, #tpu.memory_space<vmem_shared>>) target_semaphore(%run_scoped3A : memref<!tpu.dma_semaphore, #tpu.memory_space<semaphore_mem>>)
        %dma_wait3A = arith.constant 0 : i32
        %dma_wait3A_33 = tpu.memref_slice %arg12[%add3A_29, %dma_wait3A] : memref<10240x128xf32, #tpu.memory_space<vmem_shared>> -> memref<80x128xf32, #tpu.memory_space<vmem_shared>>
        %dma_wait3A_34 = arith.constant 0 : i32
        %dma_wait3A_35 = tpu.memref_slice %arg12[%add3A_29, %dma_wait3A_34] : memref<10240x128xf32, #tpu.memory_space<vmem_shared>> -> memref<80x128xf32, #tpu.memory_space<vmem_shared>>
        tpu.wait_dma2 semaphore(%run_scoped3A : memref<!tpu.dma_semaphore, #tpu.memory_space<semaphore_mem>>) src(%arg11 : memref<80x128xf32, #tpu.memory_space<vmem>>) dst(%dma_wait3A_35 : memref<80x128xf32, #tpu.memory_space<vmem_shared>>)
        tpu.yield
      }) : () -> ()
    }
    %scan3A_12 = arith.constant 8 : i32
    %barrier3A = arith.constant 0 : index
    tpu.barrier barrier_id(%barrier3A)
    %scan3A_13 = arith.constant 0 : i32
    %scan3A_14 = arith.constant 0 : i32
    %scan3A_15 = arith.constant 125 : i32
    %scan3A_16 = arith.addi %scan3A_14, %scan3A_15 : i32
    %scan3A_17 = arith.constant 1 : i32
    scf.for %scan3A_24 = %scan3A_14 to %scan3A_16 step %scan3A_17  : i32 {
      %mul3A_25 = arith.constant 10000 : i32
      %mul3A_26 = arith.muli %add3A, %mul3A_25 : i32
      %mul3A_27 = arith.constant 80 : i32
      %mul3A_28 = arith.muli %scan3A_24, %mul3A_27 : i32
      %add3A_29 = arith.addi %mul3A_26, %mul3A_28 : i32
      "tpu.region"() ({
        %run_scoped3A = tpu.sem_alloc : memref<!tpu.dma_semaphore, #tpu.memory_space<semaphore_mem>>
        %dma_start3A = tpu.memref_slice %arg4[%add3A_29] : memref<320000xi32, #tpu.memory_space<hbm>> -> memref<80xi32, #tpu.memory_space<hbm>>
        %dma_start3A_30 = tpu.memref_slice %arg4[%add3A_29] : memref<320000xi32, #tpu.memory_space<hbm>> -> memref<80xi32, #tpu.memory_space<hbm>>
        tpu.enqueue_dma source(%dma_start3A_30 : memref<80xi32, #tpu.memory_space<hbm>>) target(%arg7 : memref<80xi32, #tpu.memory_space<vmem>>) target_semaphore(%run_scoped3A : memref<!tpu.dma_semaphore, #tpu.memory_space<semaphore_mem>>)
        %dma_wait3A = tpu.memref_slice %arg4[%add3A_29] : memref<320000xi32, #tpu.memory_space<hbm>> -> memref<80xi32, #tpu.memory_space<hbm>>
        %dma_wait3A_31 = tpu.memref_slice %arg4[%add3A_29] : memref<320000xi32, #tpu.memory_space<hbm>> -> memref<80xi32, #tpu.memory_space<hbm>>
        tpu.wait_dma2 semaphore(%run_scoped3A : memref<!tpu.dma_semaphore, #tpu.memory_space<semaphore_mem>>) src(%dma_wait3A_31 : memref<80xi32, #tpu.memory_space<hbm>>) dst(%arg7 : memref<80xi32, #tpu.memory_space<vmem>>)
        tpu.yield
      }) : () -> ()
      "tpu.region"() ({
        %run_scoped3A = tpu.sem_alloc : memref<!tpu.dma_semaphore, #tpu.memory_space<semaphore_mem>>
        %dma_start3A = tpu.memref_slice %arg5[%add3A_29] : memref<320000xi32, #tpu.memory_space<hbm>> -> memref<80xi32, #tpu.memory_space<hbm>>
        %dma_start3A_30 = tpu.memref_slice %arg5[%add3A_29] : memref<320000xi32, #tpu.memory_space<hbm>> -> memref<80xi32, #tpu.memory_space<hbm>>
        tpu.enqueue_dma source(%dma_start3A_30 : memref<80xi32, #tpu.memory_space<hbm>>) target(%arg8 : memref<80xi32, #tpu.memory_space<vmem>>) target_semaphore(%run_scoped3A : memref<!tpu.dma_semaphore, #tpu.memory_space<semaphore_mem>>)
        %dma_wait3A = tpu.memref_slice %arg5[%add3A_29] : memref<320000xi32, #tpu.memory_space<hbm>> -> memref<80xi32, #tpu.memory_space<hbm>>
        %dma_wait3A_31 = tpu.memref_slice %arg5[%add3A_29] : memref<320000xi32, #tpu.memory_space<hbm>> -> memref<80xi32, #tpu.memory_space<hbm>>
        tpu.wait_dma2 semaphore(%run_scoped3A : memref<!tpu.dma_semaphore, #tpu.memory_space<semaphore_mem>>) src(%dma_wait3A_31 : memref<80xi32, #tpu.memory_space<hbm>>) dst(%arg8 : memref<80xi32, #tpu.memory_space<vmem>>)
        tpu.yield
      }) : () -> ()
      "tpu.region"() ({
        %run_scoped3A = tpu.sem_alloc : memref<!tpu.dma_semaphore, #tpu.memory_space<semaphore_mem>>
        %dma_start3A = arith.constant 0 : i32
        %dma_start3A_30 = tpu.memref_slice %arg2[%add3A_29, %dma_start3A] : memref<320000x128xf32, #tpu.memory_space<hbm>> -> memref<80x128xf32, #tpu.memory_space<hbm>>
        %dma_start3A_31 = arith.constant 0 : i32
        %dma_start3A_32 = tpu.memref_slice %arg2[%add3A_29, %dma_start3A_31] : memref<320000x128xf32, #tpu.memory_space<hbm>> -> memref<80x128xf32, #tpu.memory_space<hbm>>
        tpu.enqueue_dma source(%dma_start3A_32 : memref<80x128xf32, #tpu.memory_space<hbm>>) target(%arg9 : memref<80x128xf32, #tpu.memory_space<vmem>>) target_semaphore(%run_scoped3A : memref<!tpu.dma_semaphore, #tpu.memory_space<semaphore_mem>>)
        %dma_wait3A = arith.constant 0 : i32
        %dma_wait3A_33 = tpu.memref_slice %arg2[%add3A_29, %dma_wait3A] : memref<320000x128xf32, #tpu.memory_space<hbm>> -> memref<80x128xf32, #tpu.memory_space<hbm>>
        %dma_wait3A_34 = arith.constant 0 : i32
        %dma_wait3A_35 = tpu.memref_slice %arg2[%add3A_29, %dma_wait3A_34] : memref<320000x128xf32, #tpu.memory_space<hbm>> -> memref<80x128xf32, #tpu.memory_space<hbm>>
        tpu.wait_dma2 semaphore(%run_scoped3A : memref<!tpu.dma_semaphore, #tpu.memory_space<semaphore_mem>>) src(%dma_wait3A_35 : memref<80x128xf32, #tpu.memory_space<hbm>>) dst(%arg9 : memref<80x128xf32, #tpu.memory_space<vmem>>)
        tpu.yield
      }) : () -> ()
      "tpu.region"() ({
        %run_scoped3A = tpu.sem_alloc : memref<!tpu.dma_semaphore, #tpu.memory_space<semaphore_mem>>
        %dma_start3A = arith.constant 0 : i32
        %dma_start3A_30 = tpu.memref_slice %arg3[%add3A_29, %dma_start3A] : memref<320000x128xf32, #tpu.memory_space<hbm>> -> memref<80x128xf32, #tpu.memory_space<hbm>>
        %dma_start3A_31 = arith.constant 0 : i32
        %dma_start3A_32 = tpu.memref_slice %arg3[%add3A_29, %dma_start3A_31] : memref<320000x128xf32, #tpu.memory_space<hbm>> -> memref<80x128xf32, #tpu.memory_space<hbm>>
        tpu.enqueue_dma source(%dma_start3A_32 : memref<80x128xf32, #tpu.memory_space<hbm>>) target(%arg10 : memref<80x128xf32, #tpu.memory_space<vmem>>) target_semaphore(%run_scoped3A : memref<!tpu.dma_semaphore, #tpu.memory_space<semaphore_mem>>)
        %dma_wait3A = arith.constant 0 : i32
        %dma_wait3A_33 = tpu.memref_slice %arg3[%add3A_29, %dma_wait3A] : memref<320000x128xf32, #tpu.memory_space<hbm>> -> memref<80x128xf32, #tpu.memory_space<hbm>>
        %dma_wait3A_34 = arith.constant 0 : i32
        %dma_wait3A_35 = tpu.memref_slice %arg3[%add3A_29, %dma_wait3A_34] : memref<320000x128xf32, #tpu.memory_space<hbm>> -> memref<80x128xf32, #tpu.memory_space<hbm>>
        tpu.wait_dma2 semaphore(%run_scoped3A : memref<!tpu.dma_semaphore, #tpu.memory_space<semaphore_mem>>) src(%dma_wait3A_35 : memref<80x128xf32, #tpu.memory_space<hbm>>) dst(%arg10 : memref<80x128xf32, #tpu.memory_space<vmem>>)
        tpu.yield
      }) : () -> ()
      "tpu.region"() ({
        %run_scoped3A = tpu.sem_alloc : memref<!tpu.dma_semaphore, #tpu.memory_space<semaphore_mem>>
        %dma_start3A = arith.constant 0 : i32
        %dma_start3A_30 = arith.constant 0 : i32
        %dma_start3A_31 = tpu.memref_slice %arg12[%dma_start3A, %dma_start3A_30] : memref<10240x128xf32, #tpu.memory_space<vmem_shared>> -> memref<10240x128xf32, #tpu.memory_space<vmem_shared>>
        tpu.enqueue_indirect_dma source(%arg9 : memref<80x128xf32, #tpu.memory_space<vmem>>) target(%dma_start3A_31 : memref<10240x128xf32, #tpu.memory_space<vmem_shared>>) offsets(%arg7 : memref<80xi32, #tpu.memory_space<vmem>>) semaphore(%run_scoped3A : memref<!tpu.dma_semaphore, #tpu.memory_space<semaphore_mem>>) {add = true}
        %dma_wait3A = arith.constant 0 : i32
        %dma_wait3A_32 = arith.constant 0 : i32
        %dma_wait3A_33 = tpu.memref_slice %arg12[%dma_wait3A, %dma_wait3A_32] : memref<10240x128xf32, #tpu.memory_space<vmem_shared>> -> memref<10240x128xf32, #tpu.memory_space<vmem_shared>>
        tpu.wait_indirect_dma semaphore(%run_scoped3A : memref<!tpu.dma_semaphore, #tpu.memory_space<semaphore_mem>>) src(%arg9 : memref<80x128xf32, #tpu.memory_space<vmem>>) dst(%dma_wait3A_33 : memref<10240x128xf32, #tpu.memory_space<vmem_shared>>)
        tpu.yield
      }) : () -> ()
      "tpu.region"() ({
        %run_scoped3A = tpu.sem_alloc : memref<!tpu.dma_semaphore, #tpu.memory_space<semaphore_mem>>
        %dma_start3A = arith.constant 0 : i32
        %dma_start3A_30 = arith.constant 0 : i32
        %dma_start3A_31 = tpu.memref_slice %arg12[%dma_start3A, %dma_start3A_30] : memref<10240x128xf32, #tpu.memory_space<vmem_shared>> -> memref<10240x128xf32, #tpu.memory_space<vmem_shared>>
        tpu.enqueue_indirect_dma source(%arg10 : memref<80x128xf32, #tpu.memory_space<vmem>>) target(%dma_start3A_31 : memref<10240x128xf32, #tpu.memory_space<vmem_shared>>) offsets(%arg8 : memref<80xi32, #tpu.memory_space<vmem>>) semaphore(%run_scoped3A : memref<!tpu.dma_semaphore, #tpu.memory_space<semaphore_mem>>) {add = true}
        %dma_wait3A = arith.constant 0 : i32
        %dma_wait3A_32 = arith.constant 0 : i32
        %dma_wait3A_33 = tpu.memref_slice %arg12[%dma_wait3A, %dma_wait3A_32] : memref<10240x128xf32, #tpu.memory_space<vmem_shared>> -> memref<10240x128xf32, #tpu.memory_space<vmem_shared>>
        tpu.wait_indirect_dma semaphore(%run_scoped3A : memref<!tpu.dma_semaphore, #tpu.memory_space<semaphore_mem>>) src(%arg10 : memref<80x128xf32, #tpu.memory_space<vmem>>) dst(%dma_wait3A_33 : memref<10240x128xf32, #tpu.memory_space<vmem_shared>>)
        tpu.yield
      }) : () -> ()
    }
    %scan3A_18 = arith.constant 125 : i32
    %barrier3A_19 = arith.constant 0 : index
    tpu.barrier barrier_id(%barrier3A_19)
    %mul3A_20 = arith.constant 640 : i32
    %mul3A_21 = arith.muli %arg1, %mul3A_20 : i32
    %mul3A_22 = arith.constant 640 : i32
    %mul3A_23 = arith.muli %arg1, %mul3A_22 : i32
    "tpu.region"() ({
      %run_scoped3A = tpu.sem_alloc : memref<!tpu.dma_semaphore, #tpu.memory_space<semaphore_mem>>
      %dma_start3A = arith.constant 0 : i32
      %dma_start3A_24 = arith.constant 0 : i32
      %dma_start3A_25 = tpu.memref_slice %arg6[%arg0, %dma_start3A, %dma_start3A_24] : memref<2x10240x128xf32, #tpu.memory_space<hbm>> -> memref<1x10240x128xf32, #tpu.memory_space<hbm>>
      %dma_start3A_26 = tpu.memref_squeeze %dma_start3A_25 : memref<1x10240x128xf32, #tpu.memory_space<hbm>> -> memref<10240x128xf32, #tpu.memory_space<hbm>>
      %dma_start3A_27 = arith.constant 0 : i32
      %dma_start3A_28 = tpu.memref_slice %dma_start3A_26[%mul3A_23, %dma_start3A_27] : memref<10240x128xf32, #tpu.memory_space<hbm>> -> memref<640x128xf32, #tpu.memory_space<hbm>>
      %dma_start3A_29 = arith.constant 0 : i32
      %dma_start3A_30 = tpu.memref_slice %arg12[%mul3A_21, %dma_start3A_29] : memref<10240x128xf32, #tpu.memory_space<vmem_shared>> -> memref<640x128xf32, #tpu.memory_space<vmem_shared>>
      tpu.enqueue_dma source(%dma_start3A_30 : memref<640x128xf32, #tpu.memory_space<vmem_shared>>) target(%dma_start3A_28 : memref<640x128xf32, #tpu.memory_space<hbm>>) target_semaphore(%run_scoped3A : memref<!tpu.dma_semaphore, #tpu.memory_space<semaphore_mem>>)
      %dma_wait3A = arith.constant 0 : i32
      %dma_wait3A_31 = arith.constant 0 : i32
      %dma_wait3A_32 = tpu.memref_slice %arg6[%arg0, %dma_wait3A, %dma_wait3A_31] : memref<2x10240x128xf32, #tpu.memory_space<hbm>> -> memref<1x10240x128xf32, #tpu.memory_space<hbm>>
      %dma_wait3A_33 = tpu.memref_squeeze %dma_wait3A_32 : memref<1x10240x128xf32, #tpu.memory_space<hbm>> -> memref<10240x128xf32, #tpu.memory_space<hbm>>
      %dma_wait3A_34 = arith.constant 0 : i32
      %dma_wait3A_35 = tpu.memref_slice %dma_wait3A_33[%mul3A_23, %dma_wait3A_34] : memref<10240x128xf32, #tpu.memory_space<hbm>> -> memref<640x128xf32, #tpu.memory_space<hbm>>
      %dma_wait3A_36 = arith.constant 0 : i32
      %dma_wait3A_37 = tpu.memref_slice %arg12[%mul3A_21, %dma_wait3A_36] : memref<10240x128xf32, #tpu.memory_space<vmem_shared>> -> memref<640x128xf32, #tpu.memory_space<vmem_shared>>
      tpu.wait_dma2 semaphore(%run_scoped3A : memref<!tpu.dma_semaphore, #tpu.memory_space<semaphore_mem>>) src(%dma_wait3A_37 : memref<640x128xf32, #tpu.memory_space<vmem_shared>>) dst(%dma_wait3A_35 : memref<640x128xf32, #tpu.memory_space<hbm>>)
      tpu.yield
    }) : () -> ()
    return
  }
}

#map = affine_map<(d0, d1) -> (0)>
#map1 = affine_map<(d0, d1) -> (0, 0, 0)>
module attributes {stable_mosaic.version = 14 : i64} {
  func.func @k(%arg0: i32, %arg1: i32, %arg2: memref<320000xi32, #tpu.memory_space<hbm>>, %arg3: memref<2x10240x16xf32, #tpu.memory_space<hbm>>, %arg4: memref<80xi32, #tpu.memory_space<vmem>>, %arg5: memref<80x16xf32, #tpu.memory_space<vmem>>, %arg6: memref<80x16xf32, #tpu.memory_space<vmem>>, %arg7: memref<10240x16xf32, #tpu.memory_space<vmem_shared>>) attributes {dimension_semantics = [#tpu.dimension_semantics<core_parallel>, #tpu.dimension_semantics<subcore_parallel>], iteration_bounds = array<i64: 2, 16>, scalar_prefetch = 0 : i64, scratch_operands = 4 : i64, tpu.core_type = #tpu.core_type<sc_vector_subcore>, window_params = [{transform_indices = #map}, {transform_indices = #map1}]} {
    %mul3A = arith.constant 16 : i32
    %mul3A_0 = arith.muli %arg0, %mul3A : i32
    %add3A = arith.addi %mul3A_0, %arg1 : i32
    %broadcast_in_dim3A = arith.constant 0.000000e+00 : f32
    %broadcast_in_dim3A_1 = vector.broadcast %broadcast_in_dim3A : f32 to vector<16xf32>
    %broadcast_in_dim3A_2 = arith.constant 1.000000e+00 : f32
    %broadcast_in_dim3A_3 = vector.broadcast %broadcast_in_dim3A_2 : f32 to vector<16xf32>
    %scan3A = arith.constant 0 : i32
    %scan3A_4 = arith.constant 0 : i32
    %scan3A_5 = arith.constant 80 : i32
    %scan3A_6 = arith.addi %scan3A_4, %scan3A_5 : i32
    %scan3A_7 = arith.constant 1 : i32
    scf.for %scan3A_26 = %scan3A_4 to %scan3A_6 step %scan3A_7  : i32 {
      %swap3A = arith.index_cast %scan3A_26 : i32 to index
      %swap3A_27 = arith.constant 0 : index
      %swap3A_28 = tpu.vector_load %arg5[%swap3A, %swap3A_27] {strides = array<i32>} : memref<80x16xf32, #tpu.memory_space<vmem>>, vector<1x16xf32>,
      %swap3A_29 = vector.shape_cast %swap3A_28 : vector<1x16xf32> to vector<16xf32>
      %swap3A_30 = vector.shape_cast %broadcast_in_dim3A_3 : vector<16xf32> to vector<1x16xf32>
      tpu.vector_store %arg5[%swap3A, %swap3A_27], %swap3A_30 {strides = array<i32>} : memref<80x16xf32, #tpu.memory_space<vmem>>, vector<1x16xf32>,
      %swap3A_31 = arith.index_cast %scan3A_26 : i32 to index
      %swap3A_32 = arith.constant 0 : index
      %swap3A_33 = tpu.vector_load %arg6[%swap3A_31, %swap3A_32] {strides = array<i32>} : memref<80x16xf32, #tpu.memory_space<vmem>>, vector<1x16xf32>,
      %swap3A_34 = vector.shape_cast %swap3A_33 : vector<1x16xf32> to vector<16xf32>
      %swap3A_35 = vector.shape_cast %broadcast_in_dim3A_1 : vector<16xf32> to vector<1x16xf32>
      tpu.vector_store %arg6[%swap3A_31, %swap3A_32], %swap3A_35 {strides = array<i32>} : memref<80x16xf32, #tpu.memory_space<vmem>>, vector<1x16xf32>,
    }
    %scan3A_8 = arith.constant 80 : i32
    %scan3A_9 = arith.constant 0 : i32
    %scan3A_10 = arith.constant 0 : i32
    %scan3A_11 = arith.constant 8 : i32
    %scan3A_12 = arith.addi %scan3A_10, %scan3A_11 : i32
    %scan3A_13 = arith.constant 1 : i32
    scf.for %scan3A_26 = %scan3A_10 to %scan3A_12 step %scan3A_13  : i32 {
      %mul3A_27 = arith.constant 640 : i32
      %mul3A_28 = arith.muli %arg1, %mul3A_27 : i32
      %mul3A_29 = arith.constant 80 : i32
      %mul3A_30 = arith.muli %scan3A_26, %mul3A_29 : i32
      %add3A_31 = arith.addi %mul3A_28, %mul3A_30 : i32
      "tpu.region"() ({
        %run_scoped3A = tpu.sem_alloc : memref<!tpu.dma_semaphore, #tpu.memory_space<semaphore_mem>>
        %dma_start3A = arith.constant 0 : i32
        %dma_start3A_32 = tpu.memref_slice %arg7[%add3A_31, %dma_start3A] : memref<10240x16xf32, #tpu.memory_space<vmem_shared>> -> memref<80x16xf32, #tpu.memory_space<vmem_shared>>
        %dma_start3A_33 = arith.constant 0 : i32
        %dma_start3A_34 = tpu.memref_slice %arg7[%add3A_31, %dma_start3A_33] : memref<10240x16xf32, #tpu.memory_space<vmem_shared>> -> memref<80x16xf32, #tpu.memory_space<vmem_shared>>
        tpu.enqueue_dma source(%arg6 : memref<80x16xf32, #tpu.memory_space<vmem>>) target(%dma_start3A_34 : memref<80x16xf32, #tpu.memory_space<vmem_shared>>) target_semaphore(%run_scoped3A : memref<!tpu.dma_semaphore, #tpu.memory_space<semaphore_mem>>)
        %dma_wait3A = arith.constant 0 : i32
        %dma_wait3A_35 = tpu.memref_slice %arg7[%add3A_31, %dma_wait3A] : memref<10240x16xf32, #tpu.memory_space<vmem_shared>> -> memref<80x16xf32, #tpu.memory_space<vmem_shared>>
        %dma_wait3A_36 = arith.constant 0 : i32
        %dma_wait3A_37 = tpu.memref_slice %arg7[%add3A_31, %dma_wait3A_36] : memref<10240x16xf32, #tpu.memory_space<vmem_shared>> -> memref<80x16xf32, #tpu.memory_space<vmem_shared>>
        tpu.wait_dma2 semaphore(%run_scoped3A : memref<!tpu.dma_semaphore, #tpu.memory_space<semaphore_mem>>) src(%arg6 : memref<80x16xf32, #tpu.memory_space<vmem>>) dst(%dma_wait3A_37 : memref<80x16xf32, #tpu.memory_space<vmem_shared>>)
        tpu.yield
      }) : () -> ()
    }
    %scan3A_14 = arith.constant 8 : i32
    %barrier3A = arith.constant 0 : index
    tpu.barrier barrier_id(%barrier3A)
    %scan3A_15 = arith.constant 0 : i32
    %scan3A_16 = arith.constant 0 : i32
    %scan3A_17 = arith.constant 125 : i32
    %scan3A_18 = arith.addi %scan3A_16, %scan3A_17 : i32
    %scan3A_19 = arith.constant 1 : i32
    scf.for %scan3A_26 = %scan3A_16 to %scan3A_18 step %scan3A_19  : i32 {
      %mul3A_27 = arith.constant 10000 : i32
      %mul3A_28 = arith.muli %add3A, %mul3A_27 : i32
      %mul3A_29 = arith.constant 80 : i32
      %mul3A_30 = arith.muli %scan3A_26, %mul3A_29 : i32
      %add3A_31 = arith.addi %mul3A_28, %mul3A_30 : i32
      "tpu.region"() ({
        %run_scoped3A = tpu.sem_alloc : memref<!tpu.dma_semaphore, #tpu.memory_space<semaphore_mem>>
        %dma_start3A = tpu.memref_slice %arg2[%add3A_31] : memref<320000xi32, #tpu.memory_space<hbm>> -> memref<80xi32, #tpu.memory_space<hbm>>
        %dma_start3A_32 = tpu.memref_slice %arg2[%add3A_31] : memref<320000xi32, #tpu.memory_space<hbm>> -> memref<80xi32, #tpu.memory_space<hbm>>
        tpu.enqueue_dma source(%dma_start3A_32 : memref<80xi32, #tpu.memory_space<hbm>>) target(%arg4 : memref<80xi32, #tpu.memory_space<vmem>>) target_semaphore(%run_scoped3A : memref<!tpu.dma_semaphore, #tpu.memory_space<semaphore_mem>>)
        %dma_wait3A = tpu.memref_slice %arg2[%add3A_31] : memref<320000xi32, #tpu.memory_space<hbm>> -> memref<80xi32, #tpu.memory_space<hbm>>
        %dma_wait3A_33 = tpu.memref_slice %arg2[%add3A_31] : memref<320000xi32, #tpu.memory_space<hbm>> -> memref<80xi32, #tpu.memory_space<hbm>>
        tpu.wait_dma2 semaphore(%run_scoped3A : memref<!tpu.dma_semaphore, #tpu.memory_space<semaphore_mem>>) src(%dma_wait3A_33 : memref<80xi32, #tpu.memory_space<hbm>>) dst(%arg4 : memref<80xi32, #tpu.memory_space<vmem>>)
        tpu.yield
      }) : () -> ()
      "tpu.region"() ({
        %run_scoped3A = tpu.sem_alloc : memref<!tpu.dma_semaphore, #tpu.memory_space<semaphore_mem>>
        %dma_start3A = arith.constant 0 : i32
        %dma_start3A_32 = arith.constant 0 : i32
        %dma_start3A_33 = tpu.memref_slice %arg7[%dma_start3A, %dma_start3A_32] : memref<10240x16xf32, #tpu.memory_space<vmem_shared>> -> memref<10240x16xf32, #tpu.memory_space<vmem_shared>>
        tpu.enqueue_indirect_dma source(%arg5 : memref<80x16xf32, #tpu.memory_space<vmem>>) target(%dma_start3A_33 : memref<10240x16xf32, #tpu.memory_space<vmem_shared>>) offsets(%arg4 : memref<80xi32, #tpu.memory_space<vmem>>) semaphore(%run_scoped3A : memref<!tpu.dma_semaphore, #tpu.memory_space<semaphore_mem>>) {add = true}
        %dma_wait3A = arith.constant 0 : i32
        %dma_wait3A_34 = arith.constant 0 : i32
        %dma_wait3A_35 = tpu.memref_slice %arg7[%dma_wait3A, %dma_wait3A_34] : memref<10240x16xf32, #tpu.memory_space<vmem_shared>> -> memref<10240x16xf32, #tpu.memory_space<vmem_shared>>
        tpu.wait_indirect_dma semaphore(%run_scoped3A : memref<!tpu.dma_semaphore, #tpu.memory_space<semaphore_mem>>) src(%arg5 : memref<80x16xf32, #tpu.memory_space<vmem>>) dst(%dma_wait3A_35 : memref<10240x16xf32, #tpu.memory_space<vmem_shared>>)
        tpu.yield
      }) : () -> ()
    }
    %scan3A_20 = arith.constant 125 : i32
    %barrier3A_21 = arith.constant 0 : index
    tpu.barrier barrier_id(%barrier3A_21)
    %mul3A_22 = arith.constant 640 : i32
    %mul3A_23 = arith.muli %arg1, %mul3A_22 : i32
    %mul3A_24 = arith.constant 640 : i32
    %mul3A_25 = arith.muli %arg1, %mul3A_24 : i32
    "tpu.region"() ({
      %run_scoped3A = tpu.sem_alloc : memref<!tpu.dma_semaphore, #tpu.memory_space<semaphore_mem>>
      %dma_start3A = arith.constant 0 : i32
      %dma_start3A_26 = arith.constant 0 : i32
      %dma_start3A_27 = tpu.memref_slice %arg3[%arg0, %dma_start3A, %dma_start3A_26] : memref<2x10240x16xf32, #tpu.memory_space<hbm>> -> memref<1x10240x16xf32, #tpu.memory_space<hbm>>
      %dma_start3A_28 = tpu.memref_squeeze %dma_start3A_27 : memref<1x10240x16xf32, #tpu.memory_space<hbm>> -> memref<10240x16xf32, #tpu.memory_space<hbm>>
      %dma_start3A_29 = arith.constant 0 : i32
      %dma_start3A_30 = tpu.memref_slice %dma_start3A_28[%mul3A_25, %dma_start3A_29] : memref<10240x16xf32, #tpu.memory_space<hbm>> -> memref<640x16xf32, #tpu.memory_space<hbm>>
      %dma_start3A_31 = arith.constant 0 : i32
      %dma_start3A_32 = tpu.memref_slice %arg7[%mul3A_23, %dma_start3A_31] : memref<10240x16xf32, #tpu.memory_space<vmem_shared>> -> memref<640x16xf32, #tpu.memory_space<vmem_shared>>
      tpu.enqueue_dma source(%dma_start3A_32 : memref<640x16xf32, #tpu.memory_space<vmem_shared>>) target(%dma_start3A_30 : memref<640x16xf32, #tpu.memory_space<hbm>>) target_semaphore(%run_scoped3A : memref<!tpu.dma_semaphore, #tpu.memory_space<semaphore_mem>>)
      %dma_wait3A = arith.constant 0 : i32
      %dma_wait3A_33 = arith.constant 0 : i32
      %dma_wait3A_34 = tpu.memref_slice %arg3[%arg0, %dma_wait3A, %dma_wait3A_33] : memref<2x10240x16xf32, #tpu.memory_space<hbm>> -> memref<1x10240x16xf32, #tpu.memory_space<hbm>>
      %dma_wait3A_35 = tpu.memref_squeeze %dma_wait3A_34 : memref<1x10240x16xf32, #tpu.memory_space<hbm>> -> memref<10240x16xf32, #tpu.memory_space<hbm>>
      %dma_wait3A_36 = arith.constant 0 : i32
      %dma_wait3A_37 = tpu.memref_slice %dma_wait3A_35[%mul3A_25, %dma_wait3A_36] : memref<10240x16xf32, #tpu.memory_space<hbm>> -> memref<640x16xf32, #tpu.memory_space<hbm>>
      %dma_wait3A_38 = arith.constant 0 : i32
      %dma_wait3A_39 = tpu.memref_slice %arg7[%mul3A_23, %dma_wait3A_38] : memref<10240x16xf32, #tpu.memory_space<vmem_shared>> -> memref<640x16xf32, #tpu.memory_space<vmem_shared>>
      tpu.wait_dma2 semaphore(%run_scoped3A : memref<!tpu.dma_semaphore, #tpu.memory_space<semaphore_mem>>) src(%dma_wait3A_39 : memref<640x16xf32, #tpu.memory_space<vmem_shared>>) dst(%dma_wait3A_37 : memref<640x16xf32, #tpu.memory_space<hbm>>)
      tpu.yield
    }) : () -> ()
    return
  }
}

#map = affine_map<(d0, d1) -> (0, 0)>
#map1 = affine_map<(d0, d1) -> (0)>
#map2 = affine_map<(d0, d1) -> (0, 0, 0)>
module attributes {stable_mosaic.version = 14 : i64} {
  func.func @k(%arg0: i32, %arg1: i32, %arg2: memref<10240x128xf32, #tpu.memory_space<hbm>>, %arg3: memref<320000xi32, #tpu.memory_space<hbm>>, %arg4: memref<320000xi32, #tpu.memory_space<hbm>>, %arg5: memref<2x10240x128xf32, #tpu.memory_space<hbm>>, %arg6: memref<80xi32, #tpu.memory_space<vmem>>, %arg7: memref<80xi32, #tpu.memory_space<vmem>>, %arg8: memref<80x128xf32, #tpu.memory_space<vmem>>, %arg9: memref<80x128xf32, #tpu.memory_space<vmem>>, %arg10: memref<10240x128xf32, #tpu.memory_space<vmem_shared>>, %arg11: memref<!tpu.dma_semaphore, #tpu.memory_space<semaphore_mem>>) attributes {dimension_semantics = [#tpu.dimension_semantics<core_parallel>, #tpu.dimension_semantics<subcore_parallel>], iteration_bounds = array<i64: 2, 16>, scalar_prefetch = 0 : i64, scratch_operands = 6 : i64, tpu.core_type = #tpu.core_type<sc_vector_subcore>, window_params = [{transform_indices = #map}, {transform_indices = #map1}, {transform_indices = #map1}, {transform_indices = #map2}]} {
    %mul3A = arith.constant 16 : i32
    %mul3A_0 = arith.muli %arg0, %mul3A : i32
    %add3A = arith.addi %mul3A_0, %arg1 : i32
    %broadcast_in_dim3A = arith.constant 0.000000e+00 : f32
    %broadcast_in_dim3A_1 = vector.broadcast %broadcast_in_dim3A : f32 to vector<16xf32>
    %scan3A = arith.constant 0 : i32
    %scan3A_2 = arith.constant 0 : i32
    %scan3A_3 = arith.constant 80 : i32
    %scan3A_4 = arith.addi %scan3A_2, %scan3A_3 : i32
    %scan3A_5 = arith.constant 1 : i32
    scf.for %scan3A_24 = %scan3A_2 to %scan3A_4 step %scan3A_5  : i32 {
      %swap3A = arith.index_cast %scan3A_24 : i32 to index
      %swap3A_25 = arith.constant 0 : index
      %swap3A_26 = tpu.vector_load %arg9[%swap3A, %swap3A_25] {strides = array<i32>} : memref<80x128xf32, #tpu.memory_space<vmem>>, vector<1x16xf32>,
      %swap3A_27 = vector.shape_cast %swap3A_26 : vector<1x16xf32> to vector<16xf32>
      %swap3A_28 = vector.shape_cast %broadcast_in_dim3A_1 : vector<16xf32> to vector<1x16xf32>
      tpu.vector_store %arg9[%swap3A, %swap3A_25], %swap3A_28 {strides = array<i32>} : memref<80x128xf32, #tpu.memory_space<vmem>>, vector<1x16xf32>,
      %swap3A_29 = arith.index_cast %scan3A_24 : i32 to index
      %swap3A_30 = arith.constant 16 : index
      %swap3A_31 = tpu.vector_load %arg9[%swap3A_29, %swap3A_30] {strides = array<i32>} : memref<80x128xf32, #tpu.memory_space<vmem>>, vector<1x16xf32>,
      %swap3A_32 = vector.shape_cast %swap3A_31 : vector<1x16xf32> to vector<16xf32>
      %swap3A_33 = vector.shape_cast %broadcast_in_dim3A_1 : vector<16xf32> to vector<1x16xf32>
      tpu.vector_store %arg9[%swap3A_29, %swap3A_30], %swap3A_33 {strides = array<i32>} : memref<80x128xf32, #tpu.memory_space<vmem>>, vector<1x16xf32>,
      %swap3A_34 = arith.index_cast %scan3A_24 : i32 to index
      %swap3A_35 = arith.constant 32 : index
      %swap3A_36 = tpu.vector_load %arg9[%swap3A_34, %swap3A_35] {strides = array<i32>} : memref<80x128xf32, #tpu.memory_space<vmem>>, vector<1x16xf32>,
      %swap3A_37 = vector.shape_cast %swap3A_36 : vector<1x16xf32> to vector<16xf32>
      %swap3A_38 = vector.shape_cast %broadcast_in_dim3A_1 : vector<16xf32> to vector<1x16xf32>
      tpu.vector_store %arg9[%swap3A_34, %swap3A_35], %swap3A_38 {strides = array<i32>} : memref<80x128xf32, #tpu.memory_space<vmem>>, vector<1x16xf32>,
      %swap3A_39 = arith.index_cast %scan3A_24 : i32 to index
      %swap3A_40 = arith.constant 48 : index
      %swap3A_41 = tpu.vector_load %arg9[%swap3A_39, %swap3A_40] {strides = array<i32>} : memref<80x128xf32, #tpu.memory_space<vmem>>, vector<1x16xf32>,
      %swap3A_42 = vector.shape_cast %swap3A_41 : vector<1x16xf32> to vector<16xf32>
      %swap3A_43 = vector.shape_cast %broadcast_in_dim3A_1 : vector<16xf32> to vector<1x16xf32>
      tpu.vector_store %arg9[%swap3A_39, %swap3A_40], %swap3A_43 {strides = array<i32>} : memref<80x128xf32, #tpu.memory_space<vmem>>, vector<1x16xf32>,
      %swap3A_44 = arith.index_cast %scan3A_24 : i32 to index
      %swap3A_45 = arith.constant 64 : index
      %swap3A_46 = tpu.vector_load %arg9[%swap3A_44, %swap3A_45] {strides = array<i32>} : memref<80x128xf32, #tpu.memory_space<vmem>>, vector<1x16xf32>,
      %swap3A_47 = vector.shape_cast %swap3A_46 : vector<1x16xf32> to vector<16xf32>
      %swap3A_48 = vector.shape_cast %broadcast_in_dim3A_1 : vector<16xf32> to vector<1x16xf32>
      tpu.vector_store %arg9[%swap3A_44, %swap3A_45], %swap3A_48 {strides = array<i32>} : memref<80x128xf32, #tpu.memory_space<vmem>>, vector<1x16xf32>,
      %swap3A_49 = arith.index_cast %scan3A_24 : i32 to index
      %swap3A_50 = arith.constant 80 : index
      %swap3A_51 = tpu.vector_load %arg9[%swap3A_49, %swap3A_50] {strides = array<i32>} : memref<80x128xf32, #tpu.memory_space<vmem>>, vector<1x16xf32>,
      %swap3A_52 = vector.shape_cast %swap3A_51 : vector<1x16xf32> to vector<16xf32>
      %swap3A_53 = vector.shape_cast %broadcast_in_dim3A_1 : vector<16xf32> to vector<1x16xf32>
      tpu.vector_store %arg9[%swap3A_49, %swap3A_50], %swap3A_53 {strides = array<i32>} : memref<80x128xf32, #tpu.memory_space<vmem>>, vector<1x16xf32>,
      %swap3A_54 = arith.index_cast %scan3A_24 : i32 to index
      %swap3A_55 = arith.constant 96 : index
      %swap3A_56 = tpu.vector_load %arg9[%swap3A_54, %swap3A_55] {strides = array<i32>} : memref<80x128xf32, #tpu.memory_space<vmem>>, vector<1x16xf32>,
      %swap3A_57 = vector.shape_cast %swap3A_56 : vector<1x16xf32> to vector<16xf32>
      %swap3A_58 = vector.shape_cast %broadcast_in_dim3A_1 : vector<16xf32> to vector<1x16xf32>
      tpu.vector_store %arg9[%swap3A_54, %swap3A_55], %swap3A_58 {strides = array<i32>} : memref<80x128xf32, #tpu.memory_space<vmem>>, vector<1x16xf32>,
      %swap3A_59 = arith.index_cast %scan3A_24 : i32 to index
      %swap3A_60 = arith.constant 112 : index
      %swap3A_61 = tpu.vector_load %arg9[%swap3A_59, %swap3A_60] {strides = array<i32>} : memref<80x128xf32, #tpu.memory_space<vmem>>, vector<1x16xf32>,
      %swap3A_62 = vector.shape_cast %swap3A_61 : vector<1x16xf32> to vector<16xf32>
      %swap3A_63 = vector.shape_cast %broadcast_in_dim3A_1 : vector<16xf32> to vector<1x16xf32>
      tpu.vector_store %arg9[%swap3A_59, %swap3A_60], %swap3A_63 {strides = array<i32>} : memref<80x128xf32, #tpu.memory_space<vmem>>, vector<1x16xf32>,
    }
    %scan3A_6 = arith.constant 80 : i32
    %scan3A_7 = arith.constant 0 : i32
    %scan3A_8 = arith.constant 0 : i32
    %scan3A_9 = arith.constant 8 : i32
    %scan3A_10 = arith.addi %scan3A_8, %scan3A_9 : i32
    %scan3A_11 = arith.constant 1 : i32
    scf.for %scan3A_24 = %scan3A_8 to %scan3A_10 step %scan3A_11  : i32 {
      %mul3A_25 = arith.constant 640 : i32
      %mul3A_26 = arith.muli %arg1, %mul3A_25 : i32
      %mul3A_27 = arith.constant 80 : i32
      %mul3A_28 = arith.muli %scan3A_24, %mul3A_27 : i32
      %add3A_29 = arith.addi %mul3A_26, %mul3A_28 : i32
      "tpu.region"() ({
        %run_scoped3A = tpu.sem_alloc : memref<!tpu.dma_semaphore, #tpu.memory_space<semaphore_mem>>
        %dma_start3A = arith.constant 0 : i32
        %dma_start3A_30 = tpu.memref_slice %arg10[%add3A_29, %dma_start3A] : memref<10240x128xf32, #tpu.memory_space<vmem_shared>> -> memref<80x128xf32, #tpu.memory_space<vmem_shared>>
        %dma_start3A_31 = arith.constant 0 : i32
        %dma_start3A_32 = tpu.memref_slice %arg10[%add3A_29, %dma_start3A_31] : memref<10240x128xf32, #tpu.memory_space<vmem_shared>> -> memref<80x128xf32, #tpu.memory_space<vmem_shared>>
        tpu.enqueue_dma source(%arg9 : memref<80x128xf32, #tpu.memory_space<vmem>>) target(%dma_start3A_32 : memref<80x128xf32, #tpu.memory_space<vmem_shared>>) target_semaphore(%run_scoped3A : memref<!tpu.dma_semaphore, #tpu.memory_space<semaphore_mem>>)
        %dma_wait3A = arith.constant 0 : i32
        %dma_wait3A_33 = tpu.memref_slice %arg10[%add3A_29, %dma_wait3A] : memref<10240x128xf32, #tpu.memory_space<vmem_shared>> -> memref<80x128xf32, #tpu.memory_space<vmem_shared>>
        %dma_wait3A_34 = arith.constant 0 : i32
        %dma_wait3A_35 = tpu.memref_slice %arg10[%add3A_29, %dma_wait3A_34] : memref<10240x128xf32, #tpu.memory_space<vmem_shared>> -> memref<80x128xf32, #tpu.memory_space<vmem_shared>>
        tpu.wait_dma2 semaphore(%run_scoped3A : memref<!tpu.dma_semaphore, #tpu.memory_space<semaphore_mem>>) src(%arg9 : memref<80x128xf32, #tpu.memory_space<vmem>>) dst(%dma_wait3A_35 : memref<80x128xf32, #tpu.memory_space<vmem_shared>>)
        tpu.yield
      }) : () -> ()
    }
    %scan3A_12 = arith.constant 8 : i32
    %barrier3A = arith.constant 0 : index
    tpu.barrier barrier_id(%barrier3A)
    %scan3A_13 = arith.constant 0 : i32
    %scan3A_14 = arith.constant 0 : i32
    %scan3A_15 = arith.constant 125 : i32
    %scan3A_16 = arith.addi %scan3A_14, %scan3A_15 : i32
    %scan3A_17 = arith.constant 1 : i32
    scf.for %scan3A_24 = %scan3A_14 to %scan3A_16 step %scan3A_17  : i32 {
      %mul3A_25 = arith.constant 10000 : i32
      %mul3A_26 = arith.muli %add3A, %mul3A_25 : i32
      %mul3A_27 = arith.constant 80 : i32
      %mul3A_28 = arith.muli %scan3A_24, %mul3A_27 : i32
      %add3A_29 = arith.addi %mul3A_26, %mul3A_28 : i32
      "tpu.region"() ({
        %run_scoped3A = tpu.sem_alloc : memref<!tpu.dma_semaphore, #tpu.memory_space<semaphore_mem>>
        %dma_start3A_34 = tpu.memref_slice %arg3[%add3A_29] : memref<320000xi32, #tpu.memory_space<hbm>> -> memref<80xi32, #tpu.memory_space<hbm>>
        %dma_start3A_35 = tpu.memref_slice %arg3[%add3A_29] : memref<320000xi32, #tpu.memory_space<hbm>> -> memref<80xi32, #tpu.memory_space<hbm>>
        tpu.enqueue_dma source(%dma_start3A_35 : memref<80xi32, #tpu.memory_space<hbm>>) target(%arg6 : memref<80xi32, #tpu.memory_space<vmem>>) target_semaphore(%run_scoped3A : memref<!tpu.dma_semaphore, #tpu.memory_space<semaphore_mem>>)
        %dma_wait3A_36 = tpu.memref_slice %arg3[%add3A_29] : memref<320000xi32, #tpu.memory_space<hbm>> -> memref<80xi32, #tpu.memory_space<hbm>>
        %dma_wait3A_37 = tpu.memref_slice %arg3[%add3A_29] : memref<320000xi32, #tpu.memory_space<hbm>> -> memref<80xi32, #tpu.memory_space<hbm>>
        tpu.wait_dma2 semaphore(%run_scoped3A : memref<!tpu.dma_semaphore, #tpu.memory_space<semaphore_mem>>) src(%dma_wait3A_37 : memref<80xi32, #tpu.memory_space<hbm>>) dst(%arg6 : memref<80xi32, #tpu.memory_space<vmem>>)
        tpu.yield
      }) : () -> ()
      "tpu.region"() ({
        %run_scoped3A = tpu.sem_alloc : memref<!tpu.dma_semaphore, #tpu.memory_space<semaphore_mem>>
        %dma_start3A_34 = tpu.memref_slice %arg4[%add3A_29] : memref<320000xi32, #tpu.memory_space<hbm>> -> memref<80xi32, #tpu.memory_space<hbm>>
        %dma_start3A_35 = tpu.memref_slice %arg4[%add3A_29] : memref<320000xi32, #tpu.memory_space<hbm>> -> memref<80xi32, #tpu.memory_space<hbm>>
        tpu.enqueue_dma source(%dma_start3A_35 : memref<80xi32, #tpu.memory_space<hbm>>) target(%arg7 : memref<80xi32, #tpu.memory_space<vmem>>) target_semaphore(%run_scoped3A : memref<!tpu.dma_semaphore, #tpu.memory_space<semaphore_mem>>)
        %dma_wait3A_36 = tpu.memref_slice %arg4[%add3A_29] : memref<320000xi32, #tpu.memory_space<hbm>> -> memref<80xi32, #tpu.memory_space<hbm>>
        %dma_wait3A_37 = tpu.memref_slice %arg4[%add3A_29] : memref<320000xi32, #tpu.memory_space<hbm>> -> memref<80xi32, #tpu.memory_space<hbm>>
        tpu.wait_dma2 semaphore(%run_scoped3A : memref<!tpu.dma_semaphore, #tpu.memory_space<semaphore_mem>>) src(%dma_wait3A_37 : memref<80xi32, #tpu.memory_space<hbm>>) dst(%arg7 : memref<80xi32, #tpu.memory_space<vmem>>)
        tpu.yield
      }) : () -> ()
      %dma_start3A = arith.constant 0 : i32
      %dma_start3A_30 = arith.constant 0 : i32
      %dma_start3A_31 = tpu.memref_slice %arg2[%dma_start3A, %dma_start3A_30] : memref<10240x128xf32, #tpu.memory_space<hbm>> -> memref<10240x128xf32, #tpu.memory_space<hbm>>
      tpu.enqueue_indirect_dma source(%dma_start3A_31 : memref<10240x128xf32, #tpu.memory_space<hbm>>) target(%arg8 : memref<80x128xf32, #tpu.memory_space<vmem>>) offsets(%arg7 : memref<80xi32, #tpu.memory_space<vmem>>) semaphore(%arg11 : memref<!tpu.dma_semaphore, #tpu.memory_space<semaphore_mem>>)
      %dma_wait3A = arith.constant 0 : i32
      %dma_wait3A_32 = arith.constant 0 : i32
      %dma_wait3A_33 = tpu.memref_slice %arg2[%dma_wait3A, %dma_wait3A_32] : memref<10240x128xf32, #tpu.memory_space<hbm>> -> memref<10240x128xf32, #tpu.memory_space<hbm>>
      tpu.wait_indirect_dma semaphore(%arg11 : memref<!tpu.dma_semaphore, #tpu.memory_space<semaphore_mem>>) src(%dma_wait3A_33 : memref<10240x128xf32, #tpu.memory_space<hbm>>) dst(%arg8 : memref<80x128xf32, #tpu.memory_space<vmem>>)
      "tpu.region"() ({
        %run_scoped3A = tpu.sem_alloc : memref<!tpu.dma_semaphore, #tpu.memory_space<semaphore_mem>>
        %dma_start3A_34 = arith.constant 0 : i32
        %dma_start3A_35 = arith.constant 0 : i32
        %dma_start3A_36 = tpu.memref_slice %arg10[%dma_start3A_34, %dma_start3A_35] : memref<10240x128xf32, #tpu.memory_space<vmem_shared>> -> memref<10240x128xf32, #tpu.memory_space<vmem_shared>>
        tpu.enqueue_indirect_dma source(%arg8 : memref<80x128xf32, #tpu.memory_space<vmem>>) target(%dma_start3A_36 : memref<10240x128xf32, #tpu.memory_space<vmem_shared>>) offsets(%arg6 : memref<80xi32, #tpu.memory_space<vmem>>) semaphore(%run_scoped3A : memref<!tpu.dma_semaphore, #tpu.memory_space<semaphore_mem>>) {add = true}
        %dma_wait3A_37 = arith.constant 0 : i32
        %dma_wait3A_38 = arith.constant 0 : i32
        %dma_wait3A_39 = tpu.memref_slice %arg10[%dma_wait3A_37, %dma_wait3A_38] : memref<10240x128xf32, #tpu.memory_space<vmem_shared>> -> memref<10240x128xf32, #tpu.memory_space<vmem_shared>>
        tpu.wait_indirect_dma semaphore(%run_scoped3A : memref<!tpu.dma_semaphore, #tpu.memory_space<semaphore_mem>>) src(%arg8 : memref<80x128xf32, #tpu.memory_space<vmem>>) dst(%dma_wait3A_39 : memref<10240x128xf32, #tpu.memory_space<vmem_shared>>)
        tpu.yield
      }) : () -> ()
    }
    %scan3A_18 = arith.constant 125 : i32
    %barrier3A_19 = arith.constant 0 : index
    tpu.barrier barrier_id(%barrier3A_19)
    %mul3A_20 = arith.constant 640 : i32
    %mul3A_21 = arith.muli %arg1, %mul3A_20 : i32
    %mul3A_22 = arith.constant 640 : i32
    %mul3A_23 = arith.muli %arg1, %mul3A_22 : i32
    "tpu.region"() ({
      %run_scoped3A = tpu.sem_alloc : memref<!tpu.dma_semaphore, #tpu.memory_space<semaphore_mem>>
      %dma_start3A = arith.constant 0 : i32
      %dma_start3A_24 = arith.constant 0 : i32
      %dma_start3A_25 = tpu.memref_slice %arg5[%arg0, %dma_start3A, %dma_start3A_24] : memref<2x10240x128xf32, #tpu.memory_space<hbm>> -> memref<1x10240x128xf32, #tpu.memory_space<hbm>>
      %dma_start3A_26 = tpu.memref_squeeze %dma_start3A_25 : memref<1x10240x128xf32, #tpu.memory_space<hbm>> -> memref<10240x128xf32, #tpu.memory_space<hbm>>
      %dma_start3A_27 = arith.constant 0 : i32
      %dma_start3A_28 = tpu.memref_slice %dma_start3A_26[%mul3A_23, %dma_start3A_27] : memref<10240x128xf32, #tpu.memory_space<hbm>> -> memref<640x128xf32, #tpu.memory_space<hbm>>
      %dma_start3A_29 = arith.constant 0 : i32
      %dma_start3A_30 = tpu.memref_slice %arg10[%mul3A_21, %dma_start3A_29] : memref<10240x128xf32, #tpu.memory_space<vmem_shared>> -> memref<640x128xf32, #tpu.memory_space<vmem_shared>>
      tpu.enqueue_dma source(%dma_start3A_30 : memref<640x128xf32, #tpu.memory_space<vmem_shared>>) target(%dma_start3A_28 : memref<640x128xf32, #tpu.memory_space<hbm>>) target_semaphore(%run_scoped3A : memref<!tpu.dma_semaphore, #tpu.memory_space<semaphore_mem>>)
      %dma_wait3A = arith.constant 0 : i32
      %dma_wait3A_31 = arith.constant 0 : i32
      %dma_wait3A_32 = tpu.memref_slice %arg5[%arg0, %dma_wait3A, %dma_wait3A_31] : memref<2x10240x128xf32, #tpu.memory_space<hbm>> -> memref<1x10240x128xf32, #tpu.memory_space<hbm>>
      %dma_wait3A_33 = tpu.memref_squeeze %dma_wait3A_32 : memref<1x10240x128xf32, #tpu.memory_space<hbm>> -> memref<10240x128xf32, #tpu.memory_space<hbm>>
      %dma_wait3A_34 = arith.constant 0 : i32
      %dma_wait3A_35 = tpu.memref_slice %dma_wait3A_33[%mul3A_23, %dma_wait3A_34] : memref<10240x128xf32, #tpu.memory_space<hbm>> -> memref<640x128xf32, #tpu.memory_space<hbm>>
      %dma_wait3A_36 = arith.constant 0 : i32
      %dma_wait3A_37 = tpu.memref_slice %arg10[%mul3A_21, %dma_wait3A_36] : memref<10240x128xf32, #tpu.memory_space<vmem_shared>> -> memref<640x128xf32, #tpu.memory_space<vmem_shared>>
      tpu.wait_dma2 semaphore(%run_scoped3A : memref<!tpu.dma_semaphore, #tpu.memory_space<semaphore_mem>>) src(%dma_wait3A_37 : memref<640x128xf32, #tpu.memory_space<vmem_shared>>) dst(%dma_wait3A_35 : memref<640x128xf32, #tpu.memory_space<hbm>>)
      tpu.yield
    }) : () -> ()
    return
  }
}

#map = affine_map<(d0, d1) -> (0, 0)>
#map1 = affine_map<(d0, d1) -> (0)>
#map2 = affine_map<(d0, d1) -> (0, 0, 0)>
module attributes {stable_mosaic.version = 14 : i64} {
  func.func @k(%arg0: i32, %arg1: i32, %arg2: memref<10240x128xf32, #tpu.memory_space<hbm>>, %arg3: memref<320000xi32, #tpu.memory_space<hbm>>, %arg4: memref<320000xi32, #tpu.memory_space<hbm>>, %arg5: memref<2x10240x128xf32, #tpu.memory_space<hbm>>, %arg6: memref<80xi32, #tpu.memory_space<vmem>>, %arg7: memref<80xi32, #tpu.memory_space<vmem>>, %arg8: memref<80x128xf32, #tpu.memory_space<vmem>>, %arg9: memref<80x128xf32, #tpu.memory_space<vmem>>, %arg10: memref<10240x128xf32, #tpu.memory_space<vmem_shared>>, %arg11: memref<!tpu.dma_semaphore, #tpu.memory_space<semaphore_mem>>) attributes {dimension_semantics = [#tpu.dimension_semantics<core_parallel>, #tpu.dimension_semantics<subcore_parallel>], iteration_bounds = array<i64: 2, 16>, scalar_prefetch = 0 : i64, scratch_operands = 6 : i64, tpu.core_type = #tpu.core_type<sc_vector_subcore>, window_params = [{transform_indices = #map}, {transform_indices = #map1}, {transform_indices = #map1}, {transform_indices = #map2}]} {
    %mul3A = arith.constant 16 : i32
    %mul3A_0 = arith.muli %arg0, %mul3A : i32
    %add3A = arith.addi %mul3A_0, %arg1 : i32
    %broadcast_in_dim3A = arith.constant 0.000000e+00 : f32
    %broadcast_in_dim3A_1 = vector.broadcast %broadcast_in_dim3A : f32 to vector<16xf32>
    %scan3A = arith.constant 0 : i32
    %scan3A_2 = arith.constant 0 : i32
    %scan3A_3 = arith.constant 80 : i32
    %scan3A_4 = arith.addi %scan3A_2, %scan3A_3 : i32
    %scan3A_5 = arith.constant 1 : i32
    scf.for %scan3A_24 = %scan3A_2 to %scan3A_4 step %scan3A_5  : i32 {
      %swap3A = arith.index_cast %scan3A_24 : i32 to index
      %swap3A_25 = arith.constant 0 : index
      %swap3A_26 = tpu.vector_load %arg9[%swap3A, %swap3A_25] {strides = array<i32>} : memref<80x128xf32, #tpu.memory_space<vmem>>, vector<1x16xf32>,
      %swap3A_27 = vector.shape_cast %swap3A_26 : vector<1x16xf32> to vector<16xf32>
      %swap3A_28 = vector.shape_cast %broadcast_in_dim3A_1 : vector<16xf32> to vector<1x16xf32>
      tpu.vector_store %arg9[%swap3A, %swap3A_25], %swap3A_28 {strides = array<i32>} : memref<80x128xf32, #tpu.memory_space<vmem>>, vector<1x16xf32>,
      %swap3A_29 = arith.index_cast %scan3A_24 : i32 to index
      %swap3A_30 = arith.constant 16 : index
      %swap3A_31 = tpu.vector_load %arg9[%swap3A_29, %swap3A_30] {strides = array<i32>} : memref<80x128xf32, #tpu.memory_space<vmem>>, vector<1x16xf32>,
      %swap3A_32 = vector.shape_cast %swap3A_31 : vector<1x16xf32> to vector<16xf32>
      %swap3A_33 = vector.shape_cast %broadcast_in_dim3A_1 : vector<16xf32> to vector<1x16xf32>
      tpu.vector_store %arg9[%swap3A_29, %swap3A_30], %swap3A_33 {strides = array<i32>} : memref<80x128xf32, #tpu.memory_space<vmem>>, vector<1x16xf32>,
      %swap3A_34 = arith.index_cast %scan3A_24 : i32 to index
      %swap3A_35 = arith.constant 32 : index
      %swap3A_36 = tpu.vector_load %arg9[%swap3A_34, %swap3A_35] {strides = array<i32>} : memref<80x128xf32, #tpu.memory_space<vmem>>, vector<1x16xf32>,
      %swap3A_37 = vector.shape_cast %swap3A_36 : vector<1x16xf32> to vector<16xf32>
      %swap3A_38 = vector.shape_cast %broadcast_in_dim3A_1 : vector<16xf32> to vector<1x16xf32>
      tpu.vector_store %arg9[%swap3A_34, %swap3A_35], %swap3A_38 {strides = array<i32>} : memref<80x128xf32, #tpu.memory_space<vmem>>, vector<1x16xf32>,
      %swap3A_39 = arith.index_cast %scan3A_24 : i32 to index
      %swap3A_40 = arith.constant 48 : index
      %swap3A_41 = tpu.vector_load %arg9[%swap3A_39, %swap3A_40] {strides = array<i32>} : memref<80x128xf32, #tpu.memory_space<vmem>>, vector<1x16xf32>,
      %swap3A_42 = vector.shape_cast %swap3A_41 : vector<1x16xf32> to vector<16xf32>
      %swap3A_43 = vector.shape_cast %broadcast_in_dim3A_1 : vector<16xf32> to vector<1x16xf32>
      tpu.vector_store %arg9[%swap3A_39, %swap3A_40], %swap3A_43 {strides = array<i32>} : memref<80x128xf32, #tpu.memory_space<vmem>>, vector<1x16xf32>,
      %swap3A_44 = arith.index_cast %scan3A_24 : i32 to index
      %swap3A_45 = arith.constant 64 : index
      %swap3A_46 = tpu.vector_load %arg9[%swap3A_44, %swap3A_45] {strides = array<i32>} : memref<80x128xf32, #tpu.memory_space<vmem>>, vector<1x16xf32>,
      %swap3A_47 = vector.shape_cast %swap3A_46 : vector<1x16xf32> to vector<16xf32>
      %swap3A_48 = vector.shape_cast %broadcast_in_dim3A_1 : vector<16xf32> to vector<1x16xf32>
      tpu.vector_store %arg9[%swap3A_44, %swap3A_45], %swap3A_48 {strides = array<i32>} : memref<80x128xf32, #tpu.memory_space<vmem>>, vector<1x16xf32>,
      %swap3A_49 = arith.index_cast %scan3A_24 : i32 to index
      %swap3A_50 = arith.constant 80 : index
      %swap3A_51 = tpu.vector_load %arg9[%swap3A_49, %swap3A_50] {strides = array<i32>} : memref<80x128xf32, #tpu.memory_space<vmem>>, vector<1x16xf32>,
      %swap3A_52 = vector.shape_cast %swap3A_51 : vector<1x16xf32> to vector<16xf32>
      %swap3A_53 = vector.shape_cast %broadcast_in_dim3A_1 : vector<16xf32> to vector<1x16xf32>
      tpu.vector_store %arg9[%swap3A_49, %swap3A_50], %swap3A_53 {strides = array<i32>} : memref<80x128xf32, #tpu.memory_space<vmem>>, vector<1x16xf32>,
      %swap3A_54 = arith.index_cast %scan3A_24 : i32 to index
      %swap3A_55 = arith.constant 96 : index
      %swap3A_56 = tpu.vector_load %arg9[%swap3A_54, %swap3A_55] {strides = array<i32>} : memref<80x128xf32, #tpu.memory_space<vmem>>, vector<1x16xf32>,
      %swap3A_57 = vector.shape_cast %swap3A_56 : vector<1x16xf32> to vector<16xf32>
      %swap3A_58 = vector.shape_cast %broadcast_in_dim3A_1 : vector<16xf32> to vector<1x16xf32>
      tpu.vector_store %arg9[%swap3A_54, %swap3A_55], %swap3A_58 {strides = array<i32>} : memref<80x128xf32, #tpu.memory_space<vmem>>, vector<1x16xf32>,
      %swap3A_59 = arith.index_cast %scan3A_24 : i32 to index
      %swap3A_60 = arith.constant 112 : index
      %swap3A_61 = tpu.vector_load %arg9[%swap3A_59, %swap3A_60] {strides = array<i32>} : memref<80x128xf32, #tpu.memory_space<vmem>>, vector<1x16xf32>,
      %swap3A_62 = vector.shape_cast %swap3A_61 : vector<1x16xf32> to vector<16xf32>
      %swap3A_63 = vector.shape_cast %broadcast_in_dim3A_1 : vector<16xf32> to vector<1x16xf32>
      tpu.vector_store %arg9[%swap3A_59, %swap3A_60], %swap3A_63 {strides = array<i32>} : memref<80x128xf32, #tpu.memory_space<vmem>>, vector<1x16xf32>,
    }
    %scan3A_6 = arith.constant 80 : i32
    %scan3A_7 = arith.constant 0 : i32
    %scan3A_8 = arith.constant 0 : i32
    %scan3A_9 = arith.constant 8 : i32
    %scan3A_10 = arith.addi %scan3A_8, %scan3A_9 : i32
    %scan3A_11 = arith.constant 1 : i32
    scf.for %scan3A_24 = %scan3A_8 to %scan3A_10 step %scan3A_11  : i32 {
      %mul3A_25 = arith.constant 640 : i32
      %mul3A_26 = arith.muli %arg1, %mul3A_25 : i32
      %mul3A_27 = arith.constant 80 : i32
      %mul3A_28 = arith.muli %scan3A_24, %mul3A_27 : i32
      %add3A_29 = arith.addi %mul3A_26, %mul3A_28 : i32
      "tpu.region"() ({
        %run_scoped3A = tpu.sem_alloc : memref<!tpu.dma_semaphore, #tpu.memory_space<semaphore_mem>>
        %dma_start3A = arith.constant 0 : i32
        %dma_start3A_30 = tpu.memref_slice %arg10[%add3A_29, %dma_start3A] : memref<10240x128xf32, #tpu.memory_space<vmem_shared>> -> memref<80x128xf32, #tpu.memory_space<vmem_shared>>
        %dma_start3A_31 = arith.constant 0 : i32
        %dma_start3A_32 = tpu.memref_slice %arg10[%add3A_29, %dma_start3A_31] : memref<10240x128xf32, #tpu.memory_space<vmem_shared>> -> memref<80x128xf32, #tpu.memory_space<vmem_shared>>
        tpu.enqueue_dma source(%arg9 : memref<80x128xf32, #tpu.memory_space<vmem>>) target(%dma_start3A_32 : memref<80x128xf32, #tpu.memory_space<vmem_shared>>) target_semaphore(%run_scoped3A : memref<!tpu.dma_semaphore, #tpu.memory_space<semaphore_mem>>)
        %dma_wait3A = arith.constant 0 : i32
        %dma_wait3A_33 = tpu.memref_slice %arg10[%add3A_29, %dma_wait3A] : memref<10240x128xf32, #tpu.memory_space<vmem_shared>> -> memref<80x128xf32, #tpu.memory_space<vmem_shared>>
        %dma_wait3A_34 = arith.constant 0 : i32
        %dma_wait3A_35 = tpu.memref_slice %arg10[%add3A_29, %dma_wait3A_34] : memref<10240x128xf32, #tpu.memory_space<vmem_shared>> -> memref<80x128xf32, #tpu.memory_space<vmem_shared>>
        tpu.wait_dma2 semaphore(%run_scoped3A : memref<!tpu.dma_semaphore, #tpu.memory_space<semaphore_mem>>) src(%arg9 : memref<80x128xf32, #tpu.memory_space<vmem>>) dst(%dma_wait3A_35 : memref<80x128xf32, #tpu.memory_space<vmem_shared>>)
        tpu.yield
      }) : () -> ()
    }
    %scan3A_12 = arith.constant 8 : i32
    %barrier3A = arith.constant 0 : index
    tpu.barrier barrier_id(%barrier3A)
    %scan3A_13 = arith.constant 0 : i32
    %scan3A_14 = arith.constant 0 : i32
    %scan3A_15 = arith.constant 125 : i32
    %scan3A_16 = arith.addi %scan3A_14, %scan3A_15 : i32
    %scan3A_17 = arith.constant 1 : i32
    scf.for %scan3A_24 = %scan3A_14 to %scan3A_16 step %scan3A_17  : i32 {
      %mul3A_25 = arith.constant 10000 : i32
      %mul3A_26 = arith.muli %add3A, %mul3A_25 : i32
      %mul3A_27 = arith.constant 80 : i32
      %mul3A_28 = arith.muli %scan3A_24, %mul3A_27 : i32
      %add3A_29 = arith.addi %mul3A_26, %mul3A_28 : i32
      "tpu.region"() ({
        %run_scoped3A = tpu.sem_alloc : memref<!tpu.dma_semaphore, #tpu.memory_space<semaphore_mem>>
        %dma_start3A_34 = tpu.memref_slice %arg3[%add3A_29] : memref<320000xi32, #tpu.memory_space<hbm>> -> memref<80xi32, #tpu.memory_space<hbm>>
        %dma_start3A_35 = tpu.memref_slice %arg3[%add3A_29] : memref<320000xi32, #tpu.memory_space<hbm>> -> memref<80xi32, #tpu.memory_space<hbm>>
        tpu.enqueue_dma source(%dma_start3A_35 : memref<80xi32, #tpu.memory_space<hbm>>) target(%arg6 : memref<80xi32, #tpu.memory_space<vmem>>) target_semaphore(%run_scoped3A : memref<!tpu.dma_semaphore, #tpu.memory_space<semaphore_mem>>)
        %dma_wait3A_36 = tpu.memref_slice %arg3[%add3A_29] : memref<320000xi32, #tpu.memory_space<hbm>> -> memref<80xi32, #tpu.memory_space<hbm>>
        %dma_wait3A_37 = tpu.memref_slice %arg3[%add3A_29] : memref<320000xi32, #tpu.memory_space<hbm>> -> memref<80xi32, #tpu.memory_space<hbm>>
        tpu.wait_dma2 semaphore(%run_scoped3A : memref<!tpu.dma_semaphore, #tpu.memory_space<semaphore_mem>>) src(%dma_wait3A_37 : memref<80xi32, #tpu.memory_space<hbm>>) dst(%arg6 : memref<80xi32, #tpu.memory_space<vmem>>)
        tpu.yield
      }) : () -> ()
      "tpu.region"() ({
        %run_scoped3A = tpu.sem_alloc : memref<!tpu.dma_semaphore, #tpu.memory_space<semaphore_mem>>
        %dma_start3A_34 = tpu.memref_slice %arg4[%add3A_29] : memref<320000xi32, #tpu.memory_space<hbm>> -> memref<80xi32, #tpu.memory_space<hbm>>
        %dma_start3A_35 = tpu.memref_slice %arg4[%add3A_29] : memref<320000xi32, #tpu.memory_space<hbm>> -> memref<80xi32, #tpu.memory_space<hbm>>
        tpu.enqueue_dma source(%dma_start3A_35 : memref<80xi32, #tpu.memory_space<hbm>>) target(%arg7 : memref<80xi32, #tpu.memory_space<vmem>>) target_semaphore(%run_scoped3A : memref<!tpu.dma_semaphore, #tpu.memory_space<semaphore_mem>>)
        %dma_wait3A_36 = tpu.memref_slice %arg4[%add3A_29] : memref<320000xi32, #tpu.memory_space<hbm>> -> memref<80xi32, #tpu.memory_space<hbm>>
        %dma_wait3A_37 = tpu.memref_slice %arg4[%add3A_29] : memref<320000xi32, #tpu.memory_space<hbm>> -> memref<80xi32, #tpu.memory_space<hbm>>
        tpu.wait_dma2 semaphore(%run_scoped3A : memref<!tpu.dma_semaphore, #tpu.memory_space<semaphore_mem>>) src(%dma_wait3A_37 : memref<80xi32, #tpu.memory_space<hbm>>) dst(%arg7 : memref<80xi32, #tpu.memory_space<vmem>>)
        tpu.yield
      }) : () -> ()
      %dma_start3A = arith.constant 0 : i32
      %dma_start3A_30 = arith.constant 0 : i32
      %dma_start3A_31 = tpu.memref_slice %arg2[%dma_start3A, %dma_start3A_30] : memref<10240x128xf32, #tpu.memory_space<hbm>> -> memref<10240x128xf32, #tpu.memory_space<hbm>>
      tpu.enqueue_indirect_dma source(%dma_start3A_31 : memref<10240x128xf32, #tpu.memory_space<hbm>>) target(%arg8 : memref<80x128xf32, #tpu.memory_space<vmem>>) offsets(%arg7 : memref<80xi32, #tpu.memory_space<vmem>>) semaphore(%arg11 : memref<!tpu.dma_semaphore, #tpu.memory_space<semaphore_mem>>)
      %dma_wait3A = arith.constant 0 : i32
      %dma_wait3A_32 = arith.constant 0 : i32
      %dma_wait3A_33 = tpu.memref_slice %arg2[%dma_wait3A, %dma_wait3A_32] : memref<10240x128xf32, #tpu.memory_space<hbm>> -> memref<10240x128xf32, #tpu.memory_space<hbm>>
      tpu.wait_indirect_dma semaphore(%arg11 : memref<!tpu.dma_semaphore, #tpu.memory_space<semaphore_mem>>) src(%dma_wait3A_33 : memref<10240x128xf32, #tpu.memory_space<hbm>>) dst(%arg8 : memref<80x128xf32, #tpu.memory_space<vmem>>)
      "tpu.region"() ({
        %run_scoped3A = tpu.sem_alloc : memref<!tpu.dma_semaphore, #tpu.memory_space<semaphore_mem>>
        %dma_start3A_34 = arith.constant 0 : i32
        %dma_start3A_35 = arith.constant 0 : i32
        %dma_start3A_36 = tpu.memref_slice %arg10[%dma_start3A_34, %dma_start3A_35] : memref<10240x128xf32, #tpu.memory_space<vmem_shared>> -> memref<10240x128xf32, #tpu.memory_space<vmem_shared>>
        tpu.enqueue_indirect_dma source(%arg8 : memref<80x128xf32, #tpu.memory_space<vmem>>) target(%dma_start3A_36 : memref<10240x128xf32, #tpu.memory_space<vmem_shared>>) offsets(%arg6 : memref<80xi32, #tpu.memory_space<vmem>>) semaphore(%run_scoped3A : memref<!tpu.dma_semaphore, #tpu.memory_space<semaphore_mem>>) {add = true}
        %dma_wait3A_37 = arith.constant 0 : i32
        %dma_wait3A_38 = arith.constant 0 : i32
        %dma_wait3A_39 = tpu.memref_slice %arg10[%dma_wait3A_37, %dma_wait3A_38] : memref<10240x128xf32, #tpu.memory_space<vmem_shared>> -> memref<10240x128xf32, #tpu.memory_space<vmem_shared>>
        tpu.wait_indirect_dma semaphore(%run_scoped3A : memref<!tpu.dma_semaphore, #tpu.memory_space<semaphore_mem>>) src(%arg8 : memref<80x128xf32, #tpu.memory_space<vmem>>) dst(%dma_wait3A_39 : memref<10240x128xf32, #tpu.memory_space<vmem_shared>>)
        tpu.yield
      }) : () -> ()
    }
    %scan3A_18 = arith.constant 125 : i32
    %barrier3A_19 = arith.constant 0 : index
    tpu.barrier barrier_id(%barrier3A_19)
    %mul3A_20 = arith.constant 640 : i32
    %mul3A_21 = arith.muli %arg1, %mul3A_20 : i32
    %mul3A_22 = arith.constant 640 : i32
    %mul3A_23 = arith.muli %arg1, %mul3A_22 : i32
    "tpu.region"() ({
      %run_scoped3A = tpu.sem_alloc : memref<!tpu.dma_semaphore, #tpu.memory_space<semaphore_mem>>
      %dma_start3A = arith.constant 0 : i32
      %dma_start3A_24 = arith.constant 0 : i32
      %dma_start3A_25 = tpu.memref_slice %arg5[%arg0, %dma_start3A, %dma_start3A_24] : memref<2x10240x128xf32, #tpu.memory_space<hbm>> -> memref<1x10240x128xf32, #tpu.memory_space<hbm>>
      %dma_start3A_26 = tpu.memref_squeeze %dma_start3A_25 : memref<1x10240x128xf32, #tpu.memory_space<hbm>> -> memref<10240x128xf32, #tpu.memory_space<hbm>>
      %dma_start3A_27 = arith.constant 0 : i32
      %dma_start3A_28 = tpu.memref_slice %dma_start3A_26[%mul3A_23, %dma_start3A_27] : memref<10240x128xf32, #tpu.memory_space<hbm>> -> memref<640x128xf32, #tpu.memory_space<hbm>>
      %dma_start3A_29 = arith.constant 0 : i32
      %dma_start3A_30 = tpu.memref_slice %arg10[%mul3A_21, %dma_start3A_29] : memref<10240x128xf32, #tpu.memory_space<vmem_shared>> -> memref<640x128xf32, #tpu.memory_space<vmem_shared>>
      tpu.enqueue_dma source(%dma_start3A_30 : memref<640x128xf32, #tpu.memory_space<vmem_shared>>) target(%dma_start3A_28 : memref<640x128xf32, #tpu.memory_space<hbm>>) target_semaphore(%run_scoped3A : memref<!tpu.dma_semaphore, #tpu.memory_space<semaphore_mem>>)
      %dma_wait3A = arith.constant 0 : i32
      %dma_wait3A_31 = arith.constant 0 : i32
      %dma_wait3A_32 = tpu.memref_slice %arg5[%arg0, %dma_wait3A, %dma_wait3A_31] : memref<2x10240x128xf32, #tpu.memory_space<hbm>> -> memref<1x10240x128xf32, #tpu.memory_space<hbm>>
      %dma_wait3A_33 = tpu.memref_squeeze %dma_wait3A_32 : memref<1x10240x128xf32, #tpu.memory_space<hbm>> -> memref<10240x128xf32, #tpu.memory_space<hbm>>
      %dma_wait3A_34 = arith.constant 0 : i32
      %dma_wait3A_35 = tpu.memref_slice %dma_wait3A_33[%mul3A_23, %dma_wait3A_34] : memref<10240x128xf32, #tpu.memory_space<hbm>> -> memref<640x128xf32, #tpu.memory_space<hbm>>
      %dma_wait3A_36 = arith.constant 0 : i32
      %dma_wait3A_37 = tpu.memref_slice %arg10[%mul3A_21, %dma_wait3A_36] : memref<10240x128xf32, #tpu.memory_space<vmem_shared>> -> memref<640x128xf32, #tpu.memory_space<vmem_shared>>
      tpu.wait_dma2 semaphore(%run_scoped3A : memref<!tpu.dma_semaphore, #tpu.memory_space<semaphore_mem>>) src(%dma_wait3A_37 : memref<640x128xf32, #tpu.memory_space<vmem_shared>>) dst(%dma_wait3A_35 : memref<640x128xf32, #tpu.memory_space<hbm>>)
      tpu.yield
    }) : () -> ()
    return
  }
}

#map = affine_map<(d0, d1) -> (0, 0)>
#map1 = affine_map<(d0, d1) -> (0)>
module attributes {stable_mosaic.version = 14 : i64} {
  func.func @k(%arg0: i32, %arg1: i32, %arg2: memref<10240x128xf32, #tpu.memory_space<hbm>>, %arg3: memref<320000xi32, #tpu.memory_space<hbm>>, %arg4: memref<320000xi32, #tpu.memory_space<hbm>>, %arg5: memref<320000x128xf32, #tpu.memory_space<hbm>>, %arg6: memref<320000x128xf32, #tpu.memory_space<hbm>>, %arg7: memref<80xi32, #tpu.memory_space<vmem>>, %arg8: memref<80xi32, #tpu.memory_space<vmem>>, %arg9: memref<80x128xf32, #tpu.memory_space<vmem>>, %arg10: memref<80x128xf32, #tpu.memory_space<vmem>>, %arg11: memref<!tpu.dma_semaphore, #tpu.memory_space<semaphore_mem>>, %arg12: memref<!tpu.dma_semaphore, #tpu.memory_space<semaphore_mem>>) attributes {dimension_semantics = [#tpu.dimension_semantics<core_parallel>, #tpu.dimension_semantics<subcore_parallel>], iteration_bounds = array<i64: 2, 16>, scalar_prefetch = 0 : i64, scratch_operands = 6 : i64, tpu.core_type = #tpu.core_type<sc_vector_subcore>, window_params = [{transform_indices = #map}, {transform_indices = #map1}, {transform_indices = #map1}, {transform_indices = #map}, {transform_indices = #map}]} {
    %mul3A = arith.constant 16 : i32
    %mul3A_0 = arith.muli %arg0, %mul3A : i32
    %add3A = arith.addi %mul3A_0, %arg1 : i32
    %scan3A = arith.constant 0 : i32
    %scan3A_1 = arith.constant 0 : i32
    %scan3A_2 = arith.constant 125 : i32
    %scan3A_3 = arith.addi %scan3A_1, %scan3A_2 : i32
    %scan3A_4 = arith.constant 1 : i32
    scf.for %scan3A_6 = %scan3A_1 to %scan3A_3 step %scan3A_4  : i32 {
      %mul3A_7 = arith.constant 10000 : i32
      %mul3A_8 = arith.muli %add3A, %mul3A_7 : i32
      %mul3A_9 = arith.constant 80 : i32
      %mul3A_10 = arith.muli %scan3A_6, %mul3A_9 : i32
      %add3A_11 = arith.addi %mul3A_8, %mul3A_10 : i32
      "tpu.region"() ({
        %run_scoped3A = tpu.sem_alloc : memref<!tpu.dma_semaphore, #tpu.memory_space<semaphore_mem>>
        %dma_start3A_22 = tpu.memref_slice %arg3[%add3A_11] : memref<320000xi32, #tpu.memory_space<hbm>> -> memref<80xi32, #tpu.memory_space<hbm>>
        %dma_start3A_23 = tpu.memref_slice %arg3[%add3A_11] : memref<320000xi32, #tpu.memory_space<hbm>> -> memref<80xi32, #tpu.memory_space<hbm>>
        tpu.enqueue_dma source(%dma_start3A_23 : memref<80xi32, #tpu.memory_space<hbm>>) target(%arg7 : memref<80xi32, #tpu.memory_space<vmem>>) target_semaphore(%run_scoped3A : memref<!tpu.dma_semaphore, #tpu.memory_space<semaphore_mem>>)
        %dma_wait3A_24 = tpu.memref_slice %arg3[%add3A_11] : memref<320000xi32, #tpu.memory_space<hbm>> -> memref<80xi32, #tpu.memory_space<hbm>>
        %dma_wait3A_25 = tpu.memref_slice %arg3[%add3A_11] : memref<320000xi32, #tpu.memory_space<hbm>> -> memref<80xi32, #tpu.memory_space<hbm>>
        tpu.wait_dma2 semaphore(%run_scoped3A : memref<!tpu.dma_semaphore, #tpu.memory_space<semaphore_mem>>) src(%dma_wait3A_25 : memref<80xi32, #tpu.memory_space<hbm>>) dst(%arg7 : memref<80xi32, #tpu.memory_space<vmem>>)
        tpu.yield
      }) : () -> ()
      "tpu.region"() ({
        %run_scoped3A = tpu.sem_alloc : memref<!tpu.dma_semaphore, #tpu.memory_space<semaphore_mem>>
        %dma_start3A_22 = tpu.memref_slice %arg4[%add3A_11] : memref<320000xi32, #tpu.memory_space<hbm>> -> memref<80xi32, #tpu.memory_space<hbm>>
        %dma_start3A_23 = tpu.memref_slice %arg4[%add3A_11] : memref<320000xi32, #tpu.memory_space<hbm>> -> memref<80xi32, #tpu.memory_space<hbm>>
        tpu.enqueue_dma source(%dma_start3A_23 : memref<80xi32, #tpu.memory_space<hbm>>) target(%arg8 : memref<80xi32, #tpu.memory_space<vmem>>) target_semaphore(%run_scoped3A : memref<!tpu.dma_semaphore, #tpu.memory_space<semaphore_mem>>)
        %dma_wait3A_24 = tpu.memref_slice %arg4[%add3A_11] : memref<320000xi32, #tpu.memory_space<hbm>> -> memref<80xi32, #tpu.memory_space<hbm>>
        %dma_wait3A_25 = tpu.memref_slice %arg4[%add3A_11] : memref<320000xi32, #tpu.memory_space<hbm>> -> memref<80xi32, #tpu.memory_space<hbm>>
        tpu.wait_dma2 semaphore(%run_scoped3A : memref<!tpu.dma_semaphore, #tpu.memory_space<semaphore_mem>>) src(%dma_wait3A_25 : memref<80xi32, #tpu.memory_space<hbm>>) dst(%arg8 : memref<80xi32, #tpu.memory_space<vmem>>)
        tpu.yield
      }) : () -> ()
      %dma_start3A = arith.constant 0 : i32
      %dma_start3A_12 = arith.constant 0 : i32
      %dma_start3A_13 = tpu.memref_slice %arg2[%dma_start3A, %dma_start3A_12] : memref<10240x128xf32, #tpu.memory_space<hbm>> -> memref<10240x128xf32, #tpu.memory_space<hbm>>
      tpu.enqueue_indirect_dma source(%dma_start3A_13 : memref<10240x128xf32, #tpu.memory_space<hbm>>) target(%arg9 : memref<80x128xf32, #tpu.memory_space<vmem>>) offsets(%arg7 : memref<80xi32, #tpu.memory_space<vmem>>) semaphore(%arg11 : memref<!tpu.dma_semaphore, #tpu.memory_space<semaphore_mem>>)
      %dma_wait3A = arith.constant 0 : i32
      %dma_wait3A_14 = arith.constant 0 : i32
      %dma_wait3A_15 = tpu.memref_slice %arg2[%dma_wait3A, %dma_wait3A_14] : memref<10240x128xf32, #tpu.memory_space<hbm>> -> memref<10240x128xf32, #tpu.memory_space<hbm>>
      tpu.wait_indirect_dma semaphore(%arg11 : memref<!tpu.dma_semaphore, #tpu.memory_space<semaphore_mem>>) src(%dma_wait3A_15 : memref<10240x128xf32, #tpu.memory_space<hbm>>) dst(%arg9 : memref<80x128xf32, #tpu.memory_space<vmem>>)
      %dma_start3A_16 = arith.constant 0 : i32
      %dma_start3A_17 = arith.constant 0 : i32
      %dma_start3A_18 = tpu.memref_slice %arg2[%dma_start3A_16, %dma_start3A_17] : memref<10240x128xf32, #tpu.memory_space<hbm>> -> memref<10240x128xf32, #tpu.memory_space<hbm>>
      tpu.enqueue_indirect_dma source(%dma_start3A_18 : memref<10240x128xf32, #tpu.memory_space<hbm>>) target(%arg10 : memref<80x128xf32, #tpu.memory_space<vmem>>) offsets(%arg8 : memref<80xi32, #tpu.memory_space<vmem>>) semaphore(%arg12 : memref<!tpu.dma_semaphore, #tpu.memory_space<semaphore_mem>>)
      %dma_wait3A_19 = arith.constant 0 : i32
      %dma_wait3A_20 = arith.constant 0 : i32
      %dma_wait3A_21 = tpu.memref_slice %arg2[%dma_wait3A_19, %dma_wait3A_20] : memref<10240x128xf32, #tpu.memory_space<hbm>> -> memref<10240x128xf32, #tpu.memory_space<hbm>>
      tpu.wait_indirect_dma semaphore(%arg12 : memref<!tpu.dma_semaphore, #tpu.memory_space<semaphore_mem>>) src(%dma_wait3A_21 : memref<10240x128xf32, #tpu.memory_space<hbm>>) dst(%arg10 : memref<80x128xf32, #tpu.memory_space<vmem>>)
      "tpu.region"() ({
        %run_scoped3A = tpu.sem_alloc : memref<!tpu.dma_semaphore, #tpu.memory_space<semaphore_mem>>
        %dma_start3A_22 = arith.constant 0 : i32
        %dma_start3A_23 = tpu.memref_slice %arg5[%add3A_11, %dma_start3A_22] : memref<320000x128xf32, #tpu.memory_space<hbm>> -> memref<80x128xf32, #tpu.memory_space<hbm>>
        %dma_start3A_24 = arith.constant 0 : i32
        %dma_start3A_25 = tpu.memref_slice %arg5[%add3A_11, %dma_start3A_24] : memref<320000x128xf32, #tpu.memory_space<hbm>> -> memref<80x128xf32, #tpu.memory_space<hbm>>
        tpu.enqueue_dma source(%arg9 : memref<80x128xf32, #tpu.memory_space<vmem>>) target(%dma_start3A_25 : memref<80x128xf32, #tpu.memory_space<hbm>>) target_semaphore(%run_scoped3A : memref<!tpu.dma_semaphore, #tpu.memory_space<semaphore_mem>>)
        %dma_wait3A_26 = arith.constant 0 : i32
        %dma_wait3A_27 = tpu.memref_slice %arg5[%add3A_11, %dma_wait3A_26] : memref<320000x128xf32, #tpu.memory_space<hbm>> -> memref<80x128xf32, #tpu.memory_space<hbm>>
        %dma_wait3A_28 = arith.constant 0 : i32
        %dma_wait3A_29 = tpu.memref_slice %arg5[%add3A_11, %dma_wait3A_28] : memref<320000x128xf32, #tpu.memory_space<hbm>> -> memref<80x128xf32, #tpu.memory_space<hbm>>
        tpu.wait_dma2 semaphore(%run_scoped3A : memref<!tpu.dma_semaphore, #tpu.memory_space<semaphore_mem>>) src(%arg9 : memref<80x128xf32, #tpu.memory_space<vmem>>) dst(%dma_wait3A_29 : memref<80x128xf32, #tpu.memory_space<hbm>>)
        tpu.yield
      }) : () -> ()
      "tpu.region"() ({
        %run_scoped3A = tpu.sem_alloc : memref<!tpu.dma_semaphore, #tpu.memory_space<semaphore_mem>>
        %dma_start3A_22 = arith.constant 0 : i32
        %dma_start3A_23 = tpu.memref_slice %arg6[%add3A_11, %dma_start3A_22] : memref<320000x128xf32, #tpu.memory_space<hbm>> -> memref<80x128xf32, #tpu.memory_space<hbm>>
        %dma_start3A_24 = arith.constant 0 : i32
        %dma_start3A_25 = tpu.memref_slice %arg6[%add3A_11, %dma_start3A_24] : memref<320000x128xf32, #tpu.memory_space<hbm>> -> memref<80x128xf32, #tpu.memory_space<hbm>>
        tpu.enqueue_dma source(%arg10 : memref<80x128xf32, #tpu.memory_space<vmem>>) target(%dma_start3A_25 : memref<80x128xf32, #tpu.memory_space<hbm>>) target_semaphore(%run_scoped3A : memref<!tpu.dma_semaphore, #tpu.memory_space<semaphore_mem>>)
        %dma_wait3A_26 = arith.constant 0 : i32
        %dma_wait3A_27 = tpu.memref_slice %arg6[%add3A_11, %dma_wait3A_26] : memref<320000x128xf32, #tpu.memory_space<hbm>> -> memref<80x128xf32, #tpu.memory_space<hbm>>
        %dma_wait3A_28 = arith.constant 0 : i32
        %dma_wait3A_29 = tpu.memref_slice %arg6[%add3A_11, %dma_wait3A_28] : memref<320000x128xf32, #tpu.memory_space<hbm>> -> memref<80x128xf32, #tpu.memory_space<hbm>>
        tpu.wait_dma2 semaphore(%run_scoped3A : memref<!tpu.dma_semaphore, #tpu.memory_space<semaphore_mem>>) src(%arg10 : memref<80x128xf32, #tpu.memory_space<vmem>>) dst(%dma_wait3A_29 : memref<80x128xf32, #tpu.memory_space<hbm>>)
        tpu.yield
      }) : () -> ()
    }
    %scan3A_5 = arith.constant 125 : i32
    return
  }
}

#map = affine_map<(d0, d1) -> (0, 0)>
#map1 = affine_map<(d0, d1) -> (0)>
#map2 = affine_map<(d0, d1) -> (0, 0, 0)>
module attributes {stable_mosaic.version = 14 : i64} {
  func.func @k(%arg0: i32, %arg1: i32, %arg2: memref<320000x128xf32, #tpu.memory_space<hbm>>, %arg3: memref<320000x128xf32, #tpu.memory_space<hbm>>, %arg4: memref<320000xi32, #tpu.memory_space<hbm>>, %arg5: memref<320000xi32, #tpu.memory_space<hbm>>, %arg6: memref<2x10240x128xf32, #tpu.memory_space<hbm>>, %arg7: memref<80xi32, #tpu.memory_space<vmem>>, %arg8: memref<80xi32, #tpu.memory_space<vmem>>, %arg9: memref<80x128xf32, #tpu.memory_space<vmem>>, %arg10: memref<80x128xf32, #tpu.memory_space<vmem>>, %arg11: memref<80x128xf32, #tpu.memory_space<vmem>>, %arg12: memref<10240x128xf32, #tpu.memory_space<vmem_shared>>) attributes {dimension_semantics = [#tpu.dimension_semantics<core_parallel>, #tpu.dimension_semantics<subcore_parallel>], iteration_bounds = array<i64: 2, 16>, scalar_prefetch = 0 : i64, scratch_operands = 6 : i64, tpu.core_type = #tpu.core_type<sc_vector_subcore>, window_params = [{transform_indices = #map}, {transform_indices = #map}, {transform_indices = #map1}, {transform_indices = #map1}, {transform_indices = #map2}]} {
    %mul3A = arith.constant 16 : i32
    %mul3A_0 = arith.muli %arg0, %mul3A : i32
    %add3A = arith.addi %mul3A_0, %arg1 : i32
    %broadcast_in_dim3A = arith.constant 0.000000e+00 : f32
    %broadcast_in_dim3A_1 = vector.broadcast %broadcast_in_dim3A : f32 to vector<16xf32>
    %scan3A = arith.constant 0 : i32
    %scan3A_2 = arith.constant 0 : i32
    %scan3A_3 = arith.constant 80 : i32
    %scan3A_4 = arith.addi %scan3A_2, %scan3A_3 : i32
    %scan3A_5 = arith.constant 1 : i32
    scf.for %scan3A_24 = %scan3A_2 to %scan3A_4 step %scan3A_5  : i32 {
      %swap3A = arith.index_cast %scan3A_24 : i32 to index
      %swap3A_25 = arith.constant 0 : index
      %swap3A_26 = tpu.vector_load %arg11[%swap3A, %swap3A_25] {strides = array<i32>} : memref<80x128xf32, #tpu.memory_space<vmem>>, vector<1x16xf32>,
      %swap3A_27 = vector.shape_cast %swap3A_26 : vector<1x16xf32> to vector<16xf32>
      %swap3A_28 = vector.shape_cast %broadcast_in_dim3A_1 : vector<16xf32> to vector<1x16xf32>
      tpu.vector_store %arg11[%swap3A, %swap3A_25], %swap3A_28 {strides = array<i32>} : memref<80x128xf32, #tpu.memory_space<vmem>>, vector<1x16xf32>,
      %swap3A_29 = arith.index_cast %scan3A_24 : i32 to index
      %swap3A_30 = arith.constant 16 : index
      %swap3A_31 = tpu.vector_load %arg11[%swap3A_29, %swap3A_30] {strides = array<i32>} : memref<80x128xf32, #tpu.memory_space<vmem>>, vector<1x16xf32>,
      %swap3A_32 = vector.shape_cast %swap3A_31 : vector<1x16xf32> to vector<16xf32>
      %swap3A_33 = vector.shape_cast %broadcast_in_dim3A_1 : vector<16xf32> to vector<1x16xf32>
      tpu.vector_store %arg11[%swap3A_29, %swap3A_30], %swap3A_33 {strides = array<i32>} : memref<80x128xf32, #tpu.memory_space<vmem>>, vector<1x16xf32>,
      %swap3A_34 = arith.index_cast %scan3A_24 : i32 to index
      %swap3A_35 = arith.constant 32 : index
      %swap3A_36 = tpu.vector_load %arg11[%swap3A_34, %swap3A_35] {strides = array<i32>} : memref<80x128xf32, #tpu.memory_space<vmem>>, vector<1x16xf32>,
      %swap3A_37 = vector.shape_cast %swap3A_36 : vector<1x16xf32> to vector<16xf32>
      %swap3A_38 = vector.shape_cast %broadcast_in_dim3A_1 : vector<16xf32> to vector<1x16xf32>
      tpu.vector_store %arg11[%swap3A_34, %swap3A_35], %swap3A_38 {strides = array<i32>} : memref<80x128xf32, #tpu.memory_space<vmem>>, vector<1x16xf32>,
      %swap3A_39 = arith.index_cast %scan3A_24 : i32 to index
      %swap3A_40 = arith.constant 48 : index
      %swap3A_41 = tpu.vector_load %arg11[%swap3A_39, %swap3A_40] {strides = array<i32>} : memref<80x128xf32, #tpu.memory_space<vmem>>, vector<1x16xf32>,
      %swap3A_42 = vector.shape_cast %swap3A_41 : vector<1x16xf32> to vector<16xf32>
      %swap3A_43 = vector.shape_cast %broadcast_in_dim3A_1 : vector<16xf32> to vector<1x16xf32>
      tpu.vector_store %arg11[%swap3A_39, %swap3A_40], %swap3A_43 {strides = array<i32>} : memref<80x128xf32, #tpu.memory_space<vmem>>, vector<1x16xf32>,
      %swap3A_44 = arith.index_cast %scan3A_24 : i32 to index
      %swap3A_45 = arith.constant 64 : index
      %swap3A_46 = tpu.vector_load %arg11[%swap3A_44, %swap3A_45] {strides = array<i32>} : memref<80x128xf32, #tpu.memory_space<vmem>>, vector<1x16xf32>,
      %swap3A_47 = vector.shape_cast %swap3A_46 : vector<1x16xf32> to vector<16xf32>
      %swap3A_48 = vector.shape_cast %broadcast_in_dim3A_1 : vector<16xf32> to vector<1x16xf32>
      tpu.vector_store %arg11[%swap3A_44, %swap3A_45], %swap3A_48 {strides = array<i32>} : memref<80x128xf32, #tpu.memory_space<vmem>>, vector<1x16xf32>,
      %swap3A_49 = arith.index_cast %scan3A_24 : i32 to index
      %swap3A_50 = arith.constant 80 : index
      %swap3A_51 = tpu.vector_load %arg11[%swap3A_49, %swap3A_50] {strides = array<i32>} : memref<80x128xf32, #tpu.memory_space<vmem>>, vector<1x16xf32>,
      %swap3A_52 = vector.shape_cast %swap3A_51 : vector<1x16xf32> to vector<16xf32>
      %swap3A_53 = vector.shape_cast %broadcast_in_dim3A_1 : vector<16xf32> to vector<1x16xf32>
      tpu.vector_store %arg11[%swap3A_49, %swap3A_50], %swap3A_53 {strides = array<i32>} : memref<80x128xf32, #tpu.memory_space<vmem>>, vector<1x16xf32>,
      %swap3A_54 = arith.index_cast %scan3A_24 : i32 to index
      %swap3A_55 = arith.constant 96 : index
      %swap3A_56 = tpu.vector_load %arg11[%swap3A_54, %swap3A_55] {strides = array<i32>} : memref<80x128xf32, #tpu.memory_space<vmem>>, vector<1x16xf32>,
      %swap3A_57 = vector.shape_cast %swap3A_56 : vector<1x16xf32> to vector<16xf32>
      %swap3A_58 = vector.shape_cast %broadcast_in_dim3A_1 : vector<16xf32> to vector<1x16xf32>
      tpu.vector_store %arg11[%swap3A_54, %swap3A_55], %swap3A_58 {strides = array<i32>} : memref<80x128xf32, #tpu.memory_space<vmem>>, vector<1x16xf32>,
      %swap3A_59 = arith.index_cast %scan3A_24 : i32 to index
      %swap3A_60 = arith.constant 112 : index
      %swap3A_61 = tpu.vector_load %arg11[%swap3A_59, %swap3A_60] {strides = array<i32>} : memref<80x128xf32, #tpu.memory_space<vmem>>, vector<1x16xf32>,
      %swap3A_62 = vector.shape_cast %swap3A_61 : vector<1x16xf32> to vector<16xf32>
      %swap3A_63 = vector.shape_cast %broadcast_in_dim3A_1 : vector<16xf32> to vector<1x16xf32>
      tpu.vector_store %arg11[%swap3A_59, %swap3A_60], %swap3A_63 {strides = array<i32>} : memref<80x128xf32, #tpu.memory_space<vmem>>, vector<1x16xf32>,
    }
    %scan3A_6 = arith.constant 80 : i32
    %scan3A_7 = arith.constant 0 : i32
    %scan3A_8 = arith.constant 0 : i32
    %scan3A_9 = arith.constant 8 : i32
    %scan3A_10 = arith.addi %scan3A_8, %scan3A_9 : i32
    %scan3A_11 = arith.constant 1 : i32
    scf.for %scan3A_24 = %scan3A_8 to %scan3A_10 step %scan3A_11  : i32 {
      %mul3A_25 = arith.constant 640 : i32
      %mul3A_26 = arith.muli %arg1, %mul3A_25 : i32
      %mul3A_27 = arith.constant 80 : i32
      %mul3A_28 = arith.muli %scan3A_24, %mul3A_27 : i32
      %add3A_29 = arith.addi %mul3A_26, %mul3A_28 : i32
      "tpu.region"() ({
        %run_scoped3A = tpu.sem_alloc : memref<!tpu.dma_semaphore, #tpu.memory_space<semaphore_mem>>
        %dma_start3A = arith.constant 0 : i32
        %dma_start3A_30 = tpu.memref_slice %arg12[%add3A_29, %dma_start3A] : memref<10240x128xf32, #tpu.memory_space<vmem_shared>> -> memref<80x128xf32, #tpu.memory_space<vmem_shared>>
        %dma_start3A_31 = arith.constant 0 : i32
        %dma_start3A_32 = tpu.memref_slice %arg12[%add3A_29, %dma_start3A_31] : memref<10240x128xf32, #tpu.memory_space<vmem_shared>> -> memref<80x128xf32, #tpu.memory_space<vmem_shared>>
        tpu.enqueue_dma source(%arg11 : memref<80x128xf32, #tpu.memory_space<vmem>>) target(%dma_start3A_32 : memref<80x128xf32, #tpu.memory_space<vmem_shared>>) target_semaphore(%run_scoped3A : memref<!tpu.dma_semaphore, #tpu.memory_space<semaphore_mem>>)
        %dma_wait3A = arith.constant 0 : i32
        %dma_wait3A_33 = tpu.memref_slice %arg12[%add3A_29, %dma_wait3A] : memref<10240x128xf32, #tpu.memory_space<vmem_shared>> -> memref<80x128xf32, #tpu.memory_space<vmem_shared>>
        %dma_wait3A_34 = arith.constant 0 : i32
        %dma_wait3A_35 = tpu.memref_slice %arg12[%add3A_29, %dma_wait3A_34] : memref<10240x128xf32, #tpu.memory_space<vmem_shared>> -> memref<80x128xf32, #tpu.memory_space<vmem_shared>>
        tpu.wait_dma2 semaphore(%run_scoped3A : memref<!tpu.dma_semaphore, #tpu.memory_space<semaphore_mem>>) src(%arg11 : memref<80x128xf32, #tpu.memory_space<vmem>>) dst(%dma_wait3A_35 : memref<80x128xf32, #tpu.memory_space<vmem_shared>>)
        tpu.yield
      }) : () -> ()
    }
    %scan3A_12 = arith.constant 8 : i32
    %barrier3A = arith.constant 0 : index
    tpu.barrier barrier_id(%barrier3A)
    %scan3A_13 = arith.constant 0 : i32
    %scan3A_14 = arith.constant 0 : i32
    %scan3A_15 = arith.constant 125 : i32
    %scan3A_16 = arith.addi %scan3A_14, %scan3A_15 : i32
    %scan3A_17 = arith.constant 1 : i32
    scf.for %scan3A_24 = %scan3A_14 to %scan3A_16 step %scan3A_17  : i32 {
      %mul3A_25 = arith.constant 10000 : i32
      %mul3A_26 = arith.muli %add3A, %mul3A_25 : i32
      %mul3A_27 = arith.constant 80 : i32
      %mul3A_28 = arith.muli %scan3A_24, %mul3A_27 : i32
      %add3A_29 = arith.addi %mul3A_26, %mul3A_28 : i32
      "tpu.region"() ({
        %run_scoped3A = tpu.sem_alloc : memref<!tpu.dma_semaphore, #tpu.memory_space<semaphore_mem>>
        %dma_start3A = tpu.memref_slice %arg4[%add3A_29] : memref<320000xi32, #tpu.memory_space<hbm>> -> memref<80xi32, #tpu.memory_space<hbm>>
        %dma_start3A_30 = tpu.memref_slice %arg4[%add3A_29] : memref<320000xi32, #tpu.memory_space<hbm>> -> memref<80xi32, #tpu.memory_space<hbm>>
        tpu.enqueue_dma source(%dma_start3A_30 : memref<80xi32, #tpu.memory_space<hbm>>) target(%arg7 : memref<80xi32, #tpu.memory_space<vmem>>) target_semaphore(%run_scoped3A : memref<!tpu.dma_semaphore, #tpu.memory_space<semaphore_mem>>)
        %dma_wait3A = tpu.memref_slice %arg4[%add3A_29] : memref<320000xi32, #tpu.memory_space<hbm>> -> memref<80xi32, #tpu.memory_space<hbm>>
        %dma_wait3A_31 = tpu.memref_slice %arg4[%add3A_29] : memref<320000xi32, #tpu.memory_space<hbm>> -> memref<80xi32, #tpu.memory_space<hbm>>
        tpu.wait_dma2 semaphore(%run_scoped3A : memref<!tpu.dma_semaphore, #tpu.memory_space<semaphore_mem>>) src(%dma_wait3A_31 : memref<80xi32, #tpu.memory_space<hbm>>) dst(%arg7 : memref<80xi32, #tpu.memory_space<vmem>>)
        tpu.yield
      }) : () -> ()
      "tpu.region"() ({
        %run_scoped3A = tpu.sem_alloc : memref<!tpu.dma_semaphore, #tpu.memory_space<semaphore_mem>>
        %dma_start3A = tpu.memref_slice %arg5[%add3A_29] : memref<320000xi32, #tpu.memory_space<hbm>> -> memref<80xi32, #tpu.memory_space<hbm>>
        %dma_start3A_30 = tpu.memref_slice %arg5[%add3A_29] : memref<320000xi32, #tpu.memory_space<hbm>> -> memref<80xi32, #tpu.memory_space<hbm>>
        tpu.enqueue_dma source(%dma_start3A_30 : memref<80xi32, #tpu.memory_space<hbm>>) target(%arg8 : memref<80xi32, #tpu.memory_space<vmem>>) target_semaphore(%run_scoped3A : memref<!tpu.dma_semaphore, #tpu.memory_space<semaphore_mem>>)
        %dma_wait3A = tpu.memref_slice %arg5[%add3A_29] : memref<320000xi32, #tpu.memory_space<hbm>> -> memref<80xi32, #tpu.memory_space<hbm>>
        %dma_wait3A_31 = tpu.memref_slice %arg5[%add3A_29] : memref<320000xi32, #tpu.memory_space<hbm>> -> memref<80xi32, #tpu.memory_space<hbm>>
        tpu.wait_dma2 semaphore(%run_scoped3A : memref<!tpu.dma_semaphore, #tpu.memory_space<semaphore_mem>>) src(%dma_wait3A_31 : memref<80xi32, #tpu.memory_space<hbm>>) dst(%arg8 : memref<80xi32, #tpu.memory_space<vmem>>)
        tpu.yield
      }) : () -> ()
      "tpu.region"() ({
        %run_scoped3A = tpu.sem_alloc : memref<!tpu.dma_semaphore, #tpu.memory_space<semaphore_mem>>
        %dma_start3A = arith.constant 0 : i32
        %dma_start3A_30 = tpu.memref_slice %arg2[%add3A_29, %dma_start3A] : memref<320000x128xf32, #tpu.memory_space<hbm>> -> memref<80x128xf32, #tpu.memory_space<hbm>>
        %dma_start3A_31 = arith.constant 0 : i32
        %dma_start3A_32 = tpu.memref_slice %arg2[%add3A_29, %dma_start3A_31] : memref<320000x128xf32, #tpu.memory_space<hbm>> -> memref<80x128xf32, #tpu.memory_space<hbm>>
        tpu.enqueue_dma source(%dma_start3A_32 : memref<80x128xf32, #tpu.memory_space<hbm>>) target(%arg9 : memref<80x128xf32, #tpu.memory_space<vmem>>) target_semaphore(%run_scoped3A : memref<!tpu.dma_semaphore, #tpu.memory_space<semaphore_mem>>)
        %dma_wait3A = arith.constant 0 : i32
        %dma_wait3A_33 = tpu.memref_slice %arg2[%add3A_29, %dma_wait3A] : memref<320000x128xf32, #tpu.memory_space<hbm>> -> memref<80x128xf32, #tpu.memory_space<hbm>>
        %dma_wait3A_34 = arith.constant 0 : i32
        %dma_wait3A_35 = tpu.memref_slice %arg2[%add3A_29, %dma_wait3A_34] : memref<320000x128xf32, #tpu.memory_space<hbm>> -> memref<80x128xf32, #tpu.memory_space<hbm>>
        tpu.wait_dma2 semaphore(%run_scoped3A : memref<!tpu.dma_semaphore, #tpu.memory_space<semaphore_mem>>) src(%dma_wait3A_35 : memref<80x128xf32, #tpu.memory_space<hbm>>) dst(%arg9 : memref<80x128xf32, #tpu.memory_space<vmem>>)
        tpu.yield
      }) : () -> ()
      "tpu.region"() ({
        %run_scoped3A = tpu.sem_alloc : memref<!tpu.dma_semaphore, #tpu.memory_space<semaphore_mem>>
        %dma_start3A = arith.constant 0 : i32
        %dma_start3A_30 = tpu.memref_slice %arg3[%add3A_29, %dma_start3A] : memref<320000x128xf32, #tpu.memory_space<hbm>> -> memref<80x128xf32, #tpu.memory_space<hbm>>
        %dma_start3A_31 = arith.constant 0 : i32
        %dma_start3A_32 = tpu.memref_slice %arg3[%add3A_29, %dma_start3A_31] : memref<320000x128xf32, #tpu.memory_space<hbm>> -> memref<80x128xf32, #tpu.memory_space<hbm>>
        tpu.enqueue_dma source(%dma_start3A_32 : memref<80x128xf32, #tpu.memory_space<hbm>>) target(%arg10 : memref<80x128xf32, #tpu.memory_space<vmem>>) target_semaphore(%run_scoped3A : memref<!tpu.dma_semaphore, #tpu.memory_space<semaphore_mem>>)
        %dma_wait3A = arith.constant 0 : i32
        %dma_wait3A_33 = tpu.memref_slice %arg3[%add3A_29, %dma_wait3A] : memref<320000x128xf32, #tpu.memory_space<hbm>> -> memref<80x128xf32, #tpu.memory_space<hbm>>
        %dma_wait3A_34 = arith.constant 0 : i32
        %dma_wait3A_35 = tpu.memref_slice %arg3[%add3A_29, %dma_wait3A_34] : memref<320000x128xf32, #tpu.memory_space<hbm>> -> memref<80x128xf32, #tpu.memory_space<hbm>>
        tpu.wait_dma2 semaphore(%run_scoped3A : memref<!tpu.dma_semaphore, #tpu.memory_space<semaphore_mem>>) src(%dma_wait3A_35 : memref<80x128xf32, #tpu.memory_space<hbm>>) dst(%arg10 : memref<80x128xf32, #tpu.memory_space<vmem>>)
        tpu.yield
      }) : () -> ()
      "tpu.region"() ({
        %run_scoped3A = tpu.sem_alloc : memref<!tpu.dma_semaphore, #tpu.memory_space<semaphore_mem>>
        %dma_start3A = arith.constant 0 : i32
        %dma_start3A_30 = arith.constant 0 : i32
        %dma_start3A_31 = tpu.memref_slice %arg12[%dma_start3A, %dma_start3A_30] : memref<10240x128xf32, #tpu.memory_space<vmem_shared>> -> memref<10240x128xf32, #tpu.memory_space<vmem_shared>>
        tpu.enqueue_indirect_dma source(%arg9 : memref<80x128xf32, #tpu.memory_space<vmem>>) target(%dma_start3A_31 : memref<10240x128xf32, #tpu.memory_space<vmem_shared>>) offsets(%arg7 : memref<80xi32, #tpu.memory_space<vmem>>) semaphore(%run_scoped3A : memref<!tpu.dma_semaphore, #tpu.memory_space<semaphore_mem>>) {add = true}
        %dma_wait3A = arith.constant 0 : i32
        %dma_wait3A_32 = arith.constant 0 : i32
        %dma_wait3A_33 = tpu.memref_slice %arg12[%dma_wait3A, %dma_wait3A_32] : memref<10240x128xf32, #tpu.memory_space<vmem_shared>> -> memref<10240x128xf32, #tpu.memory_space<vmem_shared>>
        tpu.wait_indirect_dma semaphore(%run_scoped3A : memref<!tpu.dma_semaphore, #tpu.memory_space<semaphore_mem>>) src(%arg9 : memref<80x128xf32, #tpu.memory_space<vmem>>) dst(%dma_wait3A_33 : memref<10240x128xf32, #tpu.memory_space<vmem_shared>>)
        tpu.yield
      }) : () -> ()
      "tpu.region"() ({
        %run_scoped3A = tpu.sem_alloc : memref<!tpu.dma_semaphore, #tpu.memory_space<semaphore_mem>>
        %dma_start3A = arith.constant 0 : i32
        %dma_start3A_30 = arith.constant 0 : i32
        %dma_start3A_31 = tpu.memref_slice %arg12[%dma_start3A, %dma_start3A_30] : memref<10240x128xf32, #tpu.memory_space<vmem_shared>> -> memref<10240x128xf32, #tpu.memory_space<vmem_shared>>
        tpu.enqueue_indirect_dma source(%arg10 : memref<80x128xf32, #tpu.memory_space<vmem>>) target(%dma_start3A_31 : memref<10240x128xf32, #tpu.memory_space<vmem_shared>>) offsets(%arg8 : memref<80xi32, #tpu.memory_space<vmem>>) semaphore(%run_scoped3A : memref<!tpu.dma_semaphore, #tpu.memory_space<semaphore_mem>>) {add = true}
        %dma_wait3A = arith.constant 0 : i32
        %dma_wait3A_32 = arith.constant 0 : i32
        %dma_wait3A_33 = tpu.memref_slice %arg12[%dma_wait3A, %dma_wait3A_32] : memref<10240x128xf32, #tpu.memory_space<vmem_shared>> -> memref<10240x128xf32, #tpu.memory_space<vmem_shared>>
        tpu.wait_indirect_dma semaphore(%run_scoped3A : memref<!tpu.dma_semaphore, #tpu.memory_space<semaphore_mem>>) src(%arg10 : memref<80x128xf32, #tpu.memory_space<vmem>>) dst(%dma_wait3A_33 : memref<10240x128xf32, #tpu.memory_space<vmem_shared>>)
        tpu.yield
      }) : () -> ()
    }
    %scan3A_18 = arith.constant 125 : i32
    %barrier3A_19 = arith.constant 0 : index
    tpu.barrier barrier_id(%barrier3A_19)
    %mul3A_20 = arith.constant 640 : i32
    %mul3A_21 = arith.muli %arg1, %mul3A_20 : i32
    %mul3A_22 = arith.constant 640 : i32
    %mul3A_23 = arith.muli %arg1, %mul3A_22 : i32
    "tpu.region"() ({
      %run_scoped3A = tpu.sem_alloc : memref<!tpu.dma_semaphore, #tpu.memory_space<semaphore_mem>>
      %dma_start3A = arith.constant 0 : i32
      %dma_start3A_24 = arith.constant 0 : i32
      %dma_start3A_25 = tpu.memref_slice %arg6[%arg0, %dma_start3A, %dma_start3A_24] : memref<2x10240x128xf32, #tpu.memory_space<hbm>> -> memref<1x10240x128xf32, #tpu.memory_space<hbm>>
      %dma_start3A_26 = tpu.memref_squeeze %dma_start3A_25 : memref<1x10240x128xf32, #tpu.memory_space<hbm>> -> memref<10240x128xf32, #tpu.memory_space<hbm>>
      %dma_start3A_27 = arith.constant 0 : i32
      %dma_start3A_28 = tpu.memref_slice %dma_start3A_26[%mul3A_23, %dma_start3A_27] : memref<10240x128xf32, #tpu.memory_space<hbm>> -> memref<640x128xf32, #tpu.memory_space<hbm>>
      %dma_start3A_29 = arith.constant 0 : i32
      %dma_start3A_30 = tpu.memref_slice %arg12[%mul3A_21, %dma_start3A_29] : memref<10240x128xf32, #tpu.memory_space<vmem_shared>> -> memref<640x128xf32, #tpu.memory_space<vmem_shared>>
      tpu.enqueue_dma source(%dma_start3A_30 : memref<640x128xf32, #tpu.memory_space<vmem_shared>>) target(%dma_start3A_28 : memref<640x128xf32, #tpu.memory_space<hbm>>) target_semaphore(%run_scoped3A : memref<!tpu.dma_semaphore, #tpu.memory_space<semaphore_mem>>)
      %dma_wait3A = arith.constant 0 : i32
      %dma_wait3A_31 = arith.constant 0 : i32
      %dma_wait3A_32 = tpu.memref_slice %arg6[%arg0, %dma_wait3A, %dma_wait3A_31] : memref<2x10240x128xf32, #tpu.memory_space<hbm>> -> memref<1x10240x128xf32, #tpu.memory_space<hbm>>
      %dma_wait3A_33 = tpu.memref_squeeze %dma_wait3A_32 : memref<1x10240x128xf32, #tpu.memory_space<hbm>> -> memref<10240x128xf32, #tpu.memory_space<hbm>>
      %dma_wait3A_34 = arith.constant 0 : i32
      %dma_wait3A_35 = tpu.memref_slice %dma_wait3A_33[%mul3A_23, %dma_wait3A_34] : memref<10240x128xf32, #tpu.memory_space<hbm>> -> memref<640x128xf32, #tpu.memory_space<hbm>>
      %dma_wait3A_36 = arith.constant 0 : i32
      %dma_wait3A_37 = tpu.memref_slice %arg12[%mul3A_21, %dma_wait3A_36] : memref<10240x128xf32, #tpu.memory_space<vmem_shared>> -> memref<640x128xf32, #tpu.memory_space<vmem_shared>>
      tpu.wait_dma2 semaphore(%run_scoped3A : memref<!tpu.dma_semaphore, #tpu.memory_space<semaphore_mem>>) src(%dma_wait3A_37 : memref<640x128xf32, #tpu.memory_space<vmem_shared>>) dst(%dma_wait3A_35 : memref<640x128xf32, #tpu.memory_space<hbm>>)
      tpu.yield
    }) : () -> ()
    return
  }
}

#map = affine_map<(d0, d1) -> (0, 0)>
#map1 = affine_map<(d0, d1) -> (0)>
#map2 = affine_map<(d0, d1) -> (0, 0, 0)>
module attributes {stable_mosaic.version = 14 : i64} {
  func.func @k(%arg0: i32, %arg1: i32, %arg2: memref<10240x128xf32, #tpu.memory_space<hbm>>, %arg3: memref<320000xi32, #tpu.memory_space<hbm>>, %arg4: memref<320000xi32, #tpu.memory_space<hbm>>, %arg5: memref<2x10240x128xf32, #tpu.memory_space<hbm>>, %arg6: memref<80xi32, #tpu.memory_space<vmem>>, %arg7: memref<80xi32, #tpu.memory_space<vmem>>, %arg8: memref<80x128xf32, #tpu.memory_space<vmem>>, %arg9: memref<80x128xf32, #tpu.memory_space<vmem>>, %arg10: memref<10240x128xf32, #tpu.memory_space<vmem_shared>>, %arg11: memref<!tpu.dma_semaphore, #tpu.memory_space<semaphore_mem>>) attributes {dimension_semantics = [#tpu.dimension_semantics<core_parallel>, #tpu.dimension_semantics<subcore_parallel>], iteration_bounds = array<i64: 2, 16>, scalar_prefetch = 0 : i64, scratch_operands = 6 : i64, tpu.core_type = #tpu.core_type<sc_vector_subcore>, window_params = [{transform_indices = #map}, {transform_indices = #map1}, {transform_indices = #map1}, {transform_indices = #map2}]} {
    %mul3A = arith.constant 16 : i32
    %mul3A_0 = arith.muli %arg0, %mul3A : i32
    %add3A = arith.addi %mul3A_0, %arg1 : i32
    %broadcast_in_dim3A = arith.constant 0.000000e+00 : f32
    %broadcast_in_dim3A_1 = vector.broadcast %broadcast_in_dim3A : f32 to vector<16xf32>
    %scan3A = arith.constant 0 : i32
    %scan3A_2 = arith.constant 0 : i32
    %scan3A_3 = arith.constant 80 : i32
    %scan3A_4 = arith.addi %scan3A_2, %scan3A_3 : i32
    %scan3A_5 = arith.constant 1 : i32
    scf.for %scan3A_24 = %scan3A_2 to %scan3A_4 step %scan3A_5  : i32 {
      %swap3A = arith.index_cast %scan3A_24 : i32 to index
      %swap3A_25 = arith.constant 0 : index
      %swap3A_26 = tpu.vector_load %arg9[%swap3A, %swap3A_25] {strides = array<i32>} : memref<80x128xf32, #tpu.memory_space<vmem>>, vector<1x16xf32>,
      %swap3A_27 = vector.shape_cast %swap3A_26 : vector<1x16xf32> to vector<16xf32>
      %swap3A_28 = vector.shape_cast %broadcast_in_dim3A_1 : vector<16xf32> to vector<1x16xf32>
      tpu.vector_store %arg9[%swap3A, %swap3A_25], %swap3A_28 {strides = array<i32>} : memref<80x128xf32, #tpu.memory_space<vmem>>, vector<1x16xf32>,
      %swap3A_29 = arith.index_cast %scan3A_24 : i32 to index
      %swap3A_30 = arith.constant 16 : index
      %swap3A_31 = tpu.vector_load %arg9[%swap3A_29, %swap3A_30] {strides = array<i32>} : memref<80x128xf32, #tpu.memory_space<vmem>>, vector<1x16xf32>,
      %swap3A_32 = vector.shape_cast %swap3A_31 : vector<1x16xf32> to vector<16xf32>
      %swap3A_33 = vector.shape_cast %broadcast_in_dim3A_1 : vector<16xf32> to vector<1x16xf32>
      tpu.vector_store %arg9[%swap3A_29, %swap3A_30], %swap3A_33 {strides = array<i32>} : memref<80x128xf32, #tpu.memory_space<vmem>>, vector<1x16xf32>,
      %swap3A_34 = arith.index_cast %scan3A_24 : i32 to index
      %swap3A_35 = arith.constant 32 : index
      %swap3A_36 = tpu.vector_load %arg9[%swap3A_34, %swap3A_35] {strides = array<i32>} : memref<80x128xf32, #tpu.memory_space<vmem>>, vector<1x16xf32>,
      %swap3A_37 = vector.shape_cast %swap3A_36 : vector<1x16xf32> to vector<16xf32>
      %swap3A_38 = vector.shape_cast %broadcast_in_dim3A_1 : vector<16xf32> to vector<1x16xf32>
      tpu.vector_store %arg9[%swap3A_34, %swap3A_35], %swap3A_38 {strides = array<i32>} : memref<80x128xf32, #tpu.memory_space<vmem>>, vector<1x16xf32>,
      %swap3A_39 = arith.index_cast %scan3A_24 : i32 to index
      %swap3A_40 = arith.constant 48 : index
      %swap3A_41 = tpu.vector_load %arg9[%swap3A_39, %swap3A_40] {strides = array<i32>} : memref<80x128xf32, #tpu.memory_space<vmem>>, vector<1x16xf32>,
      %swap3A_42 = vector.shape_cast %swap3A_41 : vector<1x16xf32> to vector<16xf32>
      %swap3A_43 = vector.shape_cast %broadcast_in_dim3A_1 : vector<16xf32> to vector<1x16xf32>
      tpu.vector_store %arg9[%swap3A_39, %swap3A_40], %swap3A_43 {strides = array<i32>} : memref<80x128xf32, #tpu.memory_space<vmem>>, vector<1x16xf32>,
      %swap3A_44 = arith.index_cast %scan3A_24 : i32 to index
      %swap3A_45 = arith.constant 64 : index
      %swap3A_46 = tpu.vector_load %arg9[%swap3A_44, %swap3A_45] {strides = array<i32>} : memref<80x128xf32, #tpu.memory_space<vmem>>, vector<1x16xf32>,
      %swap3A_47 = vector.shape_cast %swap3A_46 : vector<1x16xf32> to vector<16xf32>
      %swap3A_48 = vector.shape_cast %broadcast_in_dim3A_1 : vector<16xf32> to vector<1x16xf32>
      tpu.vector_store %arg9[%swap3A_44, %swap3A_45], %swap3A_48 {strides = array<i32>} : memref<80x128xf32, #tpu.memory_space<vmem>>, vector<1x16xf32>,
      %swap3A_49 = arith.index_cast %scan3A_24 : i32 to index
      %swap3A_50 = arith.constant 80 : index
      %swap3A_51 = tpu.vector_load %arg9[%swap3A_49, %swap3A_50] {strides = array<i32>} : memref<80x128xf32, #tpu.memory_space<vmem>>, vector<1x16xf32>,
      %swap3A_52 = vector.shape_cast %swap3A_51 : vector<1x16xf32> to vector<16xf32>
      %swap3A_53 = vector.shape_cast %broadcast_in_dim3A_1 : vector<16xf32> to vector<1x16xf32>
      tpu.vector_store %arg9[%swap3A_49, %swap3A_50], %swap3A_53 {strides = array<i32>} : memref<80x128xf32, #tpu.memory_space<vmem>>, vector<1x16xf32>,
      %swap3A_54 = arith.index_cast %scan3A_24 : i32 to index
      %swap3A_55 = arith.constant 96 : index
      %swap3A_56 = tpu.vector_load %arg9[%swap3A_54, %swap3A_55] {strides = array<i32>} : memref<80x128xf32, #tpu.memory_space<vmem>>, vector<1x16xf32>,
      %swap3A_57 = vector.shape_cast %swap3A_56 : vector<1x16xf32> to vector<16xf32>
      %swap3A_58 = vector.shape_cast %broadcast_in_dim3A_1 : vector<16xf32> to vector<1x16xf32>
      tpu.vector_store %arg9[%swap3A_54, %swap3A_55], %swap3A_58 {strides = array<i32>} : memref<80x128xf32, #tpu.memory_space<vmem>>, vector<1x16xf32>,
      %swap3A_59 = arith.index_cast %scan3A_24 : i32 to index
      %swap3A_60 = arith.constant 112 : index
      %swap3A_61 = tpu.vector_load %arg9[%swap3A_59, %swap3A_60] {strides = array<i32>} : memref<80x128xf32, #tpu.memory_space<vmem>>, vector<1x16xf32>,
      %swap3A_62 = vector.shape_cast %swap3A_61 : vector<1x16xf32> to vector<16xf32>
      %swap3A_63 = vector.shape_cast %broadcast_in_dim3A_1 : vector<16xf32> to vector<1x16xf32>
      tpu.vector_store %arg9[%swap3A_59, %swap3A_60], %swap3A_63 {strides = array<i32>} : memref<80x128xf32, #tpu.memory_space<vmem>>, vector<1x16xf32>,
    }
    %scan3A_6 = arith.constant 80 : i32
    %scan3A_7 = arith.constant 0 : i32
    %scan3A_8 = arith.constant 0 : i32
    %scan3A_9 = arith.constant 8 : i32
    %scan3A_10 = arith.addi %scan3A_8, %scan3A_9 : i32
    %scan3A_11 = arith.constant 1 : i32
    scf.for %scan3A_24 = %scan3A_8 to %scan3A_10 step %scan3A_11  : i32 {
      %mul3A_25 = arith.constant 640 : i32
      %mul3A_26 = arith.muli %arg1, %mul3A_25 : i32
      %mul3A_27 = arith.constant 80 : i32
      %mul3A_28 = arith.muli %scan3A_24, %mul3A_27 : i32
      %add3A_29 = arith.addi %mul3A_26, %mul3A_28 : i32
      "tpu.region"() ({
        %run_scoped3A = tpu.sem_alloc : memref<!tpu.dma_semaphore, #tpu.memory_space<semaphore_mem>>
        %dma_start3A = arith.constant 0 : i32
        %dma_start3A_30 = tpu.memref_slice %arg10[%add3A_29, %dma_start3A] : memref<10240x128xf32, #tpu.memory_space<vmem_shared>> -> memref<80x128xf32, #tpu.memory_space<vmem_shared>>
        %dma_start3A_31 = arith.constant 0 : i32
        %dma_start3A_32 = tpu.memref_slice %arg10[%add3A_29, %dma_start3A_31] : memref<10240x128xf32, #tpu.memory_space<vmem_shared>> -> memref<80x128xf32, #tpu.memory_space<vmem_shared>>
        tpu.enqueue_dma source(%arg9 : memref<80x128xf32, #tpu.memory_space<vmem>>) target(%dma_start3A_32 : memref<80x128xf32, #tpu.memory_space<vmem_shared>>) target_semaphore(%run_scoped3A : memref<!tpu.dma_semaphore, #tpu.memory_space<semaphore_mem>>)
        %dma_wait3A = arith.constant 0 : i32
        %dma_wait3A_33 = tpu.memref_slice %arg10[%add3A_29, %dma_wait3A] : memref<10240x128xf32, #tpu.memory_space<vmem_shared>> -> memref<80x128xf32, #tpu.memory_space<vmem_shared>>
        %dma_wait3A_34 = arith.constant 0 : i32
        %dma_wait3A_35 = tpu.memref_slice %arg10[%add3A_29, %dma_wait3A_34] : memref<10240x128xf32, #tpu.memory_space<vmem_shared>> -> memref<80x128xf32, #tpu.memory_space<vmem_shared>>
        tpu.wait_dma2 semaphore(%run_scoped3A : memref<!tpu.dma_semaphore, #tpu.memory_space<semaphore_mem>>) src(%arg9 : memref<80x128xf32, #tpu.memory_space<vmem>>) dst(%dma_wait3A_35 : memref<80x128xf32, #tpu.memory_space<vmem_shared>>)
        tpu.yield
      }) : () -> ()
    }
    %scan3A_12 = arith.constant 8 : i32
    %barrier3A = arith.constant 0 : index
    tpu.barrier barrier_id(%barrier3A)
    %scan3A_13 = arith.constant 0 : i32
    %scan3A_14 = arith.constant 0 : i32
    %scan3A_15 = arith.constant 125 : i32
    %scan3A_16 = arith.addi %scan3A_14, %scan3A_15 : i32
    %scan3A_17 = arith.constant 1 : i32
    scf.for %scan3A_24 = %scan3A_14 to %scan3A_16 step %scan3A_17  : i32 {
      %mul3A_25 = arith.constant 10000 : i32
      %mul3A_26 = arith.muli %add3A, %mul3A_25 : i32
      %mul3A_27 = arith.constant 80 : i32
      %mul3A_28 = arith.muli %scan3A_24, %mul3A_27 : i32
      %add3A_29 = arith.addi %mul3A_26, %mul3A_28 : i32
      "tpu.region"() ({
        %run_scoped3A = tpu.sem_alloc : memref<!tpu.dma_semaphore, #tpu.memory_space<semaphore_mem>>
        %dma_start3A_34 = tpu.memref_slice %arg3[%add3A_29] : memref<320000xi32, #tpu.memory_space<hbm>> -> memref<80xi32, #tpu.memory_space<hbm>>
        %dma_start3A_35 = tpu.memref_slice %arg3[%add3A_29] : memref<320000xi32, #tpu.memory_space<hbm>> -> memref<80xi32, #tpu.memory_space<hbm>>
        tpu.enqueue_dma source(%dma_start3A_35 : memref<80xi32, #tpu.memory_space<hbm>>) target(%arg6 : memref<80xi32, #tpu.memory_space<vmem>>) target_semaphore(%run_scoped3A : memref<!tpu.dma_semaphore, #tpu.memory_space<semaphore_mem>>)
        %dma_wait3A_36 = tpu.memref_slice %arg3[%add3A_29] : memref<320000xi32, #tpu.memory_space<hbm>> -> memref<80xi32, #tpu.memory_space<hbm>>
        %dma_wait3A_37 = tpu.memref_slice %arg3[%add3A_29] : memref<320000xi32, #tpu.memory_space<hbm>> -> memref<80xi32, #tpu.memory_space<hbm>>
        tpu.wait_dma2 semaphore(%run_scoped3A : memref<!tpu.dma_semaphore, #tpu.memory_space<semaphore_mem>>) src(%dma_wait3A_37 : memref<80xi32, #tpu.memory_space<hbm>>) dst(%arg6 : memref<80xi32, #tpu.memory_space<vmem>>)
        tpu.yield
      }) : () -> ()
      "tpu.region"() ({
        %run_scoped3A = tpu.sem_alloc : memref<!tpu.dma_semaphore, #tpu.memory_space<semaphore_mem>>
        %dma_start3A_34 = tpu.memref_slice %arg4[%add3A_29] : memref<320000xi32, #tpu.memory_space<hbm>> -> memref<80xi32, #tpu.memory_space<hbm>>
        %dma_start3A_35 = tpu.memref_slice %arg4[%add3A_29] : memref<320000xi32, #tpu.memory_space<hbm>> -> memref<80xi32, #tpu.memory_space<hbm>>
        tpu.enqueue_dma source(%dma_start3A_35 : memref<80xi32, #tpu.memory_space<hbm>>) target(%arg7 : memref<80xi32, #tpu.memory_space<vmem>>) target_semaphore(%run_scoped3A : memref<!tpu.dma_semaphore, #tpu.memory_space<semaphore_mem>>)
        %dma_wait3A_36 = tpu.memref_slice %arg4[%add3A_29] : memref<320000xi32, #tpu.memory_space<hbm>> -> memref<80xi32, #tpu.memory_space<hbm>>
        %dma_wait3A_37 = tpu.memref_slice %arg4[%add3A_29] : memref<320000xi32, #tpu.memory_space<hbm>> -> memref<80xi32, #tpu.memory_space<hbm>>
        tpu.wait_dma2 semaphore(%run_scoped3A : memref<!tpu.dma_semaphore, #tpu.memory_space<semaphore_mem>>) src(%dma_wait3A_37 : memref<80xi32, #tpu.memory_space<hbm>>) dst(%arg7 : memref<80xi32, #tpu.memory_space<vmem>>)
        tpu.yield
      }) : () -> ()
      %dma_start3A = arith.constant 0 : i32
      %dma_start3A_30 = arith.constant 0 : i32
      %dma_start3A_31 = tpu.memref_slice %arg2[%dma_start3A, %dma_start3A_30] : memref<10240x128xf32, #tpu.memory_space<hbm>> -> memref<10240x128xf32, #tpu.memory_space<hbm>>
      tpu.enqueue_indirect_dma source(%dma_start3A_31 : memref<10240x128xf32, #tpu.memory_space<hbm>>) target(%arg8 : memref<80x128xf32, #tpu.memory_space<vmem>>) offsets(%arg7 : memref<80xi32, #tpu.memory_space<vmem>>) semaphore(%arg11 : memref<!tpu.dma_semaphore, #tpu.memory_space<semaphore_mem>>)
      %dma_wait3A = arith.constant 0 : i32
      %dma_wait3A_32 = arith.constant 0 : i32
      %dma_wait3A_33 = tpu.memref_slice %arg2[%dma_wait3A, %dma_wait3A_32] : memref<10240x128xf32, #tpu.memory_space<hbm>> -> memref<10240x128xf32, #tpu.memory_space<hbm>>
      tpu.wait_indirect_dma semaphore(%arg11 : memref<!tpu.dma_semaphore, #tpu.memory_space<semaphore_mem>>) src(%dma_wait3A_33 : memref<10240x128xf32, #tpu.memory_space<hbm>>) dst(%arg8 : memref<80x128xf32, #tpu.memory_space<vmem>>)
      "tpu.region"() ({
        %run_scoped3A = tpu.sem_alloc : memref<!tpu.dma_semaphore, #tpu.memory_space<semaphore_mem>>
        %dma_start3A_34 = arith.constant 0 : i32
        %dma_start3A_35 = arith.constant 0 : i32
        %dma_start3A_36 = tpu.memref_slice %arg10[%dma_start3A_34, %dma_start3A_35] : memref<10240x128xf32, #tpu.memory_space<vmem_shared>> -> memref<10240x128xf32, #tpu.memory_space<vmem_shared>>
        tpu.enqueue_indirect_dma source(%arg8 : memref<80x128xf32, #tpu.memory_space<vmem>>) target(%dma_start3A_36 : memref<10240x128xf32, #tpu.memory_space<vmem_shared>>) offsets(%arg6 : memref<80xi32, #tpu.memory_space<vmem>>) semaphore(%run_scoped3A : memref<!tpu.dma_semaphore, #tpu.memory_space<semaphore_mem>>) {add = true}
        %dma_wait3A_37 = arith.constant 0 : i32
        %dma_wait3A_38 = arith.constant 0 : i32
        %dma_wait3A_39 = tpu.memref_slice %arg10[%dma_wait3A_37, %dma_wait3A_38] : memref<10240x128xf32, #tpu.memory_space<vmem_shared>> -> memref<10240x128xf32, #tpu.memory_space<vmem_shared>>
        tpu.wait_indirect_dma semaphore(%run_scoped3A : memref<!tpu.dma_semaphore, #tpu.memory_space<semaphore_mem>>) src(%arg8 : memref<80x128xf32, #tpu.memory_space<vmem>>) dst(%dma_wait3A_39 : memref<10240x128xf32, #tpu.memory_space<vmem_shared>>)
        tpu.yield
      }) : () -> ()
    }
    %scan3A_18 = arith.constant 125 : i32
    %barrier3A_19 = arith.constant 0 : index
    tpu.barrier barrier_id(%barrier3A_19)
    %mul3A_20 = arith.constant 640 : i32
    %mul3A_21 = arith.muli %arg1, %mul3A_20 : i32
    %mul3A_22 = arith.constant 640 : i32
    %mul3A_23 = arith.muli %arg1, %mul3A_22 : i32
    "tpu.region"() ({
      %run_scoped3A = tpu.sem_alloc : memref<!tpu.dma_semaphore, #tpu.memory_space<semaphore_mem>>
      %dma_start3A = arith.constant 0 : i32
      %dma_start3A_24 = arith.constant 0 : i32
      %dma_start3A_25 = tpu.memref_slice %arg5[%arg0, %dma_start3A, %dma_start3A_24] : memref<2x10240x128xf32, #tpu.memory_space<hbm>> -> memref<1x10240x128xf32, #tpu.memory_space<hbm>>
      %dma_start3A_26 = tpu.memref_squeeze %dma_start3A_25 : memref<1x10240x128xf32, #tpu.memory_space<hbm>> -> memref<10240x128xf32, #tpu.memory_space<hbm>>
      %dma_start3A_27 = arith.constant 0 : i32
      %dma_start3A_28 = tpu.memref_slice %dma_start3A_26[%mul3A_23, %dma_start3A_27] : memref<10240x128xf32, #tpu.memory_space<hbm>> -> memref<640x128xf32, #tpu.memory_space<hbm>>
      %dma_start3A_29 = arith.constant 0 : i32
      %dma_start3A_30 = tpu.memref_slice %arg10[%mul3A_21, %dma_start3A_29] : memref<10240x128xf32, #tpu.memory_space<vmem_shared>> -> memref<640x128xf32, #tpu.memory_space<vmem_shared>>
      tpu.enqueue_dma source(%dma_start3A_30 : memref<640x128xf32, #tpu.memory_space<vmem_shared>>) target(%dma_start3A_28 : memref<640x128xf32, #tpu.memory_space<hbm>>) target_semaphore(%run_scoped3A : memref<!tpu.dma_semaphore, #tpu.memory_space<semaphore_mem>>)
      %dma_wait3A = arith.constant 0 : i32
      %dma_wait3A_31 = arith.constant 0 : i32
      %dma_wait3A_32 = tpu.memref_slice %arg5[%arg0, %dma_wait3A, %dma_wait3A_31] : memref<2x10240x128xf32, #tpu.memory_space<hbm>> -> memref<1x10240x128xf32, #tpu.memory_space<hbm>>
      %dma_wait3A_33 = tpu.memref_squeeze %dma_wait3A_32 : memref<1x10240x128xf32, #tpu.memory_space<hbm>> -> memref<10240x128xf32, #tpu.memory_space<hbm>>
      %dma_wait3A_34 = arith.constant 0 : i32
      %dma_wait3A_35 = tpu.memref_slice %dma_wait3A_33[%mul3A_23, %dma_wait3A_34] : memref<10240x128xf32, #tpu.memory_space<hbm>> -> memref<640x128xf32, #tpu.memory_space<hbm>>
      %dma_wait3A_36 = arith.constant 0 : i32
      %dma_wait3A_37 = tpu.memref_slice %arg10[%mul3A_21, %dma_wait3A_36] : memref<10240x128xf32, #tpu.memory_space<vmem_shared>> -> memref<640x128xf32, #tpu.memory_space<vmem_shared>>
      tpu.wait_dma2 semaphore(%run_scoped3A : memref<!tpu.dma_semaphore, #tpu.memory_space<semaphore_mem>>) src(%dma_wait3A_37 : memref<640x128xf32, #tpu.memory_space<vmem_shared>>) dst(%dma_wait3A_35 : memref<640x128xf32, #tpu.memory_space<hbm>>)
      tpu.yield
    }) : () -> ()
    return
  }
}

#map = affine_map<(d0, d1) -> (0, 0)>
#map1 = affine_map<(d0, d1) -> (0)>
module attributes {stable_mosaic.version = 14 : i64} {
  func.func @k(%arg0: i32, %arg1: i32, %arg2: memref<10240x128xf32, #tpu.memory_space<hbm>>, %arg3: memref<320000xi32, #tpu.memory_space<hbm>>, %arg4: memref<320000xi32, #tpu.memory_space<hbm>>, %arg5: memref<320000x128xf32, #tpu.memory_space<hbm>>, %arg6: memref<320000x128xf32, #tpu.memory_space<hbm>>, %arg7: memref<80xi32, #tpu.memory_space<vmem>>, %arg8: memref<80xi32, #tpu.memory_space<vmem>>, %arg9: memref<80x128xf32, #tpu.memory_space<vmem>>, %arg10: memref<80x128xf32, #tpu.memory_space<vmem>>, %arg11: memref<!tpu.dma_semaphore, #tpu.memory_space<semaphore_mem>>, %arg12: memref<!tpu.dma_semaphore, #tpu.memory_space<semaphore_mem>>) attributes {dimension_semantics = [#tpu.dimension_semantics<core_parallel>, #tpu.dimension_semantics<subcore_parallel>], iteration_bounds = array<i64: 2, 16>, scalar_prefetch = 0 : i64, scratch_operands = 6 : i64, tpu.core_type = #tpu.core_type<sc_vector_subcore>, window_params = [{transform_indices = #map}, {transform_indices = #map1}, {transform_indices = #map1}, {transform_indices = #map}, {transform_indices = #map}]} {
    %mul3A = arith.constant 16 : i32
    %mul3A_0 = arith.muli %arg0, %mul3A : i32
    %add3A = arith.addi %mul3A_0, %arg1 : i32
    %scan3A = arith.constant 0 : i32
    %scan3A_1 = arith.constant 0 : i32
    %scan3A_2 = arith.constant 125 : i32
    %scan3A_3 = arith.addi %scan3A_1, %scan3A_2 : i32
    %scan3A_4 = arith.constant 1 : i32
    scf.for %scan3A_6 = %scan3A_1 to %scan3A_3 step %scan3A_4  : i32 {
      %mul3A_7 = arith.constant 10000 : i32
      %mul3A_8 = arith.muli %add3A, %mul3A_7 : i32
      %mul3A_9 = arith.constant 80 : i32
      %mul3A_10 = arith.muli %scan3A_6, %mul3A_9 : i32
      %add3A_11 = arith.addi %mul3A_8, %mul3A_10 : i32
      "tpu.region"() ({
        %run_scoped3A = tpu.sem_alloc : memref<!tpu.dma_semaphore, #tpu.memory_space<semaphore_mem>>
        %dma_start3A_22 = tpu.memref_slice %arg3[%add3A_11] : memref<320000xi32, #tpu.memory_space<hbm>> -> memref<80xi32, #tpu.memory_space<hbm>>
        %dma_start3A_23 = tpu.memref_slice %arg3[%add3A_11] : memref<320000xi32, #tpu.memory_space<hbm>> -> memref<80xi32, #tpu.memory_space<hbm>>
        tpu.enqueue_dma source(%dma_start3A_23 : memref<80xi32, #tpu.memory_space<hbm>>) target(%arg7 : memref<80xi32, #tpu.memory_space<vmem>>) target_semaphore(%run_scoped3A : memref<!tpu.dma_semaphore, #tpu.memory_space<semaphore_mem>>)
        %dma_wait3A_24 = tpu.memref_slice %arg3[%add3A_11] : memref<320000xi32, #tpu.memory_space<hbm>> -> memref<80xi32, #tpu.memory_space<hbm>>
        %dma_wait3A_25 = tpu.memref_slice %arg3[%add3A_11] : memref<320000xi32, #tpu.memory_space<hbm>> -> memref<80xi32, #tpu.memory_space<hbm>>
        tpu.wait_dma2 semaphore(%run_scoped3A : memref<!tpu.dma_semaphore, #tpu.memory_space<semaphore_mem>>) src(%dma_wait3A_25 : memref<80xi32, #tpu.memory_space<hbm>>) dst(%arg7 : memref<80xi32, #tpu.memory_space<vmem>>)
        tpu.yield
      }) : () -> ()
      "tpu.region"() ({
        %run_scoped3A = tpu.sem_alloc : memref<!tpu.dma_semaphore, #tpu.memory_space<semaphore_mem>>
        %dma_start3A_22 = tpu.memref_slice %arg4[%add3A_11] : memref<320000xi32, #tpu.memory_space<hbm>> -> memref<80xi32, #tpu.memory_space<hbm>>
        %dma_start3A_23 = tpu.memref_slice %arg4[%add3A_11] : memref<320000xi32, #tpu.memory_space<hbm>> -> memref<80xi32, #tpu.memory_space<hbm>>
        tpu.enqueue_dma source(%dma_start3A_23 : memref<80xi32, #tpu.memory_space<hbm>>) target(%arg8 : memref<80xi32, #tpu.memory_space<vmem>>) target_semaphore(%run_scoped3A : memref<!tpu.dma_semaphore, #tpu.memory_space<semaphore_mem>>)
        %dma_wait3A_24 = tpu.memref_slice %arg4[%add3A_11] : memref<320000xi32, #tpu.memory_space<hbm>> -> memref<80xi32, #tpu.memory_space<hbm>>
        %dma_wait3A_25 = tpu.memref_slice %arg4[%add3A_11] : memref<320000xi32, #tpu.memory_space<hbm>> -> memref<80xi32, #tpu.memory_space<hbm>>
        tpu.wait_dma2 semaphore(%run_scoped3A : memref<!tpu.dma_semaphore, #tpu.memory_space<semaphore_mem>>) src(%dma_wait3A_25 : memref<80xi32, #tpu.memory_space<hbm>>) dst(%arg8 : memref<80xi32, #tpu.memory_space<vmem>>)
        tpu.yield
      }) : () -> ()
      %dma_start3A = arith.constant 0 : i32
      %dma_start3A_12 = arith.constant 0 : i32
      %dma_start3A_13 = tpu.memref_slice %arg2[%dma_start3A, %dma_start3A_12] : memref<10240x128xf32, #tpu.memory_space<hbm>> -> memref<10240x128xf32, #tpu.memory_space<hbm>>
      tpu.enqueue_indirect_dma source(%dma_start3A_13 : memref<10240x128xf32, #tpu.memory_space<hbm>>) target(%arg9 : memref<80x128xf32, #tpu.memory_space<vmem>>) offsets(%arg7 : memref<80xi32, #tpu.memory_space<vmem>>) semaphore(%arg11 : memref<!tpu.dma_semaphore, #tpu.memory_space<semaphore_mem>>)
      %dma_wait3A = arith.constant 0 : i32
      %dma_wait3A_14 = arith.constant 0 : i32
      %dma_wait3A_15 = tpu.memref_slice %arg2[%dma_wait3A, %dma_wait3A_14] : memref<10240x128xf32, #tpu.memory_space<hbm>> -> memref<10240x128xf32, #tpu.memory_space<hbm>>
      tpu.wait_indirect_dma semaphore(%arg11 : memref<!tpu.dma_semaphore, #tpu.memory_space<semaphore_mem>>) src(%dma_wait3A_15 : memref<10240x128xf32, #tpu.memory_space<hbm>>) dst(%arg9 : memref<80x128xf32, #tpu.memory_space<vmem>>)
      %dma_start3A_16 = arith.constant 0 : i32
      %dma_start3A_17 = arith.constant 0 : i32
      %dma_start3A_18 = tpu.memref_slice %arg2[%dma_start3A_16, %dma_start3A_17] : memref<10240x128xf32, #tpu.memory_space<hbm>> -> memref<10240x128xf32, #tpu.memory_space<hbm>>
      tpu.enqueue_indirect_dma source(%dma_start3A_18 : memref<10240x128xf32, #tpu.memory_space<hbm>>) target(%arg10 : memref<80x128xf32, #tpu.memory_space<vmem>>) offsets(%arg8 : memref<80xi32, #tpu.memory_space<vmem>>) semaphore(%arg12 : memref<!tpu.dma_semaphore, #tpu.memory_space<semaphore_mem>>)
      %dma_wait3A_19 = arith.constant 0 : i32
      %dma_wait3A_20 = arith.constant 0 : i32
      %dma_wait3A_21 = tpu.memref_slice %arg2[%dma_wait3A_19, %dma_wait3A_20] : memref<10240x128xf32, #tpu.memory_space<hbm>> -> memref<10240x128xf32, #tpu.memory_space<hbm>>
      tpu.wait_indirect_dma semaphore(%arg12 : memref<!tpu.dma_semaphore, #tpu.memory_space<semaphore_mem>>) src(%dma_wait3A_21 : memref<10240x128xf32, #tpu.memory_space<hbm>>) dst(%arg10 : memref<80x128xf32, #tpu.memory_space<vmem>>)
      "tpu.region"() ({
        %run_scoped3A = tpu.sem_alloc : memref<!tpu.dma_semaphore, #tpu.memory_space<semaphore_mem>>
        %dma_start3A_22 = arith.constant 0 : i32
        %dma_start3A_23 = tpu.memref_slice %arg5[%add3A_11, %dma_start3A_22] : memref<320000x128xf32, #tpu.memory_space<hbm>> -> memref<80x128xf32, #tpu.memory_space<hbm>>
        %dma_start3A_24 = arith.constant 0 : i32
        %dma_start3A_25 = tpu.memref_slice %arg5[%add3A_11, %dma_start3A_24] : memref<320000x128xf32, #tpu.memory_space<hbm>> -> memref<80x128xf32, #tpu.memory_space<hbm>>
        tpu.enqueue_dma source(%arg9 : memref<80x128xf32, #tpu.memory_space<vmem>>) target(%dma_start3A_25 : memref<80x128xf32, #tpu.memory_space<hbm>>) target_semaphore(%run_scoped3A : memref<!tpu.dma_semaphore, #tpu.memory_space<semaphore_mem>>)
        %dma_wait3A_26 = arith.constant 0 : i32
        %dma_wait3A_27 = tpu.memref_slice %arg5[%add3A_11, %dma_wait3A_26] : memref<320000x128xf32, #tpu.memory_space<hbm>> -> memref<80x128xf32, #tpu.memory_space<hbm>>
        %dma_wait3A_28 = arith.constant 0 : i32
        %dma_wait3A_29 = tpu.memref_slice %arg5[%add3A_11, %dma_wait3A_28] : memref<320000x128xf32, #tpu.memory_space<hbm>> -> memref<80x128xf32, #tpu.memory_space<hbm>>
        tpu.wait_dma2 semaphore(%run_scoped3A : memref<!tpu.dma_semaphore, #tpu.memory_space<semaphore_mem>>) src(%arg9 : memref<80x128xf32, #tpu.memory_space<vmem>>) dst(%dma_wait3A_29 : memref<80x128xf32, #tpu.memory_space<hbm>>)
        tpu.yield
      }) : () -> ()
      "tpu.region"() ({
        %run_scoped3A = tpu.sem_alloc : memref<!tpu.dma_semaphore, #tpu.memory_space<semaphore_mem>>
        %dma_start3A_22 = arith.constant 0 : i32
        %dma_start3A_23 = tpu.memref_slice %arg6[%add3A_11, %dma_start3A_22] : memref<320000x128xf32, #tpu.memory_space<hbm>> -> memref<80x128xf32, #tpu.memory_space<hbm>>
        %dma_start3A_24 = arith.constant 0 : i32
        %dma_start3A_25 = tpu.memref_slice %arg6[%add3A_11, %dma_start3A_24] : memref<320000x128xf32, #tpu.memory_space<hbm>> -> memref<80x128xf32, #tpu.memory_space<hbm>>
        tpu.enqueue_dma source(%arg10 : memref<80x128xf32, #tpu.memory_space<vmem>>) target(%dma_start3A_25 : memref<80x128xf32, #tpu.memory_space<hbm>>) target_semaphore(%run_scoped3A : memref<!tpu.dma_semaphore, #tpu.memory_space<semaphore_mem>>)
        %dma_wait3A_26 = arith.constant 0 : i32
        %dma_wait3A_27 = tpu.memref_slice %arg6[%add3A_11, %dma_wait3A_26] : memref<320000x128xf32, #tpu.memory_space<hbm>> -> memref<80x128xf32, #tpu.memory_space<hbm>>
        %dma_wait3A_28 = arith.constant 0 : i32
        %dma_wait3A_29 = tpu.memref_slice %arg6[%add3A_11, %dma_wait3A_28] : memref<320000x128xf32, #tpu.memory_space<hbm>> -> memref<80x128xf32, #tpu.memory_space<hbm>>
        tpu.wait_dma2 semaphore(%run_scoped3A : memref<!tpu.dma_semaphore, #tpu.memory_space<semaphore_mem>>) src(%arg10 : memref<80x128xf32, #tpu.memory_space<vmem>>) dst(%dma_wait3A_29 : memref<80x128xf32, #tpu.memory_space<hbm>>)
        tpu.yield
      }) : () -> ()
    }
    %scan3A_5 = arith.constant 125 : i32
    return
  }
}

#map = affine_map<(d0, d1) -> (0, 0)>
#map1 = affine_map<(d0, d1) -> (0)>
#map2 = affine_map<(d0, d1) -> (0, 0, 0)>
module attributes {stable_mosaic.version = 14 : i64} {
  func.func @k(%arg0: i32, %arg1: i32, %arg2: memref<320000x128xf32, #tpu.memory_space<hbm>>, %arg3: memref<320000x128xf32, #tpu.memory_space<hbm>>, %arg4: memref<320000xi32, #tpu.memory_space<hbm>>, %arg5: memref<320000xi32, #tpu.memory_space<hbm>>, %arg6: memref<2x10240x128xf32, #tpu.memory_space<hbm>>, %arg7: memref<80xi32, #tpu.memory_space<vmem>>, %arg8: memref<80xi32, #tpu.memory_space<vmem>>, %arg9: memref<80x128xf32, #tpu.memory_space<vmem>>, %arg10: memref<80x128xf32, #tpu.memory_space<vmem>>, %arg11: memref<80x128xf32, #tpu.memory_space<vmem>>, %arg12: memref<10240x128xf32, #tpu.memory_space<vmem_shared>>) attributes {dimension_semantics = [#tpu.dimension_semantics<core_parallel>, #tpu.dimension_semantics<subcore_parallel>], iteration_bounds = array<i64: 2, 16>, scalar_prefetch = 0 : i64, scratch_operands = 6 : i64, tpu.core_type = #tpu.core_type<sc_vector_subcore>, window_params = [{transform_indices = #map}, {transform_indices = #map}, {transform_indices = #map1}, {transform_indices = #map1}, {transform_indices = #map2}]} {
    %mul3A = arith.constant 16 : i32
    %mul3A_0 = arith.muli %arg0, %mul3A : i32
    %add3A = arith.addi %mul3A_0, %arg1 : i32
    %broadcast_in_dim3A = arith.constant 0.000000e+00 : f32
    %broadcast_in_dim3A_1 = vector.broadcast %broadcast_in_dim3A : f32 to vector<16xf32>
    %scan3A = arith.constant 0 : i32
    %scan3A_2 = arith.constant 0 : i32
    %scan3A_3 = arith.constant 80 : i32
    %scan3A_4 = arith.addi %scan3A_2, %scan3A_3 : i32
    %scan3A_5 = arith.constant 1 : i32
    scf.for %scan3A_24 = %scan3A_2 to %scan3A_4 step %scan3A_5  : i32 {
      %swap3A = arith.index_cast %scan3A_24 : i32 to index
      %swap3A_25 = arith.constant 0 : index
      %swap3A_26 = tpu.vector_load %arg11[%swap3A, %swap3A_25] {strides = array<i32>} : memref<80x128xf32, #tpu.memory_space<vmem>>, vector<1x16xf32>,
      %swap3A_27 = vector.shape_cast %swap3A_26 : vector<1x16xf32> to vector<16xf32>
      %swap3A_28 = vector.shape_cast %broadcast_in_dim3A_1 : vector<16xf32> to vector<1x16xf32>
      tpu.vector_store %arg11[%swap3A, %swap3A_25], %swap3A_28 {strides = array<i32>} : memref<80x128xf32, #tpu.memory_space<vmem>>, vector<1x16xf32>,
      %swap3A_29 = arith.index_cast %scan3A_24 : i32 to index
      %swap3A_30 = arith.constant 16 : index
      %swap3A_31 = tpu.vector_load %arg11[%swap3A_29, %swap3A_30] {strides = array<i32>} : memref<80x128xf32, #tpu.memory_space<vmem>>, vector<1x16xf32>,
      %swap3A_32 = vector.shape_cast %swap3A_31 : vector<1x16xf32> to vector<16xf32>
      %swap3A_33 = vector.shape_cast %broadcast_in_dim3A_1 : vector<16xf32> to vector<1x16xf32>
      tpu.vector_store %arg11[%swap3A_29, %swap3A_30], %swap3A_33 {strides = array<i32>} : memref<80x128xf32, #tpu.memory_space<vmem>>, vector<1x16xf32>,
      %swap3A_34 = arith.index_cast %scan3A_24 : i32 to index
      %swap3A_35 = arith.constant 32 : index
      %swap3A_36 = tpu.vector_load %arg11[%swap3A_34, %swap3A_35] {strides = array<i32>} : memref<80x128xf32, #tpu.memory_space<vmem>>, vector<1x16xf32>,
      %swap3A_37 = vector.shape_cast %swap3A_36 : vector<1x16xf32> to vector<16xf32>
      %swap3A_38 = vector.shape_cast %broadcast_in_dim3A_1 : vector<16xf32> to vector<1x16xf32>
      tpu.vector_store %arg11[%swap3A_34, %swap3A_35], %swap3A_38 {strides = array<i32>} : memref<80x128xf32, #tpu.memory_space<vmem>>, vector<1x16xf32>,
      %swap3A_39 = arith.index_cast %scan3A_24 : i32 to index
      %swap3A_40 = arith.constant 48 : index
      %swap3A_41 = tpu.vector_load %arg11[%swap3A_39, %swap3A_40] {strides = array<i32>} : memref<80x128xf32, #tpu.memory_space<vmem>>, vector<1x16xf32>,
      %swap3A_42 = vector.shape_cast %swap3A_41 : vector<1x16xf32> to vector<16xf32>
      %swap3A_43 = vector.shape_cast %broadcast_in_dim3A_1 : vector<16xf32> to vector<1x16xf32>
      tpu.vector_store %arg11[%swap3A_39, %swap3A_40], %swap3A_43 {strides = array<i32>} : memref<80x128xf32, #tpu.memory_space<vmem>>, vector<1x16xf32>,
      %swap3A_44 = arith.index_cast %scan3A_24 : i32 to index
      %swap3A_45 = arith.constant 64 : index
      %swap3A_46 = tpu.vector_load %arg11[%swap3A_44, %swap3A_45] {strides = array<i32>} : memref<80x128xf32, #tpu.memory_space<vmem>>, vector<1x16xf32>,
      %swap3A_47 = vector.shape_cast %swap3A_46 : vector<1x16xf32> to vector<16xf32>
      %swap3A_48 = vector.shape_cast %broadcast_in_dim3A_1 : vector<16xf32> to vector<1x16xf32>
      tpu.vector_store %arg11[%swap3A_44, %swap3A_45], %swap3A_48 {strides = array<i32>} : memref<80x128xf32, #tpu.memory_space<vmem>>, vector<1x16xf32>,
      %swap3A_49 = arith.index_cast %scan3A_24 : i32 to index
      %swap3A_50 = arith.constant 80 : index
      %swap3A_51 = tpu.vector_load %arg11[%swap3A_49, %swap3A_50] {strides = array<i32>} : memref<80x128xf32, #tpu.memory_space<vmem>>, vector<1x16xf32>,
      %swap3A_52 = vector.shape_cast %swap3A_51 : vector<1x16xf32> to vector<16xf32>
      %swap3A_53 = vector.shape_cast %broadcast_in_dim3A_1 : vector<16xf32> to vector<1x16xf32>
      tpu.vector_store %arg11[%swap3A_49, %swap3A_50], %swap3A_53 {strides = array<i32>} : memref<80x128xf32, #tpu.memory_space<vmem>>, vector<1x16xf32>,
      %swap3A_54 = arith.index_cast %scan3A_24 : i32 to index
      %swap3A_55 = arith.constant 96 : index
      %swap3A_56 = tpu.vector_load %arg11[%swap3A_54, %swap3A_55] {strides = array<i32>} : memref<80x128xf32, #tpu.memory_space<vmem>>, vector<1x16xf32>,
      %swap3A_57 = vector.shape_cast %swap3A_56 : vector<1x16xf32> to vector<16xf32>
      %swap3A_58 = vector.shape_cast %broadcast_in_dim3A_1 : vector<16xf32> to vector<1x16xf32>
      tpu.vector_store %arg11[%swap3A_54, %swap3A_55], %swap3A_58 {strides = array<i32>} : memref<80x128xf32, #tpu.memory_space<vmem>>, vector<1x16xf32>,
      %swap3A_59 = arith.index_cast %scan3A_24 : i32 to index
      %swap3A_60 = arith.constant 112 : index
      %swap3A_61 = tpu.vector_load %arg11[%swap3A_59, %swap3A_60] {strides = array<i32>} : memref<80x128xf32, #tpu.memory_space<vmem>>, vector<1x16xf32>,
      %swap3A_62 = vector.shape_cast %swap3A_61 : vector<1x16xf32> to vector<16xf32>
      %swap3A_63 = vector.shape_cast %broadcast_in_dim3A_1 : vector<16xf32> to vector<1x16xf32>
      tpu.vector_store %arg11[%swap3A_59, %swap3A_60], %swap3A_63 {strides = array<i32>} : memref<80x128xf32, #tpu.memory_space<vmem>>, vector<1x16xf32>,
    }
    %scan3A_6 = arith.constant 80 : i32
    %scan3A_7 = arith.constant 0 : i32
    %scan3A_8 = arith.constant 0 : i32
    %scan3A_9 = arith.constant 8 : i32
    %scan3A_10 = arith.addi %scan3A_8, %scan3A_9 : i32
    %scan3A_11 = arith.constant 1 : i32
    scf.for %scan3A_24 = %scan3A_8 to %scan3A_10 step %scan3A_11  : i32 {
      %mul3A_25 = arith.constant 640 : i32
      %mul3A_26 = arith.muli %arg1, %mul3A_25 : i32
      %mul3A_27 = arith.constant 80 : i32
      %mul3A_28 = arith.muli %scan3A_24, %mul3A_27 : i32
      %add3A_29 = arith.addi %mul3A_26, %mul3A_28 : i32
      "tpu.region"() ({
        %run_scoped3A = tpu.sem_alloc : memref<!tpu.dma_semaphore, #tpu.memory_space<semaphore_mem>>
        %dma_start3A = arith.constant 0 : i32
        %dma_start3A_30 = tpu.memref_slice %arg12[%add3A_29, %dma_start3A] : memref<10240x128xf32, #tpu.memory_space<vmem_shared>> -> memref<80x128xf32, #tpu.memory_space<vmem_shared>>
        %dma_start3A_31 = arith.constant 0 : i32
        %dma_start3A_32 = tpu.memref_slice %arg12[%add3A_29, %dma_start3A_31] : memref<10240x128xf32, #tpu.memory_space<vmem_shared>> -> memref<80x128xf32, #tpu.memory_space<vmem_shared>>
        tpu.enqueue_dma source(%arg11 : memref<80x128xf32, #tpu.memory_space<vmem>>) target(%dma_start3A_32 : memref<80x128xf32, #tpu.memory_space<vmem_shared>>) target_semaphore(%run_scoped3A : memref<!tpu.dma_semaphore, #tpu.memory_space<semaphore_mem>>)
        %dma_wait3A = arith.constant 0 : i32
        %dma_wait3A_33 = tpu.memref_slice %arg12[%add3A_29, %dma_wait3A] : memref<10240x128xf32, #tpu.memory_space<vmem_shared>> -> memref<80x128xf32, #tpu.memory_space<vmem_shared>>
        %dma_wait3A_34 = arith.constant 0 : i32
        %dma_wait3A_35 = tpu.memref_slice %arg12[%add3A_29, %dma_wait3A_34] : memref<10240x128xf32, #tpu.memory_space<vmem_shared>> -> memref<80x128xf32, #tpu.memory_space<vmem_shared>>
        tpu.wait_dma2 semaphore(%run_scoped3A : memref<!tpu.dma_semaphore, #tpu.memory_space<semaphore_mem>>) src(%arg11 : memref<80x128xf32, #tpu.memory_space<vmem>>) dst(%dma_wait3A_35 : memref<80x128xf32, #tpu.memory_space<vmem_shared>>)
        tpu.yield
      }) : () -> ()
    }
    %scan3A_12 = arith.constant 8 : i32
    %barrier3A = arith.constant 0 : index
    tpu.barrier barrier_id(%barrier3A)
    %scan3A_13 = arith.constant 0 : i32
    %scan3A_14 = arith.constant 0 : i32
    %scan3A_15 = arith.constant 125 : i32
    %scan3A_16 = arith.addi %scan3A_14, %scan3A_15 : i32
    %scan3A_17 = arith.constant 1 : i32
    scf.for %scan3A_24 = %scan3A_14 to %scan3A_16 step %scan3A_17  : i32 {
      %mul3A_25 = arith.constant 10000 : i32
      %mul3A_26 = arith.muli %add3A, %mul3A_25 : i32
      %mul3A_27 = arith.constant 80 : i32
      %mul3A_28 = arith.muli %scan3A_24, %mul3A_27 : i32
      %add3A_29 = arith.addi %mul3A_26, %mul3A_28 : i32
      "tpu.region"() ({
        %run_scoped3A = tpu.sem_alloc : memref<!tpu.dma_semaphore, #tpu.memory_space<semaphore_mem>>
        %dma_start3A = tpu.memref_slice %arg4[%add3A_29] : memref<320000xi32, #tpu.memory_space<hbm>> -> memref<80xi32, #tpu.memory_space<hbm>>
        %dma_start3A_30 = tpu.memref_slice %arg4[%add3A_29] : memref<320000xi32, #tpu.memory_space<hbm>> -> memref<80xi32, #tpu.memory_space<hbm>>
        tpu.enqueue_dma source(%dma_start3A_30 : memref<80xi32, #tpu.memory_space<hbm>>) target(%arg7 : memref<80xi32, #tpu.memory_space<vmem>>) target_semaphore(%run_scoped3A : memref<!tpu.dma_semaphore, #tpu.memory_space<semaphore_mem>>)
        %dma_wait3A = tpu.memref_slice %arg4[%add3A_29] : memref<320000xi32, #tpu.memory_space<hbm>> -> memref<80xi32, #tpu.memory_space<hbm>>
        %dma_wait3A_31 = tpu.memref_slice %arg4[%add3A_29] : memref<320000xi32, #tpu.memory_space<hbm>> -> memref<80xi32, #tpu.memory_space<hbm>>
        tpu.wait_dma2 semaphore(%run_scoped3A : memref<!tpu.dma_semaphore, #tpu.memory_space<semaphore_mem>>) src(%dma_wait3A_31 : memref<80xi32, #tpu.memory_space<hbm>>) dst(%arg7 : memref<80xi32, #tpu.memory_space<vmem>>)
        tpu.yield
      }) : () -> ()
      "tpu.region"() ({
        %run_scoped3A = tpu.sem_alloc : memref<!tpu.dma_semaphore, #tpu.memory_space<semaphore_mem>>
        %dma_start3A = tpu.memref_slice %arg5[%add3A_29] : memref<320000xi32, #tpu.memory_space<hbm>> -> memref<80xi32, #tpu.memory_space<hbm>>
        %dma_start3A_30 = tpu.memref_slice %arg5[%add3A_29] : memref<320000xi32, #tpu.memory_space<hbm>> -> memref<80xi32, #tpu.memory_space<hbm>>
        tpu.enqueue_dma source(%dma_start3A_30 : memref<80xi32, #tpu.memory_space<hbm>>) target(%arg8 : memref<80xi32, #tpu.memory_space<vmem>>) target_semaphore(%run_scoped3A : memref<!tpu.dma_semaphore, #tpu.memory_space<semaphore_mem>>)
        %dma_wait3A = tpu.memref_slice %arg5[%add3A_29] : memref<320000xi32, #tpu.memory_space<hbm>> -> memref<80xi32, #tpu.memory_space<hbm>>
        %dma_wait3A_31 = tpu.memref_slice %arg5[%add3A_29] : memref<320000xi32, #tpu.memory_space<hbm>> -> memref<80xi32, #tpu.memory_space<hbm>>
        tpu.wait_dma2 semaphore(%run_scoped3A : memref<!tpu.dma_semaphore, #tpu.memory_space<semaphore_mem>>) src(%dma_wait3A_31 : memref<80xi32, #tpu.memory_space<hbm>>) dst(%arg8 : memref<80xi32, #tpu.memory_space<vmem>>)
        tpu.yield
      }) : () -> ()
      "tpu.region"() ({
        %run_scoped3A = tpu.sem_alloc : memref<!tpu.dma_semaphore, #tpu.memory_space<semaphore_mem>>
        %dma_start3A = arith.constant 0 : i32
        %dma_start3A_30 = tpu.memref_slice %arg2[%add3A_29, %dma_start3A] : memref<320000x128xf32, #tpu.memory_space<hbm>> -> memref<80x128xf32, #tpu.memory_space<hbm>>
        %dma_start3A_31 = arith.constant 0 : i32
        %dma_start3A_32 = tpu.memref_slice %arg2[%add3A_29, %dma_start3A_31] : memref<320000x128xf32, #tpu.memory_space<hbm>> -> memref<80x128xf32, #tpu.memory_space<hbm>>
        tpu.enqueue_dma source(%dma_start3A_32 : memref<80x128xf32, #tpu.memory_space<hbm>>) target(%arg9 : memref<80x128xf32, #tpu.memory_space<vmem>>) target_semaphore(%run_scoped3A : memref<!tpu.dma_semaphore, #tpu.memory_space<semaphore_mem>>)
        %dma_wait3A = arith.constant 0 : i32
        %dma_wait3A_33 = tpu.memref_slice %arg2[%add3A_29, %dma_wait3A] : memref<320000x128xf32, #tpu.memory_space<hbm>> -> memref<80x128xf32, #tpu.memory_space<hbm>>
        %dma_wait3A_34 = arith.constant 0 : i32
        %dma_wait3A_35 = tpu.memref_slice %arg2[%add3A_29, %dma_wait3A_34] : memref<320000x128xf32, #tpu.memory_space<hbm>> -> memref<80x128xf32, #tpu.memory_space<hbm>>
        tpu.wait_dma2 semaphore(%run_scoped3A : memref<!tpu.dma_semaphore, #tpu.memory_space<semaphore_mem>>) src(%dma_wait3A_35 : memref<80x128xf32, #tpu.memory_space<hbm>>) dst(%arg9 : memref<80x128xf32, #tpu.memory_space<vmem>>)
        tpu.yield
      }) : () -> ()
      "tpu.region"() ({
        %run_scoped3A = tpu.sem_alloc : memref<!tpu.dma_semaphore, #tpu.memory_space<semaphore_mem>>
        %dma_start3A = arith.constant 0 : i32
        %dma_start3A_30 = tpu.memref_slice %arg3[%add3A_29, %dma_start3A] : memref<320000x128xf32, #tpu.memory_space<hbm>> -> memref<80x128xf32, #tpu.memory_space<hbm>>
        %dma_start3A_31 = arith.constant 0 : i32
        %dma_start3A_32 = tpu.memref_slice %arg3[%add3A_29, %dma_start3A_31] : memref<320000x128xf32, #tpu.memory_space<hbm>> -> memref<80x128xf32, #tpu.memory_space<hbm>>
        tpu.enqueue_dma source(%dma_start3A_32 : memref<80x128xf32, #tpu.memory_space<hbm>>) target(%arg10 : memref<80x128xf32, #tpu.memory_space<vmem>>) target_semaphore(%run_scoped3A : memref<!tpu.dma_semaphore, #tpu.memory_space<semaphore_mem>>)
        %dma_wait3A = arith.constant 0 : i32
        %dma_wait3A_33 = tpu.memref_slice %arg3[%add3A_29, %dma_wait3A] : memref<320000x128xf32, #tpu.memory_space<hbm>> -> memref<80x128xf32, #tpu.memory_space<hbm>>
        %dma_wait3A_34 = arith.constant 0 : i32
        %dma_wait3A_35 = tpu.memref_slice %arg3[%add3A_29, %dma_wait3A_34] : memref<320000x128xf32, #tpu.memory_space<hbm>> -> memref<80x128xf32, #tpu.memory_space<hbm>>
        tpu.wait_dma2 semaphore(%run_scoped3A : memref<!tpu.dma_semaphore, #tpu.memory_space<semaphore_mem>>) src(%dma_wait3A_35 : memref<80x128xf32, #tpu.memory_space<hbm>>) dst(%arg10 : memref<80x128xf32, #tpu.memory_space<vmem>>)
        tpu.yield
      }) : () -> ()
      "tpu.region"() ({
        %run_scoped3A = tpu.sem_alloc : memref<!tpu.dma_semaphore, #tpu.memory_space<semaphore_mem>>
        %dma_start3A = arith.constant 0 : i32
        %dma_start3A_30 = arith.constant 0 : i32
        %dma_start3A_31 = tpu.memref_slice %arg12[%dma_start3A, %dma_start3A_30] : memref<10240x128xf32, #tpu.memory_space<vmem_shared>> -> memref<10240x128xf32, #tpu.memory_space<vmem_shared>>
        tpu.enqueue_indirect_dma source(%arg9 : memref<80x128xf32, #tpu.memory_space<vmem>>) target(%dma_start3A_31 : memref<10240x128xf32, #tpu.memory_space<vmem_shared>>) offsets(%arg7 : memref<80xi32, #tpu.memory_space<vmem>>) semaphore(%run_scoped3A : memref<!tpu.dma_semaphore, #tpu.memory_space<semaphore_mem>>) {add = true}
        %dma_wait3A = arith.constant 0 : i32
        %dma_wait3A_32 = arith.constant 0 : i32
        %dma_wait3A_33 = tpu.memref_slice %arg12[%dma_wait3A, %dma_wait3A_32] : memref<10240x128xf32, #tpu.memory_space<vmem_shared>> -> memref<10240x128xf32, #tpu.memory_space<vmem_shared>>
        tpu.wait_indirect_dma semaphore(%run_scoped3A : memref<!tpu.dma_semaphore, #tpu.memory_space<semaphore_mem>>) src(%arg9 : memref<80x128xf32, #tpu.memory_space<vmem>>) dst(%dma_wait3A_33 : memref<10240x128xf32, #tpu.memory_space<vmem_shared>>)
        tpu.yield
      }) : () -> ()
      "tpu.region"() ({
        %run_scoped3A = tpu.sem_alloc : memref<!tpu.dma_semaphore, #tpu.memory_space<semaphore_mem>>
        %dma_start3A = arith.constant 0 : i32
        %dma_start3A_30 = arith.constant 0 : i32
        %dma_start3A_31 = tpu.memref_slice %arg12[%dma_start3A, %dma_start3A_30] : memref<10240x128xf32, #tpu.memory_space<vmem_shared>> -> memref<10240x128xf32, #tpu.memory_space<vmem_shared>>
        tpu.enqueue_indirect_dma source(%arg10 : memref<80x128xf32, #tpu.memory_space<vmem>>) target(%dma_start3A_31 : memref<10240x128xf32, #tpu.memory_space<vmem_shared>>) offsets(%arg8 : memref<80xi32, #tpu.memory_space<vmem>>) semaphore(%run_scoped3A : memref<!tpu.dma_semaphore, #tpu.memory_space<semaphore_mem>>) {add = true}
        %dma_wait3A = arith.constant 0 : i32
        %dma_wait3A_32 = arith.constant 0 : i32
        %dma_wait3A_33 = tpu.memref_slice %arg12[%dma_wait3A, %dma_wait3A_32] : memref<10240x128xf32, #tpu.memory_space<vmem_shared>> -> memref<10240x128xf32, #tpu.memory_space<vmem_shared>>
        tpu.wait_indirect_dma semaphore(%run_scoped3A : memref<!tpu.dma_semaphore, #tpu.memory_space<semaphore_mem>>) src(%arg10 : memref<80x128xf32, #tpu.memory_space<vmem>>) dst(%dma_wait3A_33 : memref<10240x128xf32, #tpu.memory_space<vmem_shared>>)
        tpu.yield
      }) : () -> ()
    }
    %scan3A_18 = arith.constant 125 : i32
    %barrier3A_19 = arith.constant 0 : index
    tpu.barrier barrier_id(%barrier3A_19)
    %mul3A_20 = arith.constant 640 : i32
    %mul3A_21 = arith.muli %arg1, %mul3A_20 : i32
    %mul3A_22 = arith.constant 640 : i32
    %mul3A_23 = arith.muli %arg1, %mul3A_22 : i32
    "tpu.region"() ({
      %run_scoped3A = tpu.sem_alloc : memref<!tpu.dma_semaphore, #tpu.memory_space<semaphore_mem>>
      %dma_start3A = arith.constant 0 : i32
      %dma_start3A_24 = arith.constant 0 : i32
      %dma_start3A_25 = tpu.memref_slice %arg6[%arg0, %dma_start3A, %dma_start3A_24] : memref<2x10240x128xf32, #tpu.memory_space<hbm>> -> memref<1x10240x128xf32, #tpu.memory_space<hbm>>
      %dma_start3A_26 = tpu.memref_squeeze %dma_start3A_25 : memref<1x10240x128xf32, #tpu.memory_space<hbm>> -> memref<10240x128xf32, #tpu.memory_space<hbm>>
      %dma_start3A_27 = arith.constant 0 : i32
      %dma_start3A_28 = tpu.memref_slice %dma_start3A_26[%mul3A_23, %dma_start3A_27] : memref<10240x128xf32, #tpu.memory_space<hbm>> -> memref<640x128xf32, #tpu.memory_space<hbm>>
      %dma_start3A_29 = arith.constant 0 : i32
      %dma_start3A_30 = tpu.memref_slice %arg12[%mul3A_21, %dma_start3A_29] : memref<10240x128xf32, #tpu.memory_space<vmem_shared>> -> memref<640x128xf32, #tpu.memory_space<vmem_shared>>
      tpu.enqueue_dma source(%dma_start3A_30 : memref<640x128xf32, #tpu.memory_space<vmem_shared>>) target(%dma_start3A_28 : memref<640x128xf32, #tpu.memory_space<hbm>>) target_semaphore(%run_scoped3A : memref<!tpu.dma_semaphore, #tpu.memory_space<semaphore_mem>>)
      %dma_wait3A = arith.constant 0 : i32
      %dma_wait3A_31 = arith.constant 0 : i32
      %dma_wait3A_32 = tpu.memref_slice %arg6[%arg0, %dma_wait3A, %dma_wait3A_31] : memref<2x10240x128xf32, #tpu.memory_space<hbm>> -> memref<1x10240x128xf32, #tpu.memory_space<hbm>>
      %dma_wait3A_33 = tpu.memref_squeeze %dma_wait3A_32 : memref<1x10240x128xf32, #tpu.memory_space<hbm>> -> memref<10240x128xf32, #tpu.memory_space<hbm>>
      %dma_wait3A_34 = arith.constant 0 : i32
      %dma_wait3A_35 = tpu.memref_slice %dma_wait3A_33[%mul3A_23, %dma_wait3A_34] : memref<10240x128xf32, #tpu.memory_space<hbm>> -> memref<640x128xf32, #tpu.memory_space<hbm>>
      %dma_wait3A_36 = arith.constant 0 : i32
      %dma_wait3A_37 = tpu.memref_slice %arg12[%mul3A_21, %dma_wait3A_36] : memref<10240x128xf32, #tpu.memory_space<vmem_shared>> -> memref<640x128xf32, #tpu.memory_space<vmem_shared>>
      tpu.wait_dma2 semaphore(%run_scoped3A : memref<!tpu.dma_semaphore, #tpu.memory_space<semaphore_mem>>) src(%dma_wait3A_37 : memref<640x128xf32, #tpu.memory_space<vmem_shared>>) dst(%dma_wait3A_35 : memref<640x128xf32, #tpu.memory_space<hbm>>)
      tpu.yield
    }) : () -> ()
    return
  }
}

module attributes {stable_mosaic.version = 14 : i64} {
  func.func @_mlp_body(%arg0: i32, %arg1: memref<1000x128xf32, #tpu.memory_space<vmem>>, %arg2: memref<128x64xf32, #tpu.memory_space<vmem>>, %arg3: memref<1x64xf32, #tpu.memory_space<vmem>>, %arg4: memref<64x128xf32, #tpu.memory_space<vmem>>, %arg5: memref<1x128xf32, #tpu.memory_space<vmem>>, %arg6: memref<1000x128xf32, #tpu.memory_space<vmem>>) attributes {dimension_semantics = [#tpu.dimension_semantics<arbitrary>], iteration_bounds = array<i64: 10>, scalar_prefetch = 0 : i64, scratch_operands = 0 : i64, tpu.core_type = #tpu.core_type<tc>, window_params = [{transform_indices = @transform_0, window_bounds = array<i64: 1000, 128>}, {pipeline_mode = #tpu.pipeline_mode<synchronous>, transform_indices = @transform_1, window_bounds = array<i64: 128, 64>}, {pipeline_mode = #tpu.pipeline_mode<synchronous>, transform_indices = @transform_2, window_bounds = array<i64: 1, 64>}, {pipeline_mode = #tpu.pipeline_mode<synchronous>, transform_indices = @transform_3, window_bounds = array<i64: 64, 128>}, {pipeline_mode = #tpu.pipeline_mode<synchronous>, transform_indices = @transform_4, window_bounds = array<i64: 1, 128>}, {transform_indices = @transform_5, window_bounds = array<i64: 1000, 128>}]} {
    %get3A = arith.constant 0 : index
    %get3A_0 = arith.constant 0 : index
    %get3A_1 = vector.load %arg1[%get3A, %get3A_0] : memref<1000x128xf32, #tpu.memory_space<vmem>>, vector<1000x128xf32>
    %get3A_2 = arith.constant 0 : index
    %get3A_3 = arith.constant 0 : index
    %get3A_4 = vector.load %arg2[%get3A_2, %get3A_3] : memref<128x64xf32, #tpu.memory_space<vmem>>, vector<128x64xf32>
    %dot_general3A = arith.constant dense<0.000000e+00> : vector<1000x64xf32>
    %dot_general3A_5 = tpu.matmul %get3A_1, %get3A_4, %dot_general3A {dimension_numbers = #tpu.dot_dimension_numbers<[1], [0], [0], [1], [0, 0, 1, 1], [], []>, transpose_lhs_hint = false} : vector<1000x128xf32>, vector<128x64xf32>, vector<1000x64xf32> -> vector<1000x64xf32>
    %get3A_6 = arith.constant 0 : index
    %get3A_7 = arith.constant 0 : index
    %get3A_8 = vector.load %arg3[%get3A_6, %get3A_7] : memref<1x64xf32, #tpu.memory_space<vmem>>, vector<1x64xf32>
    %add3A = vector.broadcast %get3A_8 : vector<1x64xf32> to vector<1000x64xf32>
    %add3A_9 = arith.addf %dot_general3A_5, %add3A : vector<1000x64xf32>
    %max3A = arith.constant 0.000000e+00 : f32
    %max3A_10 = vector.broadcast %max3A : f32 to vector<1000x64xf32>
    %max3A_11 = arith.maximumf %add3A_9, %max3A_10 : vector<1000x64xf32>
    %get3A_12 = arith.constant 0 : index
    %get3A_13 = arith.constant 0 : index
    %get3A_14 = vector.load %arg4[%get3A_12, %get3A_13] : memref<64x128xf32, #tpu.memory_space<vmem>>, vector<64x128xf32>
    %dot_general3A_15 = arith.constant dense<0.000000e+00> : vector<1000x128xf32>
    %dot_general3A_16 = tpu.matmul %max3A_11, %get3A_14, %dot_general3A_15 {dimension_numbers = #tpu.dot_dimension_numbers<[1], [0], [0], [1], [0, 0, 1, 1], [], []>, transpose_lhs_hint = false} : vector<1000x64xf32>, vector<64x128xf32>, vector<1000x128xf32> -> vector<1000x128xf32>
    %get3A_17 = arith.constant 0 : index
    %get3A_18 = arith.constant 0 : index
    %get3A_19 = vector.load %arg5[%get3A_17, %get3A_18] : memref<1x128xf32, #tpu.memory_space<vmem>>, vector<1x128xf32>
    %add3A_20 = vector.broadcast %get3A_19 : vector<1x128xf32> to vector<1000x128xf32>
    %add3A_21 = arith.addf %dot_general3A_16, %add3A_20 : vector<1000x128xf32>
    %swap3A = arith.constant 0 : index
    %swap3A_22 = arith.constant 0 : index
    %swap3A_23 = vector.load %arg6[%swap3A, %swap3A_22] : memref<1000x128xf32, #tpu.memory_space<vmem>>, vector<1000x128xf32>
    tpu.vector_store %arg6[%swap3A, %swap3A_22], %add3A_21 {strides = array<i32>} : memref<1000x128xf32, #tpu.memory_space<vmem>>, vector<1000x128xf32>,
    return
  }
  func.func @transform_0(%arg0: i32) -> (i32, i32) {
    %c0_i32 = arith.constant 0 : i32
    %c0_i32_0 = arith.constant 0 : i32
    return %arg0, %c0_i32 : i32, i32
  }
  func.func @transform_1(%arg0: i32) -> (i32, i32) {
    %c0_i32 = arith.constant 0 : i32
    %c0_i32_0 = arith.constant 0 : i32
    %c0_i32_1 = arith.constant 0 : i32
    return %c0_i32, %c0_i32_0 : i32, i32
  }
  func.func @transform_2(%arg0: i32) -> (i32, i32) {
    %c0_i32 = arith.constant 0 : i32
    %c0_i32_0 = arith.constant 0 : i32
    %c0_i32_1 = arith.constant 0 : i32
    return %c0_i32, %c0_i32_0 : i32, i32
  }
  func.func @transform_3(%arg0: i32) -> (i32, i32) {
    %c0_i32 = arith.constant 0 : i32
    %c0_i32_0 = arith.constant 0 : i32
    %c0_i32_1 = arith.constant 0 : i32
    return %c0_i32, %c0_i32_0 : i32, i32
  }
  func.func @transform_4(%arg0: i32) -> (i32, i32) {
    %c0_i32 = arith.constant 0 : i32
    %c0_i32_0 = arith.constant 0 : i32
    %c0_i32_1 = arith.constant 0 : i32
    return %c0_i32, %c0_i32_0 : i32, i32
  }
  func.func @transform_5(%arg0: i32) -> (i32, i32) {
    %c0_i32 = arith.constant 0 : i32
    %c0_i32_0 = arith.constant 0 : i32
    return %arg0, %c0_i32 : i32, i32
  }
}

module attributes {stable_mosaic.version = 14 : i64} {
  func.func @_k0_body(%arg0: i32, %arg1: memref<2x1024x16xf32, #tpu.memory_space<vmem>>, %arg2: memref<1024x1xf32, #tpu.memory_space<vmem>>) attributes {dimension_semantics = [#tpu.dimension_semantics<arbitrary>], iteration_bounds = array<i64: 10>, scalar_prefetch = 0 : i64, scratch_operands = 0 : i64, tpu.core_type = #tpu.core_type<tc>, window_params = [{transform_indices = @transform_0, window_bounds = array<i64: 2, 1024, 16>}, {transform_indices = @transform_1, window_bounds = array<i64: 1024, 1>}]} {
    %get3A = arith.constant 0 : index
    %get3A_0 = arith.constant 0 : index
    %get3A_1 = arith.constant 0 : index
    %get3A_2 = vector.load %arg1[%get3A, %get3A_0, %get3A_1] : memref<2x1024x16xf32, #tpu.memory_space<vmem>>, vector<1x1024x16xf32>
    %get3A_3 = vector.shape_cast %get3A_2 : vector<1x1024x16xf32> to vector<1024x16xf32>
    %slice3A = vector.extract_strided_slice %get3A_3 {offsets = [0, 0], sizes = [1024, 1], strides = [1, 1]} : vector<1024x16xf32> to vector<1024x1xf32>
    %get3A_4 = arith.constant 1 : index
    %get3A_5 = arith.constant 0 : index
    %get3A_6 = arith.constant 0 : index
    %get3A_7 = vector.load %arg1[%get3A_4, %get3A_5, %get3A_6] : memref<2x1024x16xf32, #tpu.memory_space<vmem>>, vector<1x1024x16xf32>
    %get3A_8 = vector.shape_cast %get3A_7 : vector<1x1024x16xf32> to vector<1024x16xf32>
    %slice3A_9 = vector.extract_strided_slice %get3A_8 {offsets = [0, 0], sizes = [1024, 1], strides = [1, 1]} : vector<1024x16xf32> to vector<1024x1xf32>
    %add3A = arith.addf %slice3A, %slice3A_9 : vector<1024x1xf32>
    %add3A_10 = arith.constant 1.000000e+00 : f32
    %add3A_11 = vector.broadcast %add3A_10 : f32 to vector<1024x1xf32>
    %add3A_12 = arith.addf %add3A, %add3A_11 : vector<1024x1xf32>
    %rsqrt3A = math.rsqrt %add3A_12 : vector<1024x1xf32>
    %swap3A = arith.constant 0 : index
    %swap3A_13 = arith.constant 0 : index
    %swap3A_14 = vector.load %arg2[%swap3A, %swap3A_13] : memref<1024x1xf32, #tpu.memory_space<vmem>>, vector<1024x1xf32>
    tpu.vector_store %arg2[%swap3A, %swap3A_13], %rsqrt3A {strides = array<i32>} : memref<1024x1xf32, #tpu.memory_space<vmem>>, vector<1024x1xf32>,
    return
  }
  func.func @transform_0(%arg0: i32) -> (i32, i32, i32) {
    %c0_i32 = arith.constant 0 : i32
    %c0_i32_0 = arith.constant 0 : i32
    %c0_i32_1 = arith.constant 0 : i32
    return %c0_i32, %arg0, %c0_i32_0 : i32, i32, i32
  }
  func.func @transform_1(%arg0: i32) -> (i32, i32) {
    %c0_i32 = arith.constant 0 : i32
    %c0_i32_0 = arith.constant 0 : i32
    return %arg0, %c0_i32 : i32, i32
  }
}

module attributes {stable_mosaic.version = 14 : i64} {
  func.func @_scale_body(%arg0: i32, %arg1: memref<1024x1xf32, #tpu.memory_space<vmem>>, %arg2: memref<1024x128xf32, #tpu.memory_space<vmem>>, %arg3: memref<1024x128xf32, #tpu.memory_space<vmem>>) attributes {dimension_semantics = [#tpu.dimension_semantics<arbitrary>], iteration_bounds = array<i64: 10>, scalar_prefetch = 0 : i64, scratch_operands = 0 : i64, tpu.core_type = #tpu.core_type<tc>, window_params = [{transform_indices = @transform_0, window_bounds = array<i64: 1024, 1>}, {transform_indices = @transform_1, window_bounds = array<i64: 1024, 128>}, {transform_indices = @transform_2, window_bounds = array<i64: 1024, 128>}]} {
    %get3A = arith.constant 0 : index
    %get3A_0 = arith.constant 0 : index
    %get3A_1 = vector.load %arg1[%get3A, %get3A_0] : memref<1024x1xf32, #tpu.memory_space<vmem>>, vector<1024x1xf32>
    %get3A_2 = arith.constant 0 : index
    %get3A_3 = arith.constant 0 : index
    %get3A_4 = vector.load %arg2[%get3A_2, %get3A_3] : memref<1024x128xf32, #tpu.memory_space<vmem>>, vector<1024x128xf32>
    %mul3A = vector.broadcast %get3A_1 : vector<1024x1xf32> to vector<1024x128xf32>
    %mul3A_5 = arith.mulf %mul3A, %get3A_4 : vector<1024x128xf32>
    %swap3A = arith.constant 0 : index
    %swap3A_6 = arith.constant 0 : index
    %swap3A_7 = vector.load %arg3[%swap3A, %swap3A_6] : memref<1024x128xf32, #tpu.memory_space<vmem>>, vector<1024x128xf32>
    tpu.vector_store %arg3[%swap3A, %swap3A_6], %mul3A_5 {strides = array<i32>} : memref<1024x128xf32, #tpu.memory_space<vmem>>, vector<1024x128xf32>,
    return
  }
  func.func @transform_0(%arg0: i32) -> (i32, i32) {
    %c0_i32 = arith.constant 0 : i32
    %c0_i32_0 = arith.constant 0 : i32
    return %arg0, %c0_i32 : i32, i32
  }
  func.func @transform_1(%arg0: i32) -> (i32, i32) {
    %c0_i32 = arith.constant 0 : i32
    %c0_i32_0 = arith.constant 0 : i32
    return %arg0, %c0_i32 : i32, i32
  }
  func.func @transform_2(%arg0: i32) -> (i32, i32) {
    %c0_i32 = arith.constant 0 : i32
    %c0_i32_0 = arith.constant 0 : i32
    return %arg0, %c0_i32 : i32, i32
  }
}

module attributes {stable_mosaic.version = 14 : i64} {
  func.func @_mask_body(%arg0: i32, %arg1: memref<625x512xi32, #tpu.memory_space<vmem>>, %arg2: memref<625x512xi32, #tpu.memory_space<vmem>>, %arg3: memref<625x512xi32, #tpu.memory_space<vmem>>, %arg4: memref<625x512xi32, #tpu.memory_space<vmem>>) attributes {dimension_semantics = [#tpu.dimension_semantics<arbitrary>], iteration_bounds = array<i64: 1>, scalar_prefetch = 0 : i64, scratch_operands = 0 : i64, tpu.core_type = #tpu.core_type<tc>, window_params = [{pipeline_mode = #tpu.pipeline_mode<synchronous>, transform_indices = @transform_0, window_bounds = array<i64: 625, 512>}, {pipeline_mode = #tpu.pipeline_mode<synchronous>, transform_indices = @transform_1, window_bounds = array<i64: 625, 512>}, {pipeline_mode = #tpu.pipeline_mode<synchronous>, transform_indices = @transform_2, window_bounds = array<i64: 625, 512>}, {pipeline_mode = #tpu.pipeline_mode<synchronous>, transform_indices = @transform_3, window_bounds = array<i64: 625, 512>}]} {
    %get3A = arith.constant 0 : index
    %get3A_0 = arith.constant 0 : index
    %get3A_1 = vector.load %arg1[%get3A, %get3A_0] : memref<625x512xi32, #tpu.memory_space<vmem>>, vector<625x512xi32>
    %get3A_2 = arith.constant 0 : index
    %get3A_3 = arith.constant 0 : index
    %get3A_4 = vector.load %arg2[%get3A_2, %get3A_3] : memref<625x512xi32, #tpu.memory_space<vmem>>, vector<625x512xi32>
    %gt3A = arith.cmpi sgt, %get3A_1, %get3A_4 : vector<625x512xi32>
    %swap3A = arith.constant 0 : index
    %swap3A_5 = arith.constant 0 : index
    %swap3A_6 = vector.load %arg3[%swap3A, %swap3A_5] : memref<625x512xi32, #tpu.memory_space<vmem>>, vector<625x512xi32>
    tpu.vector_store %arg3[%swap3A, %swap3A_5], %get3A_1 {strides = array<i32>} : memref<625x512xi32, #tpu.memory_space<vmem>>, vector<625x512xi32>,
    %select_n3A = arith.select %gt3A, %get3A_4, %get3A_1 : vector<625x512xi1>, vector<625x512xi32>
    %swap3A_7 = arith.constant 0 : index
    %swap3A_8 = arith.constant 0 : index
    %swap3A_9 = vector.load %arg4[%swap3A_7, %swap3A_8] : memref<625x512xi32, #tpu.memory_space<vmem>>, vector<625x512xi32>
    tpu.vector_store %arg4[%swap3A_7, %swap3A_8], %select_n3A {strides = array<i32>} : memref<625x512xi32, #tpu.memory_space<vmem>>, vector<625x512xi32>,
    return
  }
  func.func @transform_0(%arg0: i32) -> (i32, i32) {
    %c0_i32 = arith.constant 0 : i32
    %c0_i32_0 = arith.constant 0 : i32
    %c0_i32_1 = arith.constant 0 : i32
    return %c0_i32, %c0_i32_0 : i32, i32
  }
  func.func @transform_1(%arg0: i32) -> (i32, i32) {
    %c0_i32 = arith.constant 0 : i32
    %c0_i32_0 = arith.constant 0 : i32
    %c0_i32_1 = arith.constant 0 : i32
    return %c0_i32, %c0_i32_0 : i32, i32
  }
  func.func @transform_2(%arg0: i32) -> (i32, i32) {
    %c0_i32 = arith.constant 0 : i32
    %c0_i32_0 = arith.constant 0 : i32
    %c0_i32_1 = arith.constant 0 : i32
    return %c0_i32, %c0_i32_0 : i32, i32
  }
  func.func @transform_3(%arg0: i32) -> (i32, i32) {
    %c0_i32 = arith.constant 0 : i32
    %c0_i32_0 = arith.constant 0 : i32
    %c0_i32_1 = arith.constant 0 : i32
    return %c0_i32, %c0_i32_0 : i32, i32
  }
}

module attributes {stable_mosaic.version = 14 : i64} {
  func.func @_k1_body(%arg0: i32, %arg1: memref<1024x128xf32, #tpu.memory_space<vmem>>, %arg2: memref<2x1024x128xf32, #tpu.memory_space<vmem>>, %arg3: memref<1024x128xf32, #tpu.memory_space<vmem>>, %arg4: memref<1024x128xf32, #tpu.memory_space<vmem>>, %arg5: memref<1024x1xf32, #tpu.memory_space<vmem>>, %arg6: memref<1024x128xf32, #tpu.memory_space<vmem>>, %arg7: memref<1024x128xf32, #tpu.memory_space<vmem>>) attributes {dimension_semantics = [#tpu.dimension_semantics<arbitrary>], iteration_bounds = array<i64: 10>, scalar_prefetch = 0 : i64, scratch_operands = 0 : i64, tpu.core_type = #tpu.core_type<tc>, window_params = [{transform_indices = @transform_0, window_bounds = array<i64: 1024, 128>}, {transform_indices = @transform_1, window_bounds = array<i64: 2, 1024, 128>}, {transform_indices = @transform_2, window_bounds = array<i64: 1024, 128>}, {transform_indices = @transform_3, window_bounds = array<i64: 1024, 128>}, {transform_indices = @transform_4, window_bounds = array<i64: 1024, 1>}, {transform_indices = @transform_5, window_bounds = array<i64: 1024, 128>}, {transform_indices = @transform_6, window_bounds = array<i64: 1024, 128>}]} {
    %get3A = arith.constant 0 : index
    %get3A_0 = arith.constant 0 : index
    %get3A_1 = vector.load %arg5[%get3A, %get3A_0] : memref<1024x1xf32, #tpu.memory_space<vmem>>, vector<1024x1xf32>
    %get3A_2 = arith.constant 0 : index
    %get3A_3 = arith.constant 0 : index
    %get3A_4 = arith.constant 0 : index
    %get3A_5 = vector.load %arg2[%get3A_2, %get3A_3, %get3A_4] : memref<2x1024x128xf32, #tpu.memory_space<vmem>>, vector<1x1024x128xf32>
    %get3A_6 = vector.shape_cast %get3A_5 : vector<1x1024x128xf32> to vector<1024x128xf32>
    %get3A_7 = arith.constant 1 : index
    %get3A_8 = arith.constant 0 : index
    %get3A_9 = arith.constant 0 : index
    %get3A_10 = vector.load %arg2[%get3A_7, %get3A_8, %get3A_9] : memref<2x1024x128xf32, #tpu.memory_space<vmem>>, vector<1x1024x128xf32>
    %get3A_11 = vector.shape_cast %get3A_10 : vector<1x1024x128xf32> to vector<1024x128xf32>
    %add3A = arith.addf %get3A_6, %get3A_11 : vector<1024x128xf32>
    %mul3A = vector.broadcast %get3A_1 : vector<1024x1xf32> to vector<1024x128xf32>
    %mul3A_12 = arith.mulf %mul3A, %add3A : vector<1024x128xf32>
    %mul3A_13 = arith.mulf %get3A_1, %get3A_1 : vector<1024x1xf32>
    %get3A_14 = arith.constant 0 : index
    %get3A_15 = arith.constant 0 : index
    %get3A_16 = vector.load %arg3[%get3A_14, %get3A_15] : memref<1024x128xf32, #tpu.memory_space<vmem>>, vector<1024x128xf32>
    %mul3A_17 = vector.broadcast %mul3A_13 : vector<1024x1xf32> to vector<1024x128xf32>
    %mul3A_18 = arith.mulf %mul3A_17, %get3A_16 : vector<1024x128xf32>
    %add3A_19 = arith.addf %mul3A_12, %mul3A_18 : vector<1024x128xf32>
    %get3A_20 = arith.constant 0 : index
    %get3A_21 = arith.constant 0 : index
    %get3A_22 = vector.load %arg1[%get3A_20, %get3A_21] : memref<1024x128xf32, #tpu.memory_space<vmem>>, vector<1024x128xf32>
    %mul3A_23 = arith.constant 2.500000e-01 : f32
    %mul3A_24 = vector.broadcast %mul3A_23 : f32 to vector<1024x128xf32>
    %mul3A_25 = arith.mulf %mul3A_24, %get3A_22 : vector<1024x128xf32>
    %mul3A_26 = arith.constant 7.500000e-01 : f32
    %mul3A_27 = vector.broadcast %mul3A_26 : f32 to vector<1024x128xf32>
    %mul3A_28 = arith.mulf %mul3A_27, %add3A_19 : vector<1024x128xf32>
    %add3A_29 = arith.addf %mul3A_25, %mul3A_28 : vector<1024x128xf32>
    %swap3A = arith.constant 0 : index
    %swap3A_30 = arith.constant 0 : index
    %swap3A_31 = vector.load %arg6[%swap3A, %swap3A_30] : memref<1024x128xf32, #tpu.memory_space<vmem>>, vector<1024x128xf32>
    tpu.vector_store %arg6[%swap3A, %swap3A_30], %add3A_29 {strides = array<i32>} : memref<1024x128xf32, #tpu.memory_space<vmem>>, vector<1024x128xf32>,
    %get3A_32 = arith.constant 0 : index
    %get3A_33 = arith.constant 0 : index
    %get3A_34 = vector.load %arg4[%get3A_32, %get3A_33] : memref<1024x128xf32, #tpu.memory_space<vmem>>, vector<1024x128xf32>
    %mul3A_35 = arith.constant 2.500000e-01 : f32
    %mul3A_36 = vector.broadcast %mul3A_35 : f32 to vector<1024x128xf32>
    %mul3A_37 = arith.mulf %mul3A_36, %get3A_34 : vector<1024x128xf32>
    %sub3A = arith.subf %add3A_29, %mul3A_37 : vector<1024x128xf32>
    %mul3A_38 = vector.broadcast %get3A_1 : vector<1024x1xf32> to vector<1024x128xf32>
    %mul3A_39 = arith.mulf %mul3A_38, %sub3A : vector<1024x128xf32>
    %swap3A_40 = arith.constant 0 : index
    %swap3A_41 = arith.constant 0 : index
    %swap3A_42 = vector.load %arg7[%swap3A_40, %swap3A_41] : memref<1024x128xf32, #tpu.memory_space<vmem>>, vector<1024x128xf32>
    tpu.vector_store %arg7[%swap3A_40, %swap3A_41], %mul3A_39 {strides = array<i32>} : memref<1024x128xf32, #tpu.memory_space<vmem>>, vector<1024x128xf32>,
    return
  }
  func.func @transform_0(%arg0: i32) -> (i32, i32) {
    %c0_i32 = arith.constant 0 : i32
    %c0_i32_0 = arith.constant 0 : i32
    return %arg0, %c0_i32 : i32, i32
  }
  func.func @transform_1(%arg0: i32) -> (i32, i32, i32) {
    %c0_i32 = arith.constant 0 : i32
    %c0_i32_0 = arith.constant 0 : i32
    %c0_i32_1 = arith.constant 0 : i32
    return %c0_i32, %arg0, %c0_i32_0 : i32, i32, i32
  }
  func.func @transform_2(%arg0: i32) -> (i32, i32) {
    %c0_i32 = arith.constant 0 : i32
    %c0_i32_0 = arith.constant 0 : i32
    return %arg0, %c0_i32 : i32, i32
  }
  func.func @transform_3(%arg0: i32) -> (i32, i32) {
    %c0_i32 = arith.constant 0 : i32
    %c0_i32_0 = arith.constant 0 : i32
    return %arg0, %c0_i32 : i32, i32
  }
  func.func @transform_4(%arg0: i32) -> (i32, i32) {
    %c0_i32 = arith.constant 0 : i32
    %c0_i32_0 = arith.constant 0 : i32
    return %arg0, %c0_i32 : i32, i32
  }
  func.func @transform_5(%arg0: i32) -> (i32, i32) {
    %c0_i32 = arith.constant 0 : i32
    %c0_i32_0 = arith.constant 0 : i32
    return %arg0, %c0_i32 : i32, i32
  }
  func.func @transform_6(%arg0: i32) -> (i32, i32) {
    %c0_i32 = arith.constant 0 : i32
    %c0_i32_0 = arith.constant 0 : i32
    return %arg0, %c0_i32 : i32, i32
  }
}

module attributes {stable_mosaic.version = 14 : i64} {
  func.func @_zup_body(%arg0: i32, %arg1: memref<4000x128xf32, #tpu.memory_space<vmem>>, %arg2: memref<4000x128xf32, #tpu.memory_space<vmem>>, %arg3: memref<4000x128xf32, #tpu.memory_space<vmem>>, %arg4: memref<4000x128xf32, #tpu.memory_space<vmem>>, %arg5: memref<4000x128xf32, #tpu.memory_space<vmem>>) attributes {dimension_semantics = [#tpu.dimension_semantics<arbitrary>], iteration_bounds = array<i64: 80>, scalar_prefetch = 0 : i64, scratch_operands = 0 : i64, tpu.core_type = #tpu.core_type<tc>, window_params = [{transform_indices = @transform_0, window_bounds = array<i64: 4000, 128>}, {transform_indices = @transform_1, window_bounds = array<i64: 4000, 128>}, {transform_indices = @transform_2, window_bounds = array<i64: 4000, 128>}, {transform_indices = @transform_3, window_bounds = array<i64: 4000, 128>}, {transform_indices = @transform_4, window_bounds = array<i64: 4000, 128>}]} {
    %get3A = arith.constant 0 : index
    %get3A_0 = arith.constant 0 : index
    %get3A_1 = vector.load %arg1[%get3A, %get3A_0] : memref<4000x128xf32, #tpu.memory_space<vmem>>, vector<4000x128xf32>
    %get3A_2 = arith.constant 0 : index
    %get3A_3 = arith.constant 0 : index
    %get3A_4 = vector.load %arg2[%get3A_2, %get3A_3] : memref<4000x128xf32, #tpu.memory_space<vmem>>, vector<4000x128xf32>
    %get3A_5 = arith.constant 0 : index
    %get3A_6 = arith.constant 0 : index
    %get3A_7 = vector.load %arg3[%get3A_5, %get3A_6] : memref<4000x128xf32, #tpu.memory_space<vmem>>, vector<4000x128xf32>
    %sub3A = arith.subf %get3A_4, %get3A_7 : vector<4000x128xf32>
    %mul3A = arith.constant 2.000000e+00 : f32
    %mul3A_8 = vector.broadcast %mul3A : f32 to vector<4000x128xf32>
    %mul3A_9 = arith.mulf %mul3A_8, %sub3A : vector<4000x128xf32>
    %add3A = arith.addf %get3A_1, %mul3A_9 : vector<4000x128xf32>
    %mul3A_10 = arith.mulf %add3A, %add3A : vector<4000x128xf32>
    %reduce_sum3A = arith.constant dense<0.000000e+00> : vector<4000xf32>
    %reduce_sum3A_11 = vector.multi_reduction <add>, %mul3A_10, %reduce_sum3A [1] : vector<4000x128xf32> to vector<4000xf32>
    %broadcast_in_dim3A = vector.shape_cast %reduce_sum3A_11 : vector<4000xf32> to vector<4000x1xf32>
    %rsqrt3A = math.rsqrt %broadcast_in_dim3A : vector<4000x1xf32>
    %mul3A_12 = arith.constant 3.000000e+00 : f32
    %mul3A_13 = vector.broadcast %mul3A_12 : f32 to vector<4000x1xf32>
    %mul3A_14 = arith.mulf %mul3A_13, %rsqrt3A : vector<4000x1xf32>
    %min3A = arith.constant 1.000000e+00 : f32
    %min3A_15 = vector.broadcast %min3A : f32 to vector<4000x1xf32>
    %min3A_16 = arith.minimumf %min3A_15, %mul3A_14 : vector<4000x1xf32>
    %mul3A_17 = vector.broadcast %min3A_16 : vector<4000x1xf32> to vector<4000x128xf32>
    %mul3A_18 = arith.mulf %mul3A_17, %add3A : vector<4000x128xf32>
    %swap3A = arith.constant 0 : index
    %swap3A_19 = arith.constant 0 : index
    %swap3A_20 = vector.load %arg4[%swap3A, %swap3A_19] : memref<4000x128xf32, #tpu.memory_space<vmem>>, vector<4000x128xf32>
    tpu.vector_store %arg4[%swap3A, %swap3A_19], %mul3A_18 {strides = array<i32>} : memref<4000x128xf32, #tpu.memory_space<vmem>>, vector<4000x128xf32>,
    %neg3A = arith.constant 0.000000e+00 : f32
    %neg3A_21 = vector.broadcast %neg3A : f32 to vector<4000x128xf32>
    %neg3A_22 = arith.subf %neg3A_21, %mul3A_18 : vector<4000x128xf32>
    %swap3A_23 = arith.constant 0 : index
    %swap3A_24 = arith.constant 0 : index
    %swap3A_25 = vector.load %arg5[%swap3A_23, %swap3A_24] : memref<4000x128xf32, #tpu.memory_space<vmem>>, vector<4000x128xf32>
    tpu.vector_store %arg5[%swap3A_23, %swap3A_24], %neg3A_22 {strides = array<i32>} : memref<4000x128xf32, #tpu.memory_space<vmem>>, vector<4000x128xf32>,
    return
  }
  func.func @transform_0(%arg0: i32) -> (i32, i32) {
    %c0_i32 = arith.constant 0 : i32
    %c0_i32_0 = arith.constant 0 : i32
    return %arg0, %c0_i32 : i32, i32
  }
  func.func @transform_1(%arg0: i32) -> (i32, i32) {
    %c0_i32 = arith.constant 0 : i32
    %c0_i32_0 = arith.constant 0 : i32
    return %arg0, %c0_i32 : i32, i32
  }
  func.func @transform_2(%arg0: i32) -> (i32, i32) {
    %c0_i32 = arith.constant 0 : i32
    %c0_i32_0 = arith.constant 0 : i32
    return %arg0, %c0_i32 : i32, i32
  }
  func.func @transform_3(%arg0: i32) -> (i32, i32) {
    %c0_i32 = arith.constant 0 : i32
    %c0_i32_0 = arith.constant 0 : i32
    return %arg0, %c0_i32 : i32, i32
  }
  func.func @transform_4(%arg0: i32) -> (i32, i32) {
    %c0_i32 = arith.constant 0 : i32
    %c0_i32_0 = arith.constant 0 : i32
    return %arg0, %c0_i32 : i32, i32
  }
}

module attributes {stable_mosaic.version = 14 : i64} {
  func.func @_k2_body(%arg0: i32, %arg1: memref<1024x128xf32, #tpu.memory_space<vmem>>, %arg2: memref<2x1024x128xf32, #tpu.memory_space<vmem>>, %arg3: memref<1024x1xf32, #tpu.memory_space<vmem>>, %arg4: memref<1024x128xf32, #tpu.memory_space<vmem>>, %arg5: memref<1024x128xf32, #tpu.memory_space<vmem>>) attributes {dimension_semantics = [#tpu.dimension_semantics<arbitrary>], iteration_bounds = array<i64: 10>, scalar_prefetch = 0 : i64, scratch_operands = 0 : i64, tpu.core_type = #tpu.core_type<tc>, window_params = [{transform_indices = @transform_0, window_bounds = array<i64: 1024, 128>}, {transform_indices = @transform_1, window_bounds = array<i64: 2, 1024, 128>}, {transform_indices = @transform_2, window_bounds = array<i64: 1024, 1>}, {transform_indices = @transform_3, window_bounds = array<i64: 1024, 128>}, {transform_indices = @transform_4, window_bounds = array<i64: 1024, 128>}]} {
    %get3A = arith.constant 0 : index
    %get3A_0 = arith.constant 0 : index
    %get3A_1 = vector.load %arg3[%get3A, %get3A_0] : memref<1024x1xf32, #tpu.memory_space<vmem>>, vector<1024x1xf32>
    %get3A_2 = arith.constant 0 : index
    %get3A_3 = arith.constant 0 : index
    %get3A_4 = arith.constant 0 : index
    %get3A_5 = vector.load %arg2[%get3A_2, %get3A_3, %get3A_4] : memref<2x1024x128xf32, #tpu.memory_space<vmem>>, vector<1x1024x128xf32>
    %get3A_6 = vector.shape_cast %get3A_5 : vector<1x1024x128xf32> to vector<1024x128xf32>
    %get3A_7 = arith.constant 1 : index
    %get3A_8 = arith.constant 0 : index
    %get3A_9 = arith.constant 0 : index
    %get3A_10 = vector.load %arg2[%get3A_7, %get3A_8, %get3A_9] : memref<2x1024x128xf32, #tpu.memory_space<vmem>>, vector<1x1024x128xf32>
    %get3A_11 = vector.shape_cast %get3A_10 : vector<1x1024x128xf32> to vector<1024x128xf32>
    %add3A = arith.addf %get3A_6, %get3A_11 : vector<1024x128xf32>
    %mul3A = vector.broadcast %get3A_1 : vector<1024x1xf32> to vector<1024x128xf32>
    %mul3A_12 = arith.mulf %mul3A, %add3A : vector<1024x128xf32>
    %swap3A = arith.constant 0 : index
    %swap3A_13 = arith.constant 0 : index
    %swap3A_14 = vector.load %arg5[%swap3A, %swap3A_13] : memref<1024x128xf32, #tpu.memory_space<vmem>>, vector<1024x128xf32>
    tpu.vector_store %arg5[%swap3A, %swap3A_13], %mul3A_12 {strides = array<i32>} : memref<1024x128xf32, #tpu.memory_space<vmem>>, vector<1024x128xf32>,
    %get3A_15 = arith.constant 0 : index
    %get3A_16 = arith.constant 0 : index
    %get3A_17 = vector.load %arg1[%get3A_15, %get3A_16] : memref<1024x128xf32, #tpu.memory_space<vmem>>, vector<1024x128xf32>
    %mul3A_18 = arith.constant 2.500000e-01 : f32
    %mul3A_19 = vector.broadcast %mul3A_18 : f32 to vector<1024x128xf32>
    %mul3A_20 = arith.mulf %mul3A_19, %mul3A_12 : vector<1024x128xf32>
    %sub3A = arith.subf %get3A_17, %mul3A_20 : vector<1024x128xf32>
    %swap3A_21 = arith.constant 0 : index
    %swap3A_22 = arith.constant 0 : index
    %swap3A_23 = vector.load %arg4[%swap3A_21, %swap3A_22] : memref<1024x128xf32, #tpu.memory_space<vmem>>, vector<1024x128xf32>
    tpu.vector_store %arg4[%swap3A_21, %swap3A_22], %sub3A {strides = array<i32>} : memref<1024x128xf32, #tpu.memory_space<vmem>>, vector<1024x128xf32>,
    return
  }
  func.func @transform_0(%arg0: i32) -> (i32, i32) {
    %c0_i32 = arith.constant 0 : i32
    %c0_i32_0 = arith.constant 0 : i32
    return %arg0, %c0_i32 : i32, i32
  }
  func.func @transform_1(%arg0: i32) -> (i32, i32, i32) {
    %c0_i32 = arith.constant 0 : i32
    %c0_i32_0 = arith.constant 0 : i32
    %c0_i32_1 = arith.constant 0 : i32
    return %c0_i32, %arg0, %c0_i32_0 : i32, i32, i32
  }
  func.func @transform_2(%arg0: i32) -> (i32, i32) {
    %c0_i32 = arith.constant 0 : i32
    %c0_i32_0 = arith.constant 0 : i32
    return %arg0, %c0_i32 : i32, i32
  }
  func.func @transform_3(%arg0: i32) -> (i32, i32) {
    %c0_i32 = arith.constant 0 : i32
    %c0_i32_0 = arith.constant 0 : i32
    return %arg0, %c0_i32 : i32, i32
  }
  func.func @transform_4(%arg0: i32) -> (i32, i32) {
    %c0_i32 = arith.constant 0 : i32
    %c0_i32_0 = arith.constant 0 : i32
    return %arg0, %c0_i32 : i32, i32
  }
}

module attributes {stable_mosaic.version = 14 : i64} {
  func.func @_k1_body(%arg0: i32, %arg1: memref<1024x128xf32, #tpu.memory_space<vmem>>, %arg2: memref<2x1024x128xf32, #tpu.memory_space<vmem>>, %arg3: memref<1024x128xf32, #tpu.memory_space<vmem>>, %arg4: memref<1024x128xf32, #tpu.memory_space<vmem>>, %arg5: memref<1024x1xf32, #tpu.memory_space<vmem>>, %arg6: memref<1024x128xf32, #tpu.memory_space<vmem>>, %arg7: memref<1024x128xf32, #tpu.memory_space<vmem>>) attributes {dimension_semantics = [#tpu.dimension_semantics<arbitrary>], iteration_bounds = array<i64: 10>, scalar_prefetch = 0 : i64, scratch_operands = 0 : i64, tpu.core_type = #tpu.core_type<tc>, window_params = [{transform_indices = @transform_0, window_bounds = array<i64: 1024, 128>}, {transform_indices = @transform_1, window_bounds = array<i64: 2, 1024, 128>}, {transform_indices = @transform_2, window_bounds = array<i64: 1024, 128>}, {transform_indices = @transform_3, window_bounds = array<i64: 1024, 128>}, {transform_indices = @transform_4, window_bounds = array<i64: 1024, 1>}, {transform_indices = @transform_5, window_bounds = array<i64: 1024, 128>}, {transform_indices = @transform_6, window_bounds = array<i64: 1024, 128>}]} {
    %get3A = arith.constant 0 : index
    %get3A_0 = arith.constant 0 : index
    %get3A_1 = vector.load %arg5[%get3A, %get3A_0] : memref<1024x1xf32, #tpu.memory_space<vmem>>, vector<1024x1xf32>
    %get3A_2 = arith.constant 0 : index
    %get3A_3 = arith.constant 0 : index
    %get3A_4 = arith.constant 0 : index
    %get3A_5 = vector.load %arg2[%get3A_2, %get3A_3, %get3A_4] : memref<2x1024x128xf32, #tpu.memory_space<vmem>>, vector<1x1024x128xf32>
    %get3A_6 = vector.shape_cast %get3A_5 : vector<1x1024x128xf32> to vector<1024x128xf32>
    %get3A_7 = arith.constant 1 : index
    %get3A_8 = arith.constant 0 : index
    %get3A_9 = arith.constant 0 : index
    %get3A_10 = vector.load %arg2[%get3A_7, %get3A_8, %get3A_9] : memref<2x1024x128xf32, #tpu.memory_space<vmem>>, vector<1x1024x128xf32>
    %get3A_11 = vector.shape_cast %get3A_10 : vector<1x1024x128xf32> to vector<1024x128xf32>
    %add3A = arith.addf %get3A_6, %get3A_11 : vector<1024x128xf32>
    %mul3A = vector.broadcast %get3A_1 : vector<1024x1xf32> to vector<1024x128xf32>
    %mul3A_12 = arith.mulf %mul3A, %add3A : vector<1024x128xf32>
    %mul3A_13 = arith.mulf %get3A_1, %get3A_1 : vector<1024x1xf32>
    %get3A_14 = arith.constant 0 : index
    %get3A_15 = arith.constant 0 : index
    %get3A_16 = vector.load %arg3[%get3A_14, %get3A_15] : memref<1024x128xf32, #tpu.memory_space<vmem>>, vector<1024x128xf32>
    %mul3A_17 = vector.broadcast %mul3A_13 : vector<1024x1xf32> to vector<1024x128xf32>
    %mul3A_18 = arith.mulf %mul3A_17, %get3A_16 : vector<1024x128xf32>
    %add3A_19 = arith.addf %mul3A_12, %mul3A_18 : vector<1024x128xf32>
    %get3A_20 = arith.constant 0 : index
    %get3A_21 = arith.constant 0 : index
    %get3A_22 = vector.load %arg1[%get3A_20, %get3A_21] : memref<1024x128xf32, #tpu.memory_space<vmem>>, vector<1024x128xf32>
    %mul3A_23 = arith.constant 2.500000e-01 : f32
    %mul3A_24 = vector.broadcast %mul3A_23 : f32 to vector<1024x128xf32>
    %mul3A_25 = arith.mulf %mul3A_24, %get3A_22 : vector<1024x128xf32>
    %mul3A_26 = arith.constant 7.500000e-01 : f32
    %mul3A_27 = vector.broadcast %mul3A_26 : f32 to vector<1024x128xf32>
    %mul3A_28 = arith.mulf %mul3A_27, %add3A_19 : vector<1024x128xf32>
    %add3A_29 = arith.addf %mul3A_25, %mul3A_28 : vector<1024x128xf32>
    %swap3A = arith.constant 0 : index
    %swap3A_30 = arith.constant 0 : index
    %swap3A_31 = vector.load %arg6[%swap3A, %swap3A_30] : memref<1024x128xf32, #tpu.memory_space<vmem>>, vector<1024x128xf32>
    tpu.vector_store %arg6[%swap3A, %swap3A_30], %add3A_29 {strides = array<i32>} : memref<1024x128xf32, #tpu.memory_space<vmem>>, vector<1024x128xf32>,
    %get3A_32 = arith.constant 0 : index
    %get3A_33 = arith.constant 0 : index
    %get3A_34 = vector.load %arg4[%get3A_32, %get3A_33] : memref<1024x128xf32, #tpu.memory_space<vmem>>, vector<1024x128xf32>
    %mul3A_35 = arith.constant 2.500000e-01 : f32
    %mul3A_36 = vector.broadcast %mul3A_35 : f32 to vector<1024x128xf32>
    %mul3A_37 = arith.mulf %mul3A_36, %get3A_34 : vector<1024x128xf32>
    %sub3A = arith.subf %add3A_29, %mul3A_37 : vector<1024x128xf32>
    %mul3A_38 = vector.broadcast %get3A_1 : vector<1024x1xf32> to vector<1024x128xf32>
    %mul3A_39 = arith.mulf %mul3A_38, %sub3A : vector<1024x128xf32>
    %swap3A_40 = arith.constant 0 : index
    %swap3A_41 = arith.constant 0 : index
    %swap3A_42 = vector.load %arg7[%swap3A_40, %swap3A_41] : memref<1024x128xf32, #tpu.memory_space<vmem>>, vector<1024x128xf32>
    tpu.vector_store %arg7[%swap3A_40, %swap3A_41], %mul3A_39 {strides = array<i32>} : memref<1024x128xf32, #tpu.memory_space<vmem>>, vector<1024x128xf32>,
    return
  }
  func.func @transform_0(%arg0: i32) -> (i32, i32) {
    %c0_i32 = arith.constant 0 : i32
    %c0_i32_0 = arith.constant 0 : i32
    return %arg0, %c0_i32 : i32, i32
  }
  func.func @transform_1(%arg0: i32) -> (i32, i32, i32) {
    %c0_i32 = arith.constant 0 : i32
    %c0_i32_0 = arith.constant 0 : i32
    %c0_i32_1 = arith.constant 0 : i32
    return %c0_i32, %arg0, %c0_i32_0 : i32, i32, i32
  }
  func.func @transform_2(%arg0: i32) -> (i32, i32) {
    %c0_i32 = arith.constant 0 : i32
    %c0_i32_0 = arith.constant 0 : i32
    return %arg0, %c0_i32 : i32, i32
  }
  func.func @transform_3(%arg0: i32) -> (i32, i32) {
    %c0_i32 = arith.constant 0 : i32
    %c0_i32_0 = arith.constant 0 : i32
    return %arg0, %c0_i32 : i32, i32
  }
  func.func @transform_4(%arg0: i32) -> (i32, i32) {
    %c0_i32 = arith.constant 0 : i32
    %c0_i32_0 = arith.constant 0 : i32
    return %arg0, %c0_i32 : i32, i32
  }
  func.func @transform_5(%arg0: i32) -> (i32, i32) {
    %c0_i32 = arith.constant 0 : i32
    %c0_i32_0 = arith.constant 0 : i32
    return %arg0, %c0_i32 : i32, i32
  }
  func.func @transform_6(%arg0: i32) -> (i32, i32) {
    %c0_i32 = arith.constant 0 : i32
    %c0_i32_0 = arith.constant 0 : i32
    return %arg0, %c0_i32 : i32, i32
  }
}

module attributes {stable_mosaic.version = 14 : i64} {
  func.func @_k2_body(%arg0: i32, %arg1: memref<1024x128xf32, #tpu.memory_space<vmem>>, %arg2: memref<2x1024x128xf32, #tpu.memory_space<vmem>>, %arg3: memref<1024x1xf32, #tpu.memory_space<vmem>>, %arg4: memref<1024x128xf32, #tpu.memory_space<vmem>>, %arg5: memref<1024x128xf32, #tpu.memory_space<vmem>>) attributes {dimension_semantics = [#tpu.dimension_semantics<arbitrary>], iteration_bounds = array<i64: 10>, scalar_prefetch = 0 : i64, scratch_operands = 0 : i64, tpu.core_type = #tpu.core_type<tc>, window_params = [{transform_indices = @transform_0, window_bounds = array<i64: 1024, 128>}, {transform_indices = @transform_1, window_bounds = array<i64: 2, 1024, 128>}, {transform_indices = @transform_2, window_bounds = array<i64: 1024, 1>}, {transform_indices = @transform_3, window_bounds = array<i64: 1024, 128>}, {transform_indices = @transform_4, window_bounds = array<i64: 1024, 128>}]} {
    %get3A = arith.constant 0 : index
    %get3A_0 = arith.constant 0 : index
    %get3A_1 = vector.load %arg3[%get3A, %get3A_0] : memref<1024x1xf32, #tpu.memory_space<vmem>>, vector<1024x1xf32>
    %get3A_2 = arith.constant 0 : index
    %get3A_3 = arith.constant 0 : index
    %get3A_4 = arith.constant 0 : index
    %get3A_5 = vector.load %arg2[%get3A_2, %get3A_3, %get3A_4] : memref<2x1024x128xf32, #tpu.memory_space<vmem>>, vector<1x1024x128xf32>
    %get3A_6 = vector.shape_cast %get3A_5 : vector<1x1024x128xf32> to vector<1024x128xf32>
    %get3A_7 = arith.constant 1 : index
    %get3A_8 = arith.constant 0 : index
    %get3A_9 = arith.constant 0 : index
    %get3A_10 = vector.load %arg2[%get3A_7, %get3A_8, %get3A_9] : memref<2x1024x128xf32, #tpu.memory_space<vmem>>, vector<1x1024x128xf32>
    %get3A_11 = vector.shape_cast %get3A_10 : vector<1x1024x128xf32> to vector<1024x128xf32>
    %add3A = arith.addf %get3A_6, %get3A_11 : vector<1024x128xf32>
    %mul3A = vector.broadcast %get3A_1 : vector<1024x1xf32> to vector<1024x128xf32>
    %mul3A_12 = arith.mulf %mul3A, %add3A : vector<1024x128xf32>
    %swap3A = arith.constant 0 : index
    %swap3A_13 = arith.constant 0 : index
    %swap3A_14 = vector.load %arg5[%swap3A, %swap3A_13] : memref<1024x128xf32, #tpu.memory_space<vmem>>, vector<1024x128xf32>
    tpu.vector_store %arg5[%swap3A, %swap3A_13], %mul3A_12 {strides = array<i32>} : memref<1024x128xf32, #tpu.memory_space<vmem>>, vector<1024x128xf32>,
    %get3A_15 = arith.constant 0 : index
    %get3A_16 = arith.constant 0 : index
    %get3A_17 = vector.load %arg1[%get3A_15, %get3A_16] : memref<1024x128xf32, #tpu.memory_space<vmem>>, vector<1024x128xf32>
    %mul3A_18 = arith.constant 2.500000e-01 : f32
    %mul3A_19 = vector.broadcast %mul3A_18 : f32 to vector<1024x128xf32>
    %mul3A_20 = arith.mulf %mul3A_19, %mul3A_12 : vector<1024x128xf32>
    %sub3A = arith.subf %get3A_17, %mul3A_20 : vector<1024x128xf32>
    %swap3A_21 = arith.constant 0 : index
    %swap3A_22 = arith.constant 0 : index
    %swap3A_23 = vector.load %arg4[%swap3A_21, %swap3A_22] : memref<1024x128xf32, #tpu.memory_space<vmem>>, vector<1024x128xf32>
    tpu.vector_store %arg4[%swap3A_21, %swap3A_22], %sub3A {strides = array<i32>} : memref<1024x128xf32, #tpu.memory_space<vmem>>, vector<1024x128xf32>,
    return
  }
  func.func @transform_0(%arg0: i32) -> (i32, i32) {
    %c0_i32 = arith.constant 0 : i32
    %c0_i32_0 = arith.constant 0 : i32
    return %arg0, %c0_i32 : i32, i32
  }
  func.func @transform_1(%arg0: i32) -> (i32, i32, i32) {
    %c0_i32 = arith.constant 0 : i32
    %c0_i32_0 = arith.constant 0 : i32
    %c0_i32_1 = arith.constant 0 : i32
    return %c0_i32, %arg0, %c0_i32_0 : i32, i32, i32
  }
  func.func @transform_2(%arg0: i32) -> (i32, i32) {
    %c0_i32 = arith.constant 0 : i32
    %c0_i32_0 = arith.constant 0 : i32
    return %arg0, %c0_i32 : i32, i32
  }
  func.func @transform_3(%arg0: i32) -> (i32, i32) {
    %c0_i32 = arith.constant 0 : i32
    %c0_i32_0 = arith.constant 0 : i32
    return %arg0, %c0_i32 : i32, i32
  }
  func.func @transform_4(%arg0: i32) -> (i32, i32) {
    %c0_i32 = arith.constant 0 : i32
    %c0_i32_0 = arith.constant 0 : i32
    return %arg0, %c0_i32 : i32, i32
  }
}

</mosaic_0001>

<sc_bundles>
// kernel: kernel.27.cloned.1.call-start
scs
__scs_entry_jumppad:
0x0: {  	(pc) =	sbr.rel $0x88, $3  }
0x1: {  	(tag) =	ssettag $0x0;
	lr =	simm.s32 $0x1  }
0x2: {  	[smem:$0x3F9B] =	sst lr;
	_ =	strace $0xD0000000  }
0x3: {  	_ = 	snop  }
0x4: {  	_ = 	snop  }
0x5: {  	_ = 	snop  }
0x6: {  	_ = 	snop  }
0x7: {  	_ = 	snop  }
__scs_overlays_trampoline_lowered:
0x8: {  	[smem:$0x3FAA] =	sst s0  }
0x9: {  	[smem:$0x3FAB] =	sst s1  }
0xa: {  	[smem:$0x3FAC] =	sst s2  }
0xb: {  	[smem:$0x3FAD] =	sst s3  }
0xc: {  	[smem:$0x3FAE] =	sst s4  }
0xd: {  	[smem:$0x3FAF] =	sst s5  }
0xe: {  	[smem:$0x3FB0] =	sst s6  }
0xf: {  	[smem:$0x3FB1] =	sst s7  }
0x10: {  	[smem:$0x3FB2] =	sst s8  }
0x11: {  	[smem:$0x3FB3] =	sst s9;
	s0 =	simm.s32 @!p0 $0x0  }
0x12: {  	s1 =	sld [smem:$0x3F99];
	s0 =	simm.s32 @p0 $0x1  }
0x13: {  	[smem:$0x3FB4] =	sst s0;
	s0 =	simm.s32 @!p1 $0x0  }
0x14: {  	s2 =	sld [smem:$0x3F98];
	s0 =	simm.s32 @p1 $0x1  }
0x15: {  	[smem:$0x3FB5] =	sst s0;
	s0 =	simm.s32 @!p2 $0x0  }
0x16: {  	s3 =	sld [smem:$0x3FDB];
	s0 =	simm.s32 @p2 $0x1  }
0x17: {  	s4 =	simm.s32 $0x1BF5;
	[smem:$0x3FB7] =	sst s0  }
0x18: {  	s0 =	sld [smem:$0x3F9A];
	_ =	swait.ge [sflag:s4], $0x0  }
0x19: {  	s7 =	sld [smem:$0x3F9B]  }
0x1a: {  	s8 =	sadd.s32 $0xFFFFE003, lr  }
0x1b: {  	s9 =	sadd.s32 $0xFFFFFEF7, lr;
	s5 =	simm.s32 $0xFFFFFFFF;
	p2 =	slt.u32 s8, $0xFFFFF086  }
0x1c: {  	p1 =	slt.u32 s9, $0xF7A;
	s5 =	simm.s32 @!p2 $0x0  }
0x1d: {  	s5 =	simm.s32 @p1 $0x1;
	p0 =	seq.s32 s7, s2  }
0x1e: {  	s7 =	smul.u32 @!p0 $0xF7A, s2;
	p2 =	seq.s32 @!p0 s5, $0x0  }
0x1f: {  	s9 =	smul.u32 $0xF7A, s1;
	s8 =	simm.s32 @!p0 $0x1BF5;
	p2 =	por !p2, p0  }
0x20: {  	[sflag:s8] =	ssyncset.s32 @!p0 $0xFFFFF086;
	s6 =	sadd.s32 @!p0 s3, s7;
	s7 =	simm.s32 @!p0 $0x108  }
0x21: {  	s3 =	sadd.s32 s3, s9;
	s6 =	sadd.s32 @!p0 $0x88, s6;
	s7 =	simm.s32 @p2 $0x1082  }
0x22: {  	[simem:s7], [sflag:s8] =	dma.local @!p0 [hbm:s6], $0xF7A  }
0x23: {  	s9 =	sor.u32 $0xD0000000, s2;
	s6 =	simm.s32 $0x108;
	_ =	swait.ge @!p0 [sflag:s8], $0x0  }
0x24: {  	s3 =	sadd.s32 $0x88, s3;
	s6 =	simm.s32 @!p1 $0x1082;
	[sflag:s4] =	ssyncset.s32 $0xFFFFF086  }
0x25: {  	[simem:s6], [sflag:s4] =	dma.local [hbm:s3], $0xF7A  }
0x26: {  	[smem:$0x3F9B] =	sst s1;
	(tag) =	ssettag s2;
	_ =	strace s9  }
0x27: {  	s1 =	sld [smem:$0x3FAB]  }
0x28: {  	s2 =	sld [smem:$0x3FAC]  }
0x29: {  	s4 =	sld [smem:$0x3FAE]  }
0x2a: {  	p0 =	seq.s32 s5, $0x0;
	s5 =	sld [smem:$0x3FAF]  }
0x2b: {  	s6 =	sld [smem:$0x3FB0]  }
0x2c: {  	s7 =	sld [smem:$0x3FB1]  }
0x2d: {  	s3 =	simm.s32 $0x108;
	s8 =	sld [smem:$0x3FB2]  }
0x2e: {  	s3 =	simm.s32 @!p0 $0x1082;
	s9 =	sld [smem:$0x3FB3]  }
0x2f: {  	lr =	sadd.s32 s0, s3;
	s0 =	sld [smem:$0x3FAA]  }
0x30: {  	s3 =	sld [smem:$0x3FAD]  }
0x31: {  	[smem:$0x3FB6] =	sst s10  }
0x32: {  	s10 =	sld [smem:$0x3FB4];
	_ =	sdelay $0x3  }
0x33: {  	p0 =	seq.s32 s10, $0x1;
	s10 =	sld [smem:$0x3FB6];
	_ =	sdelay $0x3  }
0x34: {  	[smem:$0x3FB6] =	sst s10  }
0x35: {  	s10 =	sld [smem:$0x3FB5];
	_ =	sdelay $0x3  }
0x36: {  	p1 =	seq.s32 s10, $0x1;
	s10 =	sld [smem:$0x3FB6];
	_ =	sdelay $0x3  }
0x37: {  	[smem:$0x3FB6] =	sst s10  }
0x38: {  	s10 =	sld [smem:$0x3FB7]  }
0x39: {  	_ = 	snop;
	(pc) =	sbr.ind lr, $3  }
0x3a: {  	_ = 	snop  }
0x3b: {  	_ = 	snop  }
0x3c: {  	p2 =	seq.s32 s10, $0x1;
	s10 =	sld [smem:$0x3FB6]  }
0x3d: {  	_ =	shalt  }
0x3e: {  	_ =	shalt  }
0x3f: {  	_ =	shalt  }
0x40: {  	_ =	shalt  }
0x41: {  	_ =	shalt  }
0x42: {  	_ =	shalt  }
0x43: {  	_ =	shalt  }
0x44: {  	_ =	shalt  }
0x45: {  	_ =	shalt  }
0x46: {  	_ =	shalt  }
0x47: {  	_ =	shalt  }
0x48: {  	_ =	shalt  }
0x49: {  	_ =	shalt  }
0x4a: {  	_ =	shalt  }
0x4b: {  	_ =	shalt  }
0x4c: {  	_ =	shalt  }
0x4d: {  	_ =	shalt  }
0x4e: {  	_ =	shalt  }
0x4f: {  	_ =	shalt  }
0x50: {  	_ =	shalt  }
0x51: {  	_ =	shalt  }
0x52: {  	_ =	shalt  }
0x53: {  	_ =	shalt  }
0x54: {  	_ =	shalt  }
0x55: {  	_ =	shalt  }
0x56: {  	_ =	shalt  }
0x57: {  	_ =	shalt  }
0x58: {  	_ =	shalt  }
0x59: {  	_ =	shalt  }
0x5a: {  	_ =	shalt  }
0x5b: {  	_ =	shalt  }
0x5c: {  	_ =	shalt  }
0x5d: {  	_ =	shalt  }
0x5e: {  	_ =	shalt  }
0x5f: {  	_ =	shalt  }
0x60: {  	_ =	shalt  }
0x61: {  	_ =	shalt  }
0x62: {  	_ =	shalt  }
0x63: {  	_ =	shalt  }
0x64: {  	_ =	shalt  }
0x65: {  	_ =	shalt  }
0x66: {  	_ =	shalt  }
0x67: {  	_ =	shalt  }
0x68: {  	_ =	shalt  }
0x69: {  	_ =	shalt  }
0x6a: {  	_ =	shalt  }
0x6b: {  	_ =	shalt  }
0x6c: {  	_ =	shalt  }
0x6d: {  	_ =	shalt  }
0x6e: {  	_ =	shalt  }
0x6f: {  	_ =	shalt  }
0x70: {  	_ =	shalt  }
0x71: {  	_ =	shalt  }
0x72: {  	_ =	shalt  }
0x73: {  	_ =	shalt  }
0x74: {  	_ =	shalt  }
0x75: {  	_ =	shalt  }
0x76: {  	_ =	shalt  }
0x77: {  	_ =	shalt  }
0x78: {  	_ =	shalt  }
0x79: {  	_ =	shalt  }
0x7a: {  	_ =	shalt  }
0x7b: {  	_ =	shalt  }
0x7c: {  	_ =	shalt  }
0x7d: {  	_ =	shalt  }
0x7e: {  	_ =	shalt  }
0x7f: {  	_ =	shalt  }
0x80: {  	_ =	shalt  }
0x81: {  	_ =	shalt  }
0x82: {  	_ =	shalt  }
0x83: {  	_ =	shalt  }
0x84: {  	_ =	shalt  }
0x85: {  	_ =	shalt  }
0x86: {  	_ =	shalt  }
0x87: {  	_ =	shalt  }
.Lfunc_end0:
.L_simem_size_0:
called_computation_lowered:
.L_overlay_start_0:
0x88: {  	s2 =	sld [smem:$0x3FD9]  }
0x89: {  	s3 =	sld [smem:$0x3FFE];
	_ =	sdelay $0x1  }
0x8a: {  	s1 =	srdreg.scid  }
0x8b: {  	s0 =	sand.u32 $0x1, s1  }
0x8c: {  	s16 =	sshll.u32 s0, $0xA;
	s2 =	sadd.s32 s3, s2  }
0x8d: {  	s2 =	sadd.s32 s2, s16  }
0x8e: {  	[smem:$0x3FC2] =	sst s2  }
0x8f: {  	_ = 	snop  }
0x90: {  	(tm) =	ssettm $0x1  }
0x91: {  	s17 =	sld [smem:$0x3FFB];
	_ =	sdelay $0x3  }
0x92: {  	_ =	strace s17  }
0x93: {  	s2 =	sld [smem:$0x3FFC];
	_ =	sdelay $0x3  }
0x94: {  	_ =	strace s2  }
0x95: {  	s2 =	sld [smem:$0x3FFD];
	_ =	sdelay $0x3  }
0x96: {  	_ =	strace s2  }
0x97: {  	_ =	strace $0x8FFFFFFF  }
0x98: {  	s18 =	sld [smem:$0x3FDB];
	_ =	sdelay $0x1  }
0x99: {  	s19 =	simm.s32 $_scs_section_size  }
0x9a: {  	s4 =	simm.s32 $_size__tile_overlayer_lowered;
	s5 =	simm.s32 $_tile_overlayer_lowered  }
0x9b: {  	s22 =	simm.s32 $0x1BFF;
	s21 =	sshll.u32 s5, $0x1;
	s2 =	sadd.s32 s19, s18  }
0x9c: {  	s6 =	simm.s32 $0x0;
	s20 =	sshll.u32 s4, $0x1;
	s4 =	sadd.s32 s21, s2  }
0x9d: {  	[timem:s6], [sflag:s22] =	dma.local [hbm:s4], s20  }
0x9e: {  	_ =	swait.ge [sflag:s22], s20  }
0x9f: {  	s3 =	ssub.s32 $0x0, s20;
	[sflag:s22] =	ssyncset.done $0x0  }
0xa0: {  	[sflag:s22] =	ssyncadd.s32 s3;
	_ =	sdelay $0x1  }
0xa1: {  	s23 =	simm.s32 $0x1B8B  }
0xa2: {  	_ =	swait.ge [sflag:s23], $0x1  }
0xa3: {  	[sflag:s23] =	ssyncset.done $0x0  }
0xa4: {  	s25 =	simm.s32 $0x1B8E;
	s24 =	sld [smem:$0x3FFE];
	[sflag:s23] =	ssyncadd.s32 $0xFFFFFFFF  }
0xa5: {  	s26 =	simm.s32 $execute0_lowered;
	[smem:$0x3FD2] =	sst s25  }
0xa6: {  	s4 =	sshll.u32 s26, $0x1;
	_ =	strace $0x80000046;
	[dreg:$0x1] =	wrdreg $0xFFFFFFFF  }
0xa7: {  	s28 =	simm.s32 $_size_execute0_lowered;
	s2 =	sadd.s32 s2, s4;
	[dreg:$0x0] =	wrdreg $0x0  }
0xa8: {  	s4 =	sshll.u32 s28, $0x1;
	[dreg:$0x2] =	wrdreg s2  }
0xa9: {  	[dreg:$0x3] =	wrdreg s4  }
0xaa: {  	[dreg:$0x4] =	wrdreg $0xC0  }
0xab: {  	_ =	task [dreg:s6], $0x5FFFF  }
0xac: {  	[dreg:$0x1] =	wrdreg $0xFFFFFFFF  }
0xad: {  	[dreg:$0x0] =	wrdreg $0x60  }
0xae: {  	[dreg:$0x2] =	wrdreg s24  }
0xaf: {  	[dreg:$0x3] =	wrdreg $0x50800  }
0xb0: {  	[dreg:$0x4] =	wrdreg $0x9  }
0xb1: {  	_ =	task.clear_ibuf [dreg:s6], $0x5FFFF;
	_ =	strace $0x90000046  }
0xb2: {  	s29 =	simm.s32 $0x9;
	_ =	strace $0x80000048  }
0xb3: {  	_ =	swait.ge [sflag:s29], $0x1  }
0xb4: {  	[sflag:s29] =	ssyncadd.s32 $0xFFFFFFFF  }
0xb5: {  	_ =	strace $0x90000048  }
0xb6: {  	_ =	sfence  }
0xb7: {  	s30 =	sld [smem:$0x0];
	_ =	sdelay $0x2  }
0xb8: {  	s31 =	sshll.u32 s1, $0xD;
	s1 =	sshrl.u32 s1, $0x2  }
0xb9: {  	s3 =	sand.u32 $0x4000, s31;
	s1 =	sadd.s32 s1, s30  }
0xba: {  	s0 =	sor.u32 s3, s0;
	s1 =	sshll.u32 s1, $0x11  }
0xbb: {  	s0 =	sor.u32 s1, s0  }
0xbc: {  	s0 =	sadd.s32 $0x8F2B, s0  }
0xbd: {  	[sflag:s0] =	ssyncadd.remote.s32 $0x1  }
0xbe: {  	_ =	sfence.sel $0xFFFF  }
0xbf: {  	[dreg:$0x0] =	wrdreg $0xFFFFFFFF;
	(pc) =	sbr.abs _section_cstart, $3  }
0xc0: {  	[dreg:$0x1] =	wrdreg $0xFFFFFFFF  }
0xc1: {  	_ =	task.clear_ibuf [dreg:s6], $0x2FFFF;
	_ =	strace $0x9FFFFFFF  }
0xc2: {  	(tm) =	ssettm $0x7FFFFFFF  }
0xc3: {  	_ =	shalt  }
tec
execute0_lowered:
.L_overlay_start_1:
0x0: {  	(tag) =	ssettag $0x1  }
0x1: {  	s4 =	rddreg [dreg:$0x0]  }
0x2: {  	s0 =	srdreg.scid;
	s2 =	rddreg [dreg:$0x1]  }
0x3: {  	s1 =	rddreg [dreg:$0x2];
	s3 =	simm.s32 $0x0;
	s5 =	sand.u32 $0x1, s0  }
0x4: {  	s14 =	simm.s32 $0x2880;
	s0 =	stileid.u32;
	s6 =	smul.u32 $0x27100, s5  }
0x5: {  	s15 =	simm.s32 $0x1;
	s16 =	simm.s32 $0x50;
	s7 =	smul.u32 $0x2710, s0  }
0x6: {  	s17 =	simm.s32 $0x80;
	s21 =	simm.s32 $0x0;
	s28 =	smul.u32 $0x28000, s5  }
0x7: {  	[smem:$0x7FF] =	sst s3;
	s5 =	ssub.s32 $0x2, s5;
	s8 =	smul.u32 $0x50000, s0  }
0x8: {  	_ =	strace $0x80000047;
	s19 =	smul.u32 $0x2800, s0;
	s6 =	sadd.s32 s7, s6  }
0x9: {  	s31 =	sshll.u32 s0, $0x6;
	s29 =	sshrl.u32 s5, $0x1;
	s6 =	sshrl.u32 s6, $0x3  }
0xa: {  	s30 =	sshrl.u32 s8, $0x2;
	s13 =	sadd.s32 s6, s4;
	s4 =	sadd.s32 s28, s4  }
0xb: {  	s5 =	ssub.s32 s5, s29;
	s18 =	sadd.s32 $0x12A00, s4;
	s4 =	sadd.s32 s30, s2  }
0xc: {  	s5 =	smax.u32 s5, $0x1;
	s13 =	sadd.s32 $0x8C00, s13;
	s6 =	sadd.s32 $0x2800, s4  }
0xd: {  	s7 =	sadd.s32 $0x5000, s4;
	s8 =	sadd.s32 $0x7800, s4;
	s9 =	sadd.s32 $0xA000, s4  }
0xe: {  	s10 =	sadd.s32 $0xC800, s4;
	s11 =	sadd.s32 $0xF000, s4;
	s12 =	sadd.s32 $0x11800, s4  }
0xf: {  	v0 =	vimm.f32 $1.000000000e+00;
	v1 =	vimm.f32 $0.0e+00;
	s18 =	sadd.s32 s19, s18;
	s19 =	sor.u32 $0x1C01, s31;
	s20 =	sshrl.u32 s4, $0x3  }
.LBB2_1:
0x10: {  	s22 =	simm.s32 $0x200;
	s23 =	simm.s32 $0x0  }
.LBB2_2:
0x11: {  	p0 =	sne.s32 s22, $0x9E00;
	[tilespmem:s23+$0x80] =	vst v0;
	s24 =	smov.u32 s22;
	s22 =	sadd.s32 $0x200, s22  }
.Ltmp0:
0x12: {  	[tilespmem:s23+$0x2880] =	vst v1;
	(pc) =	sbr.rel @p0 .LBB2_2-.Ltmp0, $2  }
0x13: {  	_ =	sdelay $0x2  }
0x14: {  	s23 =	sshra.s32 s24, $0x2  }
0x15: {  	[tilespmem:s23+$0x80] =	vst v0  }
0x16: {  	[tilespmem:s23+$0x2880] =	vst v1  }
0x17: {  	[spmem:s4] =	stream.linear.scatter [tilespmem:s14], [sflag:$0x1], $0x2800, $0x38;
	[tilespmem:$0x7880] =	vst v63  }
0x18: {  	_ =	swait.ge [sflag:s15], $0x2800  }
0x19: {  	[sflag:s15] =	ssyncset.done $0x0  }
0x1a: {  	[sflag:s15] =	ssyncadd.s32 $0xFFFFD800  }
0x1b: {  	[spmem:s6] =	stream.linear.scatter [tilespmem:s14], [sflag:$0x1], $0x2800, $0x38;
	[tilespmem:$0x7880] =	vst v63  }
0x1c: {  	_ =	swait.ge [sflag:s15], $0x2800  }
0x1d: {  	[sflag:s15] =	ssyncset.done $0x0  }
0x1e: {  	[sflag:s15] =	ssyncadd.s32 $0xFFFFD800  }
0x1f: {  	[spmem:s7] =	stream.linear.scatter [tilespmem:s14], [sflag:$0x1], $0x2800, $0x38;
	[tilespmem:$0x7880] =	vst v63  }
0x20: {  	_ =	swait.ge [sflag:s15], $0x2800  }
0x21: {  	[sflag:s15] =	ssyncset.done $0x0  }
0x22: {  	[sflag:s15] =	ssyncadd.s32 $0xFFFFD800  }
0x23: {  	[spmem:s8] =	stream.linear.scatter [tilespmem:s14], [sflag:$0x1], $0x2800, $0x38;
	[tilespmem:$0x7880] =	vst v63  }
0x24: {  	_ =	swait.ge [sflag:s15], $0x2800  }
0x25: {  	[sflag:s15] =	ssyncset.done $0x0  }
0x26: {  	[sflag:s15] =	ssyncadd.s32 $0xFFFFD800  }
0x27: {  	[spmem:s9] =	stream.linear.scatter [tilespmem:s14], [sflag:$0x1], $0x2800, $0x38;
	[tilespmem:$0x7880] =	vst v63  }
0x28: {  	_ =	swait.ge [sflag:s15], $0x2800  }
0x29: {  	[sflag:s15] =	ssyncset.done $0x0  }
0x2a: {  	[sflag:s15] =	ssyncadd.s32 $0xFFFFD800  }
0x2b: {  	[spmem:s10] =	stream.linear.scatter [tilespmem:s14], [sflag:$0x1], $0x2800, $0x38;
	[tilespmem:$0x7880] =	vst v63  }
0x2c: {  	_ =	swait.ge [sflag:s15], $0x2800  }
0x2d: {  	[sflag:s15] =	ssyncset.done $0x0  }
0x2e: {  	[sflag:s15] =	ssyncadd.s32 $0xFFFFD800  }
0x2f: {  	[spmem:s11] =	stream.linear.scatter [tilespmem:s14], [sflag:$0x1], $0x2800, $0x38;
	[tilespmem:$0x7880] =	vst v63  }
0x30: {  	_ =	swait.ge [sflag:s15], $0x2800  }
0x31: {  	[sflag:s15] =	ssyncset.done $0x0  }
0x32: {  	[sflag:s15] =	ssyncadd.s32 $0xFFFFD800  }
0x33: {  	[spmem:s12] =	stream.linear.scatter [tilespmem:s14], [sflag:$0x1], $0x2800, $0x38;
	[tilespmem:$0x7880] =	vst v63  }
0x34: {  	_ =	swait.ge [sflag:s15], $0x2800  }
0x35: {  	[sflag:s15] =	ssyncset.done $0x0  }
0x36: {  	[sflag:s15] =	ssyncadd.s32 $0xFFFFD800  }
0x37: {  	s22 =	sadd.s32 $0x0, s13;
	[bflag:$0x0] =	sbarrier.arrive $0xFFFF  }
0x38: {  	[tilespmem:s3], [sflag:$0x1] =	stream.linear.gather [hbm4b:s22+s3], $0x50, $0x38;
	[tilespmem:$0x7880] =	vst v63  }
0x39: {  	_ =	swait.ge [sflag:s15], $0x50  }
0x3a: {  	[sflag:s15] =	ssyncset.done $0x0  }
0x3b: {  	[sflag:s15] =	ssyncadd.s32 $0xFFFFFFB0  }
0x3c: {  	[spmem:s2] =	stream.indirect.scatter.add.f32 [tilespmem:s17], [sflag:$0x1], $0x10, s3, s16, $0xb8;
	[tilespmem:$0x7880] =	vst v63  }
0x3d: {  	_ =	swait.ge [sflag:s15], $0x500  }
0x3e: {  	s23 =	simm.s32 $0x14;
	s22 =	simm.s32 $0xA;
	[sflag:s15] =	ssyncset.done $0x0  }
.LBB2_4:
0x3f: {  	s24 =	sadd.s32 s22, s13  }
0x40: {  	[sflag:s15] =	ssyncadd.s32 $0xFFFFFB00;
	s22 =	smov.u32 s23;
	s25 =	sadd.s32 $0xA, s23  }
0x41: {  	[tilespmem:s3], [sflag:$0x1] =	stream.linear.gather [hbm4b:s24+s3], $0x50, $0x38;
	[tilespmem:$0x7880] =	vst v63  }
0x42: {  	p0 =	sne.s32 s23, $0x4D8;
	_ =	swait.ge [sflag:s15], $0x50  }
.Ltmp1:
0x43: {  	[sflag:s15] =	ssyncset.done $0x0;
	(pc) =	sbr.rel @p0 .LBB2_4-.Ltmp1, $4  }
0x44: {  	[sflag:s15] =	ssyncadd.s32 $0xFFFFFFB0  }
0x45: {  	[spmem:s2] =	stream.indirect.scatter.add.f32 [tilespmem:s17], [sflag:$0x1], $0x10, s3, s16, $0xb8;
	[tilespmem:$0x7880] =	vst v63  }
0x46: {  	_ =	swait.ge [sflag:s15], $0x500  }
0x47: {  	s23 =	smov.u32 s25;
	[sflag:s15] =	ssyncset.done $0x0  }
0x48: {  	s22 =	sadd.s32 s22, s13;
	[sflag:s15] =	ssyncadd.s32 $0xFFFFFB00  }
0x49: {  	[tilespmem:s3], [sflag:$0x1] =	stream.linear.gather [hbm4b:s22+s3], $0x50, $0x38;
	[tilespmem:$0x7880] =	vst v63  }
0x4a: {  	_ =	swait.ge [sflag:s15], $0x50  }
0x4b: {  	[sflag:s15] =	ssyncset.done $0x0  }
0x4c: {  	[sflag:s15] =	ssyncadd.s32 $0xFFFFFFB0  }
0x4d: {  	[spmem:s2] =	stream.indirect.scatter.add.f32 [tilespmem:s17], [sflag:$0x1], $0x10, s3, s16, $0xb8;
	[tilespmem:$0x7880] =	vst v63  }
0x4e: {  	_ =	swait.ge [sflag:s15], $0x500  }
0x4f: {  	s21 =	sadd.s32 $0x1, s21;
	[sflag:s15] =	ssyncset.done $0x0  }
0x50: {  	p0 =	sne.s32 s21, s5;
	[sflag:s15] =	ssyncadd.s32 $0xFFFFFB00  }
.Ltmp2:
0x51: {  	[bflag:$0x0] =	sbarrier.arrive $0xFFFF;
	(pc) =	sbr.rel @p0 .LBB2_1-.Ltmp2, $4  }
0x52: {  	[hbm:s18], [sflag:s19] =	dma.local [spmem:s20], $0x2800  }
0x53: {  	_ =	swait.ge [sflag:s15], $0x2800  }
0x54: {  	[sflag:s15] =	ssyncset.done $0x0  }
0x55: {  	[sflag:s15] =	ssyncadd.s32 $0xFFFFD800  }
0x56: {  	_ =	sfence.sel $0x180000  }
0x57: {  	[bflag:$0x0] =	sbarrier.arrive $0xFFFF  }
0x58: {  	p0 =	sne.s32 s0, $0x0;
	_ =	strace $0x90000047  }
0x59: {  	s0 =	sadd.s32 @!p0 $0x100000, s1;
	[bflag:$0x2] =	sbarrier.arrive $0xFFFF  }
0x5a: {  	[sflag:s0] =	ssyncadd.tile.s32 @!p0 $0x1;
	_ =	shalt  }
.Lfunc_end2:
_tile_overlayer_lowered:
.L_overlay_start_2:
0x5b: {  	(tag) =	ssettag $0x2  }
0x5c: {  	s0 =	rddreg [dreg:$0x0];
	s2 =	stileid.u32  }
0x5d: {  	s1 =	rddreg [dreg:$0x1];
	p0 =	sne.s32 s2, $0x0  }
0x5e: {  	s3 =	rddreg [dreg:$0x2];
	[bflag:$0x3] =	sbarrier.arrive $0xFFFF;
	s2 =	simm.s32 @!p0 $0x1C01  }
0x5f: {  	[timem:s3], [sflag:s2] =	dma.local @!p0 [hbm:s0], s1  }
0x60: {  	s0 =	simm.s32 @!p0 $0x1  }
0x61: {  	_ =	swait.ge @!p0 [sflag:s0], s1  }
0x62: {  	s1 =	ssub.s32 @!p0 $0x0, s1;
	[sflag:s0] =	ssyncset.done @!p0 $0x0  }
0x63: {  	[sflag:s0] =	ssyncadd.s32 @!p0 s1  }
0x64: {  	[bflag:$0x3] =	sbarrier.arrive $0xFFFF  }
0x65: {  	_ =	shalt  }

// kernel: kernel.30.cloned.1.call-start
scs
__scs_entry_jumppad:
0x0: {  	(pc) =	sbr.rel $0x88, $3  }
0x1: {  	(tag) =	ssettag $0x0;
	lr =	simm.s32 $0x1  }
0x2: {  	[smem:$0x3F9B] =	sst lr;
	_ =	strace $0xD0000000  }
0x3: {  	_ = 	snop  }
0x4: {  	_ = 	snop  }
0x5: {  	_ = 	snop  }
0x6: {  	_ = 	snop  }
0x7: {  	_ = 	snop  }
__scs_overlays_trampoline_lowered:
0x8: {  	[smem:$0x3FAA] =	sst s0  }
0x9: {  	[smem:$0x3FAB] =	sst s1  }
0xa: {  	[smem:$0x3FAC] =	sst s2  }
0xb: {  	[smem:$0x3FAD] =	sst s3  }
0xc: {  	[smem:$0x3FAE] =	sst s4  }
0xd: {  	[smem:$0x3FAF] =	sst s5  }
0xe: {  	[smem:$0x3FB0] =	sst s6  }
0xf: {  	[smem:$0x3FB1] =	sst s7  }
0x10: {  	[smem:$0x3FB2] =	sst s8  }
0x11: {  	[smem:$0x3FB3] =	sst s9;
	s0 =	simm.s32 @!p0 $0x0  }
0x12: {  	s1 =	sld [smem:$0x3F99];
	s0 =	simm.s32 @p0 $0x1  }
0x13: {  	[smem:$0x3FB4] =	sst s0;
	s0 =	simm.s32 @!p1 $0x0  }
0x14: {  	s2 =	sld [smem:$0x3F98];
	s0 =	simm.s32 @p1 $0x1  }
0x15: {  	[smem:$0x3FB5] =	sst s0;
	s0 =	simm.s32 @!p2 $0x0  }
0x16: {  	s3 =	sld [smem:$0x3FDB];
	s0 =	simm.s32 @p2 $0x1  }
0x17: {  	s4 =	simm.s32 $0x1BF5;
	[smem:$0x3FB7] =	sst s0  }
0x18: {  	s0 =	sld [smem:$0x3F9A];
	_ =	swait.ge [sflag:s4], $0x0  }
0x19: {  	s7 =	sld [smem:$0x3F9B]  }
0x1a: {  	s8 =	sadd.s32 $0xFFFFE003, lr  }
0x1b: {  	s9 =	sadd.s32 $0xFFFFFEF7, lr;
	s5 =	simm.s32 $0xFFFFFFFF;
	p2 =	slt.u32 s8, $0xFFFFF086  }
0x1c: {  	p1 =	slt.u32 s9, $0xF7A;
	s5 =	simm.s32 @!p2 $0x0  }
0x1d: {  	s5 =	simm.s32 @p1 $0x1;
	p0 =	seq.s32 s7, s2  }
0x1e: {  	s7 =	smul.u32 @!p0 $0xF7A, s2;
	p2 =	seq.s32 @!p0 s5, $0x0  }
0x1f: {  	s9 =	smul.u32 $0xF7A, s1;
	s8 =	simm.s32 @!p0 $0x1BF5;
	p2 =	por !p2, p0  }
0x20: {  	[sflag:s8] =	ssyncset.s32 @!p0 $0xFFFFF086;
	s6 =	sadd.s32 @!p0 s3, s7;
	s7 =	simm.s32 @!p0 $0x108  }
0x21: {  	s3 =	sadd.s32 s3, s9;
	s6 =	sadd.s32 @!p0 $0x88, s6;
	s7 =	simm.s32 @p2 $0x1082  }
0x22: {  	[simem:s7], [sflag:s8] =	dma.local @!p0 [hbm:s6], $0xF7A  }
0x23: {  	s9 =	sor.u32 $0xD0000000, s2;
	s6 =	simm.s32 $0x108;
	_ =	swait.ge @!p0 [sflag:s8], $0x0  }
0x24: {  	s3 =	sadd.s32 $0x88, s3;
	s6 =	simm.s32 @!p1 $0x1082;
	[sflag:s4] =	ssyncset.s32 $0xFFFFF086  }
0x25: {  	[simem:s6], [sflag:s4] =	dma.local [hbm:s3], $0xF7A  }
0x26: {  	[smem:$0x3F9B] =	sst s1;
	(tag) =	ssettag s2;
	_ =	strace s9  }
0x27: {  	s1 =	sld [smem:$0x3FAB]  }
0x28: {  	s2 =	sld [smem:$0x3FAC]  }
0x29: {  	s4 =	sld [smem:$0x3FAE]  }
0x2a: {  	p0 =	seq.s32 s5, $0x0;
	s5 =	sld [smem:$0x3FAF]  }
0x2b: {  	s6 =	sld [smem:$0x3FB0]  }
0x2c: {  	s7 =	sld [smem:$0x3FB1]  }
0x2d: {  	s3 =	simm.s32 $0x108;
	s8 =	sld [smem:$0x3FB2]  }
0x2e: {  	s3 =	simm.s32 @!p0 $0x1082;
	s9 =	sld [smem:$0x3FB3]  }
0x2f: {  	lr =	sadd.s32 s0, s3;
	s0 =	sld [smem:$0x3FAA]  }
0x30: {  	s3 =	sld [smem:$0x3FAD]  }
0x31: {  	[smem:$0x3FB6] =	sst s10  }
0x32: {  	s10 =	sld [smem:$0x3FB4];
	_ =	sdelay $0x3  }
0x33: {  	p0 =	seq.s32 s10, $0x1;
	s10 =	sld [smem:$0x3FB6];
	_ =	sdelay $0x3  }
0x34: {  	[smem:$0x3FB6] =	sst s10  }
0x35: {  	s10 =	sld [smem:$0x3FB5];
	_ =	sdelay $0x3  }
0x36: {  	p1 =	seq.s32 s10, $0x1;
	s10 =	sld [smem:$0x3FB6];
	_ =	sdelay $0x3  }
0x37: {  	[smem:$0x3FB6] =	sst s10  }
0x38: {  	s10 =	sld [smem:$0x3FB7]  }
0x39: {  	_ = 	snop;
	(pc) =	sbr.ind lr, $3  }
0x3a: {  	_ = 	snop  }
0x3b: {  	_ = 	snop  }
0x3c: {  	p2 =	seq.s32 s10, $0x1;
	s10 =	sld [smem:$0x3FB6]  }
0x3d: {  	_ =	shalt  }
0x3e: {  	_ =	shalt  }
0x3f: {  	_ =	shalt  }
0x40: {  	_ =	shalt  }
0x41: {  	_ =	shalt  }
0x42: {  	_ =	shalt  }
0x43: {  	_ =	shalt  }
0x44: {  	_ =	shalt  }
0x45: {  	_ =	shalt  }
0x46: {  	_ =	shalt  }
0x47: {  	_ =	shalt  }
0x48: {  	_ =	shalt  }
0x49: {  	_ =	shalt  }
0x4a: {  	_ =	shalt  }
0x4b: {  	_ =	shalt  }
0x4c: {  	_ =	shalt  }
0x4d: {  	_ =	shalt  }
0x4e: {  	_ =	shalt  }
0x4f: {  	_ =	shalt  }
0x50: {  	_ =	shalt  }
0x51: {  	_ =	shalt  }
0x52: {  	_ =	shalt  }
0x53: {  	_ =	shalt  }
0x54: {  	_ =	shalt  }
0x55: {  	_ =	shalt  }
0x56: {  	_ =	shalt  }
0x57: {  	_ =	shalt  }
0x58: {  	_ =	shalt  }
0x59: {  	_ =	shalt  }
0x5a: {  	_ =	shalt  }
0x5b: {  	_ =	shalt  }
0x5c: {  	_ =	shalt  }
0x5d: {  	_ =	shalt  }
0x5e: {  	_ =	shalt  }
0x5f: {  	_ =	shalt  }
0x60: {  	_ =	shalt  }
0x61: {  	_ =	shalt  }
0x62: {  	_ =	shalt  }
0x63: {  	_ =	shalt  }
0x64: {  	_ =	shalt  }
0x65: {  	_ =	shalt  }
0x66: {  	_ =	shalt  }
0x67: {  	_ =	shalt  }
0x68: {  	_ =	shalt  }
0x69: {  	_ =	shalt  }
0x6a: {  	_ =	shalt  }
0x6b: {  	_ =	shalt  }
0x6c: {  	_ =	shalt  }
0x6d: {  	_ =	shalt  }
0x6e: {  	_ =	shalt  }
0x6f: {  	_ =	shalt  }
0x70: {  	_ =	shalt  }
0x71: {  	_ =	shalt  }
0x72: {  	_ =	shalt  }
0x73: {  	_ =	shalt  }
0x74: {  	_ =	shalt  }
0x75: {  	_ =	shalt  }
0x76: {  	_ =	shalt  }
0x77: {  	_ =	shalt  }
0x78: {  	_ =	shalt  }
0x79: {  	_ =	shalt  }
0x7a: {  	_ =	shalt  }
0x7b: {  	_ =	shalt  }
0x7c: {  	_ =	shalt  }
0x7d: {  	_ =	shalt  }
0x7e: {  	_ =	shalt  }
0x7f: {  	_ =	shalt  }
0x80: {  	_ =	shalt  }
0x81: {  	_ =	shalt  }
0x82: {  	_ =	shalt  }
0x83: {  	_ =	shalt  }
0x84: {  	_ =	shalt  }
0x85: {  	_ =	shalt  }
0x86: {  	_ =	shalt  }
0x87: {  	_ =	shalt  }
.Lfunc_end0:
.L_simem_size_0:
called_computation.1_lowered:
.L_overlay_start_0:
0x88: {  	s2 =	sld [smem:$0x3FD9]  }
0x89: {  	s3 =	sld [smem:$0x3FFE];
	_ =	sdelay $0x1  }
0x8a: {  	s1 =	srdreg.scid  }
0x8b: {  	s0 =	sand.u32 $0x1, s1  }
0x8c: {  	s17 =	sshll.u32 s0, $0xA;
	s2 =	sadd.s32 s3, s2  }
0x8d: {  	s2 =	sadd.s32 s2, s17  }
0x8e: {  	[smem:$0x3FC2] =	sst s2  }
0x8f: {  	_ = 	snop  }
0x90: {  	s2 =	sld [smem:$0x3FD0];
	(tm) =	ssettm $0x1  }
0x91: {  	s18 =	sld [smem:$0x3FFB];
	_ =	sdelay $0x3  }
0x92: {  	_ =	strace s18  }
0x93: {  	s3 =	sld [smem:$0x3FFC];
	_ =	sdelay $0x3  }
0x94: {  	_ =	strace s3  }
0x95: {  	s3 =	sld [smem:$0x3FFD];
	_ =	sdelay $0x3  }
0x96: {  	_ =	strace s3  }
0x97: {  	_ =	strace $0x8FFFFFFF  }
0x98: {  	s19 =	sld [smem:$0x3FDB];
	_ =	sdelay $0x1  }
0x99: {  	s4 =	simm.s32 $_scs_section_size  }
0x9a: {  	s5 =	simm.s32 $_size__tile_overlayer_lowered;
	s6 =	simm.s32 $_tile_overlayer_lowered  }
0x9b: {  	s22 =	simm.s32 $0x1BFF;
	s21 =	sshll.u32 s6, $0x1;
	s3 =	sadd.s32 s4, s19  }
0x9c: {  	s7 =	simm.s32 $0x0;
	s20 =	sshll.u32 s5, $0x1;
	s5 =	sadd.s32 s21, s3  }
0x9d: {  	[timem:s7], [sflag:s22] =	dma.local [hbm:s5], s20  }
0x9e: {  	_ =	swait.ge [sflag:s22], s20  }
0x9f: {  	s4 =	ssub.s32 $0x0, s20;
	[sflag:s22] =	ssyncset.done $0x0  }
0xa0: {  	[sflag:s22] =	ssyncadd.s32 s4;
	_ =	sdelay $0x1  }
0xa1: {  	s23 =	simm.s32 $0x1B8B  }
0xa2: {  	_ =	swait.ge [sflag:s23], $0x1  }
0xa3: {  	[sflag:s23] =	ssyncset.done $0x0  }
0xa4: {  	s25 =	simm.s32 $0x1B8E;
	s24 =	sld [smem:$0x3FFE];
	[sflag:s23] =	ssyncadd.s32 $0xFFFFFFFF  }
0xa5: {  	s26 =	simm.s32 $execute0_lowered;
	[smem:$0x3FD2] =	sst s25  }
0xa6: {  	s5 =	sshll.u32 s26, $0x1;
	_ =	strace $0x80000049;
	[dreg:$0x1] =	wrdreg $0xFFFFFFFF  }
0xa7: {  	s28 =	simm.s32 $_size_execute0_lowered;
	s3 =	sadd.s32 s3, s5;
	[dreg:$0x0] =	wrdreg $0x0  }
0xa8: {  	s5 =	sshll.u32 s28, $0x1;
	[dreg:$0x2] =	wrdreg s3  }
0xa9: {  	[dreg:$0x3] =	wrdreg s5  }
0xaa: {  	[dreg:$0x4] =	wrdreg $0xC0  }
0xab: {  	_ =	task [dreg:s7], $0x5FFFF  }
0xac: {  	[dreg:$0x1] =	wrdreg $0xFFFFFFFF  }
0xad: {  	[dreg:$0x0] =	wrdreg $0x60  }
0xae: {  	[dreg:$0x2] =	wrdreg s24  }
0xaf: {  	[dreg:$0x3] =	wrdreg s2  }
0xb0: {  	[dreg:$0x4] =	wrdreg $0x51000  }
0xb1: {  	[dreg:$0x5] =	wrdreg $0x9  }
0xb2: {  	_ =	task.clear_ibuf [dreg:s7], $0x6FFFF;
	_ =	strace $0x90000049  }
0xb3: {  	s29 =	simm.s32 $0x9;
	_ =	strace $0x8000004B  }
0xb4: {  	_ =	swait.ge [sflag:s29], $0x1  }
0xb5: {  	[sflag:s29] =	ssyncadd.s32 $0xFFFFFFFF  }
0xb6: {  	_ =	strace $0x9000004B  }
0xb7: {  	_ =	sfence  }
0xb8: {  	s30 =	sld [smem:$0x0];
	_ =	sdelay $0x2  }
0xb9: {  	s31 =	sshll.u32 s1, $0xD;
	s1 =	sshrl.u32 s1, $0x2  }
0xba: {  	s3 =	sand.u32 $0x4000, s31;
	s1 =	sadd.s32 s1, s30  }
0xbb: {  	s0 =	sor.u32 s3, s0;
	s1 =	sshll.u32 s1, $0x11  }
0xbc: {  	s0 =	sor.u32 s1, s0  }
0xbd: {  	s0 =	sadd.s32 $0x8F2B, s0  }
0xbe: {  	[sflag:s0] =	ssyncadd.remote.s32 $0x1  }
0xbf: {  	_ =	sfence.sel $0xFFFF  }
0xc0: {  	[dreg:$0x0] =	wrdreg $0xFFFFFFFF;
	(pc) =	sbr.abs _section_cstart, $3  }
0xc1: {  	[dreg:$0x1] =	wrdreg $0xFFFFFFFF  }
0xc2: {  	_ =	task.clear_ibuf [dreg:s7], $0x2FFFF;
	_ =	strace $0x9FFFFFFF  }
0xc3: {  	(tm) =	ssettm $0x7FFFFFFF  }
tec
execute0_lowered:
.L_overlay_start_1:
0x0: {  	(tag) =	ssettag $0x1  }
0x1: {  	s5 =	rddreg [dreg:$0x0]  }
0x2: {  	s14 =	rddreg [dreg:$0x1];
	s0 =	srdreg.scid  }
0x3: {  	s2 =	rddreg [dreg:$0x2];
	s1 =	stileid.u32  }
0x4: {  	s3 =	simm.s32 $0x0;
	s17 =	simm.s32 $0x2;
	s7 =	smul.u32 $0x2710, s1  }
0x5: {  	s18 =	simm.s32 $0x80;
	s19 =	simm.s32 $0x50;
	s8 =	smul.u32 $0x50000, s1  }
0x6: {  	s20 =	simm.s32 $0x100;
	s4 =	sand.u32 $0x1, s0;
	s23 =	smul.u32 $0x2800, s1  }
0x7: {  	s21 =	simm.s32 $0x1;
	[smem:$0x7FF] =	sst s3;
	s6 =	smul.u32 $0x27100, s4  }
0x8: {  	s0 =	rddreg [dreg:$0x3];
	_ =	strace $0x8000004A;
	s29 =	smul.u32 $0x28000, s4  }
0x9: {  	s30 =	ssub.s32 $0x2, s4;
	s4 =	sadd.s32 $0x3AA00, s5;
	s6 =	sadd.s32 s7, s6  }
0xa: {  	s9 =	sshrl.u32 s30, $0x1;
	s31 =	sshrl.u32 s8, $0x2;
	s15 =	sshrl.u32 s6, $0x3  }
0xb: {  	s6 =	ssub.s32 s30, s9;
	s16 =	sadd.s32 s15, s5;
	s5 =	sadd.s32 s29, s5  }
0xc: {  	s6 =	smax.u32 s6, $0x1;
	s14 =	sadd.s32 s15, s14;
	s22 =	sadd.s32 $0x8AA00, s5  }
0xd: {  	s5 =	sadd.s32 s31, s2;
	s15 =	sadd.s32 $0x8C00, s16;
	s16 =	simm.s32 $0x2900  }
0xe: {  	s7 =	sadd.s32 $0x2800, s5;
	s8 =	sadd.s32 $0x5000, s5;
	s9 =	sadd.s32 $0x7800, s5  }
0xf: {  	s10 =	sadd.s32 $0xA000, s5;
	s11 =	sadd.s32 $0xC800, s5;
	s12 =	sadd.s32 $0xF000, s5  }
0x10: {  	v0 =	vimm.f32 $0.0e+00;
	s13 =	sadd.s32 $0x11800, s5;
	s22 =	sadd.s32 s23, s22;
	s23 =	simm.s32 $0x0  }
.LBB2_1:
0x11: {  	s24 =	simm.s32 $0x0;
	s25 =	simm.s32 $0x200  }
.LBB2_2:
0x12: {  	p0 =	sne.s32 s25, $0x9E00;
	[tilespmem:s24+$0x2970] =	vst v0  }
0x13: {  	[tilespmem:s24+$0x2900] =	vst v0  }
0x14: {  	[tilespmem:s24+$0x2910] =	vst v0  }
.Ltmp0:
0x15: {  	[tilespmem:s24+$0x2920] =	vst v0;
	(pc) =	sbr.rel @p0 .LBB2_2-.Ltmp0, $4  }
0x16: {  	[tilespmem:s24+$0x2930] =	vst v0  }
0x17: {  	[tilespmem:s24+$0x2940] =	vst v0  }
0x18: {  	[tilespmem:s24+$0x2950] =	vst v0  }
0x19: {  	[tilespmem:s24+$0x2960] =	vst v0;
	s24 =	sshra.s32 s25, $0x2;
	s25 =	sadd.s32 $0x200, s25  }
0x1a: {  	[tilespmem:s24+$0x2970] =	vst v0  }
0x1b: {  	[tilespmem:s24+$0x2900] =	vst v0  }
0x1c: {  	[tilespmem:s24+$0x2910] =	vst v0  }
0x1d: {  	[tilespmem:s24+$0x2920] =	vst v0  }
0x1e: {  	[tilespmem:s24+$0x2930] =	vst v0  }
0x1f: {  	[tilespmem:s24+$0x2940] =	vst v0  }
0x20: {  	[tilespmem:s24+$0x2950] =	vst v0  }
0x21: {  	[tilespmem:s24+$0x2960] =	vst v0  }
0x22: {  	[spmem:s5] =	stream.linear.scatter [tilespmem:s16], [sflag:$0x2], $0x2800, $0x38;
	[tilespmem:$0x19100] =	vst v63  }
0x23: {  	_ =	swait.ge [sflag:s17], $0x2800  }
0x24: {  	[sflag:s17] =	ssyncset.done $0x0  }
0x25: {  	[sflag:s17] =	ssyncadd.s32 $0xFFFFD800  }
0x26: {  	[spmem:s7] =	stream.linear.scatter [tilespmem:s16], [sflag:$0x2], $0x2800, $0x38;
	[tilespmem:$0x19100] =	vst v63  }
0x27: {  	_ =	swait.ge [sflag:s17], $0x2800  }
0x28: {  	[sflag:s17] =	ssyncset.done $0x0  }
0x29: {  	[sflag:s17] =	ssyncadd.s32 $0xFFFFD800  }
0x2a: {  	[spmem:s8] =	stream.linear.scatter [tilespmem:s16], [sflag:$0x2], $0x2800, $0x38;
	[tilespmem:$0x19100] =	vst v63  }
0x2b: {  	_ =	swait.ge [sflag:s17], $0x2800  }
0x2c: {  	[sflag:s17] =	ssyncset.done $0x0  }
0x2d: {  	[sflag:s17] =	ssyncadd.s32 $0xFFFFD800  }
0x2e: {  	[spmem:s9] =	stream.linear.scatter [tilespmem:s16], [sflag:$0x2], $0x2800, $0x38;
	[tilespmem:$0x19100] =	vst v63  }
0x2f: {  	_ =	swait.ge [sflag:s17], $0x2800  }
0x30: {  	[sflag:s17] =	ssyncset.done $0x0  }
0x31: {  	[sflag:s17] =	ssyncadd.s32 $0xFFFFD800  }
0x32: {  	[spmem:s10] =	stream.linear.scatter [tilespmem:s16], [sflag:$0x2], $0x2800, $0x38;
	[tilespmem:$0x19100] =	vst v63  }
0x33: {  	_ =	swait.ge [sflag:s17], $0x2800  }
0x34: {  	[sflag:s17] =	ssyncset.done $0x0  }
0x35: {  	[sflag:s17] =	ssyncadd.s32 $0xFFFFD800  }
0x36: {  	[spmem:s11] =	stream.linear.scatter [tilespmem:s16], [sflag:$0x2], $0x2800, $0x38;
	[tilespmem:$0x19100] =	vst v63  }
0x37: {  	_ =	swait.ge [sflag:s17], $0x2800  }
0x38: {  	[sflag:s17] =	ssyncset.done $0x0  }
0x39: {  	[sflag:s17] =	ssyncadd.s32 $0xFFFFD800  }
0x3a: {  	[spmem:s12] =	stream.linear.scatter [tilespmem:s16], [sflag:$0x2], $0x2800, $0x38;
	[tilespmem:$0x19100] =	vst v63  }
0x3b: {  	_ =	swait.ge [sflag:s17], $0x2800  }
0x3c: {  	[sflag:s17] =	ssyncset.done $0x0  }
0x3d: {  	[sflag:s17] =	ssyncadd.s32 $0xFFFFD800  }
0x3e: {  	[spmem:s13] =	stream.linear.scatter [tilespmem:s16], [sflag:$0x2], $0x2800, $0x38;
	[tilespmem:$0x19100] =	vst v63  }
0x3f: {  	_ =	swait.ge [sflag:s17], $0x2800  }
0x40: {  	[sflag:s17] =	ssyncset.done $0x0  }
0x41: {  	[sflag:s17] =	ssyncadd.s32 $0xFFFFD800  }
0x42: {  	s30 =	sadd.s32 $0x0, s15;
	[bflag:$0x0] =	sbarrier.arrive $0xFFFF  }
0x43: {  	[tilespmem:s3], [sflag:$0x2] =	stream.linear.gather [hbm4b:s30+s3], $0x50, $0x38;
	[tilespmem:$0x19100] =	vst v63  }
0x44: {  	_ =	swait.ge [sflag:s17], $0x50  }
0x45: {  	[sflag:s17] =	ssyncset.done $0x0  }
0x46: {  	s31 =	sadd.s32 $0x0, s14;
	[sflag:s17] =	ssyncadd.s32 $0xFFFFFFB0  }
0x47: {  	[tilespmem:s18], [sflag:$0x2] =	stream.linear.gather [hbm4b:s31+s3], $0x50, $0x38;
	[tilespmem:$0x19100] =	vst v63  }
0x48: {  	_ =	swait.ge [sflag:s17], $0x50  }
0x49: {  	[sflag:s17] =	ssyncset.done $0x0  }
0x4a: {  	[sflag:s17] =	ssyncadd.s32 $0xFFFFFFB0  }
0x4b: {  	[tilespmem:s20], [sflag:$0x1] =	stream.indirect.gather [hbm4b:s4+s19], $0x80, s18, s19, $0xb8;
	[tilespmem:$0x19100] =	vst v63  }
0x4c: {  	_ =	swait.ge [sflag:s21], $0x2800  }
0x4d: {  	[sflag:s21] =	ssyncset.done $0x0  }
0x4e: {  	[sflag:s21] =	ssyncadd.s32 $0xFFFFD800  }
0x4f: {  	[spmem:s2] =	stream.indirect.scatter.add.f32 [tilespmem:s20], [sflag:$0x2], $0x80, s3, s19, $0xb8;
	[tilespmem:$0x19100] =	vst v63  }
0x50: {  	_ =	swait.ge [sflag:s17], $0x2800  }
0x51: {  	s24 =	simm.s32 $0xA;
	s25 =	simm.s32 $0x14;
	[sflag:s17] =	ssyncset.done $0x0  }
.LBB2_4:
0x52: {  	s26 =	sadd.s32 s24, s15  }
0x53: {  	[sflag:s17] =	ssyncadd.s32 $0xFFFFD800;
	s28 =	smov.u32 s25;
	s29 =	sadd.s32 $0xA, s25  }
0x54: {  	[tilespmem:s3], [sflag:$0x2] =	stream.linear.gather [hbm4b:s26+s3], $0x50, $0x38;
	[tilespmem:$0x19100] =	vst v63  }
0x55: {  	p0 =	sne.s32 s25, $0x4D8;
	_ =	swait.ge [sflag:s17], $0x50  }
0x56: {  	[sflag:s17] =	ssyncset.done $0x0  }
0x57: {  	s25 =	sadd.s32 s24, s14;
	s24 =	smov.u32 s28;
	[sflag:s17] =	ssyncadd.s32 $0xFFFFFFB0  }
0x58: {  	[tilespmem:s18], [sflag:$0x2] =	stream.linear.gather [hbm4b:s25+s3], $0x50, $0x38;
	[tilespmem:$0x19100] =	vst v63  }
0x59: {  	_ =	swait.ge [sflag:s17], $0x50  }
0x5a: {  	[sflag:s17] =	ssyncset.done $0x0  }
0x5b: {  	[sflag:s17] =	ssyncadd.s32 $0xFFFFFFB0  }
0x5c: {  	[tilespmem:s20], [sflag:$0x1] =	stream.indirect.gather [hbm4b:s4+s19], $0x80, s18, s19, $0xb8;
	[tilespmem:$0x19100] =	vst v63  }
0x5d: {  	_ =	swait.ge [sflag:s21], $0x2800  }
.Ltmp1:
0x5e: {  	[sflag:s21] =	ssyncset.done $0x0;
	(pc) =	sbr.rel @p0 .LBB2_4-.Ltmp1, $4  }
0x5f: {  	[sflag:s21] =	ssyncadd.s32 $0xFFFFD800  }
0x60: {  	[spmem:s2] =	stream.indirect.scatter.add.f32 [tilespmem:s20], [sflag:$0x2], $0x80, s3, s19, $0xb8;
	[tilespmem:$0x19100] =	vst v63  }
0x61: {  	_ =	swait.ge [sflag:s17], $0x2800  }
0x62: {  	s25 =	smov.u32 s29;
	[sflag:s17] =	ssyncset.done $0x0  }
0x63: {  	s25 =	sadd.s32 s24, s15;
	[sflag:s17] =	ssyncadd.s32 $0xFFFFD800  }
0x64: {  	[tilespmem:s3], [sflag:$0x2] =	stream.linear.gather [hbm4b:s25+s3], $0x50, $0x38;
	[tilespmem:$0x19100] =	vst v63  }
0x65: {  	_ =	swait.ge [sflag:s17], $0x50  }
0x66: {  	[sflag:s17] =	ssyncset.done $0x0  }
0x67: {  	s29 =	sadd.s32 s24, s14;
	[sflag:s17] =	ssyncadd.s32 $0xFFFFFFB0  }
0x68: {  	[tilespmem:s18], [sflag:$0x2] =	stream.linear.gather [hbm4b:s29+s3], $0x50, $0x38;
	[tilespmem:$0x19100] =	vst v63  }
0x69: {  	_ =	swait.ge [sflag:s17], $0x50  }
0x6a: {  	[sflag:s17] =	ssyncset.done $0x0  }
0x6b: {  	[sflag:s17] =	ssyncadd.s32 $0xFFFFFFB0  }
0x6c: {  	[tilespmem:s20], [sflag:$0x1] =	stream.indirect.gather [hbm4b:s4+s19], $0x80, s18, s19, $0xb8;
	[tilespmem:$0x19100] =	vst v63  }
0x6d: {  	_ =	swait.ge [sflag:s21], $0x2800  }
0x6e: {  	[sflag:s21] =	ssyncset.done $0x0  }
0x6f: {  	[sflag:s21] =	ssyncadd.s32 $0xFFFFD800  }
0x70: {  	[spmem:s2] =	stream.indirect.scatter.add.f32 [tilespmem:s20], [sflag:$0x2], $0x80, s3, s19, $0xb8;
	[tilespmem:$0x19100] =	vst v63  }
0x71: {  	_ =	swait.ge [sflag:s17], $0x2800  }
0x72: {  	s30 =	sshll.u32 s1, $0x6;
	s23 =	sadd.s32 $0x1, s23;
	[sflag:s17] =	ssyncset.done $0x0  }
0x73: {  	s31 =	sshrl.u32 s5, $0x3;
	p0 =	sne.s32 s23, s6;
	[sflag:s17] =	ssyncadd.s32 $0xFFFFD800  }
.Ltmp2:
0x74: {  	s24 =	sor.u32 $0x1C02, s30;
	[bflag:$0x0] =	sbarrier.arrive $0xFFFF;
	(pc) =	sbr.rel @p0 .LBB2_1-.Ltmp2, $4  }
0x75: {  	[hbm:s22], [sflag:s24] =	dma.local [spmem:s31], $0x2800  }
0x76: {  	_ =	swait.ge [sflag:s17], $0x2800  }
0x77: {  	[sflag:s17] =	ssyncset.done $0x0  }
0x78: {  	[sflag:s17] =	ssyncadd.s32 $0xFFFFD800  }
0x79: {  	_ =	sfence.sel $0x180000  }
0x7a: {  	[bflag:$0x0] =	sbarrier.arrive $0xFFFF  }
0x7b: {  	p0 =	sne.s32 s1, $0x0;
	_ =	strace $0x9000004A  }
0x7c: {  	s0 =	sadd.s32 @!p0 $0x100000, s0;
	[bflag:$0x2] =	sbarrier.arrive $0xFFFF  }
0x7d: {  	[sflag:s0] =	ssyncadd.tile.s32 @!p0 $0x1;
	_ =	shalt  }
.Lfunc_end2:
_tile_overlayer_lowered:
.L_overlay_start_2:
0x7e: {  	(tag) =	ssettag $0x2  }
0x7f: {  	s0 =	rddreg [dreg:$0x0];
	s2 =	stileid.u32  }
0x80: {  	s1 =	rddreg [dreg:$0x1];
	p0 =	sne.s32 s2, $0x0  }
0x81: {  	s3 =	rddreg [dreg:$0x2];
	[bflag:$0x3] =	sbarrier.arrive $0xFFFF;
	s2 =	simm.s32 @!p0 $0x1C02  }
0x82: {  	[timem:s3], [sflag:s2] =	dma.local @!p0 [hbm:s0], s1  }
0x83: {  	s0 =	simm.s32 @!p0 $0x2  }
0x84: {  	_ =	swait.ge @!p0 [sflag:s0], s1  }
0x85: {  	s1 =	ssub.s32 @!p0 $0x0, s1;
	[sflag:s0] =	ssyncset.done @!p0 $0x0  }
0x86: {  	[sflag:s0] =	ssyncadd.s32 @!p0 s1  }
0x87: {  	[bflag:$0x3] =	sbarrier.arrive $0xFFFF  }
0x88: {  	_ =	shalt  }

// kernel: kernel.33.cloned.1.call-start
scs
__scs_entry_jumppad:
0x0: {  	(pc) =	sbr.rel $0x88, $3  }
0x1: {  	(tag) =	ssettag $0x0;
	lr =	simm.s32 $0x1  }
0x2: {  	[smem:$0x3F9B] =	sst lr;
	_ =	strace $0xD0000000  }
0x3: {  	_ = 	snop  }
0x4: {  	_ = 	snop  }
0x5: {  	_ = 	snop  }
0x6: {  	_ = 	snop  }
0x7: {  	_ = 	snop  }
__scs_overlays_trampoline_lowered:
0x8: {  	[smem:$0x3FAA] =	sst s0  }
0x9: {  	[smem:$0x3FAB] =	sst s1  }
0xa: {  	[smem:$0x3FAC] =	sst s2  }
0xb: {  	[smem:$0x3FAD] =	sst s3  }
0xc: {  	[smem:$0x3FAE] =	sst s4  }
0xd: {  	[smem:$0x3FAF] =	sst s5  }
0xe: {  	[smem:$0x3FB0] =	sst s6  }
0xf: {  	[smem:$0x3FB1] =	sst s7  }
0x10: {  	[smem:$0x3FB2] =	sst s8  }
0x11: {  	[smem:$0x3FB3] =	sst s9;
	s0 =	simm.s32 @!p0 $0x0  }
0x12: {  	s1 =	sld [smem:$0x3F99];
	s0 =	simm.s32 @p0 $0x1  }
0x13: {  	[smem:$0x3FB4] =	sst s0;
	s0 =	simm.s32 @!p1 $0x0  }
0x14: {  	s2 =	sld [smem:$0x3F98];
	s0 =	simm.s32 @p1 $0x1  }
0x15: {  	[smem:$0x3FB5] =	sst s0;
	s0 =	simm.s32 @!p2 $0x0  }
0x16: {  	s3 =	sld [smem:$0x3FDB];
	s0 =	simm.s32 @p2 $0x1  }
0x17: {  	s4 =	simm.s32 $0x1BF5;
	[smem:$0x3FB7] =	sst s0  }
0x18: {  	s0 =	sld [smem:$0x3F9A];
	_ =	swait.ge [sflag:s4], $0x0  }
0x19: {  	s7 =	sld [smem:$0x3F9B]  }
0x1a: {  	s8 =	sadd.s32 $0xFFFFE003, lr  }
0x1b: {  	s9 =	sadd.s32 $0xFFFFFEF7, lr;
	s5 =	simm.s32 $0xFFFFFFFF;
	p2 =	slt.u32 s8, $0xFFFFF086  }
0x1c: {  	p1 =	slt.u32 s9, $0xF7A;
	s5 =	simm.s32 @!p2 $0x0  }
0x1d: {  	s5 =	simm.s32 @p1 $0x1;
	p0 =	seq.s32 s7, s2  }
0x1e: {  	s7 =	smul.u32 @!p0 $0xF7A, s2;
	p2 =	seq.s32 @!p0 s5, $0x0  }
0x1f: {  	s9 =	smul.u32 $0xF7A, s1;
	s8 =	simm.s32 @!p0 $0x1BF5;
	p2 =	por !p2, p0  }
0x20: {  	[sflag:s8] =	ssyncset.s32 @!p0 $0xFFFFF086;
	s6 =	sadd.s32 @!p0 s3, s7;
	s7 =	simm.s32 @!p0 $0x108  }
0x21: {  	s3 =	sadd.s32 s3, s9;
	s6 =	sadd.s32 @!p0 $0x88, s6;
	s7 =	simm.s32 @p2 $0x1082  }
0x22: {  	[simem:s7], [sflag:s8] =	dma.local @!p0 [hbm:s6], $0xF7A  }
0x23: {  	s9 =	sor.u32 $0xD0000000, s2;
	s6 =	simm.s32 $0x108;
	_ =	swait.ge @!p0 [sflag:s8], $0x0  }
0x24: {  	s3 =	sadd.s32 $0x88, s3;
	s6 =	simm.s32 @!p1 $0x1082;
	[sflag:s4] =	ssyncset.s32 $0xFFFFF086  }
0x25: {  	[simem:s6], [sflag:s4] =	dma.local [hbm:s3], $0xF7A  }
0x26: {  	[smem:$0x3F9B] =	sst s1;
	(tag) =	ssettag s2;
	_ =	strace s9  }
0x27: {  	s1 =	sld [smem:$0x3FAB]  }
0x28: {  	s2 =	sld [smem:$0x3FAC]  }
0x29: {  	s4 =	sld [smem:$0x3FAE]  }
0x2a: {  	p0 =	seq.s32 s5, $0x0;
	s5 =	sld [smem:$0x3FAF]  }
0x2b: {  	s6 =	sld [smem:$0x3FB0]  }
0x2c: {  	s7 =	sld [smem:$0x3FB1]  }
0x2d: {  	s3 =	simm.s32 $0x108;
	s8 =	sld [smem:$0x3FB2]  }
0x2e: {  	s3 =	simm.s32 @!p0 $0x1082;
	s9 =	sld [smem:$0x3FB3]  }
0x2f: {  	lr =	sadd.s32 s0, s3;
	s0 =	sld [smem:$0x3FAA]  }
0x30: {  	s3 =	sld [smem:$0x3FAD]  }
0x31: {  	[smem:$0x3FB6] =	sst s10  }
0x32: {  	s10 =	sld [smem:$0x3FB4];
	_ =	sdelay $0x3  }
0x33: {  	p0 =	seq.s32 s10, $0x1;
	s10 =	sld [smem:$0x3FB6];
	_ =	sdelay $0x3  }
0x34: {  	[smem:$0x3FB6] =	sst s10  }
0x35: {  	s10 =	sld [smem:$0x3FB5];
	_ =	sdelay $0x3  }
0x36: {  	p1 =	seq.s32 s10, $0x1;
	s10 =	sld [smem:$0x3FB6];
	_ =	sdelay $0x3  }
0x37: {  	[smem:$0x3FB6] =	sst s10  }
0x38: {  	s10 =	sld [smem:$0x3FB7]  }
0x39: {  	_ = 	snop;
	(pc) =	sbr.ind lr, $3  }
0x3a: {  	_ = 	snop  }
0x3b: {  	_ = 	snop  }
0x3c: {  	p2 =	seq.s32 s10, $0x1;
	s10 =	sld [smem:$0x3FB6]  }
0x3d: {  	_ =	shalt  }
0x3e: {  	_ =	shalt  }
0x3f: {  	_ =	shalt  }
0x40: {  	_ =	shalt  }
0x41: {  	_ =	shalt  }
0x42: {  	_ =	shalt  }
0x43: {  	_ =	shalt  }
0x44: {  	_ =	shalt  }
0x45: {  	_ =	shalt  }
0x46: {  	_ =	shalt  }
0x47: {  	_ =	shalt  }
0x48: {  	_ =	shalt  }
0x49: {  	_ =	shalt  }
0x4a: {  	_ =	shalt  }
0x4b: {  	_ =	shalt  }
0x4c: {  	_ =	shalt  }
0x4d: {  	_ =	shalt  }
0x4e: {  	_ =	shalt  }
0x4f: {  	_ =	shalt  }
0x50: {  	_ =	shalt  }
0x51: {  	_ =	shalt  }
0x52: {  	_ =	shalt  }
0x53: {  	_ =	shalt  }
0x54: {  	_ =	shalt  }
0x55: {  	_ =	shalt  }
0x56: {  	_ =	shalt  }
0x57: {  	_ =	shalt  }
0x58: {  	_ =	shalt  }
0x59: {  	_ =	shalt  }
0x5a: {  	_ =	shalt  }
0x5b: {  	_ =	shalt  }
0x5c: {  	_ =	shalt  }
0x5d: {  	_ =	shalt  }
0x5e: {  	_ =	shalt  }
0x5f: {  	_ =	shalt  }
0x60: {  	_ =	shalt  }
0x61: {  	_ =	shalt  }
0x62: {  	_ =	shalt  }
0x63: {  	_ =	shalt  }
0x64: {  	_ =	shalt  }
0x65: {  	_ =	shalt  }
0x66: {  	_ =	shalt  }
0x67: {  	_ =	shalt  }
0x68: {  	_ =	shalt  }
0x69: {  	_ =	shalt  }
0x6a: {  	_ =	shalt  }
0x6b: {  	_ =	shalt  }
0x6c: {  	_ =	shalt  }
0x6d: {  	_ =	shalt  }
0x6e: {  	_ =	shalt  }
0x6f: {  	_ =	shalt  }
0x70: {  	_ =	shalt  }
0x71: {  	_ =	shalt  }
0x72: {  	_ =	shalt  }
0x73: {  	_ =	shalt  }
0x74: {  	_ =	shalt  }
0x75: {  	_ =	shalt  }
0x76: {  	_ =	shalt  }
0x77: {  	_ =	shalt  }
0x78: {  	_ =	shalt  }
0x79: {  	_ =	shalt  }
0x7a: {  	_ =	shalt  }
0x7b: {  	_ =	shalt  }
0x7c: {  	_ =	shalt  }
0x7d: {  	_ =	shalt  }
0x7e: {  	_ =	shalt  }
0x7f: {  	_ =	shalt  }
0x80: {  	_ =	shalt  }
0x81: {  	_ =	shalt  }
0x82: {  	_ =	shalt  }
0x83: {  	_ =	shalt  }
0x84: {  	_ =	shalt  }
0x85: {  	_ =	shalt  }
0x86: {  	_ =	shalt  }
0x87: {  	_ =	shalt  }
.Lfunc_end0:
.L_simem_size_0:
called_computation.2_lowered:
.L_overlay_start_0:
0x88: {  	s2 =	sld [smem:$0x3FD9]  }
0x89: {  	s3 =	sld [smem:$0x3FFE];
	_ =	sdelay $0x1  }
0x8a: {  	s1 =	srdreg.scid  }
0x8b: {  	s0 =	sand.u32 $0x1, s1  }
0x8c: {  	s16 =	sshll.u32 s0, $0xA;
	s2 =	sadd.s32 s3, s2  }
0x8d: {  	s2 =	sadd.s32 s2, s16  }
0x8e: {  	[smem:$0x3FC2] =	sst s2  }
0x8f: {  	_ = 	snop  }
0x90: {  	(tm) =	ssettm $0x1  }
0x91: {  	s17 =	sld [smem:$0x3FFB];
	_ =	sdelay $0x3  }
0x92: {  	_ =	strace s17  }
0x93: {  	s2 =	sld [smem:$0x3FFC];
	_ =	sdelay $0x3  }
0x94: {  	_ =	strace s2  }
0x95: {  	s2 =	sld [smem:$0x3FFD];
	_ =	sdelay $0x3  }
0x96: {  	_ =	strace s2  }
0x97: {  	_ =	strace $0x8FFFFFFF  }
0x98: {  	s18 =	sld [smem:$0x3FDB];
	_ =	sdelay $0x1  }
0x99: {  	s19 =	simm.s32 $_scs_section_size  }
0x9a: {  	s4 =	simm.s32 $_size__tile_overlayer_lowered;
	s5 =	simm.s32 $_tile_overlayer_lowered  }
0x9b: {  	s22 =	simm.s32 $0x1BFF;
	s21 =	sshll.u32 s5, $0x1;
	s2 =	sadd.s32 s19, s18  }
0x9c: {  	s6 =	simm.s32 $0x0;
	s20 =	sshll.u32 s4, $0x1;
	s4 =	sadd.s32 s21, s2  }
0x9d: {  	[timem:s6], [sflag:s22] =	dma.local [hbm:s4], s20  }
0x9e: {  	_ =	swait.ge [sflag:s22], s20  }
0x9f: {  	s3 =	ssub.s32 $0x0, s20;
	[sflag:s22] =	ssyncset.done $0x0  }
0xa0: {  	[sflag:s22] =	ssyncadd.s32 s3;
	_ =	sdelay $0x1  }
0xa1: {  	s23 =	simm.s32 $0x1B8B  }
0xa2: {  	_ =	swait.ge [sflag:s23], $0x1  }
0xa3: {  	[sflag:s23] =	ssyncset.done $0x0  }
0xa4: {  	s25 =	simm.s32 $0x1B8E;
	s24 =	sld [smem:$0x3FFE];
	[sflag:s23] =	ssyncadd.s32 $0xFFFFFFFF  }
0xa5: {  	s26 =	simm.s32 $execute0_lowered;
	[smem:$0x3FD2] =	sst s25  }
0xa6: {  	s4 =	sshll.u32 s26, $0x1;
	_ =	strace $0x8000004C;
	[dreg:$0x1] =	wrdreg $0xFFFFFFFF  }
0xa7: {  	s28 =	simm.s32 $_size_execute0_lowered;
	s2 =	sadd.s32 s2, s4;
	[dreg:$0x0] =	wrdreg $0x0  }
0xa8: {  	s4 =	sshll.u32 s28, $0x1;
	[dreg:$0x2] =	wrdreg s2  }
0xa9: {  	[dreg:$0x3] =	wrdreg s4  }
0xaa: {  	[dreg:$0x4] =	wrdreg $0xC0  }
0xab: {  	_ =	task [dreg:s6], $0x5FFFF  }
0xac: {  	[dreg:$0x1] =	wrdreg $0xFFFFFFFF  }
0xad: {  	[dreg:$0x0] =	wrdreg $0x60  }
0xae: {  	[dreg:$0x2] =	wrdreg s24  }
0xaf: {  	[dreg:$0x3] =	wrdreg $0x9  }
0xb0: {  	_ =	task.clear_ibuf [dreg:s6], $0x4FFFF;
	_ =	strace $0x9000004C  }
0xb1: {  	s29 =	simm.s32 $0x9;
	_ =	strace $0x8000004E  }
0xb2: {  	_ =	swait.ge [sflag:s29], $0x1  }
0xb3: {  	[sflag:s29] =	ssyncadd.s32 $0xFFFFFFFF  }
0xb4: {  	_ =	strace $0x9000004E  }
0xb5: {  	_ =	sfence  }
0xb6: {  	s30 =	sld [smem:$0x0];
	_ =	sdelay $0x2  }
0xb7: {  	s31 =	sshll.u32 s1, $0xD;
	s1 =	sshrl.u32 s1, $0x2  }
0xb8: {  	s3 =	sand.u32 $0x4000, s31;
	s1 =	sadd.s32 s1, s30  }
0xb9: {  	s0 =	sor.u32 s3, s0;
	s1 =	sshll.u32 s1, $0x11  }
0xba: {  	s0 =	sor.u32 s1, s0  }
0xbb: {  	s0 =	sadd.s32 $0x8F2B, s0  }
0xbc: {  	[sflag:s0] =	ssyncadd.remote.s32 $0x1  }
0xbd: {  	_ =	sfence.sel $0xFFFF  }
0xbe: {  	[dreg:$0x0] =	wrdreg $0xFFFFFFFF;
	(pc) =	sbr.abs _section_cstart, $3  }
0xbf: {  	[dreg:$0x1] =	wrdreg $0xFFFFFFFF  }
0xc0: {  	_ =	task.clear_ibuf [dreg:s6], $0x2FFFF;
	_ =	strace $0x9FFFFFFF  }
0xc1: {  	(tm) =	ssettm $0x7FFFFFFF  }
tec
execute0_lowered:
.L_overlay_start_1:
0x0: {  	(tag) =	ssettag $0x1  }
0x1: {  	s4 =	rddreg [dreg:$0x0]  }
0x2: {  	s0 =	rddreg [dreg:$0x1];
	s2 =	simm.s32 $0x0;
	s1 =	srdreg.scid  }
0x3: {  	s11 =	simm.s32 $0x50;
	s12 =	simm.s32 $0x100;
	s13 =	simm.s32 $0x1  }
0x4: {  	s14 =	simm.s32 $0x2900;
	s15 =	simm.s32 $0x2;
	s5 =	sand.u32 $0x1, s1  }
0x5: {  	s16 =	simm.s32 $0x0;
	s1 =	stileid.u32;
	s6 =	smul.u32 $0x27100, s5  }
0x6: {  	[smem:$0x7FF] =	sst s2;
	s3 =	sadd.s32 $0x3AA00, s4;
	s7 =	smul.u32 $0x2710, s1  }
0x7: {  	_ =	strace $0x8000004D;
	s8 =	smul.u32 $0x271000, s5;
	s5 =	ssub.s32 $0x2, s5  }
0x8: {  	s9 =	smul.u32 $0x27100, s1;
	s30 =	sshrl.u32 s5, $0x1;
	s6 =	sadd.s32 s7, s6  }
0x9: {  	s8 =	sadd.s32 s8, s4;
	s5 =	ssub.s32 s5, s30;
	s6 =	sshrl.u32 s6, $0x3  }
0xa: {  	s31 =	sadd.s32 s9, s8;
	s9 =	simm.s32 $0x3;
	s10 =	sadd.s32 s6, s4  }
0xb: {  	s4 =	smax.u32 s5, $0x1;
	s5 =	sadd.s32 $0xEE600, s31;
	s6 =	sadd.s32 $0x5D0600, s31  }
0xc: {  	s7 =	sadd.s32 $0xE4800, s10;
	s8 =	sadd.s32 $0xDAA00, s10;
	s10 =	simm.s32 $0x80  }
.LBB2_1:
0xd: {  	s17 =	sadd.s32 $0x0, s8  }
0xe: {  	[tilespmem:s2], [sflag:$0x3] =	stream.linear.gather [hbm4b:s17+s2], $0x50, $0x38;
	[tilespmem:$0x5100] =	vst v63  }
0xf: {  	_ =	swait.ge [sflag:s9], $0x50  }
0x10: {  	[sflag:s9] =	ssyncset.done $0x0  }
0x11: {  	s31 =	sadd.s32 $0x0, s7;
	[sflag:s9] =	ssyncadd.s32 $0xFFFFFFB0  }
0x12: {  	[tilespmem:s10], [sflag:$0x3] =	stream.linear.gather [hbm4b:s31+s2], $0x50, $0x38;
	[tilespmem:$0x5100] =	vst v63  }
0x13: {  	_ =	swait.ge [sflag:s9], $0x50  }
0x14: {  	[sflag:s9] =	ssyncset.done $0x0  }
0x15: {  	[sflag:s9] =	ssyncadd.s32 $0xFFFFFFB0  }
0x16: {  	[tilespmem:s12], [sflag:$0x1] =	stream.indirect.gather [hbm4b:s3+s11], $0x80, s2, s11, $0xb8;
	[tilespmem:$0x5100] =	vst v63  }
0x17: {  	_ =	swait.ge [sflag:s13], $0x2800  }
0x18: {  	[sflag:s13] =	ssyncset.done $0x0  }
0x19: {  	[sflag:s13] =	ssyncadd.s32 $0xFFFFD800  }
0x1a: {  	[tilespmem:s14], [sflag:$0x2] =	stream.indirect.gather [hbm4b:s3+s11], $0x80, s10, s11, $0xb8;
	[tilespmem:$0x5100] =	vst v63  }
0x1b: {  	_ =	swait.ge [sflag:s15], $0x2800  }
0x1c: {  	[sflag:s15] =	ssyncset.done $0x0  }
0x1d: {  	[sflag:s15] =	ssyncadd.s32 $0xFFFFD800  }
0x1e: {  	[hbm4b:s5+s2] =	stream.linear.scatter [tilespmem:s12], [sflag:$0x3], $0x2800, $0x38;
	[tilespmem:$0x5100] =	vst v63  }
0x1f: {  	_ =	swait.ge [sflag:s9], $0x2800  }
0x20: {  	[sflag:s9] =	ssyncset.done $0x0  }
0x21: {  	[sflag:s9] =	ssyncadd.s32 $0xFFFFD800  }
0x22: {  	[hbm4b:s6+s2] =	stream.linear.scatter [tilespmem:s14], [sflag:$0x3], $0x2800, $0x38;
	[tilespmem:$0x5100] =	vst v63  }
0x23: {  	s19 =	simm.s32 $0xA;
	s20 =	simm.s32 $0x14;
	_ =	swait.ge [sflag:s9], $0x2800  }
0x24: {  	s18 =	sadd.s32 $0x500, s5;
	s17 =	sadd.s32 $0x500, s6;
	[sflag:s9] =	ssyncset.done $0x0  }
.LBB2_2:
0x25: {  	s21 =	sadd.s32 s19, s8  }
0x26: {  	[sflag:s9] =	ssyncadd.s32 $0xFFFFD800;
	s22 =	smov.u32 s20;
	s23 =	sadd.s32 $0xA, s20  }
0x27: {  	[tilespmem:s2], [sflag:$0x3] =	stream.linear.gather [hbm4b:s21+s2], $0x50, $0x38;
	[tilespmem:$0x5100] =	vst v63  }
0x28: {  	p0 =	sne.s32 s20, $0x4D8;
	_ =	swait.ge [sflag:s9], $0x50  }
0x29: {  	[sflag:s9] =	ssyncset.done $0x0  }
0x2a: {  	s20 =	sadd.s32 s19, s7;
	s19 =	smov.u32 s22;
	[sflag:s9] =	ssyncadd.s32 $0xFFFFFFB0  }
0x2b: {  	[tilespmem:s10], [sflag:$0x3] =	stream.linear.gather [hbm4b:s20+s2], $0x50, $0x38;
	[tilespmem:$0x5100] =	vst v63  }
0x2c: {  	_ =	swait.ge [sflag:s9], $0x50  }
0x2d: {  	[sflag:s9] =	ssyncset.done $0x0  }
0x2e: {  	[sflag:s9] =	ssyncadd.s32 $0xFFFFFFB0  }
0x2f: {  	[tilespmem:s12], [sflag:$0x1] =	stream.indirect.gather [hbm4b:s3+s11], $0x80, s2, s11, $0xb8;
	[tilespmem:$0x5100] =	vst v63  }
0x30: {  	_ =	swait.ge [sflag:s13], $0x2800  }
0x31: {  	[sflag:s13] =	ssyncset.done $0x0  }
0x32: {  	[sflag:s13] =	ssyncadd.s32 $0xFFFFD800  }
0x33: {  	[tilespmem:s14], [sflag:$0x2] =	stream.indirect.gather [hbm4b:s3+s11], $0x80, s10, s11, $0xb8;
	[tilespmem:$0x5100] =	vst v63  }
0x34: {  	_ =	swait.ge [sflag:s15], $0x2800  }
0x35: {  	[sflag:s15] =	ssyncset.done $0x0  }
0x36: {  	[sflag:s15] =	ssyncadd.s32 $0xFFFFD800  }
0x37: {  	[hbm4b:s18+s2] =	stream.linear.scatter [tilespmem:s12], [sflag:$0x3], $0x2800, $0x38;
	[tilespmem:$0x5100] =	vst v63  }
0x38: {  	_ =	swait.ge [sflag:s9], $0x2800  }
.Ltmp0:
0x39: {  	[sflag:s9] =	ssyncset.done $0x0;
	(pc) =	sbr.rel @p0 .LBB2_2-.Ltmp0, $4  }
0x3a: {  	[sflag:s9] =	ssyncadd.s32 $0xFFFFD800  }
0x3b: {  	[hbm4b:s17+s2] =	stream.linear.scatter [tilespmem:s14], [sflag:$0x3], $0x2800, $0x38;
	[tilespmem:$0x5100] =	vst v63  }
0x3c: {  	s20 =	smov.u32 s23;
	_ =	swait.ge [sflag:s9], $0x2800  }
0x3d: {  	s18 =	sadd.s32 $0x500, s18;
	s17 =	sadd.s32 $0x500, s17;
	[sflag:s9] =	ssyncset.done $0x0  }
0x3e: {  	s20 =	sadd.s32 s19, s8;
	[sflag:s9] =	ssyncadd.s32 $0xFFFFD800  }
0x3f: {  	[tilespmem:s2], [sflag:$0x3] =	stream.linear.gather [hbm4b:s20+s2], $0x50, $0x38;
	[tilespmem:$0x5100] =	vst v63  }
0x40: {  	_ =	swait.ge [sflag:s9], $0x50  }
0x41: {  	[sflag:s9] =	ssyncset.done $0x0  }
0x42: {  	s31 =	sadd.s32 s19, s7;
	[sflag:s9] =	ssyncadd.s32 $0xFFFFFFB0  }
0x43: {  	[tilespmem:s10], [sflag:$0x3] =	stream.linear.gather [hbm4b:s31+s2], $0x50, $0x38;
	[tilespmem:$0x5100] =	vst v63  }
0x44: {  	_ =	swait.ge [sflag:s9], $0x50  }
0x45: {  	[sflag:s9] =	ssyncset.done $0x0  }
0x46: {  	[sflag:s9] =	ssyncadd.s32 $0xFFFFFFB0  }
0x47: {  	[tilespmem:s12], [sflag:$0x1] =	stream.indirect.gather [hbm4b:s3+s11], $0x80, s2, s11, $0xb8;
	[tilespmem:$0x5100] =	vst v63  }
0x48: {  	_ =	swait.ge [sflag:s13], $0x2800  }
0x49: {  	[sflag:s13] =	ssyncset.done $0x0  }
0x4a: {  	[sflag:s13] =	ssyncadd.s32 $0xFFFFD800  }
0x4b: {  	[tilespmem:s14], [sflag:$0x2] =	stream.indirect.gather [hbm4b:s3+s11], $0x80, s10, s11, $0xb8;
	[tilespmem:$0x5100] =	vst v63  }
0x4c: {  	_ =	swait.ge [sflag:s15], $0x2800  }
0x4d: {  	[sflag:s15] =	ssyncset.done $0x0  }
0x4e: {  	[sflag:s15] =	ssyncadd.s32 $0xFFFFD800  }
0x4f: {  	[hbm4b:s18+s2] =	stream.linear.scatter [tilespmem:s12], [sflag:$0x3], $0x2800, $0x38;
	[tilespmem:$0x5100] =	vst v63  }
0x50: {  	s16 =	sadd.s32 $0x1, s16;
	_ =	swait.ge [sflag:s9], $0x2800  }
0x51: {  	p0 =	sne.s32 s16, s4;
	[sflag:s9] =	ssyncset.done $0x0  }
.Ltmp1:
0x52: {  	[sflag:s9] =	ssyncadd.s32 $0xFFFFD800;
	(pc) =	sbr.rel @p0 .LBB2_1-.Ltmp1, $4  }
0x53: {  	[hbm4b:s17+s2] =	stream.linear.scatter [tilespmem:s14], [sflag:$0x3], $0x2800, $0x38;
	[tilespmem:$0x5100] =	vst v63  }
0x54: {  	_ =	swait.ge [sflag:s9], $0x2800  }
0x55: {  	[sflag:s9] =	ssyncset.done $0x0  }
0x56: {  	[sflag:s9] =	ssyncadd.s32 $0xFFFFD800  }
0x57: {  	_ =	sfence.sel $0x180000  }
0x58: {  	[bflag:$0x0] =	sbarrier.arrive $0xFFFF  }
0x59: {  	p0 =	sne.s32 s1, $0x0;
	_ =	strace $0x9000004D  }
0x5a: {  	s0 =	sadd.s32 @!p0 $0x100000, s0;
	[bflag:$0x2] =	sbarrier.arrive $0xFFFF  }
0x5b: {  	[sflag:s0] =	ssyncadd.tile.s32 @!p0 $0x1;
	_ =	shalt  }
.Lfunc_end2:
_tile_overlayer_lowered:
.L_overlay_start_2:
0x5c: {  	(tag) =	ssettag $0x2  }
0x5d: {  	s0 =	rddreg [dreg:$0x0];
	s2 =	stileid.u32  }
0x5e: {  	s1 =	rddreg [dreg:$0x1];
	p0 =	sne.s32 s2, $0x0  }
0x5f: {  	s3 =	rddreg [dreg:$0x2];
	[bflag:$0x3] =	sbarrier.arrive $0xFFFF;
	s2 =	simm.s32 @!p0 $0x1C03  }
0x60: {  	[timem:s3], [sflag:s2] =	dma.local @!p0 [hbm:s0], s1  }
0x61: {  	s0 =	simm.s32 @!p0 $0x3  }
0x62: {  	_ =	swait.ge @!p0 [sflag:s0], s1  }
0x63: {  	s1 =	ssub.s32 @!p0 $0x0, s1;
	[sflag:s0] =	ssyncset.done @!p0 $0x0  }
0x64: {  	[sflag:s0] =	ssyncadd.s32 @!p0 s1  }
0x65: {  	[bflag:$0x3] =	sbarrier.arrive $0xFFFF  }
0x66: {  	_ =	shalt  }

// kernel: kernel.36.cloned.1.call-start
scs
__scs_entry_jumppad:
0x0: {  	(pc) =	sbr.rel $0x88, $3  }
0x1: {  	(tag) =	ssettag $0x0;
	lr =	simm.s32 $0x1  }
0x2: {  	[smem:$0x3F9B] =	sst lr;
	_ =	strace $0xD0000000  }
0x3: {  	_ = 	snop  }
0x4: {  	_ = 	snop  }
0x5: {  	_ = 	snop  }
0x6: {  	_ = 	snop  }
0x7: {  	_ = 	snop  }
__scs_overlays_trampoline_lowered:
0x8: {  	[smem:$0x3FAA] =	sst s0  }
0x9: {  	[smem:$0x3FAB] =	sst s1  }
0xa: {  	[smem:$0x3FAC] =	sst s2  }
0xb: {  	[smem:$0x3FAD] =	sst s3  }
0xc: {  	[smem:$0x3FAE] =	sst s4  }
0xd: {  	[smem:$0x3FAF] =	sst s5  }
0xe: {  	[smem:$0x3FB0] =	sst s6  }
0xf: {  	[smem:$0x3FB1] =	sst s7  }
0x10: {  	[smem:$0x3FB2] =	sst s8  }
0x11: {  	[smem:$0x3FB3] =	sst s9;
	s0 =	simm.s32 @!p0 $0x0  }
0x12: {  	s1 =	sld [smem:$0x3F99];
	s0 =	simm.s32 @p0 $0x1  }
0x13: {  	[smem:$0x3FB4] =	sst s0;
	s0 =	simm.s32 @!p1 $0x0  }
0x14: {  	s2 =	sld [smem:$0x3F98];
	s0 =	simm.s32 @p1 $0x1  }
0x15: {  	[smem:$0x3FB5] =	sst s0;
	s0 =	simm.s32 @!p2 $0x0  }
0x16: {  	s3 =	sld [smem:$0x3FDB];
	s0 =	simm.s32 @p2 $0x1  }
0x17: {  	s4 =	simm.s32 $0x1BF5;
	[smem:$0x3FB7] =	sst s0  }
0x18: {  	s0 =	sld [smem:$0x3F9A];
	_ =	swait.ge [sflag:s4], $0x0  }
0x19: {  	s7 =	sld [smem:$0x3F9B]  }
0x1a: {  	s8 =	sadd.s32 $0xFFFFE003, lr  }
0x1b: {  	s9 =	sadd.s32 $0xFFFFFEF7, lr;
	s5 =	simm.s32 $0xFFFFFFFF;
	p2 =	slt.u32 s8, $0xFFFFF086  }
0x1c: {  	p1 =	slt.u32 s9, $0xF7A;
	s5 =	simm.s32 @!p2 $0x0  }
0x1d: {  	s5 =	simm.s32 @p1 $0x1;
	p0 =	seq.s32 s7, s2  }
0x1e: {  	s7 =	smul.u32 @!p0 $0xF7A, s2;
	p2 =	seq.s32 @!p0 s5, $0x0  }
0x1f: {  	s9 =	smul.u32 $0xF7A, s1;
	s8 =	simm.s32 @!p0 $0x1BF5;
	p2 =	por !p2, p0  }
0x20: {  	[sflag:s8] =	ssyncset.s32 @!p0 $0xFFFFF086;
	s6 =	sadd.s32 @!p0 s3, s7;
	s7 =	simm.s32 @!p0 $0x108  }
0x21: {  	s3 =	sadd.s32 s3, s9;
	s6 =	sadd.s32 @!p0 $0x88, s6;
	s7 =	simm.s32 @p2 $0x1082  }
0x22: {  	[simem:s7], [sflag:s8] =	dma.local @!p0 [hbm:s6], $0xF7A  }
0x23: {  	s9 =	sor.u32 $0xD0000000, s2;
	s6 =	simm.s32 $0x108;
	_ =	swait.ge @!p0 [sflag:s8], $0x0  }
0x24: {  	s3 =	sadd.s32 $0x88, s3;
	s6 =	simm.s32 @!p1 $0x1082;
	[sflag:s4] =	ssyncset.s32 $0xFFFFF086  }
0x25: {  	[simem:s6], [sflag:s4] =	dma.local [hbm:s3], $0xF7A  }
0x26: {  	[smem:$0x3F9B] =	sst s1;
	(tag) =	ssettag s2;
	_ =	strace s9  }
0x27: {  	s1 =	sld [smem:$0x3FAB]  }
0x28: {  	s2 =	sld [smem:$0x3FAC]  }
0x29: {  	s4 =	sld [smem:$0x3FAE]  }
0x2a: {  	p0 =	seq.s32 s5, $0x0;
	s5 =	sld [smem:$0x3FAF]  }
0x2b: {  	s6 =	sld [smem:$0x3FB0]  }
0x2c: {  	s7 =	sld [smem:$0x3FB1]  }
0x2d: {  	s3 =	simm.s32 $0x108;
	s8 =	sld [smem:$0x3FB2]  }
0x2e: {  	s3 =	simm.s32 @!p0 $0x1082;
	s9 =	sld [smem:$0x3FB3]  }
0x2f: {  	lr =	sadd.s32 s0, s3;
	s0 =	sld [smem:$0x3FAA]  }
0x30: {  	s3 =	sld [smem:$0x3FAD]  }
0x31: {  	[smem:$0x3FB6] =	sst s10  }
0x32: {  	s10 =	sld [smem:$0x3FB4];
	_ =	sdelay $0x3  }
0x33: {  	p0 =	seq.s32 s10, $0x1;
	s10 =	sld [smem:$0x3FB6];
	_ =	sdelay $0x3  }
0x34: {  	[smem:$0x3FB6] =	sst s10  }
0x35: {  	s10 =	sld [smem:$0x3FB5];
	_ =	sdelay $0x3  }
0x36: {  	p1 =	seq.s32 s10, $0x1;
	s10 =	sld [smem:$0x3FB6];
	_ =	sdelay $0x3  }
0x37: {  	[smem:$0x3FB6] =	sst s10  }
0x38: {  	s10 =	sld [smem:$0x3FB7]  }
0x39: {  	_ = 	snop;
	(pc) =	sbr.ind lr, $3  }
0x3a: {  	_ = 	snop  }
0x3b: {  	_ = 	snop  }
0x3c: {  	p2 =	seq.s32 s10, $0x1;
	s10 =	sld [smem:$0x3FB6]  }
0x3d: {  	_ =	shalt  }
0x3e: {  	_ =	shalt  }
0x3f: {  	_ =	shalt  }
0x40: {  	_ =	shalt  }
0x41: {  	_ =	shalt  }
0x42: {  	_ =	shalt  }
0x43: {  	_ =	shalt  }
0x44: {  	_ =	shalt  }
0x45: {  	_ =	shalt  }
0x46: {  	_ =	shalt  }
0x47: {  	_ =	shalt  }
0x48: {  	_ =	shalt  }
0x49: {  	_ =	shalt  }
0x4a: {  	_ =	shalt  }
0x4b: {  	_ =	shalt  }
0x4c: {  	_ =	shalt  }
0x4d: {  	_ =	shalt  }
0x4e: {  	_ =	shalt  }
0x4f: {  	_ =	shalt  }
0x50: {  	_ =	shalt  }
0x51: {  	_ =	shalt  }
0x52: {  	_ =	shalt  }
0x53: {  	_ =	shalt  }
0x54: {  	_ =	shalt  }
0x55: {  	_ =	shalt  }
0x56: {  	_ =	shalt  }
0x57: {  	_ =	shalt  }
0x58: {  	_ =	shalt  }
0x59: {  	_ =	shalt  }
0x5a: {  	_ =	shalt  }
0x5b: {  	_ =	shalt  }
0x5c: {  	_ =	shalt  }
0x5d: {  	_ =	shalt  }
0x5e: {  	_ =	shalt  }
0x5f: {  	_ =	shalt  }
0x60: {  	_ =	shalt  }
0x61: {  	_ =	shalt  }
0x62: {  	_ =	shalt  }
0x63: {  	_ =	shalt  }
0x64: {  	_ =	shalt  }
0x65: {  	_ =	shalt  }
0x66: {  	_ =	shalt  }
0x67: {  	_ =	shalt  }
0x68: {  	_ =	shalt  }
0x69: {  	_ =	shalt  }
0x6a: {  	_ =	shalt  }
0x6b: {  	_ =	shalt  }
0x6c: {  	_ =	shalt  }
0x6d: {  	_ =	shalt  }
0x6e: {  	_ =	shalt  }
0x6f: {  	_ =	shalt  }
0x70: {  	_ =	shalt  }
0x71: {  	_ =	shalt  }
0x72: {  	_ =	shalt  }
0x73: {  	_ =	shalt  }
0x74: {  	_ =	shalt  }
0x75: {  	_ =	shalt  }
0x76: {  	_ =	shalt  }
0x77: {  	_ =	shalt  }
0x78: {  	_ =	shalt  }
0x79: {  	_ =	shalt  }
0x7a: {  	_ =	shalt  }
0x7b: {  	_ =	shalt  }
0x7c: {  	_ =	shalt  }
0x7d: {  	_ =	shalt  }
0x7e: {  	_ =	shalt  }
0x7f: {  	_ =	shalt  }
0x80: {  	_ =	shalt  }
0x81: {  	_ =	shalt  }
0x82: {  	_ =	shalt  }
0x83: {  	_ =	shalt  }
0x84: {  	_ =	shalt  }
0x85: {  	_ =	shalt  }
0x86: {  	_ =	shalt  }
0x87: {  	_ =	shalt  }
.Lfunc_end0:
.L_simem_size_0:
called_computation.3_lowered:
.L_overlay_start_0:
0x88: {  	s2 =	sld [smem:$0x3FD9]  }
0x89: {  	s3 =	sld [smem:$0x3FFE];
	_ =	sdelay $0x1  }
0x8a: {  	s1 =	srdreg.scid  }
0x8b: {  	s0 =	sand.u32 $0x1, s1  }
0x8c: {  	s17 =	sshll.u32 s0, $0xA;
	s2 =	sadd.s32 s3, s2  }
0x8d: {  	s2 =	sadd.s32 s2, s17  }
0x8e: {  	[smem:$0x3FC2] =	sst s2  }
0x8f: {  	_ = 	snop  }
0x90: {  	s2 =	sld [smem:$0x3FD0];
	(tm) =	ssettm $0x1  }
0x91: {  	s18 =	sld [smem:$0x3FFB];
	_ =	sdelay $0x3  }
0x92: {  	_ =	strace s18  }
0x93: {  	s3 =	sld [smem:$0x3FFC];
	_ =	sdelay $0x3  }
0x94: {  	_ =	strace s3  }
0x95: {  	s3 =	sld [smem:$0x3FFD];
	_ =	sdelay $0x3  }
0x96: {  	_ =	strace s3  }
0x97: {  	_ =	strace $0x8FFFFFFF  }
0x98: {  	s19 =	sld [smem:$0x3FDB];
	_ =	sdelay $0x1  }
0x99: {  	s4 =	simm.s32 $_scs_section_size  }
0x9a: {  	s5 =	simm.s32 $_size__tile_overlayer_lowered;
	s6 =	simm.s32 $_tile_overlayer_lowered  }
0x9b: {  	s22 =	simm.s32 $0x1BFF;
	s21 =	sshll.u32 s6, $0x1;
	s3 =	sadd.s32 s4, s19  }
0x9c: {  	s7 =	simm.s32 $0x0;
	s20 =	sshll.u32 s5, $0x1;
	s5 =	sadd.s32 s21, s3  }
0x9d: {  	[timem:s7], [sflag:s22] =	dma.local [hbm:s5], s20  }
0x9e: {  	_ =	swait.ge [sflag:s22], s20  }
0x9f: {  	s4 =	ssub.s32 $0x0, s20;
	[sflag:s22] =	ssyncset.done $0x0  }
0xa0: {  	[sflag:s22] =	ssyncadd.s32 s4;
	_ =	sdelay $0x1  }
0xa1: {  	s23 =	simm.s32 $0x1B8B  }
0xa2: {  	_ =	swait.ge [sflag:s23], $0x1  }
0xa3: {  	[sflag:s23] =	ssyncset.done $0x0  }
0xa4: {  	s25 =	simm.s32 $0x1B8E;
	s24 =	sld [smem:$0x3FFE];
	[sflag:s23] =	ssyncadd.s32 $0xFFFFFFFF  }
0xa5: {  	s26 =	simm.s32 $execute0_lowered;
	[smem:$0x3FD2] =	sst s25  }
0xa6: {  	s5 =	sshll.u32 s26, $0x1;
	_ =	strace $0x8000004F;
	[dreg:$0x1] =	wrdreg $0xFFFFFFFF  }
0xa7: {  	s28 =	simm.s32 $_size_execute0_lowered;
	s3 =	sadd.s32 s3, s5;
	[dreg:$0x0] =	wrdreg $0x0  }
0xa8: {  	s5 =	sshll.u32 s28, $0x1;
	[dreg:$0x2] =	wrdreg s3  }
0xa9: {  	[dreg:$0x3] =	wrdreg s5  }
0xaa: {  	[dreg:$0x4] =	wrdreg $0xC0  }
0xab: {  	_ =	task [dreg:s7], $0x5FFFF  }
0xac: {  	[dreg:$0x1] =	wrdreg $0xFFFFFFFF  }
0xad: {  	[dreg:$0x0] =	wrdreg $0x60  }
0xae: {  	[dreg:$0x2] =	wrdreg s24  }
0xaf: {  	[dreg:$0x3] =	wrdreg s2  }
0xb0: {  	[dreg:$0x4] =	wrdreg $0x79000  }
0xb1: {  	[dreg:$0x5] =	wrdreg $0x9  }
0xb2: {  	_ =	task.clear_ibuf [dreg:s7], $0x6FFFF;
	_ =	strace $0x9000004F  }
0xb3: {  	s29 =	simm.s32 $0x9;
	_ =	strace $0x80000051  }
0xb4: {  	_ =	swait.ge [sflag:s29], $0x1  }
0xb5: {  	[sflag:s29] =	ssyncadd.s32 $0xFFFFFFFF  }
0xb6: {  	_ =	strace $0x90000051  }
0xb7: {  	_ =	sfence  }
0xb8: {  	s30 =	sld [smem:$0x0];
	_ =	sdelay $0x2  }
0xb9: {  	s31 =	sshll.u32 s1, $0xD;
	s1 =	sshrl.u32 s1, $0x2  }
0xba: {  	s3 =	sand.u32 $0x4000, s31;
	s1 =	sadd.s32 s1, s30  }
0xbb: {  	s0 =	sor.u32 s3, s0;
	s1 =	sshll.u32 s1, $0x11  }
0xbc: {  	s0 =	sor.u32 s1, s0  }
0xbd: {  	s0 =	sadd.s32 $0x8F2B, s0  }
0xbe: {  	[sflag:s0] =	ssyncadd.remote.s32 $0x1  }
0xbf: {  	_ =	sfence.sel $0xFFFF  }
0xc0: {  	[dreg:$0x0] =	wrdreg $0xFFFFFFFF;
	(pc) =	sbr.abs _section_cstart, $3  }
0xc1: {  	[dreg:$0x1] =	wrdreg $0xFFFFFFFF  }
0xc2: {  	_ =	task.clear_ibuf [dreg:s7], $0x2FFFF;
	_ =	strace $0x9FFFFFFF  }
0xc3: {  	(tm) =	ssettm $0x7FFFFFFF  }
tec
execute0_lowered:
.L_overlay_start_1:
0x0: {  	(tag) =	ssettag $0x1  }
0x1: {  	s4 =	rddreg [dreg:$0x0];
	s2 =	stileid.u32  }
0x2: {  	s15 =	rddreg [dreg:$0x1];
	s8 =	smul.u32 $0x2710, s2  }
0x3: {  	s0 =	srdreg.scid;
	s29 =	smul.u32 $0x50000, s2  }
0x4: {  	s1 =	rddreg [dreg:$0x2];
	s3 =	simm.s32 $0x0;
	s24 =	smul.u32 $0x2800, s2  }
0x5: {  	s18 =	simm.s32 $0x1;
	s5 =	sand.u32 $0x1, s0;
	s14 =	smul.u32 $0x27100, s2  }
0x6: {  	s19 =	simm.s32 $0x80;
	s20 =	simm.s32 $0x100;
	s6 =	smul.u32 $0x271000, s5  }
0x7: {  	s21 =	simm.s32 $0x2900;
	s22 =	simm.s32 $0x50;
	s7 =	smul.u32 $0x27100, s5  }
0x8: {  	[smem:$0x7FF] =	sst s3;
	s28 =	smul.u32 $0x28000, s5;
	s5 =	ssub.s32 $0x2, s5  }
0x9: {  	_ =	strace $0x80000050;
	s30 =	sshrl.u32 s5, $0x1;
	s31 =	sshrl.u32 s29, $0x2  }
0xa: {  	s13 =	sadd.s32 s6, s4;
	s26 =	sadd.s32 s8, s7;
	s5 =	ssub.s32 s5, s30  }
0xb: {  	s16 =	sshrl.u32 s26, $0x3;
	s5 =	smax.u32 s5, $0x1;
	s14 =	sadd.s32 s14, s13  }
0xc: {  	s17 =	sadd.s32 s16, s4;
	s4 =	sadd.s32 s28, s4;
	s13 =	sadd.s32 $0x1476600, s14  }
0xd: {  	s14 =	sadd.s32 $0xF94600, s14;
	s15 =	sadd.s32 s16, s15;
	s23 =	sadd.s32 $0xEE600, s4  }
0xe: {  	s4 =	sadd.s32 s31, s1;
	s16 =	sadd.s32 $0x8C00, s17;
	s17 =	simm.s32 $0x5100  }
0xf: {  	s6 =	sadd.s32 $0x2800, s4;
	s7 =	sadd.s32 $0x5000, s4;
	s8 =	sadd.s32 $0x7800, s4  }
0x10: {  	s9 =	sadd.s32 $0xA000, s4;
	s10 =	sadd.s32 $0xC800, s4;
	s11 =	sadd.s32 $0xF000, s4  }
0x11: {  	v0 =	vimm.f32 $0.0e+00;
	s12 =	sadd.s32 $0x11800, s4;
	s23 =	sadd.s32 s24, s23;
	s24 =	simm.s32 $0x0  }
.LBB2_1:
0x12: {  	s25 =	simm.s32 $0x0;
	s26 =	simm.s32 $0x200  }
.LBB2_2:
0x13: {  	p0 =	sne.s32 s26, $0x9E00;
	[tilespmem:s25+$0x5170] =	vst v0  }
0x14: {  	[tilespmem:s25+$0x5100] =	vst v0  }
0x15: {  	[tilespmem:s25+$0x5110] =	vst v0  }
.Ltmp0:
0x16: {  	[tilespmem:s25+$0x5120] =	vst v0;
	(pc) =	sbr.rel @p0 .LBB2_2-.Ltmp0, $4  }
0x17: {  	[tilespmem:s25+$0x5130] =	vst v0  }
0x18: {  	[tilespmem:s25+$0x5140] =	vst v0  }
0x19: {  	[tilespmem:s25+$0x5150] =	vst v0  }
0x1a: {  	[tilespmem:s25+$0x5160] =	vst v0;
	s25 =	sshra.s32 s26, $0x2;
	s26 =	sadd.s32 $0x200, s26  }
0x1b: {  	[tilespmem:s25+$0x5170] =	vst v0  }
0x1c: {  	[tilespmem:s25+$0x5100] =	vst v0  }
0x1d: {  	[tilespmem:s25+$0x5110] =	vst v0  }
0x1e: {  	[tilespmem:s25+$0x5120] =	vst v0  }
0x1f: {  	[tilespmem:s25+$0x5130] =	vst v0  }
0x20: {  	[tilespmem:s25+$0x5140] =	vst v0  }
0x21: {  	[tilespmem:s25+$0x5150] =	vst v0  }
0x22: {  	[tilespmem:s25+$0x5160] =	vst v0  }
0x23: {  	[spmem:s4] =	stream.linear.scatter [tilespmem:s17], [sflag:$0x1], $0x2800, $0x38;
	[tilespmem:$0x1B900] =	vst v63  }
0x24: {  	_ =	swait.ge [sflag:s18], $0x2800  }
0x25: {  	[sflag:s18] =	ssyncset.done $0x0  }
0x26: {  	[sflag:s18] =	ssyncadd.s32 $0xFFFFD800  }
0x27: {  	[spmem:s6] =	stream.linear.scatter [tilespmem:s17], [sflag:$0x1], $0x2800, $0x38;
	[tilespmem:$0x1B900] =	vst v63  }
0x28: {  	_ =	swait.ge [sflag:s18], $0x2800  }
0x29: {  	[sflag:s18] =	ssyncset.done $0x0  }
0x2a: {  	[sflag:s18] =	ssyncadd.s32 $0xFFFFD800  }
0x2b: {  	[spmem:s7] =	stream.linear.scatter [tilespmem:s17], [sflag:$0x1], $0x2800, $0x38;
	[tilespmem:$0x1B900] =	vst v63  }
0x2c: {  	_ =	swait.ge [sflag:s18], $0x2800  }
0x2d: {  	[sflag:s18] =	ssyncset.done $0x0  }
0x2e: {  	[sflag:s18] =	ssyncadd.s32 $0xFFFFD800  }
0x2f: {  	[spmem:s8] =	stream.linear.scatter [tilespmem:s17], [sflag:$0x1], $0x2800, $0x38;
	[tilespmem:$0x1B900] =	vst v63  }
0x30: {  	_ =	swait.ge [sflag:s18], $0x2800  }
0x31: {  	[sflag:s18] =	ssyncset.done $0x0  }
0x32: {  	[sflag:s18] =	ssyncadd.s32 $0xFFFFD800  }
0x33: {  	[spmem:s9] =	stream.linear.scatter [tilespmem:s17], [sflag:$0x1], $0x2800, $0x38;
	[tilespmem:$0x1B900] =	vst v63  }
0x34: {  	_ =	swait.ge [sflag:s18], $0x2800  }
0x35: {  	[sflag:s18] =	ssyncset.done $0x0  }
0x36: {  	[sflag:s18] =	ssyncadd.s32 $0xFFFFD800  }
0x37: {  	[spmem:s10] =	stream.linear.scatter [tilespmem:s17], [sflag:$0x1], $0x2800, $0x38;
	[tilespmem:$0x1B900] =	vst v63  }
0x38: {  	_ =	swait.ge [sflag:s18], $0x2800  }
0x39: {  	[sflag:s18] =	ssyncset.done $0x0  }
0x3a: {  	[sflag:s18] =	ssyncadd.s32 $0xFFFFD800  }
0x3b: {  	[spmem:s11] =	stream.linear.scatter [tilespmem:s17], [sflag:$0x1], $0x2800, $0x38;
	[tilespmem:$0x1B900] =	vst v63  }
0x3c: {  	_ =	swait.ge [sflag:s18], $0x2800  }
0x3d: {  	[sflag:s18] =	ssyncset.done $0x0  }
0x3e: {  	[sflag:s18] =	ssyncadd.s32 $0xFFFFD800  }
0x3f: {  	[spmem:s12] =	stream.linear.scatter [tilespmem:s17], [sflag:$0x1], $0x2800, $0x38;
	[tilespmem:$0x1B900] =	vst v63  }
0x40: {  	_ =	swait.ge [sflag:s18], $0x2800  }
0x41: {  	[sflag:s18] =	ssyncset.done $0x0  }
0x42: {  	[sflag:s18] =	ssyncadd.s32 $0xFFFFD800  }
0x43: {  	s30 =	sadd.s32 $0x0, s16;
	[bflag:$0x0] =	sbarrier.arrive $0xFFFF  }
0x44: {  	[tilespmem:s3], [sflag:$0x1] =	stream.linear.gather [hbm4b:s30+s3], $0x50, $0x38;
	[tilespmem:$0x1B900] =	vst v63  }
0x45: {  	_ =	swait.ge [sflag:s18], $0x50  }
0x46: {  	[sflag:s18] =	ssyncset.done $0x0  }
0x47: {  	s31 =	sadd.s32 $0x0, s15;
	[sflag:s18] =	ssyncadd.s32 $0xFFFFFFB0  }
0x48: {  	[tilespmem:s19], [sflag:$0x1] =	stream.linear.gather [hbm4b:s31+s3], $0x50, $0x38;
	[tilespmem:$0x1B900] =	vst v63  }
0x49: {  	_ =	swait.ge [sflag:s18], $0x50  }
0x4a: {  	[sflag:s18] =	ssyncset.done $0x0  }
0x4b: {  	[sflag:s18] =	ssyncadd.s32 $0xFFFFFFB0  }
0x4c: {  	[tilespmem:s20], [sflag:$0x1] =	stream.linear.gather [hbm4b:s13+s3], $0x2800, $0x38;
	[tilespmem:$0x1B900] =	vst v63  }
0x4d: {  	_ =	swait.ge [sflag:s18], $0x2800  }
0x4e: {  	[sflag:s18] =	ssyncset.done $0x0  }
0x4f: {  	[sflag:s18] =	ssyncadd.s32 $0xFFFFD800  }
0x50: {  	[tilespmem:s21], [sflag:$0x1] =	stream.linear.gather [hbm4b:s14+s3], $0x2800, $0x38;
	[tilespmem:$0x1B900] =	vst v63  }
0x51: {  	_ =	swait.ge [sflag:s18], $0x2800  }
0x52: {  	[sflag:s18] =	ssyncset.done $0x0  }
0x53: {  	[sflag:s18] =	ssyncadd.s32 $0xFFFFD800  }
0x54: {  	[spmem:s1] =	stream.indirect.scatter.add.f32 [tilespmem:s20], [sflag:$0x1], $0x80, s3, s22, $0xb8;
	[tilespmem:$0x1B900] =	vst v63  }
0x55: {  	_ =	swait.ge [sflag:s18], $0x2800  }
0x56: {  	[sflag:s18] =	ssyncset.done $0x0  }
0x57: {  	[sflag:s18] =	ssyncadd.s32 $0xFFFFD800  }
0x58: {  	[spmem:s1] =	stream.indirect.scatter.add.f32 [tilespmem:s21], [sflag:$0x1], $0x80, s19, s22, $0xb8;
	[tilespmem:$0x1B900] =	vst v63  }
0x59: {  	s28 =	simm.s32 $0xA;
	s29 =	simm.s32 $0x14;
	_ =	swait.ge [sflag:s18], $0x2800  }
0x5a: {  	s26 =	sadd.s32 $0x500, s13;
	s25 =	sadd.s32 $0x500, s14;
	[sflag:s18] =	ssyncset.done $0x0  }
.LBB2_4:
0x5b: {  	s30 =	sadd.s32 s28, s16  }
0x5c: {  	[sflag:s18] =	ssyncadd.s32 $0xFFFFD800;
	s31 =	smov.u32 s29;
	s0 =	sadd.s32 $0xA, s29  }
0x5d: {  	[tilespmem:s3], [sflag:$0x1] =	stream.linear.gather [hbm4b:s30+s3], $0x50, $0x38;
	[tilespmem:$0x1B900] =	vst v63  }
0x5e: {  	p0 =	sne.s32 s29, $0x4D8;
	_ =	swait.ge [sflag:s18], $0x50  }
0x5f: {  	[sflag:s18] =	ssyncset.done $0x0  }
0x60: {  	s29 =	sadd.s32 s28, s15;
	s28 =	smov.u32 s31;
	[sflag:s18] =	ssyncadd.s32 $0xFFFFFFB0  }
0x61: {  	[tilespmem:s19], [sflag:$0x1] =	stream.linear.gather [hbm4b:s29+s3], $0x50, $0x38;
	[tilespmem:$0x1B900] =	vst v63  }
0x62: {  	_ =	swait.ge [sflag:s18], $0x50  }
0x63: {  	[sflag:s18] =	ssyncset.done $0x0  }
0x64: {  	[sflag:s18] =	ssyncadd.s32 $0xFFFFFFB0  }
0x65: {  	[tilespmem:s20], [sflag:$0x1] =	stream.linear.gather [hbm4b:s26+s3], $0x2800, $0x38;
	[tilespmem:$0x1B900] =	vst v63  }
0x66: {  	_ =	swait.ge [sflag:s18], $0x2800  }
0x67: {  	[sflag:s18] =	ssyncset.done $0x0  }
0x68: {  	[sflag:s18] =	ssyncadd.s32 $0xFFFFD800  }
0x69: {  	[tilespmem:s21], [sflag:$0x1] =	stream.linear.gather [hbm4b:s25+s3], $0x2800, $0x38;
	[tilespmem:$0x1B900] =	vst v63  }
0x6a: {  	_ =	swait.ge [sflag:s18], $0x2800  }
0x6b: {  	[sflag:s18] =	ssyncset.done $0x0  }
0x6c: {  	[sflag:s18] =	ssyncadd.s32 $0xFFFFD800  }
0x6d: {  	[spmem:s1] =	stream.indirect.scatter.add.f32 [tilespmem:s20], [sflag:$0x1], $0x80, s3, s22, $0xb8;
	[tilespmem:$0x1B900] =	vst v63  }
0x6e: {  	_ =	swait.ge [sflag:s18], $0x2800  }
.Ltmp1:
0x6f: {  	[sflag:s18] =	ssyncset.done $0x0;
	(pc) =	sbr.rel @p0 .LBB2_4-.Ltmp1, $4  }
0x70: {  	[sflag:s18] =	ssyncadd.s32 $0xFFFFD800  }
0x71: {  	[spmem:s1] =	stream.indirect.scatter.add.f32 [tilespmem:s21], [sflag:$0x1], $0x80, s19, s22, $0xb8;
	[tilespmem:$0x1B900] =	vst v63  }
0x72: {  	s29 =	smov.u32 s0;
	_ =	swait.ge [sflag:s18], $0x2800  }
0x73: {  	s26 =	sadd.s32 $0x500, s26;
	s25 =	sadd.s32 $0x500, s25;
	[sflag:s18] =	ssyncset.done $0x0  }
0x74: {  	s0 =	sadd.s32 s28, s16;
	[sflag:s18] =	ssyncadd.s32 $0xFFFFD800  }
0x75: {  	[tilespmem:s3], [sflag:$0x1] =	stream.linear.gather [hbm4b:s0+s3], $0x50, $0x38;
	[tilespmem:$0x1B900] =	vst v63  }
0x76: {  	_ =	swait.ge [sflag:s18], $0x50  }
0x77: {  	[sflag:s18] =	ssyncset.done $0x0  }
0x78: {  	s29 =	sadd.s32 s28, s15;
	[sflag:s18] =	ssyncadd.s32 $0xFFFFFFB0  }
0x79: {  	[tilespmem:s19], [sflag:$0x1] =	stream.linear.gather [hbm4b:s29+s3], $0x50, $0x38;
	[tilespmem:$0x1B900] =	vst v63  }
0x7a: {  	_ =	swait.ge [sflag:s18], $0x50  }
0x7b: {  	[sflag:s18] =	ssyncset.done $0x0  }
0x7c: {  	[sflag:s18] =	ssyncadd.s32 $0xFFFFFFB0  }
0x7d: {  	[tilespmem:s20], [sflag:$0x1] =	stream.linear.gather [hbm4b:s26+s3], $0x2800, $0x38;
	[tilespmem:$0x1B900] =	vst v63  }
0x7e: {  	_ =	swait.ge [sflag:s18], $0x2800  }
0x7f: {  	[sflag:s18] =	ssyncset.done $0x0  }
0x80: {  	[sflag:s18] =	ssyncadd.s32 $0xFFFFD800  }
0x81: {  	[tilespmem:s21], [sflag:$0x1] =	stream.linear.gather [hbm4b:s25+s3], $0x2800, $0x38;
	[tilespmem:$0x1B900] =	vst v63  }
0x82: {  	_ =	swait.ge [sflag:s18], $0x2800  }
0x83: {  	[sflag:s18] =	ssyncset.done $0x0  }
0x84: {  	[sflag:s18] =	ssyncadd.s32 $0xFFFFD800  }
0x85: {  	[spmem:s1] =	stream.indirect.scatter.add.f32 [tilespmem:s20], [sflag:$0x1], $0x80, s3, s22, $0xb8;
	[tilespmem:$0x1B900] =	vst v63  }
0x86: {  	_ =	swait.ge [sflag:s18], $0x2800  }
0x87: {  	[sflag:s18] =	ssyncset.done $0x0  }
0x88: {  	[sflag:s18] =	ssyncadd.s32 $0xFFFFD800  }
0x89: {  	[spmem:s1] =	stream.indirect.scatter.add.f32 [tilespmem:s21], [sflag:$0x1], $0x80, s19, s22, $0xb8;
	[tilespmem:$0x1B900] =	vst v63  }
0x8a: {  	_ =	swait.ge [sflag:s18], $0x2800  }
0x8b: {  	s30 =	sshll.u32 s2, $0x6;
	s24 =	sadd.s32 $0x1, s24;
	[sflag:s18] =	ssyncset.done $0x0  }
0x8c: {  	s31 =	sshrl.u32 s4, $0x3;
	p0 =	sne.s32 s24, s5;
	[sflag:s18] =	ssyncadd.s32 $0xFFFFD800  }
.Ltmp2:
0x8d: {  	s0 =	sor.u32 $0x1C01, s30;
	[bflag:$0x0] =	sbarrier.arrive $0xFFFF;
	(pc) =	sbr.rel @p0 .LBB2_1-.Ltmp2, $4  }
0x8e: {  	[hbm:s23], [sflag:s0] =	dma.local [spmem:s31], $0x2800  }
0x8f: {  	_ =	swait.ge [sflag:s18], $0x2800  }
0x90: {  	[sflag:s18] =	ssyncset.done $0x0  }
0x91: {  	[sflag:s18] =	ssyncadd.s32 $0xFFFFD800  }
0x92: {  	_ =	sfence.sel $0x180000  }
0x93: {  	[bflag:$0x0] =	sbarrier.arrive $0xFFFF  }
0x94: {  	_ =	strace $0x90000050  }
0x95: {  	[bflag:$0x2] =	sbarrier.arrive $0xFFFF  }
0x96: {  	p0 =	sne.s32 s2, $0x0;
	s0 =	rddreg [dreg:$0x3]  }
0x97: {  	s0 =	sadd.s32 @!p0 $0x100000, s0  }
0x98: {  	[sflag:s0] =	ssyncadd.tile.s32 @!p0 $0x1;
	_ =	shalt  }
.Lfunc_end2:
_tile_overlayer_lowered:
.L_overlay_start_2:
0x99: {  	(tag) =	ssettag $0x2  }
0x9a: {  	s0 =	rddreg [dreg:$0x0];
	s2 =	stileid.u32  }
0x9b: {  	s1 =	rddreg [dreg:$0x1];
	p0 =	sne.s32 s2, $0x0  }
0x9c: {  	s3 =	rddreg [dreg:$0x2];
	[bflag:$0x3] =	sbarrier.arrive $0xFFFF;
	s2 =	simm.s32 @!p0 $0x1C01  }
0x9d: {  	[timem:s3], [sflag:s2] =	dma.local @!p0 [hbm:s0], s1  }
0x9e: {  	s0 =	simm.s32 @!p0 $0x1  }
0x9f: {  	_ =	swait.ge @!p0 [sflag:s0], s1  }
0xa0: {  	s1 =	ssub.s32 @!p0 $0x0, s1;
	[sflag:s0] =	ssyncset.done @!p0 $0x0  }
0xa1: {  	[sflag:s0] =	ssyncadd.s32 @!p0 s1  }
0xa2: {  	[bflag:$0x3] =	sbarrier.arrive $0xFFFF  }
0xa3: {  	_ =	shalt  }

// kernel: kernel.39.cloned.1.call-start
scs
__scs_entry_jumppad:
0x0: {  	(pc) =	sbr.rel $0x88, $3  }
0x1: {  	(tag) =	ssettag $0x0;
	lr =	simm.s32 $0x1  }
0x2: {  	[smem:$0x3F9B] =	sst lr;
	_ =	strace $0xD0000000  }
0x3: {  	_ = 	snop  }
0x4: {  	_ = 	snop  }
0x5: {  	_ = 	snop  }
0x6: {  	_ = 	snop  }
0x7: {  	_ = 	snop  }
__scs_overlays_trampoline_lowered:
0x8: {  	[smem:$0x3FAA] =	sst s0  }
0x9: {  	[smem:$0x3FAB] =	sst s1  }
0xa: {  	[smem:$0x3FAC] =	sst s2  }
0xb: {  	[smem:$0x3FAD] =	sst s3  }
0xc: {  	[smem:$0x3FAE] =	sst s4  }
0xd: {  	[smem:$0x3FAF] =	sst s5  }
0xe: {  	[smem:$0x3FB0] =	sst s6  }
0xf: {  	[smem:$0x3FB1] =	sst s7  }
0x10: {  	[smem:$0x3FB2] =	sst s8  }
0x11: {  	[smem:$0x3FB3] =	sst s9;
	s0 =	simm.s32 @!p0 $0x0  }
0x12: {  	s1 =	sld [smem:$0x3F99];
	s0 =	simm.s32 @p0 $0x1  }
0x13: {  	[smem:$0x3FB4] =	sst s0;
	s0 =	simm.s32 @!p1 $0x0  }
0x14: {  	s2 =	sld [smem:$0x3F98];
	s0 =	simm.s32 @p1 $0x1  }
0x15: {  	[smem:$0x3FB5] =	sst s0;
	s0 =	simm.s32 @!p2 $0x0  }
0x16: {  	s3 =	sld [smem:$0x3FDB];
	s0 =	simm.s32 @p2 $0x1  }
0x17: {  	s4 =	simm.s32 $0x1BF5;
	[smem:$0x3FB7] =	sst s0  }
0x18: {  	s0 =	sld [smem:$0x3F9A];
	_ =	swait.ge [sflag:s4], $0x0  }
0x19: {  	s7 =	sld [smem:$0x3F9B]  }
0x1a: {  	s8 =	sadd.s32 $0xFFFFE003, lr  }
0x1b: {  	s9 =	sadd.s32 $0xFFFFFEF7, lr;
	s5 =	simm.s32 $0xFFFFFFFF;
	p2 =	slt.u32 s8, $0xFFFFF086  }
0x1c: {  	p1 =	slt.u32 s9, $0xF7A;
	s5 =	simm.s32 @!p2 $0x0  }
0x1d: {  	s5 =	simm.s32 @p1 $0x1;
	p0 =	seq.s32 s7, s2  }
0x1e: {  	s7 =	smul.u32 @!p0 $0xF7A, s2;
	p2 =	seq.s32 @!p0 s5, $0x0  }
0x1f: {  	s9 =	smul.u32 $0xF7A, s1;
	s8 =	simm.s32 @!p0 $0x1BF5;
	p2 =	por !p2, p0  }
0x20: {  	[sflag:s8] =	ssyncset.s32 @!p0 $0xFFFFF086;
	s6 =	sadd.s32 @!p0 s3, s7;
	s7 =	simm.s32 @!p0 $0x108  }
0x21: {  	s3 =	sadd.s32 s3, s9;
	s6 =	sadd.s32 @!p0 $0x88, s6;
	s7 =	simm.s32 @p2 $0x1082  }
0x22: {  	[simem:s7], [sflag:s8] =	dma.local @!p0 [hbm:s6], $0xF7A  }
0x23: {  	s9 =	sor.u32 $0xD0000000, s2;
	s6 =	simm.s32 $0x108;
	_ =	swait.ge @!p0 [sflag:s8], $0x0  }
0x24: {  	s3 =	sadd.s32 $0x88, s3;
	s6 =	simm.s32 @!p1 $0x1082;
	[sflag:s4] =	ssyncset.s32 $0xFFFFF086  }
0x25: {  	[simem:s6], [sflag:s4] =	dma.local [hbm:s3], $0xF7A  }
0x26: {  	[smem:$0x3F9B] =	sst s1;
	(tag) =	ssettag s2;
	_ =	strace s9  }
0x27: {  	s1 =	sld [smem:$0x3FAB]  }
0x28: {  	s2 =	sld [smem:$0x3FAC]  }
0x29: {  	s4 =	sld [smem:$0x3FAE]  }
0x2a: {  	p0 =	seq.s32 s5, $0x0;
	s5 =	sld [smem:$0x3FAF]  }
0x2b: {  	s6 =	sld [smem:$0x3FB0]  }
0x2c: {  	s7 =	sld [smem:$0x3FB1]  }
0x2d: {  	s3 =	simm.s32 $0x108;
	s8 =	sld [smem:$0x3FB2]  }
0x2e: {  	s3 =	simm.s32 @!p0 $0x1082;
	s9 =	sld [smem:$0x3FB3]  }
0x2f: {  	lr =	sadd.s32 s0, s3;
	s0 =	sld [smem:$0x3FAA]  }
0x30: {  	s3 =	sld [smem:$0x3FAD]  }
0x31: {  	[smem:$0x3FB6] =	sst s10  }
0x32: {  	s10 =	sld [smem:$0x3FB4];
	_ =	sdelay $0x3  }
0x33: {  	p0 =	seq.s32 s10, $0x1;
	s10 =	sld [smem:$0x3FB6];
	_ =	sdelay $0x3  }
0x34: {  	[smem:$0x3FB6] =	sst s10  }
0x35: {  	s10 =	sld [smem:$0x3FB5];
	_ =	sdelay $0x3  }
0x36: {  	p1 =	seq.s32 s10, $0x1;
	s10 =	sld [smem:$0x3FB6];
	_ =	sdelay $0x3  }
0x37: {  	[smem:$0x3FB6] =	sst s10  }
0x38: {  	s10 =	sld [smem:$0x3FB7]  }
0x39: {  	_ = 	snop;
	(pc) =	sbr.ind lr, $3  }
0x3a: {  	_ = 	snop  }
0x3b: {  	_ = 	snop  }
0x3c: {  	p2 =	seq.s32 s10, $0x1;
	s10 =	sld [smem:$0x3FB6]  }
0x3d: {  	_ =	shalt  }
0x3e: {  	_ =	shalt  }
0x3f: {  	_ =	shalt  }
0x40: {  	_ =	shalt  }
0x41: {  	_ =	shalt  }
0x42: {  	_ =	shalt  }
0x43: {  	_ =	shalt  }
0x44: {  	_ =	shalt  }
0x45: {  	_ =	shalt  }
0x46: {  	_ =	shalt  }
0x47: {  	_ =	shalt  }
0x48: {  	_ =	shalt  }
0x49: {  	_ =	shalt  }
0x4a: {  	_ =	shalt  }
0x4b: {  	_ =	shalt  }
0x4c: {  	_ =	shalt  }
0x4d: {  	_ =	shalt  }
0x4e: {  	_ =	shalt  }
0x4f: {  	_ =	shalt  }
0x50: {  	_ =	shalt  }
0x51: {  	_ =	shalt  }
0x52: {  	_ =	shalt  }
0x53: {  	_ =	shalt  }
0x54: {  	_ =	shalt  }
0x55: {  	_ =	shalt  }
0x56: {  	_ =	shalt  }
0x57: {  	_ =	shalt  }
0x58: {  	_ =	shalt  }
0x59: {  	_ =	shalt  }
0x5a: {  	_ =	shalt  }
0x5b: {  	_ =	shalt  }
0x5c: {  	_ =	shalt  }
0x5d: {  	_ =	shalt  }
0x5e: {  	_ =	shalt  }
0x5f: {  	_ =	shalt  }
0x60: {  	_ =	shalt  }
0x61: {  	_ =	shalt  }
0x62: {  	_ =	shalt  }
0x63: {  	_ =	shalt  }
0x64: {  	_ =	shalt  }
0x65: {  	_ =	shalt  }
0x66: {  	_ =	shalt  }
0x67: {  	_ =	shalt  }
0x68: {  	_ =	shalt  }
0x69: {  	_ =	shalt  }
0x6a: {  	_ =	shalt  }
0x6b: {  	_ =	shalt  }
0x6c: {  	_ =	shalt  }
0x6d: {  	_ =	shalt  }
0x6e: {  	_ =	shalt  }
0x6f: {  	_ =	shalt  }
0x70: {  	_ =	shalt  }
0x71: {  	_ =	shalt  }
0x72: {  	_ =	shalt  }
0x73: {  	_ =	shalt  }
0x74: {  	_ =	shalt  }
0x75: {  	_ =	shalt  }
0x76: {  	_ =	shalt  }
0x77: {  	_ =	shalt  }
0x78: {  	_ =	shalt  }
0x79: {  	_ =	shalt  }
0x7a: {  	_ =	shalt  }
0x7b: {  	_ =	shalt  }
0x7c: {  	_ =	shalt  }
0x7d: {  	_ =	shalt  }
0x7e: {  	_ =	shalt  }
0x7f: {  	_ =	shalt  }
0x80: {  	_ =	shalt  }
0x81: {  	_ =	shalt  }
0x82: {  	_ =	shalt  }
0x83: {  	_ =	shalt  }
0x84: {  	_ =	shalt  }
0x85: {  	_ =	shalt  }
0x86: {  	_ =	shalt  }
0x87: {  	_ =	shalt  }
.Lfunc_end0:
.L_simem_size_0:
called_computation.4_lowered:
.L_overlay_start_0:
0x88: {  	s2 =	sld [smem:$0x3FD9]  }
0x89: {  	s3 =	sld [smem:$0x3FFE];
	_ =	sdelay $0x1  }
0x8a: {  	s1 =	srdreg.scid  }
0x8b: {  	s0 =	sand.u32 $0x1, s1  }
0x8c: {  	s17 =	sshll.u32 s0, $0xA;
	s2 =	sadd.s32 s3, s2  }
0x8d: {  	s2 =	sadd.s32 s2, s17  }
0x8e: {  	[smem:$0x3FC2] =	sst s2  }
0x8f: {  	_ = 	snop  }
0x90: {  	s2 =	sld [smem:$0x3FD0];
	(tm) =	ssettm $0x1  }
0x91: {  	s18 =	sld [smem:$0x3FFB];
	_ =	sdelay $0x3  }
0x92: {  	_ =	strace s18  }
0x93: {  	s3 =	sld [smem:$0x3FFC];
	_ =	sdelay $0x3  }
0x94: {  	_ =	strace s3  }
0x95: {  	s3 =	sld [smem:$0x3FFD];
	_ =	sdelay $0x3  }
0x96: {  	_ =	strace s3  }
0x97: {  	_ =	strace $0x8FFFFFFF  }
0x98: {  	s19 =	sld [smem:$0x3FDB];
	_ =	sdelay $0x1  }
0x99: {  	s4 =	simm.s32 $_scs_section_size  }
0x9a: {  	s5 =	simm.s32 $_size__tile_overlayer_lowered;
	s6 =	simm.s32 $_tile_overlayer_lowered  }
0x9b: {  	s22 =	simm.s32 $0x1BFF;
	s21 =	sshll.u32 s6, $0x1;
	s3 =	sadd.s32 s4, s19  }
0x9c: {  	s7 =	simm.s32 $0x0;
	s20 =	sshll.u32 s5, $0x1;
	s5 =	sadd.s32 s21, s3  }
0x9d: {  	[timem:s7], [sflag:s22] =	dma.local [hbm:s5], s20  }
0x9e: {  	_ =	swait.ge [sflag:s22], s20  }
0x9f: {  	s4 =	ssub.s32 $0x0, s20;
	[sflag:s22] =	ssyncset.done $0x0  }
0xa0: {  	[sflag:s22] =	ssyncadd.s32 s4;
	_ =	sdelay $0x1  }
0xa1: {  	s23 =	simm.s32 $0x1B8B  }
0xa2: {  	_ =	swait.ge [sflag:s23], $0x1  }
0xa3: {  	[sflag:s23] =	ssyncset.done $0x0  }
0xa4: {  	s25 =	simm.s32 $0x1B8E;
	s24 =	sld [smem:$0x3FFE];
	[sflag:s23] =	ssyncadd.s32 $0xFFFFFFFF  }
0xa5: {  	s26 =	simm.s32 $execute0_lowered;
	[smem:$0x3FD2] =	sst s25  }
0xa6: {  	s5 =	sshll.u32 s26, $0x1;
	_ =	strace $0x80000052;
	[dreg:$0x1] =	wrdreg $0xFFFFFFFF  }
0xa7: {  	s28 =	simm.s32 $_size_execute0_lowered;
	s3 =	sadd.s32 s3, s5;
	[dreg:$0x0] =	wrdreg $0x0  }
0xa8: {  	s5 =	sshll.u32 s28, $0x1;
	[dreg:$0x2] =	wrdreg s3  }
0xa9: {  	[dreg:$0x3] =	wrdreg s5  }
0xaa: {  	[dreg:$0x4] =	wrdreg $0xC0  }
0xab: {  	_ =	task [dreg:s7], $0x5FFFF  }
0xac: {  	[dreg:$0x1] =	wrdreg $0xFFFFFFFF  }
0xad: {  	[dreg:$0x0] =	wrdreg $0x60  }
0xae: {  	[dreg:$0x2] =	wrdreg s24  }
0xaf: {  	[dreg:$0x3] =	wrdreg s2  }
0xb0: {  	[dreg:$0x4] =	wrdreg $0x51000  }
0xb1: {  	[dreg:$0x5] =	wrdreg $0x9  }
0xb2: {  	_ =	task.clear_ibuf [dreg:s7], $0x6FFFF;
	_ =	strace $0x90000052  }
0xb3: {  	s29 =	simm.s32 $0x9;
	_ =	strace $0x80000054  }
0xb4: {  	_ =	swait.ge [sflag:s29], $0x1  }
0xb5: {  	[sflag:s29] =	ssyncadd.s32 $0xFFFFFFFF  }
0xb6: {  	_ =	strace $0x90000054  }
0xb7: {  	_ =	sfence  }
0xb8: {  	s30 =	sld [smem:$0x0];
	_ =	sdelay $0x2  }
0xb9: {  	s31 =	sshll.u32 s1, $0xD;
	s1 =	sshrl.u32 s1, $0x2  }
0xba: {  	s3 =	sand.u32 $0x4000, s31;
	s1 =	sadd.s32 s1, s30  }
0xbb: {  	s0 =	sor.u32 s3, s0;
	s1 =	sshll.u32 s1, $0x11  }
0xbc: {  	s0 =	sor.u32 s1, s0  }
0xbd: {  	s0 =	sadd.s32 $0x8F2B, s0  }
0xbe: {  	[sflag:s0] =	ssyncadd.remote.s32 $0x1  }
0xbf: {  	_ =	sfence.sel $0xFFFF  }
0xc0: {  	[dreg:$0x0] =	wrdreg $0xFFFFFFFF;
	(pc) =	sbr.abs _section_cstart, $3  }
0xc1: {  	[dreg:$0x1] =	wrdreg $0xFFFFFFFF  }
0xc2: {  	_ =	task.clear_ibuf [dreg:s7], $0x2FFFF;
	_ =	strace $0x9FFFFFFF  }
0xc3: {  	(tm) =	ssettm $0x7FFFFFFF  }
tec
execute0_lowered:
.L_overlay_start_1:
0x0: {  	(tag) =	ssettag $0x1  }
0x1: {  	s5 =	rddreg [dreg:$0x0]  }
0x2: {  	s14 =	rddreg [dreg:$0x1];
	s0 =	srdreg.scid  }
0x3: {  	s2 =	rddreg [dreg:$0x2];
	s1 =	stileid.u32  }
0x4: {  	s3 =	simm.s32 $0x0;
	s17 =	simm.s32 $0x2;
	s7 =	smul.u32 $0x2710, s1  }
0x5: {  	s18 =	simm.s32 $0x80;
	s19 =	simm.s32 $0x50;
	s8 =	smul.u32 $0x50000, s1  }
0x6: {  	s20 =	simm.s32 $0x100;
	s4 =	sand.u32 $0x1, s0;
	s23 =	smul.u32 $0x2800, s1  }
0x7: {  	s21 =	simm.s32 $0x1;
	[smem:$0x7FF] =	sst s3;
	s6 =	smul.u32 $0x27100, s4  }
0x8: {  	s0 =	rddreg [dreg:$0x3];
	_ =	strace $0x80000053;
	s29 =	smul.u32 $0x28000, s4  }
0x9: {  	s30 =	ssub.s32 $0x2, s4;
	s4 =	sadd.s32 $0x8AA00, s5;
	s6 =	sadd.s32 s7, s6  }
0xa: {  	s9 =	sshrl.u32 s30, $0x1;
	s31 =	sshrl.u32 s8, $0x2;
	s15 =	sshrl.u32 s6, $0x3  }
0xb: {  	s6 =	ssub.s32 s30, s9;
	s16 =	sadd.s32 s15, s5;
	s5 =	sadd.s32 s29, s5  }
0xc: {  	s6 =	smax.u32 s6, $0x1;
	s14 =	sadd.s32 s15, s14;
	s22 =	sadd.s32 $0xEE600, s5  }
0xd: {  	s5 =	sadd.s32 s31, s2;
	s15 =	sadd.s32 $0x8C00, s16;
	s16 =	simm.s32 $0x2900  }
0xe: {  	s7 =	sadd.s32 $0x2800, s5;
	s8 =	sadd.s32 $0x5000, s5;
	s9 =	sadd.s32 $0x7800, s5  }
0xf: {  	s10 =	sadd.s32 $0xA000, s5;
	s11 =	sadd.s32 $0xC800, s5;
	s12 =	sadd.s32 $0xF000, s5  }
0x10: {  	v0 =	vimm.f32 $0.0e+00;
	s13 =	sadd.s32 $0x11800, s5;
	s22 =	sadd.s32 s23, s22;
	s23 =	simm.s32 $0x0  }
.LBB2_1:
0x11: {  	s24 =	simm.s32 $0x0;
	s25 =	simm.s32 $0x200  }
.LBB2_2:
0x12: {  	p0 =	sne.s32 s25, $0x9E00;
	[tilespmem:s24+$0x2970] =	vst v0  }
0x13: {  	[tilespmem:s24+$0x2900] =	vst v0  }
0x14: {  	[tilespmem:s24+$0x2910] =	vst v0  }
.Ltmp0:
0x15: {  	[tilespmem:s24+$0x2920] =	vst v0;
	(pc) =	sbr.rel @p0 .LBB2_2-.Ltmp0, $4  }
0x16: {  	[tilespmem:s24+$0x2930] =	vst v0  }
0x17: {  	[tilespmem:s24+$0x2940] =	vst v0  }
0x18: {  	[tilespmem:s24+$0x2950] =	vst v0  }
0x19: {  	[tilespmem:s24+$0x2960] =	vst v0;
	s24 =	sshra.s32 s25, $0x2;
	s25 =	sadd.s32 $0x200, s25  }
0x1a: {  	[tilespmem:s24+$0x2970] =	vst v0  }
0x1b: {  	[tilespmem:s24+$0x2900] =	vst v0  }
0x1c: {  	[tilespmem:s24+$0x2910] =	vst v0  }
0x1d: {  	[tilespmem:s24+$0x2920] =	vst v0  }
0x1e: {  	[tilespmem:s24+$0x2930] =	vst v0  }
0x1f: {  	[tilespmem:s24+$0x2940] =	vst v0  }
0x20: {  	[tilespmem:s24+$0x2950] =	vst v0  }
0x21: {  	[tilespmem:s24+$0x2960] =	vst v0  }
0x22: {  	[spmem:s5] =	stream.linear.scatter [tilespmem:s16], [sflag:$0x2], $0x2800, $0x38;
	[tilespmem:$0x19100] =	vst v63  }
0x23: {  	_ =	swait.ge [sflag:s17], $0x2800  }
0x24: {  	[sflag:s17] =	ssyncset.done $0x0  }
0x25: {  	[sflag:s17] =	ssyncadd.s32 $0xFFFFD800  }
0x26: {  	[spmem:s7] =	stream.linear.scatter [tilespmem:s16], [sflag:$0x2], $0x2800, $0x38;
	[tilespmem:$0x19100] =	vst v63  }
0x27: {  	_ =	swait.ge [sflag:s17], $0x2800  }
0x28: {  	[sflag:s17] =	ssyncset.done $0x0  }
0x29: {  	[sflag:s17] =	ssyncadd.s32 $0xFFFFD800  }
0x2a: {  	[spmem:s8] =	stream.linear.scatter [tilespmem:s16], [sflag:$0x2], $0x2800, $0x38;
	[tilespmem:$0x19100] =	vst v63  }
0x2b: {  	_ =	swait.ge [sflag:s17], $0x2800  }
0x2c: {  	[sflag:s17] =	ssyncset.done $0x0  }
0x2d: {  	[sflag:s17] =	ssyncadd.s32 $0xFFFFD800  }
0x2e: {  	[spmem:s9] =	stream.linear.scatter [tilespmem:s16], [sflag:$0x2], $0x2800, $0x38;
	[tilespmem:$0x19100] =	vst v63  }
0x2f: {  	_ =	swait.ge [sflag:s17], $0x2800  }
0x30: {  	[sflag:s17] =	ssyncset.done $0x0  }
0x31: {  	[sflag:s17] =	ssyncadd.s32 $0xFFFFD800  }
0x32: {  	[spmem:s10] =	stream.linear.scatter [tilespmem:s16], [sflag:$0x2], $0x2800, $0x38;
	[tilespmem:$0x19100] =	vst v63  }
0x33: {  	_ =	swait.ge [sflag:s17], $0x2800  }
0x34: {  	[sflag:s17] =	ssyncset.done $0x0  }
0x35: {  	[sflag:s17] =	ssyncadd.s32 $0xFFFFD800  }
0x36: {  	[spmem:s11] =	stream.linear.scatter [tilespmem:s16], [sflag:$0x2], $0x2800, $0x38;
	[tilespmem:$0x19100] =	vst v63  }
0x37: {  	_ =	swait.ge [sflag:s17], $0x2800  }
0x38: {  	[sflag:s17] =	ssyncset.done $0x0  }
0x39: {  	[sflag:s17] =	ssyncadd.s32 $0xFFFFD800  }
0x3a: {  	[spmem:s12] =	stream.linear.scatter [tilespmem:s16], [sflag:$0x2], $0x2800, $0x38;
	[tilespmem:$0x19100] =	vst v63  }
0x3b: {  	_ =	swait.ge [sflag:s17], $0x2800  }
0x3c: {  	[sflag:s17] =	ssyncset.done $0x0  }
0x3d: {  	[sflag:s17] =	ssyncadd.s32 $0xFFFFD800  }
0x3e: {  	[spmem:s13] =	stream.linear.scatter [tilespmem:s16], [sflag:$0x2], $0x2800, $0x38;
	[tilespmem:$0x19100] =	vst v63  }
0x3f: {  	_ =	swait.ge [sflag:s17], $0x2800  }
0x40: {  	[sflag:s17] =	ssyncset.done $0x0  }
0x41: {  	[sflag:s17] =	ssyncadd.s32 $0xFFFFD800  }
0x42: {  	s30 =	sadd.s32 $0x0, s15;
	[bflag:$0x0] =	sbarrier.arrive $0xFFFF  }
0x43: {  	[tilespmem:s3], [sflag:$0x2] =	stream.linear.gather [hbm4b:s30+s3], $0x50, $0x38;
	[tilespmem:$0x19100] =	vst v63  }
0x44: {  	_ =	swait.ge [sflag:s17], $0x50  }
0x45: {  	[sflag:s17] =	ssyncset.done $0x0  }
0x46: {  	s31 =	sadd.s32 $0x0, s14;
	[sflag:s17] =	ssyncadd.s32 $0xFFFFFFB0  }
0x47: {  	[tilespmem:s18], [sflag:$0x2] =	stream.linear.gather [hbm4b:s31+s3], $0x50, $0x38;
	[tilespmem:$0x19100] =	vst v63  }
0x48: {  	_ =	swait.ge [sflag:s17], $0x50  }
0x49: {  	[sflag:s17] =	ssyncset.done $0x0  }
0x4a: {  	[sflag:s17] =	ssyncadd.s32 $0xFFFFFFB0  }
0x4b: {  	[tilespmem:s20], [sflag:$0x1] =	stream.indirect.gather [hbm4b:s4+s19], $0x80, s18, s19, $0xb8;
	[tilespmem:$0x19100] =	vst v63  }
0x4c: {  	_ =	swait.ge [sflag:s21], $0x2800  }
0x4d: {  	[sflag:s21] =	ssyncset.done $0x0  }
0x4e: {  	[sflag:s21] =	ssyncadd.s32 $0xFFFFD800  }
0x4f: {  	[spmem:s2] =	stream.indirect.scatter.add.f32 [tilespmem:s20], [sflag:$0x2], $0x80, s3, s19, $0xb8;
	[tilespmem:$0x19100] =	vst v63  }
0x50: {  	_ =	swait.ge [sflag:s17], $0x2800  }
0x51: {  	s24 =	simm.s32 $0xA;
	s25 =	simm.s32 $0x14;
	[sflag:s17] =	ssyncset.done $0x0  }
.LBB2_4:
0x52: {  	s26 =	sadd.s32 s24, s15  }
0x53: {  	[sflag:s17] =	ssyncadd.s32 $0xFFFFD800;
	s28 =	smov.u32 s25;
	s29 =	sadd.s32 $0xA, s25  }
0x54: {  	[tilespmem:s3], [sflag:$0x2] =	stream.linear.gather [hbm4b:s26+s3], $0x50, $0x38;
	[tilespmem:$0x19100] =	vst v63  }
0x55: {  	p0 =	sne.s32 s25, $0x4D8;
	_ =	swait.ge [sflag:s17], $0x50  }
0x56: {  	[sflag:s17] =	ssyncset.done $0x0  }
0x57: {  	s25 =	sadd.s32 s24, s14;
	s24 =	smov.u32 s28;
	[sflag:s17] =	ssyncadd.s32 $0xFFFFFFB0  }
0x58: {  	[tilespmem:s18], [sflag:$0x2] =	stream.linear.gather [hbm4b:s25+s3], $0x50, $0x38;
	[tilespmem:$0x19100] =	vst v63  }
0x59: {  	_ =	swait.ge [sflag:s17], $0x50  }
0x5a: {  	[sflag:s17] =	ssyncset.done $0x0  }
0x5b: {  	[sflag:s17] =	ssyncadd.s32 $0xFFFFFFB0  }
0x5c: {  	[tilespmem:s20], [sflag:$0x1] =	stream.indirect.gather [hbm4b:s4+s19], $0x80, s18, s19, $0xb8;
	[tilespmem:$0x19100] =	vst v63  }
0x5d: {  	_ =	swait.ge [sflag:s21], $0x2800  }
.Ltmp1:
0x5e: {  	[sflag:s21] =	ssyncset.done $0x0;
	(pc) =	sbr.rel @p0 .LBB2_4-.Ltmp1, $4  }
0x5f: {  	[sflag:s21] =	ssyncadd.s32 $0xFFFFD800  }
0x60: {  	[spmem:s2] =	stream.indirect.scatter.add.f32 [tilespmem:s20], [sflag:$0x2], $0x80, s3, s19, $0xb8;
	[tilespmem:$0x19100] =	vst v63  }
0x61: {  	_ =	swait.ge [sflag:s17], $0x2800  }
0x62: {  	s25 =	smov.u32 s29;
	[sflag:s17] =	ssyncset.done $0x0  }
0x63: {  	s25 =	sadd.s32 s24, s15;
	[sflag:s17] =	ssyncadd.s32 $0xFFFFD800  }
0x64: {  	[tilespmem:s3], [sflag:$0x2] =	stream.linear.gather [hbm4b:s25+s3], $0x50, $0x38;
	[tilespmem:$0x19100] =	vst v63  }
0x65: {  	_ =	swait.ge [sflag:s17], $0x50  }
0x66: {  	[sflag:s17] =	ssyncset.done $0x0  }
0x67: {  	s29 =	sadd.s32 s24, s14;
	[sflag:s17] =	ssyncadd.s32 $0xFFFFFFB0  }
0x68: {  	[tilespmem:s18], [sflag:$0x2] =	stream.linear.gather [hbm4b:s29+s3], $0x50, $0x38;
	[tilespmem:$0x19100] =	vst v63  }
0x69: {  	_ =	swait.ge [sflag:s17], $0x50  }
0x6a: {  	[sflag:s17] =	ssyncset.done $0x0  }
0x6b: {  	[sflag:s17] =	ssyncadd.s32 $0xFFFFFFB0  }
0x6c: {  	[tilespmem:s20], [sflag:$0x1] =	stream.indirect.gather [hbm4b:s4+s19], $0x80, s18, s19, $0xb8;
	[tilespmem:$0x19100] =	vst v63  }
0x6d: {  	_ =	swait.ge [sflag:s21], $0x2800  }
0x6e: {  	[sflag:s21] =	ssyncset.done $0x0  }
0x6f: {  	[sflag:s21] =	ssyncadd.s32 $0xFFFFD800  }
0x70: {  	[spmem:s2] =	stream.indirect.scatter.add.f32 [tilespmem:s20], [sflag:$0x2], $0x80, s3, s19, $0xb8;
	[tilespmem:$0x19100] =	vst v63  }
0x71: {  	_ =	swait.ge [sflag:s17], $0x2800  }
0x72: {  	s30 =	sshll.u32 s1, $0x6;
	s23 =	sadd.s32 $0x1, s23;
	[sflag:s17] =	ssyncset.done $0x0  }
0x73: {  	s31 =	sshrl.u32 s5, $0x3;
	p0 =	sne.s32 s23, s6;
	[sflag:s17] =	ssyncadd.s32 $0xFFFFD800  }
.Ltmp2:
0x74: {  	s24 =	sor.u32 $0x1C02, s30;
	[bflag:$0x0] =	sbarrier.arrive $0xFFFF;
	(pc) =	sbr.rel @p0 .LBB2_1-.Ltmp2, $4  }
0x75: {  	[hbm:s22], [sflag:s24] =	dma.local [spmem:s31], $0x2800  }
0x76: {  	_ =	swait.ge [sflag:s17], $0x2800  }
0x77: {  	[sflag:s17] =	ssyncset.done $0x0  }
0x78: {  	[sflag:s17] =	ssyncadd.s32 $0xFFFFD800  }
0x79: {  	_ =	sfence.sel $0x180000  }
0x7a: {  	[bflag:$0x0] =	sbarrier.arrive $0xFFFF  }
0x7b: {  	p0 =	sne.s32 s1, $0x0;
	_ =	strace $0x90000053  }
0x7c: {  	s0 =	sadd.s32 @!p0 $0x100000, s0;
	[bflag:$0x2] =	sbarrier.arrive $0xFFFF  }
0x7d: {  	[sflag:s0] =	ssyncadd.tile.s32 @!p0 $0x1;
	_ =	shalt  }
.Lfunc_end2:
_tile_overlayer_lowered:
.L_overlay_start_2:
0x7e: {  	(tag) =	ssettag $0x2  }
0x7f: {  	s0 =	rddreg [dreg:$0x0];
	s2 =	stileid.u32  }
0x80: {  	s1 =	rddreg [dreg:$0x1];
	p0 =	sne.s32 s2, $0x0  }
0x81: {  	s3 =	rddreg [dreg:$0x2];
	[bflag:$0x3] =	sbarrier.arrive $0xFFFF;
	s2 =	simm.s32 @!p0 $0x1C02  }
0x82: {  	[timem:s3], [sflag:s2] =	dma.local @!p0 [hbm:s0], s1  }
0x83: {  	s0 =	simm.s32 @!p0 $0x2  }
0x84: {  	_ =	swait.ge @!p0 [sflag:s0], s1  }
0x85: {  	s1 =	ssub.s32 @!p0 $0x0, s1;
	[sflag:s0] =	ssyncset.done @!p0 $0x0  }
0x86: {  	[sflag:s0] =	ssyncadd.s32 @!p0 s1  }
0x87: {  	[bflag:$0x3] =	sbarrier.arrive $0xFFFF  }
0x88: {  	_ =	shalt  }

// kernel: kernel.42.cloned.1.call-start
scs
__scs_entry_jumppad:
0x0: {  	(pc) =	sbr.rel $0x88, $3  }
0x1: {  	(tag) =	ssettag $0x0;
	lr =	simm.s32 $0x1  }
0x2: {  	[smem:$0x3F9B] =	sst lr;
	_ =	strace $0xD0000000  }
0x3: {  	_ = 	snop  }
0x4: {  	_ = 	snop  }
0x5: {  	_ = 	snop  }
0x6: {  	_ = 	snop  }
0x7: {  	_ = 	snop  }
__scs_overlays_trampoline_lowered:
0x8: {  	[smem:$0x3FAA] =	sst s0  }
0x9: {  	[smem:$0x3FAB] =	sst s1  }
0xa: {  	[smem:$0x3FAC] =	sst s2  }
0xb: {  	[smem:$0x3FAD] =	sst s3  }
0xc: {  	[smem:$0x3FAE] =	sst s4  }
0xd: {  	[smem:$0x3FAF] =	sst s5  }
0xe: {  	[smem:$0x3FB0] =	sst s6  }
0xf: {  	[smem:$0x3FB1] =	sst s7  }
0x10: {  	[smem:$0x3FB2] =	sst s8  }
0x11: {  	[smem:$0x3FB3] =	sst s9;
	s0 =	simm.s32 @!p0 $0x0  }
0x12: {  	s1 =	sld [smem:$0x3F99];
	s0 =	simm.s32 @p0 $0x1  }
0x13: {  	[smem:$0x3FB4] =	sst s0;
	s0 =	simm.s32 @!p1 $0x0  }
0x14: {  	s2 =	sld [smem:$0x3F98];
	s0 =	simm.s32 @p1 $0x1  }
0x15: {  	[smem:$0x3FB5] =	sst s0;
	s0 =	simm.s32 @!p2 $0x0  }
0x16: {  	s3 =	sld [smem:$0x3FDB];
	s0 =	simm.s32 @p2 $0x1  }
0x17: {  	s4 =	simm.s32 $0x1BF5;
	[smem:$0x3FB7] =	sst s0  }
0x18: {  	s0 =	sld [smem:$0x3F9A];
	_ =	swait.ge [sflag:s4], $0x0  }
0x19: {  	s7 =	sld [smem:$0x3F9B]  }
0x1a: {  	s8 =	sadd.s32 $0xFFFFE003, lr  }
0x1b: {  	s9 =	sadd.s32 $0xFFFFFEF7, lr;
	s5 =	simm.s32 $0xFFFFFFFF;
	p2 =	slt.u32 s8, $0xFFFFF086  }
0x1c: {  	p1 =	slt.u32 s9, $0xF7A;
	s5 =	simm.s32 @!p2 $0x0  }
0x1d: {  	s5 =	simm.s32 @p1 $0x1;
	p0 =	seq.s32 s7, s2  }
0x1e: {  	s7 =	smul.u32 @!p0 $0xF7A, s2;
	p2 =	seq.s32 @!p0 s5, $0x0  }
0x1f: {  	s9 =	smul.u32 $0xF7A, s1;
	s8 =	simm.s32 @!p0 $0x1BF5;
	p2 =	por !p2, p0  }
0x20: {  	[sflag:s8] =	ssyncset.s32 @!p0 $0xFFFFF086;
	s6 =	sadd.s32 @!p0 s3, s7;
	s7 =	simm.s32 @!p0 $0x108  }
0x21: {  	s3 =	sadd.s32 s3, s9;
	s6 =	sadd.s32 @!p0 $0x88, s6;
	s7 =	simm.s32 @p2 $0x1082  }
0x22: {  	[simem:s7], [sflag:s8] =	dma.local @!p0 [hbm:s6], $0xF7A  }
0x23: {  	s9 =	sor.u32 $0xD0000000, s2;
	s6 =	simm.s32 $0x108;
	_ =	swait.ge @!p0 [sflag:s8], $0x0  }
0x24: {  	s3 =	sadd.s32 $0x88, s3;
	s6 =	simm.s32 @!p1 $0x1082;
	[sflag:s4] =	ssyncset.s32 $0xFFFFF086  }
0x25: {  	[simem:s6], [sflag:s4] =	dma.local [hbm:s3], $0xF7A  }
0x26: {  	[smem:$0x3F9B] =	sst s1;
	(tag) =	ssettag s2;
	_ =	strace s9  }
0x27: {  	s1 =	sld [smem:$0x3FAB]  }
0x28: {  	s2 =	sld [smem:$0x3FAC]  }
0x29: {  	s4 =	sld [smem:$0x3FAE]  }
0x2a: {  	p0 =	seq.s32 s5, $0x0;
	s5 =	sld [smem:$0x3FAF]  }
0x2b: {  	s6 =	sld [smem:$0x3FB0]  }
0x2c: {  	s7 =	sld [smem:$0x3FB1]  }
0x2d: {  	s3 =	simm.s32 $0x108;
	s8 =	sld [smem:$0x3FB2]  }
0x2e: {  	s3 =	simm.s32 @!p0 $0x1082;
	s9 =	sld [smem:$0x3FB3]  }
0x2f: {  	lr =	sadd.s32 s0, s3;
	s0 =	sld [smem:$0x3FAA]  }
0x30: {  	s3 =	sld [smem:$0x3FAD]  }
0x31: {  	[smem:$0x3FB6] =	sst s10  }
0x32: {  	s10 =	sld [smem:$0x3FB4];
	_ =	sdelay $0x3  }
0x33: {  	p0 =	seq.s32 s10, $0x1;
	s10 =	sld [smem:$0x3FB6];
	_ =	sdelay $0x3  }
0x34: {  	[smem:$0x3FB6] =	sst s10  }
0x35: {  	s10 =	sld [smem:$0x3FB5];
	_ =	sdelay $0x3  }
0x36: {  	p1 =	seq.s32 s10, $0x1;
	s10 =	sld [smem:$0x3FB6];
	_ =	sdelay $0x3  }
0x37: {  	[smem:$0x3FB6] =	sst s10  }
0x38: {  	s10 =	sld [smem:$0x3FB7]  }
0x39: {  	_ = 	snop;
	(pc) =	sbr.ind lr, $3  }
0x3a: {  	_ = 	snop  }
0x3b: {  	_ = 	snop  }
0x3c: {  	p2 =	seq.s32 s10, $0x1;
	s10 =	sld [smem:$0x3FB6]  }
0x3d: {  	_ =	shalt  }
0x3e: {  	_ =	shalt  }
0x3f: {  	_ =	shalt  }
0x40: {  	_ =	shalt  }
0x41: {  	_ =	shalt  }
0x42: {  	_ =	shalt  }
0x43: {  	_ =	shalt  }
0x44: {  	_ =	shalt  }
0x45: {  	_ =	shalt  }
0x46: {  	_ =	shalt  }
0x47: {  	_ =	shalt  }
0x48: {  	_ =	shalt  }
0x49: {  	_ =	shalt  }
0x4a: {  	_ =	shalt  }
0x4b: {  	_ =	shalt  }
0x4c: {  	_ =	shalt  }
0x4d: {  	_ =	shalt  }
0x4e: {  	_ =	shalt  }
0x4f: {  	_ =	shalt  }
0x50: {  	_ =	shalt  }
0x51: {  	_ =	shalt  }
0x52: {  	_ =	shalt  }
0x53: {  	_ =	shalt  }
0x54: {  	_ =	shalt  }
0x55: {  	_ =	shalt  }
0x56: {  	_ =	shalt  }
0x57: {  	_ =	shalt  }
0x58: {  	_ =	shalt  }
0x59: {  	_ =	shalt  }
0x5a: {  	_ =	shalt  }
0x5b: {  	_ =	shalt  }
0x5c: {  	_ =	shalt  }
0x5d: {  	_ =	shalt  }
0x5e: {  	_ =	shalt  }
0x5f: {  	_ =	shalt  }
0x60: {  	_ =	shalt  }
0x61: {  	_ =	shalt  }
0x62: {  	_ =	shalt  }
0x63: {  	_ =	shalt  }
0x64: {  	_ =	shalt  }
0x65: {  	_ =	shalt  }
0x66: {  	_ =	shalt  }
0x67: {  	_ =	shalt  }
0x68: {  	_ =	shalt  }
0x69: {  	_ =	shalt  }
0x6a: {  	_ =	shalt  }
0x6b: {  	_ =	shalt  }
0x6c: {  	_ =	shalt  }
0x6d: {  	_ =	shalt  }
0x6e: {  	_ =	shalt  }
0x6f: {  	_ =	shalt  }
0x70: {  	_ =	shalt  }
0x71: {  	_ =	shalt  }
0x72: {  	_ =	shalt  }
0x73: {  	_ =	shalt  }
0x74: {  	_ =	shalt  }
0x75: {  	_ =	shalt  }
0x76: {  	_ =	shalt  }
0x77: {  	_ =	shalt  }
0x78: {  	_ =	shalt  }
0x79: {  	_ =	shalt  }
0x7a: {  	_ =	shalt  }
0x7b: {  	_ =	shalt  }
0x7c: {  	_ =	shalt  }
0x7d: {  	_ =	shalt  }
0x7e: {  	_ =	shalt  }
0x7f: {  	_ =	shalt  }
0x80: {  	_ =	shalt  }
0x81: {  	_ =	shalt  }
0x82: {  	_ =	shalt  }
0x83: {  	_ =	shalt  }
0x84: {  	_ =	shalt  }
0x85: {  	_ =	shalt  }
0x86: {  	_ =	shalt  }
0x87: {  	_ =	shalt  }
.Lfunc_end0:
.L_simem_size_0:
called_computation.5_lowered:
.L_overlay_start_0:
0x88: {  	s2 =	sld [smem:$0x3FD9]  }
0x89: {  	s3 =	sld [smem:$0x3FFE];
	_ =	sdelay $0x1  }
0x8a: {  	s1 =	srdreg.scid  }
0x8b: {  	s0 =	sand.u32 $0x1, s1  }
0x8c: {  	s16 =	sshll.u32 s0, $0xA;
	s2 =	sadd.s32 s3, s2  }
0x8d: {  	s2 =	sadd.s32 s2, s16  }
0x8e: {  	[smem:$0x3FC2] =	sst s2  }
0x8f: {  	_ = 	snop  }
0x90: {  	(tm) =	ssettm $0x1  }
0x91: {  	s17 =	sld [smem:$0x3FFB];
	_ =	sdelay $0x3  }
0x92: {  	_ =	strace s17  }
0x93: {  	s2 =	sld [smem:$0x3FFC];
	_ =	sdelay $0x3  }
0x94: {  	_ =	strace s2  }
0x95: {  	s2 =	sld [smem:$0x3FFD];
	_ =	sdelay $0x3  }
0x96: {  	_ =	strace s2  }
0x97: {  	_ =	strace $0x8FFFFFFF  }
0x98: {  	s18 =	sld [smem:$0x3FDB];
	_ =	sdelay $0x1  }
0x99: {  	s19 =	simm.s32 $_scs_section_size  }
0x9a: {  	s4 =	simm.s32 $_size__tile_overlayer_lowered;
	s5 =	simm.s32 $_tile_overlayer_lowered  }
0x9b: {  	s22 =	simm.s32 $0x1BFF;
	s21 =	sshll.u32 s5, $0x1;
	s2 =	sadd.s32 s19, s18  }
0x9c: {  	s6 =	simm.s32 $0x0;
	s20 =	sshll.u32 s4, $0x1;
	s4 =	sadd.s32 s21, s2  }
0x9d: {  	[timem:s6], [sflag:s22] =	dma.local [hbm:s4], s20  }
0x9e: {  	_ =	swait.ge [sflag:s22], s20  }
0x9f: {  	s3 =	ssub.s32 $0x0, s20;
	[sflag:s22] =	ssyncset.done $0x0  }
0xa0: {  	[sflag:s22] =	ssyncadd.s32 s3;
	_ =	sdelay $0x1  }
0xa1: {  	s23 =	simm.s32 $0x1B8B  }
0xa2: {  	_ =	swait.ge [sflag:s23], $0x1  }
0xa3: {  	[sflag:s23] =	ssyncset.done $0x0  }
0xa4: {  	s25 =	simm.s32 $0x1B8E;
	s24 =	sld [smem:$0x3FFE];
	[sflag:s23] =	ssyncadd.s32 $0xFFFFFFFF  }
0xa5: {  	s26 =	simm.s32 $execute0_lowered;
	[smem:$0x3FD2] =	sst s25  }
0xa6: {  	s4 =	sshll.u32 s26, $0x1;
	_ =	strace $0x80000055;
	[dreg:$0x1] =	wrdreg $0xFFFFFFFF  }
0xa7: {  	s28 =	simm.s32 $_size_execute0_lowered;
	s2 =	sadd.s32 s2, s4;
	[dreg:$0x0] =	wrdreg $0x0  }
0xa8: {  	s4 =	sshll.u32 s28, $0x1;
	[dreg:$0x2] =	wrdreg s2  }
0xa9: {  	[dreg:$0x3] =	wrdreg s4  }
0xaa: {  	[dreg:$0x4] =	wrdreg $0xC0  }
0xab: {  	_ =	task [dreg:s6], $0x5FFFF  }
0xac: {  	[dreg:$0x1] =	wrdreg $0xFFFFFFFF  }
0xad: {  	[dreg:$0x0] =	wrdreg $0x60  }
0xae: {  	[dreg:$0x2] =	wrdreg s24  }
0xaf: {  	[dreg:$0x3] =	wrdreg $0x9  }
0xb0: {  	_ =	task.clear_ibuf [dreg:s6], $0x4FFFF;
	_ =	strace $0x90000055  }
0xb1: {  	s29 =	simm.s32 $0x9;
	_ =	strace $0x80000057  }
0xb2: {  	_ =	swait.ge [sflag:s29], $0x1  }
0xb3: {  	[sflag:s29] =	ssyncadd.s32 $0xFFFFFFFF  }
0xb4: {  	_ =	strace $0x90000057  }
0xb5: {  	_ =	sfence  }
0xb6: {  	s30 =	sld [smem:$0x0];
	_ =	sdelay $0x2  }
0xb7: {  	s31 =	sshll.u32 s1, $0xD;
	s1 =	sshrl.u32 s1, $0x2  }
0xb8: {  	s3 =	sand.u32 $0x4000, s31;
	s1 =	sadd.s32 s1, s30  }
0xb9: {  	s0 =	sor.u32 s3, s0;
	s1 =	sshll.u32 s1, $0x11  }
0xba: {  	s0 =	sor.u32 s1, s0  }
0xbb: {  	s0 =	sadd.s32 $0x8F2B, s0  }
0xbc: {  	[sflag:s0] =	ssyncadd.remote.s32 $0x1  }
0xbd: {  	_ =	sfence.sel $0xFFFF  }
0xbe: {  	[dreg:$0x0] =	wrdreg $0xFFFFFFFF;
	(pc) =	sbr.abs _section_cstart, $3  }
0xbf: {  	[dreg:$0x1] =	wrdreg $0xFFFFFFFF  }
0xc0: {  	_ =	task.clear_ibuf [dreg:s6], $0x2FFFF;
	_ =	strace $0x9FFFFFFF  }
0xc1: {  	(tm) =	ssettm $0x7FFFFFFF  }
tec
execute0_lowered:
.L_overlay_start_1:
0x0: {  	(tag) =	ssettag $0x1  }
0x1: {  	s4 =	rddreg [dreg:$0x0]  }
0x2: {  	s0 =	rddreg [dreg:$0x1];
	s2 =	simm.s32 $0x0;
	s1 =	srdreg.scid  }
0x3: {  	s11 =	simm.s32 $0x50;
	s12 =	simm.s32 $0x100;
	s13 =	simm.s32 $0x1  }
0x4: {  	s14 =	simm.s32 $0x2900;
	s15 =	simm.s32 $0x2;
	s5 =	sand.u32 $0x1, s1  }
0x5: {  	s16 =	simm.s32 $0x0;
	s1 =	stileid.u32;
	s6 =	smul.u32 $0x27100, s5  }
0x6: {  	[smem:$0x7FF] =	sst s2;
	s3 =	sadd.s32 $0x3AA00, s4;
	s7 =	smul.u32 $0x2710, s1  }
0x7: {  	_ =	strace $0x80000056;
	s8 =	smul.u32 $0x271000, s5;
	s5 =	ssub.s32 $0x2, s5  }
0x8: {  	s9 =	smul.u32 $0x27100, s1;
	s30 =	sshrl.u32 s5, $0x1;
	s6 =	sadd.s32 s7, s6  }
0x9: {  	s8 =	sadd.s32 s8, s4;
	s5 =	ssub.s32 s5, s30;
	s6 =	sshrl.u32 s6, $0x3  }
0xa: {  	s31 =	sadd.s32 s9, s8;
	s9 =	simm.s32 $0x3;
	s10 =	sadd.s32 s6, s4  }
0xb: {  	s4 =	smax.u32 s5, $0x1;
	s5 =	sadd.s32 $0xEE600, s31;
	s6 =	sadd.s32 $0x5D0600, s31  }
0xc: {  	s7 =	sadd.s32 $0xE4800, s10;
	s8 =	sadd.s32 $0xDAA00, s10;
	s10 =	simm.s32 $0x80  }
.LBB2_1:
0xd: {  	s17 =	sadd.s32 $0x0, s8  }
0xe: {  	[tilespmem:s2], [sflag:$0x3] =	stream.linear.gather [hbm4b:s17+s2], $0x50, $0x38;
	[tilespmem:$0x5100] =	vst v63  }
0xf: {  	_ =	swait.ge [sflag:s9], $0x50  }
0x10: {  	[sflag:s9] =	ssyncset.done $0x0  }
0x11: {  	s31 =	sadd.s32 $0x0, s7;
	[sflag:s9] =	ssyncadd.s32 $0xFFFFFFB0  }
0x12: {  	[tilespmem:s10], [sflag:$0x3] =	stream.linear.gather [hbm4b:s31+s2], $0x50, $0x38;
	[tilespmem:$0x5100] =	vst v63  }
0x13: {  	_ =	swait.ge [sflag:s9], $0x50  }
0x14: {  	[sflag:s9] =	ssyncset.done $0x0  }
0x15: {  	[sflag:s9] =	ssyncadd.s32 $0xFFFFFFB0  }
0x16: {  	[tilespmem:s12], [sflag:$0x1] =	stream.indirect.gather [hbm4b:s3+s11], $0x80, s2, s11, $0xb8;
	[tilespmem:$0x5100] =	vst v63  }
0x17: {  	_ =	swait.ge [sflag:s13], $0x2800  }
0x18: {  	[sflag:s13] =	ssyncset.done $0x0  }
0x19: {  	[sflag:s13] =	ssyncadd.s32 $0xFFFFD800  }
0x1a: {  	[tilespmem:s14], [sflag:$0x2] =	stream.indirect.gather [hbm4b:s3+s11], $0x80, s10, s11, $0xb8;
	[tilespmem:$0x5100] =	vst v63  }
0x1b: {  	_ =	swait.ge [sflag:s15], $0x2800  }
0x1c: {  	[sflag:s15] =	ssyncset.done $0x0  }
0x1d: {  	[sflag:s15] =	ssyncadd.s32 $0xFFFFD800  }
0x1e: {  	[hbm4b:s5+s2] =	stream.linear.scatter [tilespmem:s12], [sflag:$0x3], $0x2800, $0x38;
	[tilespmem:$0x5100] =	vst v63  }
0x1f: {  	_ =	swait.ge [sflag:s9], $0x2800  }
0x20: {  	[sflag:s9] =	ssyncset.done $0x0  }
0x21: {  	[sflag:s9] =	ssyncadd.s32 $0xFFFFD800  }
0x22: {  	[hbm4b:s6+s2] =	stream.linear.scatter [tilespmem:s14], [sflag:$0x3], $0x2800, $0x38;
	[tilespmem:$0x5100] =	vst v63  }
0x23: {  	s19 =	simm.s32 $0xA;
	s20 =	simm.s32 $0x14;
	_ =	swait.ge [sflag:s9], $0x2800  }
0x24: {  	s18 =	sadd.s32 $0x500, s5;
	s17 =	sadd.s32 $0x500, s6;
	[sflag:s9] =	ssyncset.done $0x0  }
.LBB2_2:
0x25: {  	s21 =	sadd.s32 s19, s8  }
0x26: {  	[sflag:s9] =	ssyncadd.s32 $0xFFFFD800;
	s22 =	smov.u32 s20;
	s23 =	sadd.s32 $0xA, s20  }
0x27: {  	[tilespmem:s2], [sflag:$0x3] =	stream.linear.gather [hbm4b:s21+s2], $0x50, $0x38;
	[tilespmem:$0x5100] =	vst v63  }
0x28: {  	p0 =	sne.s32 s20, $0x4D8;
	_ =	swait.ge [sflag:s9], $0x50  }
0x29: {  	[sflag:s9] =	ssyncset.done $0x0  }
0x2a: {  	s20 =	sadd.s32 s19, s7;
	s19 =	smov.u32 s22;
	[sflag:s9] =	ssyncadd.s32 $0xFFFFFFB0  }
0x2b: {  	[tilespmem:s10], [sflag:$0x3] =	stream.linear.gather [hbm4b:s20+s2], $0x50, $0x38;
	[tilespmem:$0x5100] =	vst v63  }
0x2c: {  	_ =	swait.ge [sflag:s9], $0x50  }
0x2d: {  	[sflag:s9] =	ssyncset.done $0x0  }
0x2e: {  	[sflag:s9] =	ssyncadd.s32 $0xFFFFFFB0  }
0x2f: {  	[tilespmem:s12], [sflag:$0x1] =	stream.indirect.gather [hbm4b:s3+s11], $0x80, s2, s11, $0xb8;
	[tilespmem:$0x5100] =	vst v63  }
0x30: {  	_ =	swait.ge [sflag:s13], $0x2800  }
0x31: {  	[sflag:s13] =	ssyncset.done $0x0  }
0x32: {  	[sflag:s13] =	ssyncadd.s32 $0xFFFFD800  }
0x33: {  	[tilespmem:s14], [sflag:$0x2] =	stream.indirect.gather [hbm4b:s3+s11], $0x80, s10, s11, $0xb8;
	[tilespmem:$0x5100] =	vst v63  }
0x34: {  	_ =	swait.ge [sflag:s15], $0x2800  }
0x35: {  	[sflag:s15] =	ssyncset.done $0x0  }
0x36: {  	[sflag:s15] =	ssyncadd.s32 $0xFFFFD800  }
0x37: {  	[hbm4b:s18+s2] =	stream.linear.scatter [tilespmem:s12], [sflag:$0x3], $0x2800, $0x38;
	[tilespmem:$0x5100] =	vst v63  }
0x38: {  	_ =	swait.ge [sflag:s9], $0x2800  }
.Ltmp0:
0x39: {  	[sflag:s9] =	ssyncset.done $0x0;
	(pc) =	sbr.rel @p0 .LBB2_2-.Ltmp0, $4  }
0x3a: {  	[sflag:s9] =	ssyncadd.s32 $0xFFFFD800  }
0x3b: {  	[hbm4b:s17+s2] =	stream.linear.scatter [tilespmem:s14], [sflag:$0x3], $0x2800, $0x38;
	[tilespmem:$0x5100] =	vst v63  }
0x3c: {  	s20 =	smov.u32 s23;
	_ =	swait.ge [sflag:s9], $0x2800  }
0x3d: {  	s18 =	sadd.s32 $0x500, s18;
	s17 =	sadd.s32 $0x500, s17;
	[sflag:s9] =	ssyncset.done $0x0  }
0x3e: {  	s20 =	sadd.s32 s19, s8;
	[sflag:s9] =	ssyncadd.s32 $0xFFFFD800  }
0x3f: {  	[tilespmem:s2], [sflag:$0x3] =	stream.linear.gather [hbm4b:s20+s2], $0x50, $0x38;
	[tilespmem:$0x5100] =	vst v63  }
0x40: {  	_ =	swait.ge [sflag:s9], $0x50  }
0x41: {  	[sflag:s9] =	ssyncset.done $0x0  }
0x42: {  	s31 =	sadd.s32 s19, s7;
	[sflag:s9] =	ssyncadd.s32 $0xFFFFFFB0  }
0x43: {  	[tilespmem:s10], [sflag:$0x3] =	stream.linear.gather [hbm4b:s31+s2], $0x50, $0x38;
	[tilespmem:$0x5100] =	vst v63  }
0x44: {  	_ =	swait.ge [sflag:s9], $0x50  }
0x45: {  	[sflag:s9] =	ssyncset.done $0x0  }
0x46: {  	[sflag:s9] =	ssyncadd.s32 $0xFFFFFFB0  }
0x47: {  	[tilespmem:s12], [sflag:$0x1] =	stream.indirect.gather [hbm4b:s3+s11], $0x80, s2, s11, $0xb8;
	[tilespmem:$0x5100] =	vst v63  }
0x48: {  	_ =	swait.ge [sflag:s13], $0x2800  }
0x49: {  	[sflag:s13] =	ssyncset.done $0x0  }
0x4a: {  	[sflag:s13] =	ssyncadd.s32 $0xFFFFD800  }
0x4b: {  	[tilespmem:s14], [sflag:$0x2] =	stream.indirect.gather [hbm4b:s3+s11], $0x80, s10, s11, $0xb8;
	[tilespmem:$0x5100] =	vst v63  }
0x4c: {  	_ =	swait.ge [sflag:s15], $0x2800  }
0x4d: {  	[sflag:s15] =	ssyncset.done $0x0  }
0x4e: {  	[sflag:s15] =	ssyncadd.s32 $0xFFFFD800  }
0x4f: {  	[hbm4b:s18+s2] =	stream.linear.scatter [tilespmem:s12], [sflag:$0x3], $0x2800, $0x38;
	[tilespmem:$0x5100] =	vst v63  }
0x50: {  	s16 =	sadd.s32 $0x1, s16;
	_ =	swait.ge [sflag:s9], $0x2800  }
0x51: {  	p0 =	sne.s32 s16, s4;
	[sflag:s9] =	ssyncset.done $0x0  }
.Ltmp1:
0x52: {  	[sflag:s9] =	ssyncadd.s32 $0xFFFFD800;
	(pc) =	sbr.rel @p0 .LBB2_1-.Ltmp1, $4  }
0x53: {  	[hbm4b:s17+s2] =	stream.linear.scatter [tilespmem:s14], [sflag:$0x3], $0x2800, $0x38;
	[tilespmem:$0x5100] =	vst v63  }
0x54: {  	_ =	swait.ge [sflag:s9], $0x2800  }
0x55: {  	[sflag:s9] =	ssyncset.done $0x0  }
0x56: {  	[sflag:s9] =	ssyncadd.s32 $0xFFFFD800  }
0x57: {  	_ =	sfence.sel $0x180000  }
0x58: {  	[bflag:$0x0] =	sbarrier.arrive $0xFFFF  }
0x59: {  	p0 =	sne.s32 s1, $0x0;
	_ =	strace $0x90000056  }
0x5a: {  	s0 =	sadd.s32 @!p0 $0x100000, s0;
	[bflag:$0x2] =	sbarrier.arrive $0xFFFF  }
0x5b: {  	[sflag:s0] =	ssyncadd.tile.s32 @!p0 $0x1;
	_ =	shalt  }
.Lfunc_end2:
_tile_overlayer_lowered:
.L_overlay_start_2:
0x5c: {  	(tag) =	ssettag $0x2  }
0x5d: {  	s0 =	rddreg [dreg:$0x0];
	s2 =	stileid.u32  }
0x5e: {  	s1 =	rddreg [dreg:$0x1];
	p0 =	sne.s32 s2, $0x0  }
0x5f: {  	s3 =	rddreg [dreg:$0x2];
	[bflag:$0x3] =	sbarrier.arrive $0xFFFF;
	s2 =	simm.s32 @!p0 $0x1C03  }
0x60: {  	[timem:s3], [sflag:s2] =	dma.local @!p0 [hbm:s0], s1  }
0x61: {  	s0 =	simm.s32 @!p0 $0x3  }
0x62: {  	_ =	swait.ge @!p0 [sflag:s0], s1  }
0x63: {  	s1 =	ssub.s32 @!p0 $0x0, s1;
	[sflag:s0] =	ssyncset.done @!p0 $0x0  }
0x64: {  	[sflag:s0] =	ssyncadd.s32 @!p0 s1  }
0x65: {  	[bflag:$0x3] =	sbarrier.arrive $0xFFFF  }
0x66: {  	_ =	shalt  }

// kernel: kernel.45.cloned.1.call-start
scs
__scs_entry_jumppad:
0x0: {  	(pc) =	sbr.rel $0x88, $3  }
0x1: {  	(tag) =	ssettag $0x0;
	lr =	simm.s32 $0x1  }
0x2: {  	[smem:$0x3F9B] =	sst lr;
	_ =	strace $0xD0000000  }
0x3: {  	_ = 	snop  }
0x4: {  	_ = 	snop  }
0x5: {  	_ = 	snop  }
0x6: {  	_ = 	snop  }
0x7: {  	_ = 	snop  }
__scs_overlays_trampoline_lowered:
0x8: {  	[smem:$0x3FAA] =	sst s0  }
0x9: {  	[smem:$0x3FAB] =	sst s1  }
0xa: {  	[smem:$0x3FAC] =	sst s2  }
0xb: {  	[smem:$0x3FAD] =	sst s3  }
0xc: {  	[smem:$0x3FAE] =	sst s4  }
0xd: {  	[smem:$0x3FAF] =	sst s5  }
0xe: {  	[smem:$0x3FB0] =	sst s6  }
0xf: {  	[smem:$0x3FB1] =	sst s7  }
0x10: {  	[smem:$0x3FB2] =	sst s8  }
0x11: {  	[smem:$0x3FB3] =	sst s9;
	s0 =	simm.s32 @!p0 $0x0  }
0x12: {  	s1 =	sld [smem:$0x3F99];
	s0 =	simm.s32 @p0 $0x1  }
0x13: {  	[smem:$0x3FB4] =	sst s0;
	s0 =	simm.s32 @!p1 $0x0  }
0x14: {  	s2 =	sld [smem:$0x3F98];
	s0 =	simm.s32 @p1 $0x1  }
0x15: {  	[smem:$0x3FB5] =	sst s0;
	s0 =	simm.s32 @!p2 $0x0  }
0x16: {  	s3 =	sld [smem:$0x3FDB];
	s0 =	simm.s32 @p2 $0x1  }
0x17: {  	s4 =	simm.s32 $0x1BF5;
	[smem:$0x3FB7] =	sst s0  }
0x18: {  	s0 =	sld [smem:$0x3F9A];
	_ =	swait.ge [sflag:s4], $0x0  }
0x19: {  	s7 =	sld [smem:$0x3F9B]  }
0x1a: {  	s8 =	sadd.s32 $0xFFFFE003, lr  }
0x1b: {  	s9 =	sadd.s32 $0xFFFFFEF7, lr;
	s5 =	simm.s32 $0xFFFFFFFF;
	p2 =	slt.u32 s8, $0xFFFFF086  }
0x1c: {  	p1 =	slt.u32 s9, $0xF7A;
	s5 =	simm.s32 @!p2 $0x0  }
0x1d: {  	s5 =	simm.s32 @p1 $0x1;
	p0 =	seq.s32 s7, s2  }
0x1e: {  	s7 =	smul.u32 @!p0 $0xF7A, s2;
	p2 =	seq.s32 @!p0 s5, $0x0  }
0x1f: {  	s9 =	smul.u32 $0xF7A, s1;
	s8 =	simm.s32 @!p0 $0x1BF5;
	p2 =	por !p2, p0  }
0x20: {  	[sflag:s8] =	ssyncset.s32 @!p0 $0xFFFFF086;
	s6 =	sadd.s32 @!p0 s3, s7;
	s7 =	simm.s32 @!p0 $0x108  }
0x21: {  	s3 =	sadd.s32 s3, s9;
	s6 =	sadd.s32 @!p0 $0x88, s6;
	s7 =	simm.s32 @p2 $0x1082  }
0x22: {  	[simem:s7], [sflag:s8] =	dma.local @!p0 [hbm:s6], $0xF7A  }
0x23: {  	s9 =	sor.u32 $0xD0000000, s2;
	s6 =	simm.s32 $0x108;
	_ =	swait.ge @!p0 [sflag:s8], $0x0  }
0x24: {  	s3 =	sadd.s32 $0x88, s3;
	s6 =	simm.s32 @!p1 $0x1082;
	[sflag:s4] =	ssyncset.s32 $0xFFFFF086  }
0x25: {  	[simem:s6], [sflag:s4] =	dma.local [hbm:s3], $0xF7A  }
0x26: {  	[smem:$0x3F9B] =	sst s1;
	(tag) =	ssettag s2;
	_ =	strace s9  }
0x27: {  	s1 =	sld [smem:$0x3FAB]  }
0x28: {  	s2 =	sld [smem:$0x3FAC]  }
0x29: {  	s4 =	sld [smem:$0x3FAE]  }
0x2a: {  	p0 =	seq.s32 s5, $0x0;
	s5 =	sld [smem:$0x3FAF]  }
0x2b: {  	s6 =	sld [smem:$0x3FB0]  }
0x2c: {  	s7 =	sld [smem:$0x3FB1]  }
0x2d: {  	s3 =	simm.s32 $0x108;
	s8 =	sld [smem:$0x3FB2]  }
0x2e: {  	s3 =	simm.s32 @!p0 $0x1082;
	s9 =	sld [smem:$0x3FB3]  }
0x2f: {  	lr =	sadd.s32 s0, s3;
	s0 =	sld [smem:$0x3FAA]  }
0x30: {  	s3 =	sld [smem:$0x3FAD]  }
0x31: {  	[smem:$0x3FB6] =	sst s10  }
0x32: {  	s10 =	sld [smem:$0x3FB4];
	_ =	sdelay $0x3  }
0x33: {  	p0 =	seq.s32 s10, $0x1;
	s10 =	sld [smem:$0x3FB6];
	_ =	sdelay $0x3  }
0x34: {  	[smem:$0x3FB6] =	sst s10  }
0x35: {  	s10 =	sld [smem:$0x3FB5];
	_ =	sdelay $0x3  }
0x36: {  	p1 =	seq.s32 s10, $0x1;
	s10 =	sld [smem:$0x3FB6];
	_ =	sdelay $0x3  }
0x37: {  	[smem:$0x3FB6] =	sst s10  }
0x38: {  	s10 =	sld [smem:$0x3FB7]  }
0x39: {  	_ = 	snop;
	(pc) =	sbr.ind lr, $3  }
0x3a: {  	_ = 	snop  }
0x3b: {  	_ = 	snop  }
0x3c: {  	p2 =	seq.s32 s10, $0x1;
	s10 =	sld [smem:$0x3FB6]  }
0x3d: {  	_ =	shalt  }
0x3e: {  	_ =	shalt  }
0x3f: {  	_ =	shalt  }
0x40: {  	_ =	shalt  }
0x41: {  	_ =	shalt  }
0x42: {  	_ =	shalt  }
0x43: {  	_ =	shalt  }
0x44: {  	_ =	shalt  }
0x45: {  	_ =	shalt  }
0x46: {  	_ =	shalt  }
0x47: {  	_ =	shalt  }
0x48: {  	_ =	shalt  }
0x49: {  	_ =	shalt  }
0x4a: {  	_ =	shalt  }
0x4b: {  	_ =	shalt  }
0x4c: {  	_ =	shalt  }
0x4d: {  	_ =	shalt  }
0x4e: {  	_ =	shalt  }
0x4f: {  	_ =	shalt  }
0x50: {  	_ =	shalt  }
0x51: {  	_ =	shalt  }
0x52: {  	_ =	shalt  }
0x53: {  	_ =	shalt  }
0x54: {  	_ =	shalt  }
0x55: {  	_ =	shalt  }
0x56: {  	_ =	shalt  }
0x57: {  	_ =	shalt  }
0x58: {  	_ =	shalt  }
0x59: {  	_ =	shalt  }
0x5a: {  	_ =	shalt  }
0x5b: {  	_ =	shalt  }
0x5c: {  	_ =	shalt  }
0x5d: {  	_ =	shalt  }
0x5e: {  	_ =	shalt  }
0x5f: {  	_ =	shalt  }
0x60: {  	_ =	shalt  }
0x61: {  	_ =	shalt  }
0x62: {  	_ =	shalt  }
0x63: {  	_ =	shalt  }
0x64: {  	_ =	shalt  }
0x65: {  	_ =	shalt  }
0x66: {  	_ =	shalt  }
0x67: {  	_ =	shalt  }
0x68: {  	_ =	shalt  }
0x69: {  	_ =	shalt  }
0x6a: {  	_ =	shalt  }
0x6b: {  	_ =	shalt  }
0x6c: {  	_ =	shalt  }
0x6d: {  	_ =	shalt  }
0x6e: {  	_ =	shalt  }
0x6f: {  	_ =	shalt  }
0x70: {  	_ =	shalt  }
0x71: {  	_ =	shalt  }
0x72: {  	_ =	shalt  }
0x73: {  	_ =	shalt  }
0x74: {  	_ =	shalt  }
0x75: {  	_ =	shalt  }
0x76: {  	_ =	shalt  }
0x77: {  	_ =	shalt  }
0x78: {  	_ =	shalt  }
0x79: {  	_ =	shalt  }
0x7a: {  	_ =	shalt  }
0x7b: {  	_ =	shalt  }
0x7c: {  	_ =	shalt  }
0x7d: {  	_ =	shalt  }
0x7e: {  	_ =	shalt  }
0x7f: {  	_ =	shalt  }
0x80: {  	_ =	shalt  }
0x81: {  	_ =	shalt  }
0x82: {  	_ =	shalt  }
0x83: {  	_ =	shalt  }
0x84: {  	_ =	shalt  }
0x85: {  	_ =	shalt  }
0x86: {  	_ =	shalt  }
0x87: {  	_ =	shalt  }
.Lfunc_end0:
.L_simem_size_0:
called_computation.6_lowered:
.L_overlay_start_0:
0x88: {  	s2 =	sld [smem:$0x3FD9]  }
0x89: {  	s3 =	sld [smem:$0x3FFE];
	_ =	sdelay $0x1  }
0x8a: {  	s1 =	srdreg.scid  }
0x8b: {  	s0 =	sand.u32 $0x1, s1  }
0x8c: {  	s17 =	sshll.u32 s0, $0xA;
	s2 =	sadd.s32 s3, s2  }
0x8d: {  	s2 =	sadd.s32 s2, s17  }
0x8e: {  	[smem:$0x3FC2] =	sst s2  }
0x8f: {  	_ = 	snop  }
0x90: {  	s2 =	sld [smem:$0x3FD0];
	(tm) =	ssettm $0x1  }
0x91: {  	s18 =	sld [smem:$0x3FFB];
	_ =	sdelay $0x3  }
0x92: {  	_ =	strace s18  }
0x93: {  	s3 =	sld [smem:$0x3FFC];
	_ =	sdelay $0x3  }
0x94: {  	_ =	strace s3  }
0x95: {  	s3 =	sld [smem:$0x3FFD];
	_ =	sdelay $0x3  }
0x96: {  	_ =	strace s3  }
0x97: {  	_ =	strace $0x8FFFFFFF  }
0x98: {  	s19 =	sld [smem:$0x3FDB];
	_ =	sdelay $0x1  }
0x99: {  	s4 =	simm.s32 $_scs_section_size  }
0x9a: {  	s5 =	simm.s32 $_size__tile_overlayer_lowered;
	s6 =	simm.s32 $_tile_overlayer_lowered  }
0x9b: {  	s22 =	simm.s32 $0x1BFF;
	s21 =	sshll.u32 s6, $0x1;
	s3 =	sadd.s32 s4, s19  }
0x9c: {  	s7 =	simm.s32 $0x0;
	s20 =	sshll.u32 s5, $0x1;
	s5 =	sadd.s32 s21, s3  }
0x9d: {  	[timem:s7], [sflag:s22] =	dma.local [hbm:s5], s20  }
0x9e: {  	_ =	swait.ge [sflag:s22], s20  }
0x9f: {  	s4 =	ssub.s32 $0x0, s20;
	[sflag:s22] =	ssyncset.done $0x0  }
0xa0: {  	[sflag:s22] =	ssyncadd.s32 s4;
	_ =	sdelay $0x1  }
0xa1: {  	s23 =	simm.s32 $0x1B8B  }
0xa2: {  	_ =	swait.ge [sflag:s23], $0x1  }
0xa3: {  	[sflag:s23] =	ssyncset.done $0x0  }
0xa4: {  	s25 =	simm.s32 $0x1B8E;
	s24 =	sld [smem:$0x3FFE];
	[sflag:s23] =	ssyncadd.s32 $0xFFFFFFFF  }
0xa5: {  	s26 =	simm.s32 $execute0_lowered;
	[smem:$0x3FD2] =	sst s25  }
0xa6: {  	s5 =	sshll.u32 s26, $0x1;
	_ =	strace $0x80000058;
	[dreg:$0x1] =	wrdreg $0xFFFFFFFF  }
0xa7: {  	s28 =	simm.s32 $_size_execute0_lowered;
	s3 =	sadd.s32 s3, s5;
	[dreg:$0x0] =	wrdreg $0x0  }
0xa8: {  	s5 =	sshll.u32 s28, $0x1;
	[dreg:$0x2] =	wrdreg s3  }
0xa9: {  	[dreg:$0x3] =	wrdreg s5  }
0xaa: {  	[dreg:$0x4] =	wrdreg $0xC0  }
0xab: {  	_ =	task [dreg:s7], $0x5FFFF  }
0xac: {  	[dreg:$0x1] =	wrdreg $0xFFFFFFFF  }
0xad: {  	[dreg:$0x0] =	wrdreg $0x60  }
0xae: {  	[dreg:$0x2] =	wrdreg s24  }
0xaf: {  	[dreg:$0x3] =	wrdreg s2  }
0xb0: {  	[dreg:$0x4] =	wrdreg $0x79000  }
0xb1: {  	[dreg:$0x5] =	wrdreg $0x9  }
0xb2: {  	_ =	task.clear_ibuf [dreg:s7], $0x6FFFF;
	_ =	strace $0x90000058  }
0xb3: {  	s29 =	simm.s32 $0x9;
	_ =	strace $0x8000005A  }
0xb4: {  	_ =	swait.ge [sflag:s29], $0x1  }
0xb5: {  	[sflag:s29] =	ssyncadd.s32 $0xFFFFFFFF  }
0xb6: {  	_ =	strace $0x9000005A  }
0xb7: {  	_ =	sfence  }
0xb8: {  	s30 =	sld [smem:$0x0];
	_ =	sdelay $0x2  }
0xb9: {  	s31 =	sshll.u32 s1, $0xD;
	s1 =	sshrl.u32 s1, $0x2  }
0xba: {  	s3 =	sand.u32 $0x4000, s31;
	s1 =	sadd.s32 s1, s30  }
0xbb: {  	s0 =	sor.u32 s3, s0;
	s1 =	sshll.u32 s1, $0x11  }
0xbc: {  	s0 =	sor.u32 s1, s0  }
0xbd: {  	s0 =	sadd.s32 $0x8F2B, s0  }
0xbe: {  	[sflag:s0] =	ssyncadd.remote.s32 $0x1  }
0xbf: {  	_ =	sfence.sel $0xFFFF  }
0xc0: {  	[dreg:$0x0] =	wrdreg $0xFFFFFFFF;
	(pc) =	sbr.abs _section_cstart, $3  }
0xc1: {  	[dreg:$0x1] =	wrdreg $0xFFFFFFFF  }
0xc2: {  	_ =	task.clear_ibuf [dreg:s7], $0x2FFFF;
	_ =	strace $0x9FFFFFFF  }
0xc3: {  	(tm) =	ssettm $0x7FFFFFFF  }
tec
execute0_lowered:
.L_overlay_start_1:
0x0: {  	(tag) =	ssettag $0x1  }
0x1: {  	s4 =	rddreg [dreg:$0x0];
	s2 =	stileid.u32  }
0x2: {  	s15 =	rddreg [dreg:$0x1];
	s8 =	smul.u32 $0x2710, s2  }
0x3: {  	s0 =	srdreg.scid;
	s29 =	smul.u32 $0x50000, s2  }
0x4: {  	s1 =	rddreg [dreg:$0x2];
	s3 =	simm.s32 $0x0;
	s24 =	smul.u32 $0x2800, s2  }
0x5: {  	s18 =	simm.s32 $0x1;
	s5 =	sand.u32 $0x1, s0;
	s14 =	smul.u32 $0x27100, s2  }
0x6: {  	s19 =	simm.s32 $0x80;
	s20 =	simm.s32 $0x100;
	s6 =	smul.u32 $0x271000, s5  }
0x7: {  	s21 =	simm.s32 $0x2900;
	s22 =	simm.s32 $0x50;
	s7 =	smul.u32 $0x27100, s5  }
0x8: {  	[smem:$0x7FF] =	sst s3;
	s28 =	smul.u32 $0x28000, s5;
	s5 =	ssub.s32 $0x2, s5  }
0x9: {  	_ =	strace $0x80000059;
	s30 =	sshrl.u32 s5, $0x1;
	s31 =	sshrl.u32 s29, $0x2  }
0xa: {  	s13 =	sadd.s32 s6, s4;
	s26 =	sadd.s32 s8, s7;
	s5 =	ssub.s32 s5, s30  }
0xb: {  	s16 =	sshrl.u32 s26, $0x3;
	s5 =	smax.u32 s5, $0x1;
	s14 =	sadd.s32 s14, s13  }
0xc: {  	s17 =	sadd.s32 s16, s4;
	s4 =	sadd.s32 s28, s4;
	s13 =	sadd.s32 $0xF94600, s14  }
0xd: {  	s14 =	sadd.s32 $0xAB2600, s14;
	s15 =	sadd.s32 s16, s15;
	s23 =	sadd.s32 $0xEE600, s4  }
0xe: {  	s4 =	sadd.s32 s31, s1;
	s16 =	sadd.s32 $0x8C00, s17;
	s17 =	simm.s32 $0x5100  }
0xf: {  	s6 =	sadd.s32 $0x2800, s4;
	s7 =	sadd.s32 $0x5000, s4;
	s8 =	sadd.s32 $0x7800, s4  }
0x10: {  	s9 =	sadd.s32 $0xA000, s4;
	s10 =	sadd.s32 $0xC800, s4;
	s11 =	sadd.s32 $0xF000, s4  }
0x11: {  	v0 =	vimm.f32 $0.0e+00;
	s12 =	sadd.s32 $0x11800, s4;
	s23 =	sadd.s32 s24, s23;
	s24 =	simm.s32 $0x0  }
.LBB2_1:
0x12: {  	s25 =	simm.s32 $0x0;
	s26 =	simm.s32 $0x200  }
.LBB2_2:
0x13: {  	p0 =	sne.s32 s26, $0x9E00;
	[tilespmem:s25+$0x5170] =	vst v0  }
0x14: {  	[tilespmem:s25+$0x5100] =	vst v0  }
0x15: {  	[tilespmem:s25+$0x5110] =	vst v0  }
.Ltmp0:
0x16: {  	[tilespmem:s25+$0x5120] =	vst v0;
	(pc) =	sbr.rel @p0 .LBB2_2-.Ltmp0, $4  }
0x17: {  	[tilespmem:s25+$0x5130] =	vst v0  }
0x18: {  	[tilespmem:s25+$0x5140] =	vst v0  }
0x19: {  	[tilespmem:s25+$0x5150] =	vst v0  }
0x1a: {  	[tilespmem:s25+$0x5160] =	vst v0;
	s25 =	sshra.s32 s26, $0x2;
	s26 =	sadd.s32 $0x200, s26  }
0x1b: {  	[tilespmem:s25+$0x5170] =	vst v0  }
0x1c: {  	[tilespmem:s25+$0x5100] =	vst v0  }
0x1d: {  	[tilespmem:s25+$0x5110] =	vst v0  }
0x1e: {  	[tilespmem:s25+$0x5120] =	vst v0  }
0x1f: {  	[tilespmem:s25+$0x5130] =	vst v0  }
0x20: {  	[tilespmem:s25+$0x5140] =	vst v0  }
0x21: {  	[tilespmem:s25+$0x5150] =	vst v0  }
0x22: {  	[tilespmem:s25+$0x5160] =	vst v0  }
0x23: {  	[spmem:s4] =	stream.linear.scatter [tilespmem:s17], [sflag:$0x1], $0x2800, $0x38;
	[tilespmem:$0x1B900] =	vst v63  }
0x24: {  	_ =	swait.ge [sflag:s18], $0x2800  }
0x25: {  	[sflag:s18] =	ssyncset.done $0x0  }
0x26: {  	[sflag:s18] =	ssyncadd.s32 $0xFFFFD800  }
0x27: {  	[spmem:s6] =	stream.linear.scatter [tilespmem:s17], [sflag:$0x1], $0x2800, $0x38;
	[tilespmem:$0x1B900] =	vst v63  }
0x28: {  	_ =	swait.ge [sflag:s18], $0x2800  }
0x29: {  	[sflag:s18] =	ssyncset.done $0x0  }
0x2a: {  	[sflag:s18] =	ssyncadd.s32 $0xFFFFD800  }
0x2b: {  	[spmem:s7] =	stream.linear.scatter [tilespmem:s17], [sflag:$0x1], $0x2800, $0x38;
	[tilespmem:$0x1B900] =	vst v63  }
0x2c: {  	_ =	swait.ge [sflag:s18], $0x2800  }
0x2d: {  	[sflag:s18] =	ssyncset.done $0x0  }
0x2e: {  	[sflag:s18] =	ssyncadd.s32 $0xFFFFD800  }
0x2f: {  	[spmem:s8] =	stream.linear.scatter [tilespmem:s17], [sflag:$0x1], $0x2800, $0x38;
	[tilespmem:$0x1B900] =	vst v63  }
0x30: {  	_ =	swait.ge [sflag:s18], $0x2800  }
0x31: {  	[sflag:s18] =	ssyncset.done $0x0  }
0x32: {  	[sflag:s18] =	ssyncadd.s32 $0xFFFFD800  }
0x33: {  	[spmem:s9] =	stream.linear.scatter [tilespmem:s17], [sflag:$0x1], $0x2800, $0x38;
	[tilespmem:$0x1B900] =	vst v63  }
0x34: {  	_ =	swait.ge [sflag:s18], $0x2800  }
0x35: {  	[sflag:s18] =	ssyncset.done $0x0  }
0x36: {  	[sflag:s18] =	ssyncadd.s32 $0xFFFFD800  }
0x37: {  	[spmem:s10] =	stream.linear.scatter [tilespmem:s17], [sflag:$0x1], $0x2800, $0x38;
	[tilespmem:$0x1B900] =	vst v63  }
0x38: {  	_ =	swait.ge [sflag:s18], $0x2800  }
0x39: {  	[sflag:s18] =	ssyncset.done $0x0  }
0x3a: {  	[sflag:s18] =	ssyncadd.s32 $0xFFFFD800  }
0x3b: {  	[spmem:s11] =	stream.linear.scatter [tilespmem:s17], [sflag:$0x1], $0x2800, $0x38;
	[tilespmem:$0x1B900] =	vst v63  }
0x3c: {  	_ =	swait.ge [sflag:s18], $0x2800  }
0x3d: {  	[sflag:s18] =	ssyncset.done $0x0  }
0x3e: {  	[sflag:s18] =	ssyncadd.s32 $0xFFFFD800  }
0x3f: {  	[spmem:s12] =	stream.linear.scatter [tilespmem:s17], [sflag:$0x1], $0x2800, $0x38;
	[tilespmem:$0x1B900] =	vst v63  }
0x40: {  	_ =	swait.ge [sflag:s18], $0x2800  }
0x41: {  	[sflag:s18] =	ssyncset.done $0x0  }
0x42: {  	[sflag:s18] =	ssyncadd.s32 $0xFFFFD800  }
0x43: {  	s30 =	sadd.s32 $0x0, s16;
	[bflag:$0x0] =	sbarrier.arrive $0xFFFF  }
0x44: {  	[tilespmem:s3], [sflag:$0x1] =	stream.linear.gather [hbm4b:s30+s3], $0x50, $0x38;
	[tilespmem:$0x1B900] =	vst v63  }
0x45: {  	_ =	swait.ge [sflag:s18], $0x50  }
0x46: {  	[sflag:s18] =	ssyncset.done $0x0  }
0x47: {  	s31 =	sadd.s32 $0x0, s15;
	[sflag:s18] =	ssyncadd.s32 $0xFFFFFFB0  }
0x48: {  	[tilespmem:s19], [sflag:$0x1] =	stream.linear.gather [hbm4b:s31+s3], $0x50, $0x38;
	[tilespmem:$0x1B900] =	vst v63  }
0x49: {  	_ =	swait.ge [sflag:s18], $0x50  }
0x4a: {  	[sflag:s18] =	ssyncset.done $0x0  }
0x4b: {  	[sflag:s18] =	ssyncadd.s32 $0xFFFFFFB0  }
0x4c: {  	[tilespmem:s20], [sflag:$0x1] =	stream.linear.gather [hbm4b:s13+s3], $0x2800, $0x38;
	[tilespmem:$0x1B900] =	vst v63  }
0x4d: {  	_ =	swait.ge [sflag:s18], $0x2800  }
0x4e: {  	[sflag:s18] =	ssyncset.done $0x0  }
0x4f: {  	[sflag:s18] =	ssyncadd.s32 $0xFFFFD800  }
0x50: {  	[tilespmem:s21], [sflag:$0x1] =	stream.linear.gather [hbm4b:s14+s3], $0x2800, $0x38;
	[tilespmem:$0x1B900] =	vst v63  }
0x51: {  	_ =	swait.ge [sflag:s18], $0x2800  }
0x52: {  	[sflag:s18] =	ssyncset.done $0x0  }
0x53: {  	[sflag:s18] =	ssyncadd.s32 $0xFFFFD800  }
0x54: {  	[spmem:s1] =	stream.indirect.scatter.add.f32 [tilespmem:s20], [sflag:$0x1], $0x80, s3, s22, $0xb8;
	[tilespmem:$0x1B900] =	vst v63  }
0x55: {  	_ =	swait.ge [sflag:s18], $0x2800  }
0x56: {  	[sflag:s18] =	ssyncset.done $0x0  }
0x57: {  	[sflag:s18] =	ssyncadd.s32 $0xFFFFD800  }
0x58: {  	[spmem:s1] =	stream.indirect.scatter.add.f32 [tilespmem:s21], [sflag:$0x1], $0x80, s19, s22, $0xb8;
	[tilespmem:$0x1B900] =	vst v63  }
0x59: {  	s28 =	simm.s32 $0xA;
	s29 =	simm.s32 $0x14;
	_ =	swait.ge [sflag:s18], $0x2800  }
0x5a: {  	s26 =	sadd.s32 $0x500, s13;
	s25 =	sadd.s32 $0x500, s14;
	[sflag:s18] =	ssyncset.done $0x0  }
.LBB2_4:
0x5b: {  	s30 =	sadd.s32 s28, s16  }
0x5c: {  	[sflag:s18] =	ssyncadd.s32 $0xFFFFD800;
	s31 =	smov.u32 s29;
	s0 =	sadd.s32 $0xA, s29  }
0x5d: {  	[tilespmem:s3], [sflag:$0x1] =	stream.linear.gather [hbm4b:s30+s3], $0x50, $0x38;
	[tilespmem:$0x1B900] =	vst v63  }
0x5e: {  	p0 =	sne.s32 s29, $0x4D8;
	_ =	swait.ge [sflag:s18], $0x50  }
0x5f: {  	[sflag:s18] =	ssyncset.done $0x0  }
0x60: {  	s29 =	sadd.s32 s28, s15;
	s28 =	smov.u32 s31;
	[sflag:s18] =	ssyncadd.s32 $0xFFFFFFB0  }
0x61: {  	[tilespmem:s19], [sflag:$0x1] =	stream.linear.gather [hbm4b:s29+s3], $0x50, $0x38;
	[tilespmem:$0x1B900] =	vst v63  }
0x62: {  	_ =	swait.ge [sflag:s18], $0x50  }
0x63: {  	[sflag:s18] =	ssyncset.done $0x0  }
0x64: {  	[sflag:s18] =	ssyncadd.s32 $0xFFFFFFB0  }
0x65: {  	[tilespmem:s20], [sflag:$0x1] =	stream.linear.gather [hbm4b:s26+s3], $0x2800, $0x38;
	[tilespmem:$0x1B900] =	vst v63  }
0x66: {  	_ =	swait.ge [sflag:s18], $0x2800  }
0x67: {  	[sflag:s18] =	ssyncset.done $0x0  }
0x68: {  	[sflag:s18] =	ssyncadd.s32 $0xFFFFD800  }
0x69: {  	[tilespmem:s21], [sflag:$0x1] =	stream.linear.gather [hbm4b:s25+s3], $0x2800, $0x38;
	[tilespmem:$0x1B900] =	vst v63  }
0x6a: {  	_ =	swait.ge [sflag:s18], $0x2800  }
0x6b: {  	[sflag:s18] =	ssyncset.done $0x0  }
0x6c: {  	[sflag:s18] =	ssyncadd.s32 $0xFFFFD800  }
0x6d: {  	[spmem:s1] =	stream.indirect.scatter.add.f32 [tilespmem:s20], [sflag:$0x1], $0x80, s3, s22, $0xb8;
	[tilespmem:$0x1B900] =	vst v63  }
0x6e: {  	_ =	swait.ge [sflag:s18], $0x2800  }
.Ltmp1:
0x6f: {  	[sflag:s18] =	ssyncset.done $0x0;
	(pc) =	sbr.rel @p0 .LBB2_4-.Ltmp1, $4  }
0x70: {  	[sflag:s18] =	ssyncadd.s32 $0xFFFFD800  }
0x71: {  	[spmem:s1] =	stream.indirect.scatter.add.f32 [tilespmem:s21], [sflag:$0x1], $0x80, s19, s22, $0xb8;
	[tilespmem:$0x1B900] =	vst v63  }
0x72: {  	s29 =	smov.u32 s0;
	_ =	swait.ge [sflag:s18], $0x2800  }
0x73: {  	s26 =	sadd.s32 $0x500, s26;
	s25 =	sadd.s32 $0x500, s25;
	[sflag:s18] =	ssyncset.done $0x0  }
0x74: {  	s0 =	sadd.s32 s28, s16;
	[sflag:s18] =	ssyncadd.s32 $0xFFFFD800  }
0x75: {  	[tilespmem:s3], [sflag:$0x1] =	stream.linear.gather [hbm4b:s0+s3], $0x50, $0x38;
	[tilespmem:$0x1B900] =	vst v63  }
0x76: {  	_ =	swait.ge [sflag:s18], $0x50  }
0x77: {  	[sflag:s18] =	ssyncset.done $0x0  }
0x78: {  	s29 =	sadd.s32 s28, s15;
	[sflag:s18] =	ssyncadd.s32 $0xFFFFFFB0  }
0x79: {  	[tilespmem:s19], [sflag:$0x1] =	stream.linear.gather [hbm4b:s29+s3], $0x50, $0x38;
	[tilespmem:$0x1B900] =	vst v63  }
0x7a: {  	_ =	swait.ge [sflag:s18], $0x50  }
0x7b: {  	[sflag:s18] =	ssyncset.done $0x0  }
0x7c: {  	[sflag:s18] =	ssyncadd.s32 $0xFFFFFFB0  }
0x7d: {  	[tilespmem:s20], [sflag:$0x1] =	stream.linear.gather [hbm4b:s26+s3], $0x2800, $0x38;
	[tilespmem:$0x1B900] =	vst v63  }
0x7e: {  	_ =	swait.ge [sflag:s18], $0x2800  }
0x7f: {  	[sflag:s18] =	ssyncset.done $0x0  }
0x80: {  	[sflag:s18] =	ssyncadd.s32 $0xFFFFD800  }
0x81: {  	[tilespmem:s21], [sflag:$0x1] =	stream.linear.gather [hbm4b:s25+s3], $0x2800, $0x38;
	[tilespmem:$0x1B900] =	vst v63  }
0x82: {  	_ =	swait.ge [sflag:s18], $0x2800  }
0x83: {  	[sflag:s18] =	ssyncset.done $0x0  }
0x84: {  	[sflag:s18] =	ssyncadd.s32 $0xFFFFD800  }
0x85: {  	[spmem:s1] =	stream.indirect.scatter.add.f32 [tilespmem:s20], [sflag:$0x1], $0x80, s3, s22, $0xb8;
	[tilespmem:$0x1B900] =	vst v63  }
0x86: {  	_ =	swait.ge [sflag:s18], $0x2800  }
0x87: {  	[sflag:s18] =	ssyncset.done $0x0  }
0x88: {  	[sflag:s18] =	ssyncadd.s32 $0xFFFFD800  }
0x89: {  	[spmem:s1] =	stream.indirect.scatter.add.f32 [tilespmem:s21], [sflag:$0x1], $0x80, s19, s22, $0xb8;
	[tilespmem:$0x1B900] =	vst v63  }
0x8a: {  	_ =	swait.ge [sflag:s18], $0x2800  }
0x8b: {  	s30 =	sshll.u32 s2, $0x6;
	s24 =	sadd.s32 $0x1, s24;
	[sflag:s18] =	ssyncset.done $0x0  }
0x8c: {  	s31 =	sshrl.u32 s4, $0x3;
	p0 =	sne.s32 s24, s5;
	[sflag:s18] =	ssyncadd.s32 $0xFFFFD800  }
.Ltmp2:
0x8d: {  	s0 =	sor.u32 $0x1C01, s30;
	[bflag:$0x0] =	sbarrier.arrive $0xFFFF;
	(pc) =	sbr.rel @p0 .LBB2_1-.Ltmp2, $4  }
0x8e: {  	[hbm:s23], [sflag:s0] =	dma.local [spmem:s31], $0x2800  }
0x8f: {  	_ =	swait.ge [sflag:s18], $0x2800  }
0x90: {  	[sflag:s18] =	ssyncset.done $0x0  }
0x91: {  	[sflag:s18] =	ssyncadd.s32 $0xFFFFD800  }
0x92: {  	_ =	sfence.sel $0x180000  }
0x93: {  	[bflag:$0x0] =	sbarrier.arrive $0xFFFF  }
0x94: {  	_ =	strace $0x90000059  }
0x95: {  	[bflag:$0x2] =	sbarrier.arrive $0xFFFF  }
0x96: {  	p0 =	sne.s32 s2, $0x0;
	s0 =	rddreg [dreg:$0x3]  }
0x97: {  	s0 =	sadd.s32 @!p0 $0x100000, s0  }
0x98: {  	[sflag:s0] =	ssyncadd.tile.s32 @!p0 $0x1;
	_ =	shalt  }
.Lfunc_end2:
_tile_overlayer_lowered:
.L_overlay_start_2:
0x99: {  	(tag) =	ssettag $0x2  }
0x9a: {  	s0 =	rddreg [dreg:$0x0];
	s2 =	stileid.u32  }
0x9b: {  	s1 =	rddreg [dreg:$0x1];
	p0 =	sne.s32 s2, $0x0  }
0x9c: {  	s3 =	rddreg [dreg:$0x2];
	[bflag:$0x3] =	sbarrier.arrive $0xFFFF;
	s2 =	simm.s32 @!p0 $0x1C01  }
0x9d: {  	[timem:s3], [sflag:s2] =	dma.local @!p0 [hbm:s0], s1  }
0x9e: {  	s0 =	simm.s32 @!p0 $0x1  }
0x9f: {  	_ =	swait.ge @!p0 [sflag:s0], s1  }
0xa0: {  	s1 =	ssub.s32 @!p0 $0x0, s1;
	[sflag:s0] =	ssyncset.done @!p0 $0x0  }
0xa1: {  	[sflag:s0] =	ssyncadd.s32 @!p0 s1  }
0xa2: {  	[bflag:$0x3] =	sbarrier.arrive $0xFFFF  }
0xa3: {  	_ =	shalt  }

// kernel: kernel.48.cloned.1.call-start
scs
__scs_entry_jumppad:
0x0: {  	(pc) =	sbr.rel $0x88, $3  }
0x1: {  	(tag) =	ssettag $0x0;
	lr =	simm.s32 $0x1  }
0x2: {  	[smem:$0x3F9B] =	sst lr;
	_ =	strace $0xD0000000  }
0x3: {  	_ = 	snop  }
0x4: {  	_ = 	snop  }
0x5: {  	_ = 	snop  }
0x6: {  	_ = 	snop  }
0x7: {  	_ = 	snop  }
__scs_overlays_trampoline_lowered:
0x8: {  	[smem:$0x3FAA] =	sst s0  }
0x9: {  	[smem:$0x3FAB] =	sst s1  }
0xa: {  	[smem:$0x3FAC] =	sst s2  }
0xb: {  	[smem:$0x3FAD] =	sst s3  }
0xc: {  	[smem:$0x3FAE] =	sst s4  }
0xd: {  	[smem:$0x3FAF] =	sst s5  }
0xe: {  	[smem:$0x3FB0] =	sst s6  }
0xf: {  	[smem:$0x3FB1] =	sst s7  }
0x10: {  	[smem:$0x3FB2] =	sst s8  }
0x11: {  	[smem:$0x3FB3] =	sst s9;
	s0 =	simm.s32 @!p0 $0x0  }
0x12: {  	s1 =	sld [smem:$0x3F99];
	s0 =	simm.s32 @p0 $0x1  }
0x13: {  	[smem:$0x3FB4] =	sst s0;
	s0 =	simm.s32 @!p1 $0x0  }
0x14: {  	s2 =	sld [smem:$0x3F98];
	s0 =	simm.s32 @p1 $0x1  }
0x15: {  	[smem:$0x3FB5] =	sst s0;
	s0 =	simm.s32 @!p2 $0x0  }
0x16: {  	s3 =	sld [smem:$0x3FDB];
	s0 =	simm.s32 @p2 $0x1  }
0x17: {  	s4 =	simm.s32 $0x1BF5;
	[smem:$0x3FB7] =	sst s0  }
0x18: {  	s0 =	sld [smem:$0x3F9A];
	_ =	swait.ge [sflag:s4], $0x0  }
0x19: {  	s7 =	sld [smem:$0x3F9B]  }
0x1a: {  	s8 =	sadd.s32 $0xFFFFE003, lr  }
0x1b: {  	s9 =	sadd.s32 $0xFFFFFEF7, lr;
	s5 =	simm.s32 $0xFFFFFFFF;
	p2 =	slt.u32 s8, $0xFFFFF086  }
0x1c: {  	p1 =	slt.u32 s9, $0xF7A;
	s5 =	simm.s32 @!p2 $0x0  }
0x1d: {  	s5 =	simm.s32 @p1 $0x1;
	p0 =	seq.s32 s7, s2  }
0x1e: {  	s7 =	smul.u32 @!p0 $0xF7A, s2;
	p2 =	seq.s32 @!p0 s5, $0x0  }
0x1f: {  	s9 =	smul.u32 $0xF7A, s1;
	s8 =	simm.s32 @!p0 $0x1BF5;
	p2 =	por !p2, p0  }
0x20: {  	[sflag:s8] =	ssyncset.s32 @!p0 $0xFFFFF086;
	s6 =	sadd.s32 @!p0 s3, s7;
	s7 =	simm.s32 @!p0 $0x108  }
0x21: {  	s3 =	sadd.s32 s3, s9;
	s6 =	sadd.s32 @!p0 $0x88, s6;
	s7 =	simm.s32 @p2 $0x1082  }
0x22: {  	[simem:s7], [sflag:s8] =	dma.local @!p0 [hbm:s6], $0xF7A  }
0x23: {  	s9 =	sor.u32 $0xD0000000, s2;
	s6 =	simm.s32 $0x108;
	_ =	swait.ge @!p0 [sflag:s8], $0x0  }
0x24: {  	s3 =	sadd.s32 $0x88, s3;
	s6 =	simm.s32 @!p1 $0x1082;
	[sflag:s4] =	ssyncset.s32 $0xFFFFF086  }
0x25: {  	[simem:s6], [sflag:s4] =	dma.local [hbm:s3], $0xF7A  }
0x26: {  	[smem:$0x3F9B] =	sst s1;
	(tag) =	ssettag s2;
	_ =	strace s9  }
0x27: {  	s1 =	sld [smem:$0x3FAB]  }
0x28: {  	s2 =	sld [smem:$0x3FAC]  }
0x29: {  	s4 =	sld [smem:$0x3FAE]  }
0x2a: {  	p0 =	seq.s32 s5, $0x0;
	s5 =	sld [smem:$0x3FAF]  }
0x2b: {  	s6 =	sld [smem:$0x3FB0]  }
0x2c: {  	s7 =	sld [smem:$0x3FB1]  }
0x2d: {  	s3 =	simm.s32 $0x108;
	s8 =	sld [smem:$0x3FB2]  }
0x2e: {  	s3 =	simm.s32 @!p0 $0x1082;
	s9 =	sld [smem:$0x3FB3]  }
0x2f: {  	lr =	sadd.s32 s0, s3;
	s0 =	sld [smem:$0x3FAA]  }
0x30: {  	s3 =	sld [smem:$0x3FAD]  }
0x31: {  	[smem:$0x3FB6] =	sst s10  }
0x32: {  	s10 =	sld [smem:$0x3FB4];
	_ =	sdelay $0x3  }
0x33: {  	p0 =	seq.s32 s10, $0x1;
	s10 =	sld [smem:$0x3FB6];
	_ =	sdelay $0x3  }
0x34: {  	[smem:$0x3FB6] =	sst s10  }
0x35: {  	s10 =	sld [smem:$0x3FB5];
	_ =	sdelay $0x3  }
0x36: {  	p1 =	seq.s32 s10, $0x1;
	s10 =	sld [smem:$0x3FB6];
	_ =	sdelay $0x3  }
0x37: {  	[smem:$0x3FB6] =	sst s10  }
0x38: {  	s10 =	sld [smem:$0x3FB7]  }
0x39: {  	_ = 	snop;
	(pc) =	sbr.ind lr, $3  }
0x3a: {  	_ = 	snop  }
0x3b: {  	_ = 	snop  }
0x3c: {  	p2 =	seq.s32 s10, $0x1;
	s10 =	sld [smem:$0x3FB6]  }
0x3d: {  	_ =	shalt  }
0x3e: {  	_ =	shalt  }
0x3f: {  	_ =	shalt  }
0x40: {  	_ =	shalt  }
0x41: {  	_ =	shalt  }
0x42: {  	_ =	shalt  }
0x43: {  	_ =	shalt  }
0x44: {  	_ =	shalt  }
0x45: {  	_ =	shalt  }
0x46: {  	_ =	shalt  }
0x47: {  	_ =	shalt  }
0x48: {  	_ =	shalt  }
0x49: {  	_ =	shalt  }
0x4a: {  	_ =	shalt  }
0x4b: {  	_ =	shalt  }
0x4c: {  	_ =	shalt  }
0x4d: {  	_ =	shalt  }
0x4e: {  	_ =	shalt  }
0x4f: {  	_ =	shalt  }
0x50: {  	_ =	shalt  }
0x51: {  	_ =	shalt  }
0x52: {  	_ =	shalt  }
0x53: {  	_ =	shalt  }
0x54: {  	_ =	shalt  }
0x55: {  	_ =	shalt  }
0x56: {  	_ =	shalt  }
0x57: {  	_ =	shalt  }
0x58: {  	_ =	shalt  }
0x59: {  	_ =	shalt  }
0x5a: {  	_ =	shalt  }
0x5b: {  	_ =	shalt  }
0x5c: {  	_ =	shalt  }
0x5d: {  	_ =	shalt  }
0x5e: {  	_ =	shalt  }
0x5f: {  	_ =	shalt  }
0x60: {  	_ =	shalt  }
0x61: {  	_ =	shalt  }
0x62: {  	_ =	shalt  }
0x63: {  	_ =	shalt  }
0x64: {  	_ =	shalt  }
0x65: {  	_ =	shalt  }
0x66: {  	_ =	shalt  }
0x67: {  	_ =	shalt  }
0x68: {  	_ =	shalt  }
0x69: {  	_ =	shalt  }
0x6a: {  	_ =	shalt  }
0x6b: {  	_ =	shalt  }
0x6c: {  	_ =	shalt  }
0x6d: {  	_ =	shalt  }
0x6e: {  	_ =	shalt  }
0x6f: {  	_ =	shalt  }
0x70: {  	_ =	shalt  }
0x71: {  	_ =	shalt  }
0x72: {  	_ =	shalt  }
0x73: {  	_ =	shalt  }
0x74: {  	_ =	shalt  }
0x75: {  	_ =	shalt  }
0x76: {  	_ =	shalt  }
0x77: {  	_ =	shalt  }
0x78: {  	_ =	shalt  }
0x79: {  	_ =	shalt  }
0x7a: {  	_ =	shalt  }
0x7b: {  	_ =	shalt  }
0x7c: {  	_ =	shalt  }
0x7d: {  	_ =	shalt  }
0x7e: {  	_ =	shalt  }
0x7f: {  	_ =	shalt  }
0x80: {  	_ =	shalt  }
0x81: {  	_ =	shalt  }
0x82: {  	_ =	shalt  }
0x83: {  	_ =	shalt  }
0x84: {  	_ =	shalt  }
0x85: {  	_ =	shalt  }
0x86: {  	_ =	shalt  }
0x87: {  	_ =	shalt  }
.Lfunc_end0:
.L_simem_size_0:
called_computation.7_lowered:
.L_overlay_start_0:
0x88: {  	s2 =	sld [smem:$0x3FD9]  }
0x89: {  	s3 =	sld [smem:$0x3FFE];
	_ =	sdelay $0x1  }
0x8a: {  	s1 =	srdreg.scid  }
0x8b: {  	s0 =	sand.u32 $0x1, s1  }
0x8c: {  	s17 =	sshll.u32 s0, $0xA;
	s2 =	sadd.s32 s3, s2  }
0x8d: {  	s2 =	sadd.s32 s2, s17  }
0x8e: {  	[smem:$0x3FC2] =	sst s2  }
0x8f: {  	_ = 	snop  }
0x90: {  	s2 =	sld [smem:$0x3FD0];
	(tm) =	ssettm $0x1  }
0x91: {  	s18 =	sld [smem:$0x3FFB];
	_ =	sdelay $0x3  }
0x92: {  	_ =	strace s18  }
0x93: {  	s3 =	sld [smem:$0x3FFC];
	_ =	sdelay $0x3  }
0x94: {  	_ =	strace s3  }
0x95: {  	s3 =	sld [smem:$0x3FFD];
	_ =	sdelay $0x3  }
0x96: {  	_ =	strace s3  }
0x97: {  	_ =	strace $0x8FFFFFFF  }
0x98: {  	s19 =	sld [smem:$0x3FDB];
	_ =	sdelay $0x1  }
0x99: {  	s4 =	simm.s32 $_scs_section_size  }
0x9a: {  	s5 =	simm.s32 $_size__tile_overlayer_lowered;
	s6 =	simm.s32 $_tile_overlayer_lowered  }
0x9b: {  	s22 =	simm.s32 $0x1BFF;
	s21 =	sshll.u32 s6, $0x1;
	s3 =	sadd.s32 s4, s19  }
0x9c: {  	s7 =	simm.s32 $0x0;
	s20 =	sshll.u32 s5, $0x1;
	s5 =	sadd.s32 s21, s3  }
0x9d: {  	[timem:s7], [sflag:s22] =	dma.local [hbm:s5], s20  }
0x9e: {  	_ =	swait.ge [sflag:s22], s20  }
0x9f: {  	s4 =	ssub.s32 $0x0, s20;
	[sflag:s22] =	ssyncset.done $0x0  }
0xa0: {  	[sflag:s22] =	ssyncadd.s32 s4;
	_ =	sdelay $0x1  }
0xa1: {  	s23 =	simm.s32 $0x1B8B  }
0xa2: {  	_ =	swait.ge [sflag:s23], $0x1  }
0xa3: {  	[sflag:s23] =	ssyncset.done $0x0  }
0xa4: {  	s25 =	simm.s32 $0x1B8E;
	s24 =	sld [smem:$0x3FFE];
	[sflag:s23] =	ssyncadd.s32 $0xFFFFFFFF  }
0xa5: {  	s26 =	simm.s32 $execute0_lowered;
	[smem:$0x3FD2] =	sst s25  }
0xa6: {  	s5 =	sshll.u32 s26, $0x1;
	_ =	strace $0x8000005B;
	[dreg:$0x1] =	wrdreg $0xFFFFFFFF  }
0xa7: {  	s28 =	simm.s32 $_size_execute0_lowered;
	s3 =	sadd.s32 s3, s5;
	[dreg:$0x0] =	wrdreg $0x0  }
0xa8: {  	s5 =	sshll.u32 s28, $0x1;
	[dreg:$0x2] =	wrdreg s3  }
0xa9: {  	[dreg:$0x3] =	wrdreg s5  }
0xaa: {  	[dreg:$0x4] =	wrdreg $0xC0  }
0xab: {  	_ =	task [dreg:s7], $0x5FFFF  }
0xac: {  	[dreg:$0x1] =	wrdreg $0xFFFFFFFF  }
0xad: {  	[dreg:$0x0] =	wrdreg $0x60  }
0xae: {  	[dreg:$0x2] =	wrdreg s24  }
0xaf: {  	[dreg:$0x3] =	wrdreg s2  }
0xb0: {  	[dreg:$0x4] =	wrdreg $0x51000  }
0xb1: {  	[dreg:$0x5] =	wrdreg $0x9  }
0xb2: {  	_ =	task.clear_ibuf [dreg:s7], $0x6FFFF;
	_ =	strace $0x9000005B  }
0xb3: {  	s29 =	simm.s32 $0x9;
	_ =	strace $0x8000005D  }
0xb4: {  	_ =	swait.ge [sflag:s29], $0x1  }
0xb5: {  	[sflag:s29] =	ssyncadd.s32 $0xFFFFFFFF  }
0xb6: {  	_ =	strace $0x9000005D  }
0xb7: {  	_ =	sfence  }
0xb8: {  	s30 =	sld [smem:$0x0];
	_ =	sdelay $0x2  }
0xb9: {  	s31 =	sshll.u32 s1, $0xD;
	s1 =	sshrl.u32 s1, $0x2  }
0xba: {  	s3 =	sand.u32 $0x4000, s31;
	s1 =	sadd.s32 s1, s30  }
0xbb: {  	s0 =	sor.u32 s3, s0;
	s1 =	sshll.u32 s1, $0x11  }
0xbc: {  	s0 =	sor.u32 s1, s0  }
0xbd: {  	s0 =	sadd.s32 $0x8F2B, s0  }
0xbe: {  	[sflag:s0] =	ssyncadd.remote.s32 $0x1  }
0xbf: {  	_ =	sfence.sel $0xFFFF  }
0xc0: {  	[dreg:$0x0] =	wrdreg $0xFFFFFFFF;
	(pc) =	sbr.abs _section_cstart, $3  }
0xc1: {  	[dreg:$0x1] =	wrdreg $0xFFFFFFFF  }
0xc2: {  	_ =	task.clear_ibuf [dreg:s7], $0x2FFFF;
	_ =	strace $0x9FFFFFFF  }
0xc3: {  	(tm) =	ssettm $0x7FFFFFFF  }
tec
execute0_lowered:
.L_overlay_start_1:
0x0: {  	(tag) =	ssettag $0x1  }
0x1: {  	s5 =	rddreg [dreg:$0x0]  }
0x2: {  	s14 =	rddreg [dreg:$0x1];
	s0 =	srdreg.scid  }
0x3: {  	s2 =	rddreg [dreg:$0x2];
	s1 =	stileid.u32  }
0x4: {  	s3 =	simm.s32 $0x0;
	s17 =	simm.s32 $0x2;
	s7 =	smul.u32 $0x2710, s1  }
0x5: {  	s18 =	simm.s32 $0x80;
	s19 =	simm.s32 $0x50;
	s8 =	smul.u32 $0x50000, s1  }
0x6: {  	s20 =	simm.s32 $0x100;
	s4 =	sand.u32 $0x1, s0;
	s23 =	smul.u32 $0x2800, s1  }
0x7: {  	s21 =	simm.s32 $0x1;
	[smem:$0x7FF] =	sst s3;
	s6 =	smul.u32 $0x27100, s4  }
0x8: {  	s0 =	rddreg [dreg:$0x3];
	_ =	strace $0x8000005C;
	s29 =	smul.u32 $0x28000, s4  }
0x9: {  	s30 =	ssub.s32 $0x2, s4;
	s4 =	sadd.s32 $0x8AA00, s5;
	s6 =	sadd.s32 s7, s6  }
0xa: {  	s9 =	sshrl.u32 s30, $0x1;
	s31 =	sshrl.u32 s8, $0x2;
	s15 =	sshrl.u32 s6, $0x3  }
0xb: {  	s6 =	ssub.s32 s30, s9;
	s16 =	sadd.s32 s15, s5;
	s5 =	sadd.s32 s29, s5  }
0xc: {  	s6 =	smax.u32 s6, $0x1;
	s14 =	sadd.s32 s15, s14;
	s22 =	sadd.s32 $0xEE600, s5  }
0xd: {  	s5 =	sadd.s32 s31, s2;
	s15 =	sadd.s32 $0x8C00, s16;
	s16 =	simm.s32 $0x2900  }
0xe: {  	s7 =	sadd.s32 $0x2800, s5;
	s8 =	sadd.s32 $0x5000, s5;
	s9 =	sadd.s32 $0x7800, s5  }
0xf: {  	s10 =	sadd.s32 $0xA000, s5;
	s11 =	sadd.s32 $0xC800, s5;
	s12 =	sadd.s32 $0xF000, s5  }
0x10: {  	v0 =	vimm.f32 $0.0e+00;
	s13 =	sadd.s32 $0x11800, s5;
	s22 =	sadd.s32 s23, s22;
	s23 =	simm.s32 $0x0  }
.LBB2_1:
0x11: {  	s24 =	simm.s32 $0x0;
	s25 =	simm.s32 $0x200  }
.LBB2_2:
0x12: {  	p0 =	sne.s32 s25, $0x9E00;
	[tilespmem:s24+$0x2970] =	vst v0  }
0x13: {  	[tilespmem:s24+$0x2900] =	vst v0  }
0x14: {  	[tilespmem:s24+$0x2910] =	vst v0  }
.Ltmp0:
0x15: {  	[tilespmem:s24+$0x2920] =	vst v0;
	(pc) =	sbr.rel @p0 .LBB2_2-.Ltmp0, $4  }
0x16: {  	[tilespmem:s24+$0x2930] =	vst v0  }
0x17: {  	[tilespmem:s24+$0x2940] =	vst v0  }
0x18: {  	[tilespmem:s24+$0x2950] =	vst v0  }
0x19: {  	[tilespmem:s24+$0x2960] =	vst v0;
	s24 =	sshra.s32 s25, $0x2;
	s25 =	sadd.s32 $0x200, s25  }
0x1a: {  	[tilespmem:s24+$0x2970] =	vst v0  }
0x1b: {  	[tilespmem:s24+$0x2900] =	vst v0  }
0x1c: {  	[tilespmem:s24+$0x2910] =	vst v0  }
0x1d: {  	[tilespmem:s24+$0x2920] =	vst v0  }
0x1e: {  	[tilespmem:s24+$0x2930] =	vst v0  }
0x1f: {  	[tilespmem:s24+$0x2940] =	vst v0  }
0x20: {  	[tilespmem:s24+$0x2950] =	vst v0  }
0x21: {  	[tilespmem:s24+$0x2960] =	vst v0  }
0x22: {  	[spmem:s5] =	stream.linear.scatter [tilespmem:s16], [sflag:$0x2], $0x2800, $0x38;
	[tilespmem:$0x19100] =	vst v63  }
0x23: {  	_ =	swait.ge [sflag:s17], $0x2800  }
0x24: {  	[sflag:s17] =	ssyncset.done $0x0  }
0x25: {  	[sflag:s17] =	ssyncadd.s32 $0xFFFFD800  }
0x26: {  	[spmem:s7] =	stream.linear.scatter [tilespmem:s16], [sflag:$0x2], $0x2800, $0x38;
	[tilespmem:$0x19100] =	vst v63  }
0x27: {  	_ =	swait.ge [sflag:s17], $0x2800  }
0x28: {  	[sflag:s17] =	ssyncset.done $0x0  }
0x29: {  	[sflag:s17] =	ssyncadd.s32 $0xFFFFD800  }
0x2a: {  	[spmem:s8] =	stream.linear.scatter [tilespmem:s16], [sflag:$0x2], $0x2800, $0x38;
	[tilespmem:$0x19100] =	vst v63  }
0x2b: {  	_ =	swait.ge [sflag:s17], $0x2800  }
0x2c: {  	[sflag:s17] =	ssyncset.done $0x0  }
0x2d: {  	[sflag:s17] =	ssyncadd.s32 $0xFFFFD800  }
0x2e: {  	[spmem:s9] =	stream.linear.scatter [tilespmem:s16], [sflag:$0x2], $0x2800, $0x38;
	[tilespmem:$0x19100] =	vst v63  }
0x2f: {  	_ =	swait.ge [sflag:s17], $0x2800  }
0x30: {  	[sflag:s17] =	ssyncset.done $0x0  }
0x31: {  	[sflag:s17] =	ssyncadd.s32 $0xFFFFD800  }
0x32: {  	[spmem:s10] =	stream.linear.scatter [tilespmem:s16], [sflag:$0x2], $0x2800, $0x38;
	[tilespmem:$0x19100] =	vst v63  }
0x33: {  	_ =	swait.ge [sflag:s17], $0x2800  }
0x34: {  	[sflag:s17] =	ssyncset.done $0x0  }
0x35: {  	[sflag:s17] =	ssyncadd.s32 $0xFFFFD800  }
0x36: {  	[spmem:s11] =	stream.linear.scatter [tilespmem:s16], [sflag:$0x2], $0x2800, $0x38;
	[tilespmem:$0x19100] =	vst v63  }
0x37: {  	_ =	swait.ge [sflag:s17], $0x2800  }
0x38: {  	[sflag:s17] =	ssyncset.done $0x0  }
0x39: {  	[sflag:s17] =	ssyncadd.s32 $0xFFFFD800  }
0x3a: {  	[spmem:s12] =	stream.linear.scatter [tilespmem:s16], [sflag:$0x2], $0x2800, $0x38;
	[tilespmem:$0x19100] =	vst v63  }
0x3b: {  	_ =	swait.ge [sflag:s17], $0x2800  }
0x3c: {  	[sflag:s17] =	ssyncset.done $0x0  }
0x3d: {  	[sflag:s17] =	ssyncadd.s32 $0xFFFFD800  }
0x3e: {  	[spmem:s13] =	stream.linear.scatter [tilespmem:s16], [sflag:$0x2], $0x2800, $0x38;
	[tilespmem:$0x19100] =	vst v63  }
0x3f: {  	_ =	swait.ge [sflag:s17], $0x2800  }
0x40: {  	[sflag:s17] =	ssyncset.done $0x0  }
0x41: {  	[sflag:s17] =	ssyncadd.s32 $0xFFFFD800  }
0x42: {  	s30 =	sadd.s32 $0x0, s15;
	[bflag:$0x0] =	sbarrier.arrive $0xFFFF  }
0x43: {  	[tilespmem:s3], [sflag:$0x2] =	stream.linear.gather [hbm4b:s30+s3], $0x50, $0x38;
	[tilespmem:$0x19100] =	vst v63  }
0x44: {  	_ =	swait.ge [sflag:s17], $0x50  }
0x45: {  	[sflag:s17] =	ssyncset.done $0x0  }
0x46: {  	s31 =	sadd.s32 $0x0, s14;
	[sflag:s17] =	ssyncadd.s32 $0xFFFFFFB0  }
0x47: {  	[tilespmem:s18], [sflag:$0x2] =	stream.linear.gather [hbm4b:s31+s3], $0x50, $0x38;
	[tilespmem:$0x19100] =	vst v63  }
0x48: {  	_ =	swait.ge [sflag:s17], $0x50  }
0x49: {  	[sflag:s17] =	ssyncset.done $0x0  }
0x4a: {  	[sflag:s17] =	ssyncadd.s32 $0xFFFFFFB0  }
0x4b: {  	[tilespmem:s20], [sflag:$0x1] =	stream.indirect.gather [hbm4b:s4+s19], $0x80, s18, s19, $0xb8;
	[tilespmem:$0x19100] =	vst v63  }
0x4c: {  	_ =	swait.ge [sflag:s21], $0x2800  }
0x4d: {  	[sflag:s21] =	ssyncset.done $0x0  }
0x4e: {  	[sflag:s21] =	ssyncadd.s32 $0xFFFFD800  }
0x4f: {  	[spmem:s2] =	stream.indirect.scatter.add.f32 [tilespmem:s20], [sflag:$0x2], $0x80, s3, s19, $0xb8;
	[tilespmem:$0x19100] =	vst v63  }
0x50: {  	_ =	swait.ge [sflag:s17], $0x2800  }
0x51: {  	s24 =	simm.s32 $0xA;
	s25 =	simm.s32 $0x14;
	[sflag:s17] =	ssyncset.done $0x0  }
.LBB2_4:
0x52: {  	s26 =	sadd.s32 s24, s15  }
0x53: {  	[sflag:s17] =	ssyncadd.s32 $0xFFFFD800;
	s28 =	smov.u32 s25;
	s29 =	sadd.s32 $0xA, s25  }
0x54: {  	[tilespmem:s3], [sflag:$0x2] =	stream.linear.gather [hbm4b:s26+s3], $0x50, $0x38;
	[tilespmem:$0x19100] =	vst v63  }
0x55: {  	p0 =	sne.s32 s25, $0x4D8;
	_ =	swait.ge [sflag:s17], $0x50  }
0x56: {  	[sflag:s17] =	ssyncset.done $0x0  }
0x57: {  	s25 =	sadd.s32 s24, s14;
	s24 =	smov.u32 s28;
	[sflag:s17] =	ssyncadd.s32 $0xFFFFFFB0  }
0x58: {  	[tilespmem:s18], [sflag:$0x2] =	stream.linear.gather [hbm4b:s25+s3], $0x50, $0x38;
	[tilespmem:$0x19100] =	vst v63  }
0x59: {  	_ =	swait.ge [sflag:s17], $0x50  }
0x5a: {  	[sflag:s17] =	ssyncset.done $0x0  }
0x5b: {  	[sflag:s17] =	ssyncadd.s32 $0xFFFFFFB0  }
0x5c: {  	[tilespmem:s20], [sflag:$0x1] =	stream.indirect.gather [hbm4b:s4+s19], $0x80, s18, s19, $0xb8;
	[tilespmem:$0x19100] =	vst v63  }
0x5d: {  	_ =	swait.ge [sflag:s21], $0x2800  }
.Ltmp1:
0x5e: {  	[sflag:s21] =	ssyncset.done $0x0;
	(pc) =	sbr.rel @p0 .LBB2_4-.Ltmp1, $4  }
0x5f: {  	[sflag:s21] =	ssyncadd.s32 $0xFFFFD800  }
0x60: {  	[spmem:s2] =	stream.indirect.scatter.add.f32 [tilespmem:s20], [sflag:$0x2], $0x80, s3, s19, $0xb8;
	[tilespmem:$0x19100] =	vst v63  }
0x61: {  	_ =	swait.ge [sflag:s17], $0x2800  }
0x62: {  	s25 =	smov.u32 s29;
	[sflag:s17] =	ssyncset.done $0x0  }
0x63: {  	s25 =	sadd.s32 s24, s15;
	[sflag:s17] =	ssyncadd.s32 $0xFFFFD800  }
0x64: {  	[tilespmem:s3], [sflag:$0x2] =	stream.linear.gather [hbm4b:s25+s3], $0x50, $0x38;
	[tilespmem:$0x19100] =	vst v63  }
0x65: {  	_ =	swait.ge [sflag:s17], $0x50  }
0x66: {  	[sflag:s17] =	ssyncset.done $0x0  }
0x67: {  	s29 =	sadd.s32 s24, s14;
	[sflag:s17] =	ssyncadd.s32 $0xFFFFFFB0  }
0x68: {  	[tilespmem:s18], [sflag:$0x2] =	stream.linear.gather [hbm4b:s29+s3], $0x50, $0x38;
	[tilespmem:$0x19100] =	vst v63  }
0x69: {  	_ =	swait.ge [sflag:s17], $0x50  }
0x6a: {  	[sflag:s17] =	ssyncset.done $0x0  }
0x6b: {  	[sflag:s17] =	ssyncadd.s32 $0xFFFFFFB0  }
0x6c: {  	[tilespmem:s20], [sflag:$0x1] =	stream.indirect.gather [hbm4b:s4+s19], $0x80, s18, s19, $0xb8;
	[tilespmem:$0x19100] =	vst v63  }
0x6d: {  	_ =	swait.ge [sflag:s21], $0x2800  }
0x6e: {  	[sflag:s21] =	ssyncset.done $0x0  }
0x6f: {  	[sflag:s21] =	ssyncadd.s32 $0xFFFFD800  }
0x70: {  	[spmem:s2] =	stream.indirect.scatter.add.f32 [tilespmem:s20], [sflag:$0x2], $0x80, s3, s19, $0xb8;
	[tilespmem:$0x19100] =	vst v63  }
0x71: {  	_ =	swait.ge [sflag:s17], $0x2800  }
0x72: {  	s30 =	sshll.u32 s1, $0x6;
	s23 =	sadd.s32 $0x1, s23;
	[sflag:s17] =	ssyncset.done $0x0  }
0x73: {  	s31 =	sshrl.u32 s5, $0x3;
	p0 =	sne.s32 s23, s6;
	[sflag:s17] =	ssyncadd.s32 $0xFFFFD800  }
.Ltmp2:
0x74: {  	s24 =	sor.u32 $0x1C02, s30;
	[bflag:$0x0] =	sbarrier.arrive $0xFFFF;
	(pc) =	sbr.rel @p0 .LBB2_1-.Ltmp2, $4  }
0x75: {  	[hbm:s22], [sflag:s24] =	dma.local [spmem:s31], $0x2800  }
0x76: {  	_ =	swait.ge [sflag:s17], $0x2800  }
0x77: {  	[sflag:s17] =	ssyncset.done $0x0  }
0x78: {  	[sflag:s17] =	ssyncadd.s32 $0xFFFFD800  }
0x79: {  	_ =	sfence.sel $0x180000  }
0x7a: {  	[bflag:$0x0] =	sbarrier.arrive $0xFFFF  }
0x7b: {  	p0 =	sne.s32 s1, $0x0;
	_ =	strace $0x9000005C  }
0x7c: {  	s0 =	sadd.s32 @!p0 $0x100000, s0;
	[bflag:$0x2] =	sbarrier.arrive $0xFFFF  }
0x7d: {  	[sflag:s0] =	ssyncadd.tile.s32 @!p0 $0x1;
	_ =	shalt  }
.Lfunc_end2:
_tile_overlayer_lowered:
.L_overlay_start_2:
0x7e: {  	(tag) =	ssettag $0x2  }
0x7f: {  	s0 =	rddreg [dreg:$0x0];
	s2 =	stileid.u32  }
0x80: {  	s1 =	rddreg [dreg:$0x1];
	p0 =	sne.s32 s2, $0x0  }
0x81: {  	s3 =	rddreg [dreg:$0x2];
	[bflag:$0x3] =	sbarrier.arrive $0xFFFF;
	s2 =	simm.s32 @!p0 $0x1C02  }
0x82: {  	[timem:s3], [sflag:s2] =	dma.local @!p0 [hbm:s0], s1  }
0x83: {  	s0 =	simm.s32 @!p0 $0x2  }
0x84: {  	_ =	swait.ge @!p0 [sflag:s0], s1  }
0x85: {  	s1 =	ssub.s32 @!p0 $0x0, s1;
	[sflag:s0] =	ssyncset.done @!p0 $0x0  }
0x86: {  	[sflag:s0] =	ssyncadd.s32 @!p0 s1  }
0x87: {  	[bflag:$0x3] =	sbarrier.arrive $0xFFFF  }
0x88: {  	_ =	shalt  }

// kernel: kernel.51.cloned.1.call-start
scs
__scs_entry_jumppad:
0x0: {  	(pc) =	sbr.rel $0x88, $3  }
0x1: {  	(tag) =	ssettag $0x0;
	lr =	simm.s32 $0x1  }
0x2: {  	[smem:$0x3F9B] =	sst lr;
	_ =	strace $0xD0000000  }
0x3: {  	_ = 	snop  }
0x4: {  	_ = 	snop  }
0x5: {  	_ = 	snop  }
0x6: {  	_ = 	snop  }
0x7: {  	_ = 	snop  }
__scs_overlays_trampoline_lowered:
0x8: {  	[smem:$0x3FAA] =	sst s0  }
0x9: {  	[smem:$0x3FAB] =	sst s1  }
0xa: {  	[smem:$0x3FAC] =	sst s2  }
0xb: {  	[smem:$0x3FAD] =	sst s3  }
0xc: {  	[smem:$0x3FAE] =	sst s4  }
0xd: {  	[smem:$0x3FAF] =	sst s5  }
0xe: {  	[smem:$0x3FB0] =	sst s6  }
0xf: {  	[smem:$0x3FB1] =	sst s7  }
0x10: {  	[smem:$0x3FB2] =	sst s8  }
0x11: {  	[smem:$0x3FB3] =	sst s9;
	s0 =	simm.s32 @!p0 $0x0  }
0x12: {  	s1 =	sld [smem:$0x3F99];
	s0 =	simm.s32 @p0 $0x1  }
0x13: {  	[smem:$0x3FB4] =	sst s0;
	s0 =	simm.s32 @!p1 $0x0  }
0x14: {  	s2 =	sld [smem:$0x3F98];
	s0 =	simm.s32 @p1 $0x1  }
0x15: {  	[smem:$0x3FB5] =	sst s0;
	s0 =	simm.s32 @!p2 $0x0  }
0x16: {  	s3 =	sld [smem:$0x3FDB];
	s0 =	simm.s32 @p2 $0x1  }
0x17: {  	s4 =	simm.s32 $0x1BF5;
	[smem:$0x3FB7] =	sst s0  }
0x18: {  	s0 =	sld [smem:$0x3F9A];
	_ =	swait.ge [sflag:s4], $0x0  }
0x19: {  	s7 =	sld [smem:$0x3F9B]  }
0x1a: {  	s8 =	sadd.s32 $0xFFFFE003, lr  }
0x1b: {  	s9 =	sadd.s32 $0xFFFFFEF7, lr;
	s5 =	simm.s32 $0xFFFFFFFF;
	p2 =	slt.u32 s8, $0xFFFFF086  }
0x1c: {  	p1 =	slt.u32 s9, $0xF7A;
	s5 =	simm.s32 @!p2 $0x0  }
0x1d: {  	s5 =	simm.s32 @p1 $0x1;
	p0 =	seq.s32 s7, s2  }
0x1e: {  	s7 =	smul.u32 @!p0 $0xF7A, s2;
	p2 =	seq.s32 @!p0 s5, $0x0  }
0x1f: {  	s9 =	smul.u32 $0xF7A, s1;
	s8 =	simm.s32 @!p0 $0x1BF5;
	p2 =	por !p2, p0  }
0x20: {  	[sflag:s8] =	ssyncset.s32 @!p0 $0xFFFFF086;
	s6 =	sadd.s32 @!p0 s3, s7;
	s7 =	simm.s32 @!p0 $0x108  }
0x21: {  	s3 =	sadd.s32 s3, s9;
	s6 =	sadd.s32 @!p0 $0x88, s6;
	s7 =	simm.s32 @p2 $0x1082  }
0x22: {  	[simem:s7], [sflag:s8] =	dma.local @!p0 [hbm:s6], $0xF7A  }
0x23: {  	s9 =	sor.u32 $0xD0000000, s2;
	s6 =	simm.s32 $0x108;
	_ =	swait.ge @!p0 [sflag:s8], $0x0  }
0x24: {  	s3 =	sadd.s32 $0x88, s3;
	s6 =	simm.s32 @!p1 $0x1082;
	[sflag:s4] =	ssyncset.s32 $0xFFFFF086  }
0x25: {  	[simem:s6], [sflag:s4] =	dma.local [hbm:s3], $0xF7A  }
0x26: {  	[smem:$0x3F9B] =	sst s1;
	(tag) =	ssettag s2;
	_ =	strace s9  }
0x27: {  	s1 =	sld [smem:$0x3FAB]  }
0x28: {  	s2 =	sld [smem:$0x3FAC]  }
0x29: {  	s4 =	sld [smem:$0x3FAE]  }
0x2a: {  	p0 =	seq.s32 s5, $0x0;
	s5 =	sld [smem:$0x3FAF]  }
0x2b: {  	s6 =	sld [smem:$0x3FB0]  }
0x2c: {  	s7 =	sld [smem:$0x3FB1]  }
0x2d: {  	s3 =	simm.s32 $0x108;
	s8 =	sld [smem:$0x3FB2]  }
0x2e: {  	s3 =	simm.s32 @!p0 $0x1082;
	s9 =	sld [smem:$0x3FB3]  }
0x2f: {  	lr =	sadd.s32 s0, s3;
	s0 =	sld [smem:$0x3FAA]  }
0x30: {  	s3 =	sld [smem:$0x3FAD]  }
0x31: {  	[smem:$0x3FB6] =	sst s10  }
0x32: {  	s10 =	sld [smem:$0x3FB4];
	_ =	sdelay $0x3  }
0x33: {  	p0 =	seq.s32 s10, $0x1;
	s10 =	sld [smem:$0x3FB6];
	_ =	sdelay $0x3  }
0x34: {  	[smem:$0x3FB6] =	sst s10  }
0x35: {  	s10 =	sld [smem:$0x3FB5];
	_ =	sdelay $0x3  }
0x36: {  	p1 =	seq.s32 s10, $0x1;
	s10 =	sld [smem:$0x3FB6];
	_ =	sdelay $0x3  }
0x37: {  	[smem:$0x3FB6] =	sst s10  }
0x38: {  	s10 =	sld [smem:$0x3FB7]  }
0x39: {  	_ = 	snop;
	(pc) =	sbr.ind lr, $3  }
0x3a: {  	_ = 	snop  }
0x3b: {  	_ = 	snop  }
0x3c: {  	p2 =	seq.s32 s10, $0x1;
	s10 =	sld [smem:$0x3FB6]  }
0x3d: {  	_ =	shalt  }
0x3e: {  	_ =	shalt  }
0x3f: {  	_ =	shalt  }
0x40: {  	_ =	shalt  }
0x41: {  	_ =	shalt  }
0x42: {  	_ =	shalt  }
0x43: {  	_ =	shalt  }
0x44: {  	_ =	shalt  }
0x45: {  	_ =	shalt  }
0x46: {  	_ =	shalt  }
0x47: {  	_ =	shalt  }
0x48: {  	_ =	shalt  }
0x49: {  	_ =	shalt  }
0x4a: {  	_ =	shalt  }
0x4b: {  	_ =	shalt  }
0x4c: {  	_ =	shalt  }
0x4d: {  	_ =	shalt  }
0x4e: {  	_ =	shalt  }
0x4f: {  	_ =	shalt  }
0x50: {  	_ =	shalt  }
0x51: {  	_ =	shalt  }
0x52: {  	_ =	shalt  }
0x53: {  	_ =	shalt  }
0x54: {  	_ =	shalt  }
0x55: {  	_ =	shalt  }
0x56: {  	_ =	shalt  }
0x57: {  	_ =	shalt  }
0x58: {  	_ =	shalt  }
0x59: {  	_ =	shalt  }
0x5a: {  	_ =	shalt  }
0x5b: {  	_ =	shalt  }
0x5c: {  	_ =	shalt  }
0x5d: {  	_ =	shalt  }
0x5e: {  	_ =	shalt  }
0x5f: {  	_ =	shalt  }
0x60: {  	_ =	shalt  }
0x61: {  	_ =	shalt  }
0x62: {  	_ =	shalt  }
0x63: {  	_ =	shalt  }
0x64: {  	_ =	shalt  }
0x65: {  	_ =	shalt  }
0x66: {  	_ =	shalt  }
0x67: {  	_ =	shalt  }
0x68: {  	_ =	shalt  }
0x69: {  	_ =	shalt  }
0x6a: {  	_ =	shalt  }
0x6b: {  	_ =	shalt  }
0x6c: {  	_ =	shalt  }
0x6d: {  	_ =	shalt  }
0x6e: {  	_ =	shalt  }
0x6f: {  	_ =	shalt  }
0x70: {  	_ =	shalt  }
0x71: {  	_ =	shalt  }
0x72: {  	_ =	shalt  }
0x73: {  	_ =	shalt  }
0x74: {  	_ =	shalt  }
0x75: {  	_ =	shalt  }
0x76: {  	_ =	shalt  }
0x77: {  	_ =	shalt  }
0x78: {  	_ =	shalt  }
0x79: {  	_ =	shalt  }
0x7a: {  	_ =	shalt  }
0x7b: {  	_ =	shalt  }
0x7c: {  	_ =	shalt  }
0x7d: {  	_ =	shalt  }
0x7e: {  	_ =	shalt  }
0x7f: {  	_ =	shalt  }
0x80: {  	_ =	shalt  }
0x81: {  	_ =	shalt  }
0x82: {  	_ =	shalt  }
0x83: {  	_ =	shalt  }
0x84: {  	_ =	shalt  }
0x85: {  	_ =	shalt  }
0x86: {  	_ =	shalt  }
0x87: {  	_ =	shalt  }
.Lfunc_end0:
.L_simem_size_0:
called_computation.8_lowered:
.L_overlay_start_0:
0x88: {  	s2 =	sld [smem:$0x3FD9]  }
0x89: {  	s3 =	sld [smem:$0x3FFE];
	_ =	sdelay $0x1  }
0x8a: {  	s1 =	srdreg.scid  }
0x8b: {  	s0 =	sand.u32 $0x1, s1  }
0x8c: {  	s16 =	sshll.u32 s0, $0xA;
	s2 =	sadd.s32 s3, s2  }
0x8d: {  	s2 =	sadd.s32 s2, s16  }
0x8e: {  	[smem:$0x3FC2] =	sst s2  }
0x8f: {  	_ = 	snop  }
0x90: {  	(tm) =	ssettm $0x1  }
0x91: {  	s17 =	sld [smem:$0x3FFB];
	_ =	sdelay $0x3  }
0x92: {  	_ =	strace s17  }
0x93: {  	s2 =	sld [smem:$0x3FFC];
	_ =	sdelay $0x3  }
0x94: {  	_ =	strace s2  }
0x95: {  	s2 =	sld [smem:$0x3FFD];
	_ =	sdelay $0x3  }
0x96: {  	_ =	strace s2  }
0x97: {  	_ =	strace $0x8FFFFFFF  }
0x98: {  	s18 =	sld [smem:$0x3FDB];
	_ =	sdelay $0x1  }
0x99: {  	s19 =	simm.s32 $_scs_section_size  }
0x9a: {  	s4 =	simm.s32 $_size__tile_overlayer_lowered;
	s5 =	simm.s32 $_tile_overlayer_lowered  }
0x9b: {  	s22 =	simm.s32 $0x1BFF;
	s21 =	sshll.u32 s5, $0x1;
	s2 =	sadd.s32 s19, s18  }
0x9c: {  	s6 =	simm.s32 $0x0;
	s20 =	sshll.u32 s4, $0x1;
	s4 =	sadd.s32 s21, s2  }
0x9d: {  	[timem:s6], [sflag:s22] =	dma.local [hbm:s4], s20  }
0x9e: {  	_ =	swait.ge [sflag:s22], s20  }
0x9f: {  	s3 =	ssub.s32 $0x0, s20;
	[sflag:s22] =	ssyncset.done $0x0  }
0xa0: {  	[sflag:s22] =	ssyncadd.s32 s3;
	_ =	sdelay $0x1  }
0xa1: {  	s23 =	simm.s32 $0x1B8B  }
0xa2: {  	_ =	swait.ge [sflag:s23], $0x1  }
0xa3: {  	[sflag:s23] =	ssyncset.done $0x0  }
0xa4: {  	s25 =	simm.s32 $0x1B8E;
	s24 =	sld [smem:$0x3FFE];
	[sflag:s23] =	ssyncadd.s32 $0xFFFFFFFF  }
0xa5: {  	s26 =	simm.s32 $execute0_lowered;
	[smem:$0x3FD2] =	sst s25  }
0xa6: {  	s4 =	sshll.u32 s26, $0x1;
	_ =	strace $0x8000005E;
	[dreg:$0x1] =	wrdreg $0xFFFFFFFF  }
0xa7: {  	s28 =	simm.s32 $_size_execute0_lowered;
	s2 =	sadd.s32 s2, s4;
	[dreg:$0x0] =	wrdreg $0x0  }
0xa8: {  	s4 =	sshll.u32 s28, $0x1;
	[dreg:$0x2] =	wrdreg s2  }
0xa9: {  	[dreg:$0x3] =	wrdreg s4  }
0xaa: {  	[dreg:$0x4] =	wrdreg $0xC0  }
0xab: {  	_ =	task [dreg:s6], $0x5FFFF  }
0xac: {  	[dreg:$0x1] =	wrdreg $0xFFFFFFFF  }
0xad: {  	[dreg:$0x0] =	wrdreg $0x60  }
0xae: {  	[dreg:$0x2] =	wrdreg s24  }
0xaf: {  	[dreg:$0x3] =	wrdreg $0x9  }
0xb0: {  	_ =	task.clear_ibuf [dreg:s6], $0x4FFFF;
	_ =	strace $0x9000005E  }
0xb1: {  	s29 =	simm.s32 $0x9;
	_ =	strace $0x80000060  }
0xb2: {  	_ =	swait.ge [sflag:s29], $0x1  }
0xb3: {  	[sflag:s29] =	ssyncadd.s32 $0xFFFFFFFF  }
0xb4: {  	_ =	strace $0x90000060  }
0xb5: {  	_ =	sfence  }
0xb6: {  	s30 =	sld [smem:$0x0];
	_ =	sdelay $0x2  }
0xb7: {  	s31 =	sshll.u32 s1, $0xD;
	s1 =	sshrl.u32 s1, $0x2  }
0xb8: {  	s3 =	sand.u32 $0x4000, s31;
	s1 =	sadd.s32 s1, s30  }
0xb9: {  	s0 =	sor.u32 s3, s0;
	s1 =	sshll.u32 s1, $0x11  }
0xba: {  	s0 =	sor.u32 s1, s0  }
0xbb: {  	s0 =	sadd.s32 $0x8F2B, s0  }
0xbc: {  	[sflag:s0] =	ssyncadd.remote.s32 $0x1  }
0xbd: {  	_ =	sfence.sel $0xFFFF  }
0xbe: {  	[dreg:$0x0] =	wrdreg $0xFFFFFFFF;
	(pc) =	sbr.abs _section_cstart, $3  }
0xbf: {  	[dreg:$0x1] =	wrdreg $0xFFFFFFFF  }
0xc0: {  	_ =	task.clear_ibuf [dreg:s6], $0x2FFFF;
	_ =	strace $0x9FFFFFFF  }
0xc1: {  	(tm) =	ssettm $0x7FFFFFFF  }
tec
execute0_lowered:
.L_overlay_start_1:
0x0: {  	(tag) =	ssettag $0x1  }
0x1: {  	s4 =	rddreg [dreg:$0x0]  }
0x2: {  	s0 =	rddreg [dreg:$0x1];
	s2 =	simm.s32 $0x0;
	s1 =	srdreg.scid  }
0x3: {  	s11 =	simm.s32 $0x50;
	s12 =	simm.s32 $0x100;
	s13 =	simm.s32 $0x1  }
0x4: {  	s14 =	simm.s32 $0x2900;
	s15 =	simm.s32 $0x2;
	s5 =	sand.u32 $0x1, s1  }
0x5: {  	s16 =	simm.s32 $0x0;
	s1 =	stileid.u32;
	s6 =	smul.u32 $0x27100, s5  }
0x6: {  	[smem:$0x7FF] =	sst s2;
	s3 =	sadd.s32 $0x3AA00, s4;
	s7 =	smul.u32 $0x2710, s1  }
0x7: {  	_ =	strace $0x8000005F;
	s8 =	smul.u32 $0x271000, s5;
	s5 =	ssub.s32 $0x2, s5  }
0x8: {  	s9 =	smul.u32 $0x27100, s1;
	s30 =	sshrl.u32 s5, $0x1;
	s6 =	sadd.s32 s7, s6  }
0x9: {  	s8 =	sadd.s32 s8, s4;
	s5 =	ssub.s32 s5, s30;
	s6 =	sshrl.u32 s6, $0x3  }
0xa: {  	s31 =	sadd.s32 s9, s8;
	s9 =	simm.s32 $0x3;
	s10 =	sadd.s32 s6, s4  }
0xb: {  	s4 =	smax.u32 s5, $0x1;
	s5 =	sadd.s32 $0xEE600, s31;
	s6 =	sadd.s32 $0x5D0600, s31  }
0xc: {  	s7 =	sadd.s32 $0xE4800, s10;
	s8 =	sadd.s32 $0xDAA00, s10;
	s10 =	simm.s32 $0x80  }
.LBB2_1:
0xd: {  	s17 =	sadd.s32 $0x0, s8  }
0xe: {  	[tilespmem:s2], [sflag:$0x3] =	stream.linear.gather [hbm4b:s17+s2], $0x50, $0x38;
	[tilespmem:$0x5100] =	vst v63  }
0xf: {  	_ =	swait.ge [sflag:s9], $0x50  }
0x10: {  	[sflag:s9] =	ssyncset.done $0x0  }
0x11: {  	s31 =	sadd.s32 $0x0, s7;
	[sflag:s9] =	ssyncadd.s32 $0xFFFFFFB0  }
0x12: {  	[tilespmem:s10], [sflag:$0x3] =	stream.linear.gather [hbm4b:s31+s2], $0x50, $0x38;
	[tilespmem:$0x5100] =	vst v63  }
0x13: {  	_ =	swait.ge [sflag:s9], $0x50  }
0x14: {  	[sflag:s9] =	ssyncset.done $0x0  }
0x15: {  	[sflag:s9] =	ssyncadd.s32 $0xFFFFFFB0  }
0x16: {  	[tilespmem:s12], [sflag:$0x1] =	stream.indirect.gather [hbm4b:s3+s11], $0x80, s2, s11, $0xb8;
	[tilespmem:$0x5100] =	vst v63  }
0x17: {  	_ =	swait.ge [sflag:s13], $0x2800  }
0x18: {  	[sflag:s13] =	ssyncset.done $0x0  }
0x19: {  	[sflag:s13] =	ssyncadd.s32 $0xFFFFD800  }
0x1a: {  	[tilespmem:s14], [sflag:$0x2] =	stream.indirect.gather [hbm4b:s3+s11], $0x80, s10, s11, $0xb8;
	[tilespmem:$0x5100] =	vst v63  }
0x1b: {  	_ =	swait.ge [sflag:s15], $0x2800  }
0x1c: {  	[sflag:s15] =	ssyncset.done $0x0  }
0x1d: {  	[sflag:s15] =	ssyncadd.s32 $0xFFFFD800  }
0x1e: {  	[hbm4b:s5+s2] =	stream.linear.scatter [tilespmem:s12], [sflag:$0x3], $0x2800, $0x38;
	[tilespmem:$0x5100] =	vst v63  }
0x1f: {  	_ =	swait.ge [sflag:s9], $0x2800  }
0x20: {  	[sflag:s9] =	ssyncset.done $0x0  }
0x21: {  	[sflag:s9] =	ssyncadd.s32 $0xFFFFD800  }
0x22: {  	[hbm4b:s6+s2] =	stream.linear.scatter [tilespmem:s14], [sflag:$0x3], $0x2800, $0x38;
	[tilespmem:$0x5100] =	vst v63  }
0x23: {  	s19 =	simm.s32 $0xA;
	s20 =	simm.s32 $0x14;
	_ =	swait.ge [sflag:s9], $0x2800  }
0x24: {  	s18 =	sadd.s32 $0x500, s5;
	s17 =	sadd.s32 $0x500, s6;
	[sflag:s9] =	ssyncset.done $0x0  }
.LBB2_2:
0x25: {  	s21 =	sadd.s32 s19, s8  }
0x26: {  	[sflag:s9] =	ssyncadd.s32 $0xFFFFD800;
	s22 =	smov.u32 s20;
	s23 =	sadd.s32 $0xA, s20  }
0x27: {  	[tilespmem:s2], [sflag:$0x3] =	stream.linear.gather [hbm4b:s21+s2], $0x50, $0x38;
	[tilespmem:$0x5100] =	vst v63  }
0x28: {  	p0 =	sne.s32 s20, $0x4D8;
	_ =	swait.ge [sflag:s9], $0x50  }
0x29: {  	[sflag:s9] =	ssyncset.done $0x0  }
0x2a: {  	s20 =	sadd.s32 s19, s7;
	s19 =	smov.u32 s22;
	[sflag:s9] =	ssyncadd.s32 $0xFFFFFFB0  }
0x2b: {  	[tilespmem:s10], [sflag:$0x3] =	stream.linear.gather [hbm4b:s20+s2], $0x50, $0x38;
	[tilespmem:$0x5100] =	vst v63  }
0x2c: {  	_ =	swait.ge [sflag:s9], $0x50  }
0x2d: {  	[sflag:s9] =	ssyncset.done $0x0  }
0x2e: {  	[sflag:s9] =	ssyncadd.s32 $0xFFFFFFB0  }
0x2f: {  	[tilespmem:s12], [sflag:$0x1] =	stream.indirect.gather [hbm4b:s3+s11], $0x80, s2, s11, $0xb8;
	[tilespmem:$0x5100] =	vst v63  }
0x30: {  	_ =	swait.ge [sflag:s13], $0x2800  }
0x31: {  	[sflag:s13] =	ssyncset.done $0x0  }
0x32: {  	[sflag:s13] =	ssyncadd.s32 $0xFFFFD800  }
0x33: {  	[tilespmem:s14], [sflag:$0x2] =	stream.indirect.gather [hbm4b:s3+s11], $0x80, s10, s11, $0xb8;
	[tilespmem:$0x5100] =	vst v63  }
0x34: {  	_ =	swait.ge [sflag:s15], $0x2800  }
0x35: {  	[sflag:s15] =	ssyncset.done $0x0  }
0x36: {  	[sflag:s15] =	ssyncadd.s32 $0xFFFFD800  }
0x37: {  	[hbm4b:s18+s2] =	stream.linear.scatter [tilespmem:s12], [sflag:$0x3], $0x2800, $0x38;
	[tilespmem:$0x5100] =	vst v63  }
0x38: {  	_ =	swait.ge [sflag:s9], $0x2800  }
.Ltmp0:
0x39: {  	[sflag:s9] =	ssyncset.done $0x0;
	(pc) =	sbr.rel @p0 .LBB2_2-.Ltmp0, $4  }
0x3a: {  	[sflag:s9] =	ssyncadd.s32 $0xFFFFD800  }
0x3b: {  	[hbm4b:s17+s2] =	stream.linear.scatter [tilespmem:s14], [sflag:$0x3], $0x2800, $0x38;
	[tilespmem:$0x5100] =	vst v63  }
0x3c: {  	s20 =	smov.u32 s23;
	_ =	swait.ge [sflag:s9], $0x2800  }
0x3d: {  	s18 =	sadd.s32 $0x500, s18;
	s17 =	sadd.s32 $0x500, s17;
	[sflag:s9] =	ssyncset.done $0x0  }
0x3e: {  	s20 =	sadd.s32 s19, s8;
	[sflag:s9] =	ssyncadd.s32 $0xFFFFD800  }
0x3f: {  	[tilespmem:s2], [sflag:$0x3] =	stream.linear.gather [hbm4b:s20+s2], $0x50, $0x38;
	[tilespmem:$0x5100] =	vst v63  }
0x40: {  	_ =	swait.ge [sflag:s9], $0x50  }
0x41: {  	[sflag:s9] =	ssyncset.done $0x0  }
0x42: {  	s31 =	sadd.s32 s19, s7;
	[sflag:s9] =	ssyncadd.s32 $0xFFFFFFB0  }
0x43: {  	[tilespmem:s10], [sflag:$0x3] =	stream.linear.gather [hbm4b:s31+s2], $0x50, $0x38;
	[tilespmem:$0x5100] =	vst v63  }
0x44: {  	_ =	swait.ge [sflag:s9], $0x50  }
0x45: {  	[sflag:s9] =	ssyncset.done $0x0  }
0x46: {  	[sflag:s9] =	ssyncadd.s32 $0xFFFFFFB0  }
0x47: {  	[tilespmem:s12], [sflag:$0x1] =	stream.indirect.gather [hbm4b:s3+s11], $0x80, s2, s11, $0xb8;
	[tilespmem:$0x5100] =	vst v63  }
0x48: {  	_ =	swait.ge [sflag:s13], $0x2800  }
0x49: {  	[sflag:s13] =	ssyncset.done $0x0  }
0x4a: {  	[sflag:s13] =	ssyncadd.s32 $0xFFFFD800  }
0x4b: {  	[tilespmem:s14], [sflag:$0x2] =	stream.indirect.gather [hbm4b:s3+s11], $0x80, s10, s11, $0xb8;
	[tilespmem:$0x5100] =	vst v63  }
0x4c: {  	_ =	swait.ge [sflag:s15], $0x2800  }
0x4d: {  	[sflag:s15] =	ssyncset.done $0x0  }
0x4e: {  	[sflag:s15] =	ssyncadd.s32 $0xFFFFD800  }
0x4f: {  	[hbm4b:s18+s2] =	stream.linear.scatter [tilespmem:s12], [sflag:$0x3], $0x2800, $0x38;
	[tilespmem:$0x5100] =	vst v63  }
0x50: {  	s16 =	sadd.s32 $0x1, s16;
	_ =	swait.ge [sflag:s9], $0x2800  }
0x51: {  	p0 =	sne.s32 s16, s4;
	[sflag:s9] =	ssyncset.done $0x0  }
.Ltmp1:
0x52: {  	[sflag:s9] =	ssyncadd.s32 $0xFFFFD800;
	(pc) =	sbr.rel @p0 .LBB2_1-.Ltmp1, $4  }
0x53: {  	[hbm4b:s17+s2] =	stream.linear.scatter [tilespmem:s14], [sflag:$0x3], $0x2800, $0x38;
	[tilespmem:$0x5100] =	vst v63  }
0x54: {  	_ =	swait.ge [sflag:s9], $0x2800  }
0x55: {  	[sflag:s9] =	ssyncset.done $0x0  }
0x56: {  	[sflag:s9] =	ssyncadd.s32 $0xFFFFD800  }
0x57: {  	_ =	sfence.sel $0x180000  }
0x58: {  	[bflag:$0x0] =	sbarrier.arrive $0xFFFF  }
0x59: {  	p0 =	sne.s32 s1, $0x0;
	_ =	strace $0x9000005F  }
0x5a: {  	s0 =	sadd.s32 @!p0 $0x100000, s0;
	[bflag:$0x2] =	sbarrier.arrive $0xFFFF  }
0x5b: {  	[sflag:s0] =	ssyncadd.tile.s32 @!p0 $0x1;
	_ =	shalt  }
.Lfunc_end2:
_tile_overlayer_lowered:
.L_overlay_start_2:
0x5c: {  	(tag) =	ssettag $0x2  }
0x5d: {  	s0 =	rddreg [dreg:$0x0];
	s2 =	stileid.u32  }
0x5e: {  	s1 =	rddreg [dreg:$0x1];
	p0 =	sne.s32 s2, $0x0  }
0x5f: {  	s3 =	rddreg [dreg:$0x2];
	[bflag:$0x3] =	sbarrier.arrive $0xFFFF;
	s2 =	simm.s32 @!p0 $0x1C03  }
0x60: {  	[timem:s3], [sflag:s2] =	dma.local @!p0 [hbm:s0], s1  }
0x61: {  	s0 =	simm.s32 @!p0 $0x3  }
0x62: {  	_ =	swait.ge @!p0 [sflag:s0], s1  }
0x63: {  	s1 =	ssub.s32 @!p0 $0x0, s1;
	[sflag:s0] =	ssyncset.done @!p0 $0x0  }
0x64: {  	[sflag:s0] =	ssyncadd.s32 @!p0 s1  }
0x65: {  	[bflag:$0x3] =	sbarrier.arrive $0xFFFF  }
0x66: {  	_ =	shalt  }

// kernel: kernel.54.cloned.1.call-start
scs
__scs_entry_jumppad:
0x0: {  	(pc) =	sbr.rel $0x88, $3  }
0x1: {  	(tag) =	ssettag $0x0;
	lr =	simm.s32 $0x1  }
0x2: {  	[smem:$0x3F9B] =	sst lr;
	_ =	strace $0xD0000000  }
0x3: {  	_ = 	snop  }
0x4: {  	_ = 	snop  }
0x5: {  	_ = 	snop  }
0x6: {  	_ = 	snop  }
0x7: {  	_ = 	snop  }
__scs_overlays_trampoline_lowered:
0x8: {  	[smem:$0x3FAA] =	sst s0  }
0x9: {  	[smem:$0x3FAB] =	sst s1  }
0xa: {  	[smem:$0x3FAC] =	sst s2  }
0xb: {  	[smem:$0x3FAD] =	sst s3  }
0xc: {  	[smem:$0x3FAE] =	sst s4  }
0xd: {  	[smem:$0x3FAF] =	sst s5  }
0xe: {  	[smem:$0x3FB0] =	sst s6  }
0xf: {  	[smem:$0x3FB1] =	sst s7  }
0x10: {  	[smem:$0x3FB2] =	sst s8  }
0x11: {  	[smem:$0x3FB3] =	sst s9;
	s0 =	simm.s32 @!p0 $0x0  }
0x12: {  	s1 =	sld [smem:$0x3F99];
	s0 =	simm.s32 @p0 $0x1  }
0x13: {  	[smem:$0x3FB4] =	sst s0;
	s0 =	simm.s32 @!p1 $0x0  }
0x14: {  	s2 =	sld [smem:$0x3F98];
	s0 =	simm.s32 @p1 $0x1  }
0x15: {  	[smem:$0x3FB5] =	sst s0;
	s0 =	simm.s32 @!p2 $0x0  }
0x16: {  	s3 =	sld [smem:$0x3FDB];
	s0 =	simm.s32 @p2 $0x1  }
0x17: {  	s4 =	simm.s32 $0x1BF5;
	[smem:$0x3FB7] =	sst s0  }
0x18: {  	s0 =	sld [smem:$0x3F9A];
	_ =	swait.ge [sflag:s4], $0x0  }
0x19: {  	s7 =	sld [smem:$0x3F9B]  }
0x1a: {  	s8 =	sadd.s32 $0xFFFFE003, lr  }
0x1b: {  	s9 =	sadd.s32 $0xFFFFFEF7, lr;
	s5 =	simm.s32 $0xFFFFFFFF;
	p2 =	slt.u32 s8, $0xFFFFF086  }
0x1c: {  	p1 =	slt.u32 s9, $0xF7A;
	s5 =	simm.s32 @!p2 $0x0  }
0x1d: {  	s5 =	simm.s32 @p1 $0x1;
	p0 =	seq.s32 s7, s2  }
0x1e: {  	s7 =	smul.u32 @!p0 $0xF7A, s2;
	p2 =	seq.s32 @!p0 s5, $0x0  }
0x1f: {  	s9 =	smul.u32 $0xF7A, s1;
	s8 =	simm.s32 @!p0 $0x1BF5;
	p2 =	por !p2, p0  }
0x20: {  	[sflag:s8] =	ssyncset.s32 @!p0 $0xFFFFF086;
	s6 =	sadd.s32 @!p0 s3, s7;
	s7 =	simm.s32 @!p0 $0x108  }
0x21: {  	s3 =	sadd.s32 s3, s9;
	s6 =	sadd.s32 @!p0 $0x88, s6;
	s7 =	simm.s32 @p2 $0x1082  }
0x22: {  	[simem:s7], [sflag:s8] =	dma.local @!p0 [hbm:s6], $0xF7A  }
0x23: {  	s9 =	sor.u32 $0xD0000000, s2;
	s6 =	simm.s32 $0x108;
	_ =	swait.ge @!p0 [sflag:s8], $0x0  }
0x24: {  	s3 =	sadd.s32 $0x88, s3;
	s6 =	simm.s32 @!p1 $0x1082;
	[sflag:s4] =	ssyncset.s32 $0xFFFFF086  }
0x25: {  	[simem:s6], [sflag:s4] =	dma.local [hbm:s3], $0xF7A  }
0x26: {  	[smem:$0x3F9B] =	sst s1;
	(tag) =	ssettag s2;
	_ =	strace s9  }
0x27: {  	s1 =	sld [smem:$0x3FAB]  }
0x28: {  	s2 =	sld [smem:$0x3FAC]  }
0x29: {  	s4 =	sld [smem:$0x3FAE]  }
0x2a: {  	p0 =	seq.s32 s5, $0x0;
	s5 =	sld [smem:$0x3FAF]  }
0x2b: {  	s6 =	sld [smem:$0x3FB0]  }
0x2c: {  	s7 =	sld [smem:$0x3FB1]  }
0x2d: {  	s3 =	simm.s32 $0x108;
	s8 =	sld [smem:$0x3FB2]  }
0x2e: {  	s3 =	simm.s32 @!p0 $0x1082;
	s9 =	sld [smem:$0x3FB3]  }
0x2f: {  	lr =	sadd.s32 s0, s3;
	s0 =	sld [smem:$0x3FAA]  }
0x30: {  	s3 =	sld [smem:$0x3FAD]  }
0x31: {  	[smem:$0x3FB6] =	sst s10  }
0x32: {  	s10 =	sld [smem:$0x3FB4];
	_ =	sdelay $0x3  }
0x33: {  	p0 =	seq.s32 s10, $0x1;
	s10 =	sld [smem:$0x3FB6];
	_ =	sdelay $0x3  }
0x34: {  	[smem:$0x3FB6] =	sst s10  }
0x35: {  	s10 =	sld [smem:$0x3FB5];
	_ =	sdelay $0x3  }
0x36: {  	p1 =	seq.s32 s10, $0x1;
	s10 =	sld [smem:$0x3FB6];
	_ =	sdelay $0x3  }
0x37: {  	[smem:$0x3FB6] =	sst s10  }
0x38: {  	s10 =	sld [smem:$0x3FB7]  }
0x39: {  	_ = 	snop;
	(pc) =	sbr.ind lr, $3  }
0x3a: {  	_ = 	snop  }
0x3b: {  	_ = 	snop  }
0x3c: {  	p2 =	seq.s32 s10, $0x1;
	s10 =	sld [smem:$0x3FB6]  }
0x3d: {  	_ =	shalt  }
0x3e: {  	_ =	shalt  }
0x3f: {  	_ =	shalt  }
0x40: {  	_ =	shalt  }
0x41: {  	_ =	shalt  }
0x42: {  	_ =	shalt  }
0x43: {  	_ =	shalt  }
0x44: {  	_ =	shalt  }
0x45: {  	_ =	shalt  }
0x46: {  	_ =	shalt  }
0x47: {  	_ =	shalt  }
0x48: {  	_ =	shalt  }
0x49: {  	_ =	shalt  }
0x4a: {  	_ =	shalt  }
0x4b: {  	_ =	shalt  }
0x4c: {  	_ =	shalt  }
0x4d: {  	_ =	shalt  }
0x4e: {  	_ =	shalt  }
0x4f: {  	_ =	shalt  }
0x50: {  	_ =	shalt  }
0x51: {  	_ =	shalt  }
0x52: {  	_ =	shalt  }
0x53: {  	_ =	shalt  }
0x54: {  	_ =	shalt  }
0x55: {  	_ =	shalt  }
0x56: {  	_ =	shalt  }
0x57: {  	_ =	shalt  }
0x58: {  	_ =	shalt  }
0x59: {  	_ =	shalt  }
0x5a: {  	_ =	shalt  }
0x5b: {  	_ =	shalt  }
0x5c: {  	_ =	shalt  }
0x5d: {  	_ =	shalt  }
0x5e: {  	_ =	shalt  }
0x5f: {  	_ =	shalt  }
0x60: {  	_ =	shalt  }
0x61: {  	_ =	shalt  }
0x62: {  	_ =	shalt  }
0x63: {  	_ =	shalt  }
0x64: {  	_ =	shalt  }
0x65: {  	_ =	shalt  }
0x66: {  	_ =	shalt  }
0x67: {  	_ =	shalt  }
0x68: {  	_ =	shalt  }
0x69: {  	_ =	shalt  }
0x6a: {  	_ =	shalt  }
0x6b: {  	_ =	shalt  }
0x6c: {  	_ =	shalt  }
0x6d: {  	_ =	shalt  }
0x6e: {  	_ =	shalt  }
0x6f: {  	_ =	shalt  }
0x70: {  	_ =	shalt  }
0x71: {  	_ =	shalt  }
0x72: {  	_ =	shalt  }
0x73: {  	_ =	shalt  }
0x74: {  	_ =	shalt  }
0x75: {  	_ =	shalt  }
0x76: {  	_ =	shalt  }
0x77: {  	_ =	shalt  }
0x78: {  	_ =	shalt  }
0x79: {  	_ =	shalt  }
0x7a: {  	_ =	shalt  }
0x7b: {  	_ =	shalt  }
0x7c: {  	_ =	shalt  }
0x7d: {  	_ =	shalt  }
0x7e: {  	_ =	shalt  }
0x7f: {  	_ =	shalt  }
0x80: {  	_ =	shalt  }
0x81: {  	_ =	shalt  }
0x82: {  	_ =	shalt  }
0x83: {  	_ =	shalt  }
0x84: {  	_ =	shalt  }
0x85: {  	_ =	shalt  }
0x86: {  	_ =	shalt  }
0x87: {  	_ =	shalt  }
.Lfunc_end0:
.L_simem_size_0:
called_computation.9_lowered:
.L_overlay_start_0:
0x88: {  	s2 =	sld [smem:$0x3FD9]  }
0x89: {  	s3 =	sld [smem:$0x3FFE];
	_ =	sdelay $0x1  }
0x8a: {  	s1 =	srdreg.scid  }
0x8b: {  	s0 =	sand.u32 $0x1, s1  }
0x8c: {  	s17 =	sshll.u32 s0, $0xA;
	s2 =	sadd.s32 s3, s2  }
0x8d: {  	s2 =	sadd.s32 s2, s17  }
0x8e: {  	[smem:$0x3FC2] =	sst s2  }
0x8f: {  	_ = 	snop  }
0x90: {  	s2 =	sld [smem:$0x3FD0];
	(tm) =	ssettm $0x1  }
0x91: {  	s18 =	sld [smem:$0x3FFB];
	_ =	sdelay $0x3  }
0x92: {  	_ =	strace s18  }
0x93: {  	s3 =	sld [smem:$0x3FFC];
	_ =	sdelay $0x3  }
0x94: {  	_ =	strace s3  }
0x95: {  	s3 =	sld [smem:$0x3FFD];
	_ =	sdelay $0x3  }
0x96: {  	_ =	strace s3  }
0x97: {  	_ =	strace $0x8FFFFFFF  }
0x98: {  	s19 =	sld [smem:$0x3FDB];
	_ =	sdelay $0x1  }
0x99: {  	s4 =	simm.s32 $_scs_section_size  }
0x9a: {  	s5 =	simm.s32 $_size__tile_overlayer_lowered;
	s6 =	simm.s32 $_tile_overlayer_lowered  }
0x9b: {  	s22 =	simm.s32 $0x1BFF;
	s21 =	sshll.u32 s6, $0x1;
	s3 =	sadd.s32 s4, s19  }
0x9c: {  	s7 =	simm.s32 $0x0;
	s20 =	sshll.u32 s5, $0x1;
	s5 =	sadd.s32 s21, s3  }
0x9d: {  	[timem:s7], [sflag:s22] =	dma.local [hbm:s5], s20  }
0x9e: {  	_ =	swait.ge [sflag:s22], s20  }
0x9f: {  	s4 =	ssub.s32 $0x0, s20;
	[sflag:s22] =	ssyncset.done $0x0  }
0xa0: {  	[sflag:s22] =	ssyncadd.s32 s4;
	_ =	sdelay $0x1  }
0xa1: {  	s23 =	simm.s32 $0x1B8B  }
0xa2: {  	_ =	swait.ge [sflag:s23], $0x1  }
0xa3: {  	[sflag:s23] =	ssyncset.done $0x0  }
0xa4: {  	s25 =	simm.s32 $0x1B8E;
	s24 =	sld [smem:$0x3FFE];
	[sflag:s23] =	ssyncadd.s32 $0xFFFFFFFF  }
0xa5: {  	s26 =	simm.s32 $execute0_lowered;
	[smem:$0x3FD2] =	sst s25  }
0xa6: {  	s5 =	sshll.u32 s26, $0x1;
	_ =	strace $0x80000061;
	[dreg:$0x1] =	wrdreg $0xFFFFFFFF  }
0xa7: {  	s28 =	simm.s32 $_size_execute0_lowered;
	s3 =	sadd.s32 s3, s5;
	[dreg:$0x0] =	wrdreg $0x0  }
0xa8: {  	s5 =	sshll.u32 s28, $0x1;
	[dreg:$0x2] =	wrdreg s3  }
0xa9: {  	[dreg:$0x3] =	wrdreg s5  }
0xaa: {  	[dreg:$0x4] =	wrdreg $0xC0  }
0xab: {  	_ =	task [dreg:s7], $0x5FFFF  }
0xac: {  	[dreg:$0x1] =	wrdreg $0xFFFFFFFF  }
0xad: {  	[dreg:$0x0] =	wrdreg $0x60  }
0xae: {  	[dreg:$0x2] =	wrdreg s24  }
0xaf: {  	[dreg:$0x3] =	wrdreg s2  }
0xb0: {  	[dreg:$0x4] =	wrdreg $0x79000  }
0xb1: {  	[dreg:$0x5] =	wrdreg $0x9  }
0xb2: {  	_ =	task.clear_ibuf [dreg:s7], $0x6FFFF;
	_ =	strace $0x90000061  }
0xb3: {  	s29 =	simm.s32 $0x9;
	_ =	strace $0x80000063  }
0xb4: {  	_ =	swait.ge [sflag:s29], $0x1  }
0xb5: {  	[sflag:s29] =	ssyncadd.s32 $0xFFFFFFFF  }
0xb6: {  	_ =	strace $0x90000063  }
0xb7: {  	_ =	sfence  }
0xb8: {  	s30 =	sld [smem:$0x0];
	_ =	sdelay $0x2  }
0xb9: {  	s31 =	sshll.u32 s1, $0xD;
	s1 =	sshrl.u32 s1, $0x2  }
0xba: {  	s3 =	sand.u32 $0x4000, s31;
	s1 =	sadd.s32 s1, s30  }
0xbb: {  	s0 =	sor.u32 s3, s0;
	s1 =	sshll.u32 s1, $0x11  }
0xbc: {  	s0 =	sor.u32 s1, s0  }
0xbd: {  	s0 =	sadd.s32 $0x8F2B, s0  }
0xbe: {  	[sflag:s0] =	ssyncadd.remote.s32 $0x1  }
0xbf: {  	_ =	sfence.sel $0xFFFF  }
0xc0: {  	[dreg:$0x0] =	wrdreg $0xFFFFFFFF;
	(pc) =	sbr.abs _section_cstart, $3  }
0xc1: {  	[dreg:$0x1] =	wrdreg $0xFFFFFFFF  }
0xc2: {  	_ =	task.clear_ibuf [dreg:s7], $0x2FFFF;
	_ =	strace $0x9FFFFFFF  }
0xc3: {  	(tm) =	ssettm $0x7FFFFFFF  }
tec
execute0_lowered:
.L_overlay_start_1:
0x0: {  	(tag) =	ssettag $0x1  }
0x1: {  	s4 =	rddreg [dreg:$0x0];
	s2 =	stileid.u32  }
0x2: {  	s15 =	rddreg [dreg:$0x1];
	s8 =	smul.u32 $0x2710, s2  }
0x3: {  	s0 =	srdreg.scid;
	s29 =	smul.u32 $0x50000, s2  }
0x4: {  	s1 =	rddreg [dreg:$0x2];
	s3 =	simm.s32 $0x0;
	s24 =	smul.u32 $0x2800, s2  }
0x5: {  	s18 =	simm.s32 $0x1;
	s5 =	sand.u32 $0x1, s0;
	s14 =	smul.u32 $0x27100, s2  }
0x6: {  	s19 =	simm.s32 $0x80;
	s20 =	simm.s32 $0x100;
	s6 =	smul.u32 $0x271000, s5  }
0x7: {  	s21 =	simm.s32 $0x2900;
	s22 =	simm.s32 $0x50;
	s7 =	smul.u32 $0x27100, s5  }
0x8: {  	[smem:$0x7FF] =	sst s3;
	s28 =	smul.u32 $0x28000, s5;
	s5 =	ssub.s32 $0x2, s5  }
0x9: {  	_ =	strace $0x80000062;
	s30 =	sshrl.u32 s5, $0x1;
	s31 =	sshrl.u32 s29, $0x2  }
0xa: {  	s13 =	sadd.s32 s6, s4;
	s26 =	sadd.s32 s8, s7;
	s5 =	ssub.s32 s5, s30  }
0xb: {  	s16 =	sshrl.u32 s26, $0x3;
	s5 =	smax.u32 s5, $0x1;
	s14 =	sadd.s32 s14, s13  }
0xc: {  	s17 =	sadd.s32 s16, s4;
	s4 =	sadd.s32 s28, s4;
	s13 =	sadd.s32 $0xAB2600, s14  }
0xd: {  	s14 =	sadd.s32 $0x1476600, s14;
	s15 =	sadd.s32 s16, s15;
	s23 =	sadd.s32 $0xF94600, s4  }
0xe: {  	s4 =	sadd.s32 s31, s1;
	s16 =	sadd.s32 $0x8C00, s17;
	s17 =	simm.s32 $0x5100  }
0xf: {  	s6 =	sadd.s32 $0x2800, s4;
	s7 =	sadd.s32 $0x5000, s4;
	s8 =	sadd.s32 $0x7800, s4  }
0x10: {  	s9 =	sadd.s32 $0xA000, s4;
	s10 =	sadd.s32 $0xC800, s4;
	s11 =	sadd.s32 $0xF000, s4  }
0x11: {  	v0 =	vimm.f32 $0.0e+00;
	s12 =	sadd.s32 $0x11800, s4;
	s23 =	sadd.s32 s24, s23;
	s24 =	simm.s32 $0x0  }
.LBB2_1:
0x12: {  	s25 =	simm.s32 $0x0;
	s26 =	simm.s32 $0x200  }
.LBB2_2:
0x13: {  	p0 =	sne.s32 s26, $0x9E00;
	[tilespmem:s25+$0x5170] =	vst v0  }
0x14: {  	[tilespmem:s25+$0x5100] =	vst v0  }
0x15: {  	[tilespmem:s25+$0x5110] =	vst v0  }
.Ltmp0:
0x16: {  	[tilespmem:s25+$0x5120] =	vst v0;
	(pc) =	sbr.rel @p0 .LBB2_2-.Ltmp0, $4  }
0x17: {  	[tilespmem:s25+$0x5130] =	vst v0  }
0x18: {  	[tilespmem:s25+$0x5140] =	vst v0  }
0x19: {  	[tilespmem:s25+$0x5150] =	vst v0  }
0x1a: {  	[tilespmem:s25+$0x5160] =	vst v0;
	s25 =	sshra.s32 s26, $0x2;
	s26 =	sadd.s32 $0x200, s26  }
0x1b: {  	[tilespmem:s25+$0x5170] =	vst v0  }
0x1c: {  	[tilespmem:s25+$0x5100] =	vst v0  }
0x1d: {  	[tilespmem:s25+$0x5110] =	vst v0  }
0x1e: {  	[tilespmem:s25+$0x5120] =	vst v0  }
0x1f: {  	[tilespmem:s25+$0x5130] =	vst v0  }
0x20: {  	[tilespmem:s25+$0x5140] =	vst v0  }
0x21: {  	[tilespmem:s25+$0x5150] =	vst v0  }
0x22: {  	[tilespmem:s25+$0x5160] =	vst v0  }
0x23: {  	[spmem:s4] =	stream.linear.scatter [tilespmem:s17], [sflag:$0x1], $0x2800, $0x38;
	[tilespmem:$0x1B900] =	vst v63  }
0x24: {  	_ =	swait.ge [sflag:s18], $0x2800  }
0x25: {  	[sflag:s18] =	ssyncset.done $0x0  }
0x26: {  	[sflag:s18] =	ssyncadd.s32 $0xFFFFD800  }
0x27: {  	[spmem:s6] =	stream.linear.scatter [tilespmem:s17], [sflag:$0x1], $0x2800, $0x38;
	[tilespmem:$0x1B900] =	vst v63  }
0x28: {  	_ =	swait.ge [sflag:s18], $0x2800  }
0x29: {  	[sflag:s18] =	ssyncset.done $0x0  }
0x2a: {  	[sflag:s18] =	ssyncadd.s32 $0xFFFFD800  }
0x2b: {  	[spmem:s7] =	stream.linear.scatter [tilespmem:s17], [sflag:$0x1], $0x2800, $0x38;
	[tilespmem:$0x1B900] =	vst v63  }
0x2c: {  	_ =	swait.ge [sflag:s18], $0x2800  }
0x2d: {  	[sflag:s18] =	ssyncset.done $0x0  }
0x2e: {  	[sflag:s18] =	ssyncadd.s32 $0xFFFFD800  }
0x2f: {  	[spmem:s8] =	stream.linear.scatter [tilespmem:s17], [sflag:$0x1], $0x2800, $0x38;
	[tilespmem:$0x1B900] =	vst v63  }
0x30: {  	_ =	swait.ge [sflag:s18], $0x2800  }
0x31: {  	[sflag:s18] =	ssyncset.done $0x0  }
0x32: {  	[sflag:s18] =	ssyncadd.s32 $0xFFFFD800  }
0x33: {  	[spmem:s9] =	stream.linear.scatter [tilespmem:s17], [sflag:$0x1], $0x2800, $0x38;
	[tilespmem:$0x1B900] =	vst v63  }
0x34: {  	_ =	swait.ge [sflag:s18], $0x2800  }
0x35: {  	[sflag:s18] =	ssyncset.done $0x0  }
0x36: {  	[sflag:s18] =	ssyncadd.s32 $0xFFFFD800  }
0x37: {  	[spmem:s10] =	stream.linear.scatter [tilespmem:s17], [sflag:$0x1], $0x2800, $0x38;
	[tilespmem:$0x1B900] =	vst v63  }
0x38: {  	_ =	swait.ge [sflag:s18], $0x2800  }
0x39: {  	[sflag:s18] =	ssyncset.done $0x0  }
0x3a: {  	[sflag:s18] =	ssyncadd.s32 $0xFFFFD800  }
0x3b: {  	[spmem:s11] =	stream.linear.scatter [tilespmem:s17], [sflag:$0x1], $0x2800, $0x38;
	[tilespmem:$0x1B900] =	vst v63  }
0x3c: {  	_ =	swait.ge [sflag:s18], $0x2800  }
0x3d: {  	[sflag:s18] =	ssyncset.done $0x0  }
0x3e: {  	[sflag:s18] =	ssyncadd.s32 $0xFFFFD800  }
0x3f: {  	[spmem:s12] =	stream.linear.scatter [tilespmem:s17], [sflag:$0x1], $0x2800, $0x38;
	[tilespmem:$0x1B900] =	vst v63  }
0x40: {  	_ =	swait.ge [sflag:s18], $0x2800  }
0x41: {  	[sflag:s18] =	ssyncset.done $0x0  }
0x42: {  	[sflag:s18] =	ssyncadd.s32 $0xFFFFD800  }
0x43: {  	s30 =	sadd.s32 $0x0, s16;
	[bflag:$0x0] =	sbarrier.arrive $0xFFFF  }
0x44: {  	[tilespmem:s3], [sflag:$0x1] =	stream.linear.gather [hbm4b:s30+s3], $0x50, $0x38;
	[tilespmem:$0x1B900] =	vst v63  }
0x45: {  	_ =	swait.ge [sflag:s18], $0x50  }
0x46: {  	[sflag:s18] =	ssyncset.done $0x0  }
0x47: {  	s31 =	sadd.s32 $0x0, s15;
	[sflag:s18] =	ssyncadd.s32 $0xFFFFFFB0  }
0x48: {  	[tilespmem:s19], [sflag:$0x1] =	stream.linear.gather [hbm4b:s31+s3], $0x50, $0x38;
	[tilespmem:$0x1B900] =	vst v63  }
0x49: {  	_ =	swait.ge [sflag:s18], $0x50  }
0x4a: {  	[sflag:s18] =	ssyncset.done $0x0  }
0x4b: {  	[sflag:s18] =	ssyncadd.s32 $0xFFFFFFB0  }
0x4c: {  	[tilespmem:s20], [sflag:$0x1] =	stream.linear.gather [hbm4b:s13+s3], $0x2800, $0x38;
	[tilespmem:$0x1B900] =	vst v63  }
0x4d: {  	_ =	swait.ge [sflag:s18], $0x2800  }
0x4e: {  	[sflag:s18] =	ssyncset.done $0x0  }
0x4f: {  	[sflag:s18] =	ssyncadd.s32 $0xFFFFD800  }
0x50: {  	[tilespmem:s21], [sflag:$0x1] =	stream.linear.gather [hbm4b:s14+s3], $0x2800, $0x38;
	[tilespmem:$0x1B900] =	vst v63  }
0x51: {  	_ =	swait.ge [sflag:s18], $0x2800  }
0x52: {  	[sflag:s18] =	ssyncset.done $0x0  }
0x53: {  	[sflag:s18] =	ssyncadd.s32 $0xFFFFD800  }
0x54: {  	[spmem:s1] =	stream.indirect.scatter.add.f32 [tilespmem:s20], [sflag:$0x1], $0x80, s3, s22, $0xb8;
	[tilespmem:$0x1B900] =	vst v63  }
0x55: {  	_ =	swait.ge [sflag:s18], $0x2800  }
0x56: {  	[sflag:s18] =	ssyncset.done $0x0  }
0x57: {  	[sflag:s18] =	ssyncadd.s32 $0xFFFFD800  }
0x58: {  	[spmem:s1] =	stream.indirect.scatter.add.f32 [tilespmem:s21], [sflag:$0x1], $0x80, s19, s22, $0xb8;
	[tilespmem:$0x1B900] =	vst v63  }
0x59: {  	s28 =	simm.s32 $0xA;
	s29 =	simm.s32 $0x14;
	_ =	swait.ge [sflag:s18], $0x2800  }
0x5a: {  	s26 =	sadd.s32 $0x500, s13;
	s25 =	sadd.s32 $0x500, s14;
	[sflag:s18] =	ssyncset.done $0x0  }
.LBB2_4:
0x5b: {  	s30 =	sadd.s32 s28, s16  }
0x5c: {  	[sflag:s18] =	ssyncadd.s32 $0xFFFFD800;
	s31 =	smov.u32 s29;
	s0 =	sadd.s32 $0xA, s29  }
0x5d: {  	[tilespmem:s3], [sflag:$0x1] =	stream.linear.gather [hbm4b:s30+s3], $0x50, $0x38;
	[tilespmem:$0x1B900] =	vst v63  }
0x5e: {  	p0 =	sne.s32 s29, $0x4D8;
	_ =	swait.ge [sflag:s18], $0x50  }
0x5f: {  	[sflag:s18] =	ssyncset.done $0x0  }
0x60: {  	s29 =	sadd.s32 s28, s15;
	s28 =	smov.u32 s31;
	[sflag:s18] =	ssyncadd.s32 $0xFFFFFFB0  }
0x61: {  	[tilespmem:s19], [sflag:$0x1] =	stream.linear.gather [hbm4b:s29+s3], $0x50, $0x38;
	[tilespmem:$0x1B900] =	vst v63  }
0x62: {  	_ =	swait.ge [sflag:s18], $0x50  }
0x63: {  	[sflag:s18] =	ssyncset.done $0x0  }
0x64: {  	[sflag:s18] =	ssyncadd.s32 $0xFFFFFFB0  }
0x65: {  	[tilespmem:s20], [sflag:$0x1] =	stream.linear.gather [hbm4b:s26+s3], $0x2800, $0x38;
	[tilespmem:$0x1B900] =	vst v63  }
0x66: {  	_ =	swait.ge [sflag:s18], $0x2800  }
0x67: {  	[sflag:s18] =	ssyncset.done $0x0  }
0x68: {  	[sflag:s18] =	ssyncadd.s32 $0xFFFFD800  }
0x69: {  	[tilespmem:s21], [sflag:$0x1] =	stream.linear.gather [hbm4b:s25+s3], $0x2800, $0x38;
	[tilespmem:$0x1B900] =	vst v63  }
0x6a: {  	_ =	swait.ge [sflag:s18], $0x2800  }
0x6b: {  	[sflag:s18] =	ssyncset.done $0x0  }
0x6c: {  	[sflag:s18] =	ssyncadd.s32 $0xFFFFD800  }
0x6d: {  	[spmem:s1] =	stream.indirect.scatter.add.f32 [tilespmem:s20], [sflag:$0x1], $0x80, s3, s22, $0xb8;
	[tilespmem:$0x1B900] =	vst v63  }
0x6e: {  	_ =	swait.ge [sflag:s18], $0x2800  }
.Ltmp1:
0x6f: {  	[sflag:s18] =	ssyncset.done $0x0;
	(pc) =	sbr.rel @p0 .LBB2_4-.Ltmp1, $4  }
0x70: {  	[sflag:s18] =	ssyncadd.s32 $0xFFFFD800  }
0x71: {  	[spmem:s1] =	stream.indirect.scatter.add.f32 [tilespmem:s21], [sflag:$0x1], $0x80, s19, s22, $0xb8;
	[tilespmem:$0x1B900] =	vst v63  }
0x72: {  	s29 =	smov.u32 s0;
	_ =	swait.ge [sflag:s18], $0x2800  }
0x73: {  	s26 =	sadd.s32 $0x500, s26;
	s25 =	sadd.s32 $0x500, s25;
	[sflag:s18] =	ssyncset.done $0x0  }
0x74: {  	s0 =	sadd.s32 s28, s16;
	[sflag:s18] =	ssyncadd.s32 $0xFFFFD800  }
0x75: {  	[tilespmem:s3], [sflag:$0x1] =	stream.linear.gather [hbm4b:s0+s3], $0x50, $0x38;
	[tilespmem:$0x1B900] =	vst v63  }
0x76: {  	_ =	swait.ge [sflag:s18], $0x50  }
0x77: {  	[sflag:s18] =	ssyncset.done $0x0  }
0x78: {  	s29 =	sadd.s32 s28, s15;
	[sflag:s18] =	ssyncadd.s32 $0xFFFFFFB0  }
0x79: {  	[tilespmem:s19], [sflag:$0x1] =	stream.linear.gather [hbm4b:s29+s3], $0x50, $0x38;
	[tilespmem:$0x1B900] =	vst v63  }
0x7a: {  	_ =	swait.ge [sflag:s18], $0x50  }
0x7b: {  	[sflag:s18] =	ssyncset.done $0x0  }
0x7c: {  	[sflag:s18] =	ssyncadd.s32 $0xFFFFFFB0  }
0x7d: {  	[tilespmem:s20], [sflag:$0x1] =	stream.linear.gather [hbm4b:s26+s3], $0x2800, $0x38;
	[tilespmem:$0x1B900] =	vst v63  }
0x7e: {  	_ =	swait.ge [sflag:s18], $0x2800  }
0x7f: {  	[sflag:s18] =	ssyncset.done $0x0  }
0x80: {  	[sflag:s18] =	ssyncadd.s32 $0xFFFFD800  }
0x81: {  	[tilespmem:s21], [sflag:$0x1] =	stream.linear.gather [hbm4b:s25+s3], $0x2800, $0x38;
	[tilespmem:$0x1B900] =	vst v63  }
0x82: {  	_ =	swait.ge [sflag:s18], $0x2800  }
0x83: {  	[sflag:s18] =	ssyncset.done $0x0  }
0x84: {  	[sflag:s18] =	ssyncadd.s32 $0xFFFFD800  }
0x85: {  	[spmem:s1] =	stream.indirect.scatter.add.f32 [tilespmem:s20], [sflag:$0x1], $0x80, s3, s22, $0xb8;
	[tilespmem:$0x1B900] =	vst v63  }
0x86: {  	_ =	swait.ge [sflag:s18], $0x2800  }
0x87: {  	[sflag:s18] =	ssyncset.done $0x0  }
0x88: {  	[sflag:s18] =	ssyncadd.s32 $0xFFFFD800  }
0x89: {  	[spmem:s1] =	stream.indirect.scatter.add.f32 [tilespmem:s21], [sflag:$0x1], $0x80, s19, s22, $0xb8;
	[tilespmem:$0x1B900] =	vst v63  }
0x8a: {  	_ =	swait.ge [sflag:s18], $0x2800  }
0x8b: {  	s30 =	sshll.u32 s2, $0x6;
	s24 =	sadd.s32 $0x1, s24;
	[sflag:s18] =	ssyncset.done $0x0  }
0x8c: {  	s31 =	sshrl.u32 s4, $0x3;
	p0 =	sne.s32 s24, s5;
	[sflag:s18] =	ssyncadd.s32 $0xFFFFD800  }
.Ltmp2:
0x8d: {  	s0 =	sor.u32 $0x1C01, s30;
	[bflag:$0x0] =	sbarrier.arrive $0xFFFF;
	(pc) =	sbr.rel @p0 .LBB2_1-.Ltmp2, $4  }
0x8e: {  	[hbm:s23], [sflag:s0] =	dma.local [spmem:s31], $0x2800  }
0x8f: {  	_ =	swait.ge [sflag:s18], $0x2800  }
0x90: {  	[sflag:s18] =	ssyncset.done $0x0  }
0x91: {  	[sflag:s18] =	ssyncadd.s32 $0xFFFFD800  }
0x92: {  	_ =	sfence.sel $0x180000  }
0x93: {  	[bflag:$0x0] =	sbarrier.arrive $0xFFFF  }
0x94: {  	_ =	strace $0x90000062  }
0x95: {  	[bflag:$0x2] =	sbarrier.arrive $0xFFFF  }
0x96: {  	p0 =	sne.s32 s2, $0x0;
	s0 =	rddreg [dreg:$0x3]  }
0x97: {  	s0 =	sadd.s32 @!p0 $0x100000, s0  }
0x98: {  	[sflag:s0] =	ssyncadd.tile.s32 @!p0 $0x1;
	_ =	shalt  }
.Lfunc_end2:
_tile_overlayer_lowered:
.L_overlay_start_2:
0x99: {  	(tag) =	ssettag $0x2  }
0x9a: {  	s0 =	rddreg [dreg:$0x0];
	s2 =	stileid.u32  }
0x9b: {  	s1 =	rddreg [dreg:$0x1];
	p0 =	sne.s32 s2, $0x0  }
0x9c: {  	s3 =	rddreg [dreg:$0x2];
	[bflag:$0x3] =	sbarrier.arrive $0xFFFF;
	s2 =	simm.s32 @!p0 $0x1C01  }
0x9d: {  	[timem:s3], [sflag:s2] =	dma.local @!p0 [hbm:s0], s1  }
0x9e: {  	s0 =	simm.s32 @!p0 $0x1  }
0x9f: {  	_ =	swait.ge @!p0 [sflag:s0], s1  }
0xa0: {  	s1 =	ssub.s32 @!p0 $0x0, s1;
	[sflag:s0] =	ssyncset.done @!p0 $0x0  }
0xa1: {  	[sflag:s0] =	ssyncadd.s32 @!p0 s1  }
0xa2: {  	[bflag:$0x3] =	sbarrier.arrive $0xFFFF  }
0xa3: {  	_ =	shalt  }

</sc_bundles>
